<compile_context>
chip_gen: v7x
topology: tpu7x:2x2x1
jax: 0.10.2.dev20260603
libtpu: 0.0.44.dev20260713+nightly
codegen_flags: <defaults>
</compile_context>

<pallas_src>
import functools

import jax
import jax.numpy as jnp
from jax import lax
from jax.experimental import pallas as pl
from jax.experimental.pallas import tpu as pltpu
from jax.experimental.pallas import tpu_sc as plsc

N = 10000
D = 128
E = 320000
NC = 2
NS = 16
NW = NC * NS
CHUNK = 128
N_PAD = 79 * 128
PAD_ROWS = N_PAD - N
NCHUNK = 80
E_PAD = NW * NCHUNK * CHUNK
HPT = 640
N_HIST = NS * HPT
RPT = N_PAD // NS

_mesh = plsc.VectorSubcoreMesh(
    core_axis_name="c", subcore_axis_name="s", num_cores=NC, num_subcores=NS
)


@functools.partial(
    pl.kernel,
    out_type=jax.ShapeDtypeStruct((NC, N_HIST), jnp.float32),
    mesh=_mesh,
    scratch_types=[
        pltpu.VMEM_SHARED((N_HIST,), jnp.float32),
        pltpu.VMEM((HPT,), jnp.float32),
        pltpu.VMEM((CHUNK,), jnp.float32),
        pltpu.VMEM((NCHUNK, CHUNK), jnp.int32),
        pltpu.SemaphoreType.DMA,
    ],
)
def _deg_kernel(dst_hbm, out_hbm, hist, zbuf, ones, idx, sem):
    c = lax.axis_index("c")
    s = lax.axis_index("s")
    for i in range(HPT // 16):
        zbuf[pl.ds(i * 16, 16)] = jnp.zeros((16,), jnp.float32)
    for i in range(CHUNK // 16):
        ones[pl.ds(i * 16, 16)] = jnp.ones((16,), jnp.float32)
    pltpu.sync_copy(dst_hbm.at[c, s], idx)
    pltpu.sync_copy(zbuf, hist.at[pl.ds(s * HPT, HPT)])
    plsc.subcore_barrier()

    def body(j, carry):
        pltpu.async_copy(ones, hist.at[idx.at[j]], sem, add=True)
        return carry

    lax.fori_loop(0, NCHUNK, body, 0)
    pltpu.make_async_copy(dst_hbm.at[c, s], idx, sem).wait()
    plsc.subcore_barrier()
    pltpu.sync_copy(hist.at[pl.ds(s * HPT, HPT)], out_hbm.at[c, pl.ds(s * HPT, HPT)])


SCH = 64
NCH_S = 10240 // SCH
EPT = NCH_S * SCH
NBUF = 4


def _unpack(pidx, sidx, didx, b, j):
    for k in range(SCH // 16):
        w = pidx[pl.ds(j * SCH + k * 16, 16)]
        sidx[b][pl.ds(k * 16, 16)] = jnp.bitwise_and(w, 0x3FFF)
        didx[b][pl.ds(k * 16, 16)] = lax.shift_right_logical(w, 14)


def _scatter_body(g_hbm, sd_hbm, out_hbm, acc, pidx, sidx, didx, rows, gsems, ssems):
    c = lax.axis_index("c")
    s = lax.axis_index("s")

    def zrow(i, carry):
        for k in range(D // 16):
            rows[0][i, pl.ds(k * 16, 16)] = jnp.zeros((16,), jnp.float32)
        return carry

    lax.fori_loop(0, SCH, zrow, 0)
    base = s * RPT
    rem = RPT % SCH
    for r in range(RPT // SCH):
        pltpu.sync_copy(rows[0], acc.at[pl.ds(base + r * SCH, SCH)])
    pltpu.sync_copy(rows[0].at[pl.ds(0, rem)], acc.at[pl.ds(base + RPT - rem, rem)])

    pltpu.sync_copy(sd_hbm.at[c, s], pidx)
    for b in range(NBUF):
        _unpack(pidx, sidx, didx, b, b)
        pltpu.async_copy(g_hbm.at[sidx[b]], rows[b], gsems[b])
    plsc.subcore_barrier()

    def body(i, carry):
        j0 = i * NBUF
        for b in range(NBUF):
            pltpu.make_async_copy(g_hbm.at[sidx[b]], rows[b], gsems[b]).wait()
            pltpu.async_copy(rows[b], acc.at[didx[b]], ssems[b], add=True)
        for b in range(NBUF):
            pltpu.make_async_copy(rows[b], acc.at[didx[b]], ssems[b]).wait()
            _unpack(pidx, sidx, didx, b, j0 + NBUF + b)
            pltpu.async_copy(g_hbm.at[sidx[b]], rows[b], gsems[b])
        return carry

    lax.fori_loop(0, NCH_S // NBUF - 1, body, 0)
    for b in range(NBUF):
        pltpu.make_async_copy(g_hbm.at[sidx[b]], rows[b], gsems[b]).wait()
        pltpu.async_copy(rows[b], acc.at[didx[b]], ssems[b], add=True)
    for b in range(NBUF):
        pltpu.make_async_copy(rows[b], acc.at[didx[b]], ssems[b]).wait()
    plsc.subcore_barrier()

    for r in range(RPT // SCH):
        sl = pl.ds(base + r * SCH, SCH)
        pltpu.sync_copy(acc.at[sl], out_hbm.at[c, sl])
    sl = pl.ds(base + RPT - rem, rem)
    pltpu.sync_copy(acc.at[sl], out_hbm.at[c, sl])


_scatter_kernel = pl.kernel(
    _scatter_body,
    out_type=jax.ShapeDtypeStruct((NC, N_PAD, D), jnp.float32),
    mesh=_mesh,
    scratch_types=[
        pltpu.VMEM_SHARED((N_PAD, D), jnp.float32),
        pltpu.VMEM((EPT,), jnp.int32),
        [pltpu.VMEM((SCH,), jnp.int32)] * NBUF,
        [pltpu.VMEM((SCH,), jnp.int32)] * NBUF,
        [pltpu.VMEM((SCH, D), jnp.float32)] * NBUF,
        [pltpu.SemaphoreType.DMA] * NBUF,
        [pltpu.SemaphoreType.DMA] * NBUF,
    ],
)


def _pre_body(deg_ref, x_ref, w_ref, g_ref, dinv_ref):
    dinv = lax.rsqrt(deg_ref[...] + 1.0)
    g_ref[...] = dinv * jnp.dot(
        x_ref[...], w_ref[...], preferred_element_type=jnp.float32
    )
    dinv_ref[...] = dinv


def _mid_body(a0_ref, a1_ref, g_ref, dinv_ref, b_ref, w_ref, out_ref):
    dv = dinv_ref[...]
    h = jnp.maximum(dv * (a0_ref[...] + a1_ref[...] + g_ref[...]) + b_ref[...], 0.0)
    out_ref[...] = dv * jnp.dot(h, w_ref[...], preferred_element_type=jnp.float32)


def _post_body(a0_ref, a1_ref, g_ref, dinv_ref, b_ref, out_ref):
    out_ref[...] = jnp.maximum(
        dinv_ref[...] * (a0_ref[...] + a1_ref[...] + g_ref[...]) + b_ref[...], 0.0
    )


RBLK = 1264
NBLK_TC = N_PAD // RBLK


def _row_spec(w):
    return pl.BlockSpec((RBLK, w), lambda i: (i, 0))


def _full_spec(h, w):
    return pl.BlockSpec((h, w), lambda i: (0, 0))


_f32 = jnp.float32

_pre_call = pl.pallas_call(
    _pre_body,
    grid=(NBLK_TC,),
    in_specs=[_row_spec(1), _row_spec(D), _full_spec(D, D)],
    out_specs=[_row_spec(D), _row_spec(1)],
    out_shape=[
        jax.ShapeDtypeStruct((N_PAD, D), _f32),
        jax.ShapeDtypeStruct((N_PAD, 1), _f32),
    ],
)

_mid_call = pl.pallas_call(
    _mid_body,
    grid=(NBLK_TC,),
    in_specs=[
        _row_spec(D),
        _row_spec(D),
        _row_spec(D),
        _row_spec(1),
        _full_spec(1, D),
        _full_spec(D, D),
    ],
    out_specs=_row_spec(D),
    out_shape=jax.ShapeDtypeStruct((N_PAD, D), _f32),
)

_post_call = pl.pallas_call(
    _post_body,
    grid=(NBLK_TC,),
    in_specs=[_row_spec(D), _row_spec(D), _row_spec(D), _row_spec(1), _full_spec(1, D)],
    out_specs=_row_spec(D),
    out_shape=jax.ShapeDtypeStruct((N_PAD, D), _f32),
)


def kernel(x, edge_index, W1, b1, W2, b2):
    x_pad = jnp.pad(x, ((0, PAD_ROWS), (0, 0)))
    pad_idx = (N + (jnp.arange(E_PAD - E, dtype=jnp.int32) % PAD_ROWS)).astype(
        jnp.int32
    )
    src = jnp.concatenate([edge_index[0], pad_idx])
    dst = jnp.concatenate([edge_index[1], pad_idx])
    dst_t = dst.reshape(NC, NS, NCHUNK, CHUNK)
    sd = (jnp.left_shift(dst, 14) | src).reshape(NC, NS, EPT)

    deg_parts = _deg_kernel(dst_t)
    degsum_col = (deg_parts[0, :N_PAD] + deg_parts[1, :N_PAD])[:, None]

    g1, dinv = _pre_call(degsum_col, x_pad, W1)
    s1 = _scatter_kernel(g1, sd)
    g2 = _mid_call(s1[0], s1[1], g1, dinv, b1[None, :], W2)
    s2 = _scatter_kernel(g2, sd)
    out = _post_call(s2[0], s2[1], g2, dinv, b2[None, :])
    return out[:N]

# --- scband reference (transcript-rebuilt; emitter-appended) ---
"""Pipeline reference for scband-graph-neural-network-85856396247983 (READ-ONLY COPY).

The authoritative reference and input builder live on the scoring server;
editing this copy changes nothing except your own understanding.
"""

import jax, jax.numpy as jnp
import numpy as np

N = 10000
E = 320000
D_IN = 128
D_H = 128


def setup_inputs(seed: int = 0) -> dict:
    key = jax.random.key(seed)
    k1, k2, k3, k4 = jax.random.split(key, 4)
    x = jax.random.normal(k1, (N, D_IN), dtype=jnp.float32)
    edge_index = jax.random.randint(k2, (2, E), 0, N, dtype=jnp.int32)
    s1 = float(np.sqrt(6.0 / (D_IN + D_H)))
    W1 = jax.random.uniform(k3, (D_IN, D_H), minval=-s1, maxval=s1, dtype=jnp.float32)
    b1 = jnp.zeros((D_H,), dtype=jnp.float32)
    s2 = float(np.sqrt(6.0 / (D_H + D_H)))
    W2 = jax.random.uniform(k4, (D_H, D_H), minval=-s2, maxval=s2, dtype=jnp.float32)
    b2 = jnp.zeros((D_H,), dtype=jnp.float32)
    return {"x": x, "edge_index": edge_index, "W1": W1, "b1": b1, "W2": W2, "b2": b2}


def _gcn_conv(x, edge_index, W, b):
    # PyG GCNConv: add self-loops, symmetric normalization D^-1/2 (A+I) D^-1/2, linear then aggregate
    n = x.shape[0]
    src = edge_index[0]
    dst = edge_index[1]
    loop = jnp.arange(n, dtype=src.dtype)
    src = jnp.concatenate([src, loop])
    dst = jnp.concatenate([dst, loop])
    deg = jnp.zeros((n,), dtype=x.dtype).at[dst].add(1.0)
    dinv = jnp.where(deg > 0, deg ** -0.5, 0.0)
    norm = dinv[src] * dinv[dst]
    h = x @ W
    msg = h[src] * norm[:, None]
    out = jnp.zeros((n, W.shape[1]), dtype=x.dtype).at[dst].add(msg)
    return out + b


def reference(x, edge_index, W1, b1, W2, b2):
    h = jax.nn.relu(_gcn_conv(x, edge_index, W1, b1))
    out = jax.nn.relu(_gcn_conv(h, edge_index, W2, b2))
    return out

if __name__ == "__main__":
    import jax
    _d = setup_inputs()
    print(jax.jit(kernel)(*tuple(_d.values())))

</pallas_src>

<mosaic_0001>
#map = affine_map<(d0, d1) -> (0, 0, 0, 0)>
#map1 = affine_map<(d0, d1) -> (0, 0)>
module attributes {stable_mosaic.version = 14 : i64} {
  func.func @_deg_kernel(%arg0: i32, %arg1: i32, %arg2: memref<2x16x80x128xi32, #tpu.memory_space<hbm>>, %arg3: memref<2x10240xf32, #tpu.memory_space<hbm>>, %arg4: memref<10240xf32, #tpu.memory_space<vmem_shared>>, %arg5: memref<640xf32, #tpu.memory_space<vmem>>, %arg6: memref<128xf32, #tpu.memory_space<vmem>>, %arg7: memref<80x128xi32, #tpu.memory_space<vmem>>, %arg8: memref<!tpu.dma_semaphore, #tpu.memory_space<semaphore_mem>>) attributes {dimension_semantics = [#tpu.dimension_semantics<core_parallel>, #tpu.dimension_semantics<subcore_parallel>], iteration_bounds = array<i64: 2, 16>, scalar_prefetch = 0 : i64, scratch_operands = 5 : i64, tpu.core_type = #tpu.core_type<sc_vector_subcore>, window_params = [{transform_indices = #map}, {transform_indices = #map1}]} {
    %broadcast_in_dim3A = arith.constant 0.000000e+00 : f32
    %broadcast_in_dim3A_0 = vector.broadcast %broadcast_in_dim3A : f32 to vector<16xf32>
    %swap3A = arith.constant 0 : index
    %swap3A_1 = tpu.vector_load %arg5[%swap3A] {strides = array<i32>} : memref<640xf32, #tpu.memory_space<vmem>>, vector<16xf32>,
    %swap3A_2 = vector.shape_cast %swap3A_1 : vector<16xf32> to vector<16xf32>
    %swap3A_3 = vector.shape_cast %broadcast_in_dim3A_0 : vector<16xf32> to vector<16xf32>
    tpu.vector_store %arg5[%swap3A], %swap3A_3 {strides = array<i32>} : memref<640xf32, #tpu.memory_space<vmem>>, vector<16xf32>,
    %broadcast_in_dim3A_4 = arith.constant 0.000000e+00 : f32
    %broadcast_in_dim3A_5 = vector.broadcast %broadcast_in_dim3A_4 : f32 to vector<16xf32>
    %swap3A_6 = arith.constant 16 : index
    %swap3A_7 = tpu.vector_load %arg5[%swap3A_6] {strides = array<i32>} : memref<640xf32, #tpu.memory_space<vmem>>, vector<16xf32>,
    %swap3A_8 = vector.shape_cast %swap3A_7 : vector<16xf32> to vector<16xf32>
    %swap3A_9 = vector.shape_cast %broadcast_in_dim3A_5 : vector<16xf32> to vector<16xf32>
    tpu.vector_store %arg5[%swap3A_6], %swap3A_9 {strides = array<i32>} : memref<640xf32, #tpu.memory_space<vmem>>, vector<16xf32>,
    %broadcast_in_dim3A_10 = arith.constant 0.000000e+00 : f32
    %broadcast_in_dim3A_11 = vector.broadcast %broadcast_in_dim3A_10 : f32 to vector<16xf32>
    %swap3A_12 = arith.constant 32 : index
    %swap3A_13 = tpu.vector_load %arg5[%swap3A_12] {strides = array<i32>} : memref<640xf32, #tpu.memory_space<vmem>>, vector<16xf32>,
    %swap3A_14 = vector.shape_cast %swap3A_13 : vector<16xf32> to vector<16xf32>
    %swap3A_15 = vector.shape_cast %broadcast_in_dim3A_11 : vector<16xf32> to vector<16xf32>
    tpu.vector_store %arg5[%swap3A_12], %swap3A_15 {strides = array<i32>} : memref<640xf32, #tpu.memory_space<vmem>>, vector<16xf32>,
    %broadcast_in_dim3A_16 = arith.constant 0.000000e+00 : f32
    %broadcast_in_dim3A_17 = vector.broadcast %broadcast_in_dim3A_16 : f32 to vector<16xf32>
    %swap3A_18 = arith.constant 48 : index
    %swap3A_19 = tpu.vector_load %arg5[%swap3A_18] {strides = array<i32>} : memref<640xf32, #tpu.memory_space<vmem>>, vector<16xf32>,
    %swap3A_20 = vector.shape_cast %swap3A_19 : vector<16xf32> to vector<16xf32>
    %swap3A_21 = vector.shape_cast %broadcast_in_dim3A_17 : vector<16xf32> to vector<16xf32>
    tpu.vector_store %arg5[%swap3A_18], %swap3A_21 {strides = array<i32>} : memref<640xf32, #tpu.memory_space<vmem>>, vector<16xf32>,
    %broadcast_in_dim3A_22 = arith.constant 0.000000e+00 : f32
    %broadcast_in_dim3A_23 = vector.broadcast %broadcast_in_dim3A_22 : f32 to vector<16xf32>
    %swap3A_24 = arith.constant 64 : index
    %swap3A_25 = tpu.vector_load %arg5[%swap3A_24] {strides = array<i32>} : memref<640xf32, #tpu.memory_space<vmem>>, vector<16xf32>,
    %swap3A_26 = vector.shape_cast %swap3A_25 : vector<16xf32> to vector<16xf32>
    %swap3A_27 = vector.shape_cast %broadcast_in_dim3A_23 : vector<16xf32> to vector<16xf32>
    tpu.vector_store %arg5[%swap3A_24], %swap3A_27 {strides = array<i32>} : memref<640xf32, #tpu.memory_space<vmem>>, vector<16xf32>,
    %broadcast_in_dim3A_28 = arith.constant 0.000000e+00 : f32
    %broadcast_in_dim3A_29 = vector.broadcast %broadcast_in_dim3A_28 : f32 to vector<16xf32>
    %swap3A_30 = arith.constant 80 : index
    %swap3A_31 = tpu.vector_load %arg5[%swap3A_30] {strides = array<i32>} : memref<640xf32, #tpu.memory_space<vmem>>, vector<16xf32>,
    %swap3A_32 = vector.shape_cast %swap3A_31 : vector<16xf32> to vector<16xf32>
    %swap3A_33 = vector.shape_cast %broadcast_in_dim3A_29 : vector<16xf32> to vector<16xf32>
    tpu.vector_store %arg5[%swap3A_30], %swap3A_33 {strides = array<i32>} : memref<640xf32, #tpu.memory_space<vmem>>, vector<16xf32>,
    %broadcast_in_dim3A_34 = arith.constant 0.000000e+00 : f32
    %broadcast_in_dim3A_35 = vector.broadcast %broadcast_in_dim3A_34 : f32 to vector<16xf32>
    %swap3A_36 = arith.constant 96 : index
    %swap3A_37 = tpu.vector_load %arg5[%swap3A_36] {strides = array<i32>} : memref<640xf32, #tpu.memory_space<vmem>>, vector<16xf32>,
    %swap3A_38 = vector.shape_cast %swap3A_37 : vector<16xf32> to vector<16xf32>
    %swap3A_39 = vector.shape_cast %broadcast_in_dim3A_35 : vector<16xf32> to vector<16xf32>
    tpu.vector_store %arg5[%swap3A_36], %swap3A_39 {strides = array<i32>} : memref<640xf32, #tpu.memory_space<vmem>>, vector<16xf32>,
    %broadcast_in_dim3A_40 = arith.constant 0.000000e+00 : f32
    %broadcast_in_dim3A_41 = vector.broadcast %broadcast_in_dim3A_40 : f32 to vector<16xf32>
    %swap3A_42 = arith.constant 112 : index
    %swap3A_43 = tpu.vector_load %arg5[%swap3A_42] {strides = array<i32>} : memref<640xf32, #tpu.memory_space<vmem>>, vector<16xf32>,
    %swap3A_44 = vector.shape_cast %swap3A_43 : vector<16xf32> to vector<16xf32>
    %swap3A_45 = vector.shape_cast %broadcast_in_dim3A_41 : vector<16xf32> to vector<16xf32>
    tpu.vector_store %arg5[%swap3A_42], %swap3A_45 {strides = array<i32>} : memref<640xf32, #tpu.memory_space<vmem>>, vector<16xf32>,
    %broadcast_in_dim3A_46 = arith.constant 0.000000e+00 : f32
    %broadcast_in_dim3A_47 = vector.broadcast %broadcast_in_dim3A_46 : f32 to vector<16xf32>
    %swap3A_48 = arith.constant 128 : index
    %swap3A_49 = tpu.vector_load %arg5[%swap3A_48] {strides = array<i32>} : memref<640xf32, #tpu.memory_space<vmem>>, vector<16xf32>,
    %swap3A_50 = vector.shape_cast %swap3A_49 : vector<16xf32> to vector<16xf32>
    %swap3A_51 = vector.shape_cast %broadcast_in_dim3A_47 : vector<16xf32> to vector<16xf32>
    tpu.vector_store %arg5[%swap3A_48], %swap3A_51 {strides = array<i32>} : memref<640xf32, #tpu.memory_space<vmem>>, vector<16xf32>,
    %broadcast_in_dim3A_52 = arith.constant 0.000000e+00 : f32
    %broadcast_in_dim3A_53 = vector.broadcast %broadcast_in_dim3A_52 : f32 to vector<16xf32>
    %swap3A_54 = arith.constant 144 : index
    %swap3A_55 = tpu.vector_load %arg5[%swap3A_54] {strides = array<i32>} : memref<640xf32, #tpu.memory_space<vmem>>, vector<16xf32>,
    %swap3A_56 = vector.shape_cast %swap3A_55 : vector<16xf32> to vector<16xf32>
    %swap3A_57 = vector.shape_cast %broadcast_in_dim3A_53 : vector<16xf32> to vector<16xf32>
    tpu.vector_store %arg5[%swap3A_54], %swap3A_57 {strides = array<i32>} : memref<640xf32, #tpu.memory_space<vmem>>, vector<16xf32>,
    %broadcast_in_dim3A_58 = arith.constant 0.000000e+00 : f32
    %broadcast_in_dim3A_59 = vector.broadcast %broadcast_in_dim3A_58 : f32 to vector<16xf32>
    %swap3A_60 = arith.constant 160 : index
    %swap3A_61 = tpu.vector_load %arg5[%swap3A_60] {strides = array<i32>} : memref<640xf32, #tpu.memory_space<vmem>>, vector<16xf32>,
    %swap3A_62 = vector.shape_cast %swap3A_61 : vector<16xf32> to vector<16xf32>
    %swap3A_63 = vector.shape_cast %broadcast_in_dim3A_59 : vector<16xf32> to vector<16xf32>
    tpu.vector_store %arg5[%swap3A_60], %swap3A_63 {strides = array<i32>} : memref<640xf32, #tpu.memory_space<vmem>>, vector<16xf32>,
    %broadcast_in_dim3A_64 = arith.constant 0.000000e+00 : f32
    %broadcast_in_dim3A_65 = vector.broadcast %broadcast_in_dim3A_64 : f32 to vector<16xf32>
    %swap3A_66 = arith.constant 176 : index
    %swap3A_67 = tpu.vector_load %arg5[%swap3A_66] {strides = array<i32>} : memref<640xf32, #tpu.memory_space<vmem>>, vector<16xf32>,
    %swap3A_68 = vector.shape_cast %swap3A_67 : vector<16xf32> to vector<16xf32>
    %swap3A_69 = vector.shape_cast %broadcast_in_dim3A_65 : vector<16xf32> to vector<16xf32>
    tpu.vector_store %arg5[%swap3A_66], %swap3A_69 {strides = array<i32>} : memref<640xf32, #tpu.memory_space<vmem>>, vector<16xf32>,
    %broadcast_in_dim3A_70 = arith.constant 0.000000e+00 : f32
    %broadcast_in_dim3A_71 = vector.broadcast %broadcast_in_dim3A_70 : f32 to vector<16xf32>
    %swap3A_72 = arith.constant 192 : index
    %swap3A_73 = tpu.vector_load %arg5[%swap3A_72] {strides = array<i32>} : memref<640xf32, #tpu.memory_space<vmem>>, vector<16xf32>,
    %swap3A_74 = vector.shape_cast %swap3A_73 : vector<16xf32> to vector<16xf32>
    %swap3A_75 = vector.shape_cast %broadcast_in_dim3A_71 : vector<16xf32> to vector<16xf32>
    tpu.vector_store %arg5[%swap3A_72], %swap3A_75 {strides = array<i32>} : memref<640xf32, #tpu.memory_space<vmem>>, vector<16xf32>,
    %broadcast_in_dim3A_76 = arith.constant 0.000000e+00 : f32
    %broadcast_in_dim3A_77 = vector.broadcast %broadcast_in_dim3A_76 : f32 to vector<16xf32>
    %swap3A_78 = arith.constant 208 : index
    %swap3A_79 = tpu.vector_load %arg5[%swap3A_78] {strides = array<i32>} : memref<640xf32, #tpu.memory_space<vmem>>, vector<16xf32>,
    %swap3A_80 = vector.shape_cast %swap3A_79 : vector<16xf32> to vector<16xf32>
    %swap3A_81 = vector.shape_cast %broadcast_in_dim3A_77 : vector<16xf32> to vector<16xf32>
    tpu.vector_store %arg5[%swap3A_78], %swap3A_81 {strides = array<i32>} : memref<640xf32, #tpu.memory_space<vmem>>, vector<16xf32>,
    %broadcast_in_dim3A_82 = arith.constant 0.000000e+00 : f32
    %broadcast_in_dim3A_83 = vector.broadcast %broadcast_in_dim3A_82 : f32 to vector<16xf32>
    %swap3A_84 = arith.constant 224 : index
    %swap3A_85 = tpu.vector_load %arg5[%swap3A_84] {strides = array<i32>} : memref<640xf32, #tpu.memory_space<vmem>>, vector<16xf32>,
    %swap3A_86 = vector.shape_cast %swap3A_85 : vector<16xf32> to vector<16xf32>
    %swap3A_87 = vector.shape_cast %broadcast_in_dim3A_83 : vector<16xf32> to vector<16xf32>
    tpu.vector_store %arg5[%swap3A_84], %swap3A_87 {strides = array<i32>} : memref<640xf32, #tpu.memory_space<vmem>>, vector<16xf32>,
    %broadcast_in_dim3A_88 = arith.constant 0.000000e+00 : f32
    %broadcast_in_dim3A_89 = vector.broadcast %broadcast_in_dim3A_88 : f32 to vector<16xf32>
    %swap3A_90 = arith.constant 240 : index
    %swap3A_91 = tpu.vector_load %arg5[%swap3A_90] {strides = array<i32>} : memref<640xf32, #tpu.memory_space<vmem>>, vector<16xf32>,
    %swap3A_92 = vector.shape_cast %swap3A_91 : vector<16xf32> to vector<16xf32>
    %swap3A_93 = vector.shape_cast %broadcast_in_dim3A_89 : vector<16xf32> to vector<16xf32>
    tpu.vector_store %arg5[%swap3A_90], %swap3A_93 {strides = array<i32>} : memref<640xf32, #tpu.memory_space<vmem>>, vector<16xf32>,
    %broadcast_in_dim3A_94 = arith.constant 0.000000e+00 : f32
    %broadcast_in_dim3A_95 = vector.broadcast %broadcast_in_dim3A_94 : f32 to vector<16xf32>
    %swap3A_96 = arith.constant 256 : index
    %swap3A_97 = tpu.vector_load %arg5[%swap3A_96] {strides = array<i32>} : memref<640xf32, #tpu.memory_space<vmem>>, vector<16xf32>,
    %swap3A_98 = vector.shape_cast %swap3A_97 : vector<16xf32> to vector<16xf32>
    %swap3A_99 = vector.shape_cast %broadcast_in_dim3A_95 : vector<16xf32> to vector<16xf32>
    tpu.vector_store %arg5[%swap3A_96], %swap3A_99 {strides = array<i32>} : memref<640xf32, #tpu.memory_space<vmem>>, vector<16xf32>,
    %broadcast_in_dim3A_100 = arith.constant 0.000000e+00 : f32
    %broadcast_in_dim3A_101 = vector.broadcast %broadcast_in_dim3A_100 : f32 to vector<16xf32>
    %swap3A_102 = arith.constant 272 : index
    %swap3A_103 = tpu.vector_load %arg5[%swap3A_102] {strides = array<i32>} : memref<640xf32, #tpu.memory_space<vmem>>, vector<16xf32>,
    %swap3A_104 = vector.shape_cast %swap3A_103 : vector<16xf32> to vector<16xf32>
    %swap3A_105 = vector.shape_cast %broadcast_in_dim3A_101 : vector<16xf32> to vector<16xf32>
    tpu.vector_store %arg5[%swap3A_102], %swap3A_105 {strides = array<i32>} : memref<640xf32, #tpu.memory_space<vmem>>, vector<16xf32>,
    %broadcast_in_dim3A_106 = arith.constant 0.000000e+00 : f32
    %broadcast_in_dim3A_107 = vector.broadcast %broadcast_in_dim3A_106 : f32 to vector<16xf32>
    %swap3A_108 = arith.constant 288 : index
    %swap3A_109 = tpu.vector_load %arg5[%swap3A_108] {strides = array<i32>} : memref<640xf32, #tpu.memory_space<vmem>>, vector<16xf32>,
    %swap3A_110 = vector.shape_cast %swap3A_109 : vector<16xf32> to vector<16xf32>
    %swap3A_111 = vector.shape_cast %broadcast_in_dim3A_107 : vector<16xf32> to vector<16xf32>
    tpu.vector_store %arg5[%swap3A_108], %swap3A_111 {strides = array<i32>} : memref<640xf32, #tpu.memory_space<vmem>>, vector<16xf32>,
    %broadcast_in_dim3A_112 = arith.constant 0.000000e+00 : f32
    %broadcast_in_dim3A_113 = vector.broadcast %broadcast_in_dim3A_112 : f32 to vector<16xf32>
    %swap3A_114 = arith.constant 304 : index
    %swap3A_115 = tpu.vector_load %arg5[%swap3A_114] {strides = array<i32>} : memref<640xf32, #tpu.memory_space<vmem>>, vector<16xf32>,
    %swap3A_116 = vector.shape_cast %swap3A_115 : vector<16xf32> to vector<16xf32>
    %swap3A_117 = vector.shape_cast %broadcast_in_dim3A_113 : vector<16xf32> to vector<16xf32>
    tpu.vector_store %arg5[%swap3A_114], %swap3A_117 {strides = array<i32>} : memref<640xf32, #tpu.memory_space<vmem>>, vector<16xf32>,
    %broadcast_in_dim3A_118 = arith.constant 0.000000e+00 : f32
    %broadcast_in_dim3A_119 = vector.broadcast %broadcast_in_dim3A_118 : f32 to vector<16xf32>
    %swap3A_120 = arith.constant 320 : index
    %swap3A_121 = tpu.vector_load %arg5[%swap3A_120] {strides = array<i32>} : memref<640xf32, #tpu.memory_space<vmem>>, vector<16xf32>,
    %swap3A_122 = vector.shape_cast %swap3A_121 : vector<16xf32> to vector<16xf32>
    %swap3A_123 = vector.shape_cast %broadcast_in_dim3A_119 : vector<16xf32> to vector<16xf32>
    tpu.vector_store %arg5[%swap3A_120], %swap3A_123 {strides = array<i32>} : memref<640xf32, #tpu.memory_space<vmem>>, vector<16xf32>,
    %broadcast_in_dim3A_124 = arith.constant 0.000000e+00 : f32
    %broadcast_in_dim3A_125 = vector.broadcast %broadcast_in_dim3A_124 : f32 to vector<16xf32>
    %swap3A_126 = arith.constant 336 : index
    %swap3A_127 = tpu.vector_load %arg5[%swap3A_126] {strides = array<i32>} : memref<640xf32, #tpu.memory_space<vmem>>, vector<16xf32>,
    %swap3A_128 = vector.shape_cast %swap3A_127 : vector<16xf32> to vector<16xf32>
    %swap3A_129 = vector.shape_cast %broadcast_in_dim3A_125 : vector<16xf32> to vector<16xf32>
    tpu.vector_store %arg5[%swap3A_126], %swap3A_129 {strides = array<i32>} : memref<640xf32, #tpu.memory_space<vmem>>, vector<16xf32>,
    %broadcast_in_dim3A_130 = arith.constant 0.000000e+00 : f32
    %broadcast_in_dim3A_131 = vector.broadcast %broadcast_in_dim3A_130 : f32 to vector<16xf32>
    %swap3A_132 = arith.constant 352 : index
    %swap3A_133 = tpu.vector_load %arg5[%swap3A_132] {strides = array<i32>} : memref<640xf32, #tpu.memory_space<vmem>>, vector<16xf32>,
    %swap3A_134 = vector.shape_cast %swap3A_133 : vector<16xf32> to vector<16xf32>
    %swap3A_135 = vector.shape_cast %broadcast_in_dim3A_131 : vector<16xf32> to vector<16xf32>
    tpu.vector_store %arg5[%swap3A_132], %swap3A_135 {strides = array<i32>} : memref<640xf32, #tpu.memory_space<vmem>>, vector<16xf32>,
    %broadcast_in_dim3A_136 = arith.constant 0.000000e+00 : f32
    %broadcast_in_dim3A_137 = vector.broadcast %broadcast_in_dim3A_136 : f32 to vector<16xf32>
    %swap3A_138 = arith.constant 368 : index
    %swap3A_139 = tpu.vector_load %arg5[%swap3A_138] {strides = array<i32>} : memref<640xf32, #tpu.memory_space<vmem>>, vector<16xf32>,
    %swap3A_140 = vector.shape_cast %swap3A_139 : vector<16xf32> to vector<16xf32>
    %swap3A_141 = vector.shape_cast %broadcast_in_dim3A_137 : vector<16xf32> to vector<16xf32>
    tpu.vector_store %arg5[%swap3A_138], %swap3A_141 {strides = array<i32>} : memref<640xf32, #tpu.memory_space<vmem>>, vector<16xf32>,
    %broadcast_in_dim3A_142 = arith.constant 0.000000e+00 : f32
    %broadcast_in_dim3A_143 = vector.broadcast %broadcast_in_dim3A_142 : f32 to vector<16xf32>
    %swap3A_144 = arith.constant 384 : index
    %swap3A_145 = tpu.vector_load %arg5[%swap3A_144] {strides = array<i32>} : memref<640xf32, #tpu.memory_space<vmem>>, vector<16xf32>,
    %swap3A_146 = vector.shape_cast %swap3A_145 : vector<16xf32> to vector<16xf32>
    %swap3A_147 = vector.shape_cast %broadcast_in_dim3A_143 : vector<16xf32> to vector<16xf32>
    tpu.vector_store %arg5[%swap3A_144], %swap3A_147 {strides = array<i32>} : memref<640xf32, #tpu.memory_space<vmem>>, vector<16xf32>,
    %broadcast_in_dim3A_148 = arith.constant 0.000000e+00 : f32
    %broadcast_in_dim3A_149 = vector.broadcast %broadcast_in_dim3A_148 : f32 to vector<16xf32>
    %swap3A_150 = arith.constant 400 : index
    %swap3A_151 = tpu.vector_load %arg5[%swap3A_150] {strides = array<i32>} : memref<640xf32, #tpu.memory_space<vmem>>, vector<16xf32>,
    %swap3A_152 = vector.shape_cast %swap3A_151 : vector<16xf32> to vector<16xf32>
    %swap3A_153 = vector.shape_cast %broadcast_in_dim3A_149 : vector<16xf32> to vector<16xf32>
    tpu.vector_store %arg5[%swap3A_150], %swap3A_153 {strides = array<i32>} : memref<640xf32, #tpu.memory_space<vmem>>, vector<16xf32>,
    %broadcast_in_dim3A_154 = arith.constant 0.000000e+00 : f32
    %broadcast_in_dim3A_155 = vector.broadcast %broadcast_in_dim3A_154 : f32 to vector<16xf32>
    %swap3A_156 = arith.constant 416 : index
    %swap3A_157 = tpu.vector_load %arg5[%swap3A_156] {strides = array<i32>} : memref<640xf32, #tpu.memory_space<vmem>>, vector<16xf32>,
    %swap3A_158 = vector.shape_cast %swap3A_157 : vector<16xf32> to vector<16xf32>
    %swap3A_159 = vector.shape_cast %broadcast_in_dim3A_155 : vector<16xf32> to vector<16xf32>
    tpu.vector_store %arg5[%swap3A_156], %swap3A_159 {strides = array<i32>} : memref<640xf32, #tpu.memory_space<vmem>>, vector<16xf32>,
    %broadcast_in_dim3A_160 = arith.constant 0.000000e+00 : f32
    %broadcast_in_dim3A_161 = vector.broadcast %broadcast_in_dim3A_160 : f32 to vector<16xf32>
    %swap3A_162 = arith.constant 432 : index
    %swap3A_163 = tpu.vector_load %arg5[%swap3A_162] {strides = array<i32>} : memref<640xf32, #tpu.memory_space<vmem>>, vector<16xf32>,
    %swap3A_164 = vector.shape_cast %swap3A_163 : vector<16xf32> to vector<16xf32>
    %swap3A_165 = vector.shape_cast %broadcast_in_dim3A_161 : vector<16xf32> to vector<16xf32>
    tpu.vector_store %arg5[%swap3A_162], %swap3A_165 {strides = array<i32>} : memref<640xf32, #tpu.memory_space<vmem>>, vector<16xf32>,
    %broadcast_in_dim3A_166 = arith.constant 0.000000e+00 : f32
    %broadcast_in_dim3A_167 = vector.broadcast %broadcast_in_dim3A_166 : f32 to vector<16xf32>
    %swap3A_168 = arith.constant 448 : index
    %swap3A_169 = tpu.vector_load %arg5[%swap3A_168] {strides = array<i32>} : memref<640xf32, #tpu.memory_space<vmem>>, vector<16xf32>,
    %swap3A_170 = vector.shape_cast %swap3A_169 : vector<16xf32> to vector<16xf32>
    %swap3A_171 = vector.shape_cast %broadcast_in_dim3A_167 : vector<16xf32> to vector<16xf32>
    tpu.vector_store %arg5[%swap3A_168], %swap3A_171 {strides = array<i32>} : memref<640xf32, #tpu.memory_space<vmem>>, vector<16xf32>,
    %broadcast_in_dim3A_172 = arith.constant 0.000000e+00 : f32
    %broadcast_in_dim3A_173 = vector.broadcast %broadcast_in_dim3A_172 : f32 to vector<16xf32>
    %swap3A_174 = arith.constant 464 : index
    %swap3A_175 = tpu.vector_load %arg5[%swap3A_174] {strides = array<i32>} : memref<640xf32, #tpu.memory_space<vmem>>, vector<16xf32>,
    %swap3A_176 = vector.shape_cast %swap3A_175 : vector<16xf32> to vector<16xf32>
    %swap3A_177 = vector.shape_cast %broadcast_in_dim3A_173 : vector<16xf32> to vector<16xf32>
    tpu.vector_store %arg5[%swap3A_174], %swap3A_177 {strides = array<i32>} : memref<640xf32, #tpu.memory_space<vmem>>, vector<16xf32>,
    %broadcast_in_dim3A_178 = arith.constant 0.000000e+00 : f32
    %broadcast_in_dim3A_179 = vector.broadcast %broadcast_in_dim3A_178 : f32 to vector<16xf32>
    %swap3A_180 = arith.constant 480 : index
    %swap3A_181 = tpu.vector_load %arg5[%swap3A_180] {strides = array<i32>} : memref<640xf32, #tpu.memory_space<vmem>>, vector<16xf32>,
    %swap3A_182 = vector.shape_cast %swap3A_181 : vector<16xf32> to vector<16xf32>
    %swap3A_183 = vector.shape_cast %broadcast_in_dim3A_179 : vector<16xf32> to vector<16xf32>
    tpu.vector_store %arg5[%swap3A_180], %swap3A_183 {strides = array<i32>} : memref<640xf32, #tpu.memory_space<vmem>>, vector<16xf32>,
    %broadcast_in_dim3A_184 = arith.constant 0.000000e+00 : f32
    %broadcast_in_dim3A_185 = vector.broadcast %broadcast_in_dim3A_184 : f32 to vector<16xf32>
    %swap3A_186 = arith.constant 496 : index
    %swap3A_187 = tpu.vector_load %arg5[%swap3A_186] {strides = array<i32>} : memref<640xf32, #tpu.memory_space<vmem>>, vector<16xf32>,
    %swap3A_188 = vector.shape_cast %swap3A_187 : vector<16xf32> to vector<16xf32>
    %swap3A_189 = vector.shape_cast %broadcast_in_dim3A_185 : vector<16xf32> to vector<16xf32>
    tpu.vector_store %arg5[%swap3A_186], %swap3A_189 {strides = array<i32>} : memref<640xf32, #tpu.memory_space<vmem>>, vector<16xf32>,
    %broadcast_in_dim3A_190 = arith.constant 0.000000e+00 : f32
    %broadcast_in_dim3A_191 = vector.broadcast %broadcast_in_dim3A_190 : f32 to vector<16xf32>
    %swap3A_192 = arith.constant 512 : index
    %swap3A_193 = tpu.vector_load %arg5[%swap3A_192] {strides = array<i32>} : memref<640xf32, #tpu.memory_space<vmem>>, vector<16xf32>,
    %swap3A_194 = vector.shape_cast %swap3A_193 : vector<16xf32> to vector<16xf32>
    %swap3A_195 = vector.shape_cast %broadcast_in_dim3A_191 : vector<16xf32> to vector<16xf32>
    tpu.vector_store %arg5[%swap3A_192], %swap3A_195 {strides = array<i32>} : memref<640xf32, #tpu.memory_space<vmem>>, vector<16xf32>,
    %broadcast_in_dim3A_196 = arith.constant 0.000000e+00 : f32
    %broadcast_in_dim3A_197 = vector.broadcast %broadcast_in_dim3A_196 : f32 to vector<16xf32>
    %swap3A_198 = arith.constant 528 : index
    %swap3A_199 = tpu.vector_load %arg5[%swap3A_198] {strides = array<i32>} : memref<640xf32, #tpu.memory_space<vmem>>, vector<16xf32>,
    %swap3A_200 = vector.shape_cast %swap3A_199 : vector<16xf32> to vector<16xf32>
    %swap3A_201 = vector.shape_cast %broadcast_in_dim3A_197 : vector<16xf32> to vector<16xf32>
    tpu.vector_store %arg5[%swap3A_198], %swap3A_201 {strides = array<i32>} : memref<640xf32, #tpu.memory_space<vmem>>, vector<16xf32>,
    %broadcast_in_dim3A_202 = arith.constant 0.000000e+00 : f32
    %broadcast_in_dim3A_203 = vector.broadcast %broadcast_in_dim3A_202 : f32 to vector<16xf32>
    %swap3A_204 = arith.constant 544 : index
    %swap3A_205 = tpu.vector_load %arg5[%swap3A_204] {strides = array<i32>} : memref<640xf32, #tpu.memory_space<vmem>>, vector<16xf32>,
    %swap3A_206 = vector.shape_cast %swap3A_205 : vector<16xf32> to vector<16xf32>
    %swap3A_207 = vector.shape_cast %broadcast_in_dim3A_203 : vector<16xf32> to vector<16xf32>
    tpu.vector_store %arg5[%swap3A_204], %swap3A_207 {strides = array<i32>} : memref<640xf32, #tpu.memory_space<vmem>>, vector<16xf32>,
    %broadcast_in_dim3A_208 = arith.constant 0.000000e+00 : f32
    %broadcast_in_dim3A_209 = vector.broadcast %broadcast_in_dim3A_208 : f32 to vector<16xf32>
    %swap3A_210 = arith.constant 560 : index
    %swap3A_211 = tpu.vector_load %arg5[%swap3A_210] {strides = array<i32>} : memref<640xf32, #tpu.memory_space<vmem>>, vector<16xf32>,
    %swap3A_212 = vector.shape_cast %swap3A_211 : vector<16xf32> to vector<16xf32>
    %swap3A_213 = vector.shape_cast %broadcast_in_dim3A_209 : vector<16xf32> to vector<16xf32>
    tpu.vector_store %arg5[%swap3A_210], %swap3A_213 {strides = array<i32>} : memref<640xf32, #tpu.memory_space<vmem>>, vector<16xf32>,
    %broadcast_in_dim3A_214 = arith.constant 0.000000e+00 : f32
    %broadcast_in_dim3A_215 = vector.broadcast %broadcast_in_dim3A_214 : f32 to vector<16xf32>
    %swap3A_216 = arith.constant 576 : index
    %swap3A_217 = tpu.vector_load %arg5[%swap3A_216] {strides = array<i32>} : memref<640xf32, #tpu.memory_space<vmem>>, vector<16xf32>,
    %swap3A_218 = vector.shape_cast %swap3A_217 : vector<16xf32> to vector<16xf32>
    %swap3A_219 = vector.shape_cast %broadcast_in_dim3A_215 : vector<16xf32> to vector<16xf32>
    tpu.vector_store %arg5[%swap3A_216], %swap3A_219 {strides = array<i32>} : memref<640xf32, #tpu.memory_space<vmem>>, vector<16xf32>,
    %broadcast_in_dim3A_220 = arith.constant 0.000000e+00 : f32
    %broadcast_in_dim3A_221 = vector.broadcast %broadcast_in_dim3A_220 : f32 to vector<16xf32>
    %swap3A_222 = arith.constant 592 : index
    %swap3A_223 = tpu.vector_load %arg5[%swap3A_222] {strides = array<i32>} : memref<640xf32, #tpu.memory_space<vmem>>, vector<16xf32>,
    %swap3A_224 = vector.shape_cast %swap3A_223 : vector<16xf32> to vector<16xf32>
    %swap3A_225 = vector.shape_cast %broadcast_in_dim3A_221 : vector<16xf32> to vector<16xf32>
    tpu.vector_store %arg5[%swap3A_222], %swap3A_225 {strides = array<i32>} : memref<640xf32, #tpu.memory_space<vmem>>, vector<16xf32>,
    %broadcast_in_dim3A_226 = arith.constant 0.000000e+00 : f32
    %broadcast_in_dim3A_227 = vector.broadcast %broadcast_in_dim3A_226 : f32 to vector<16xf32>
    %swap3A_228 = arith.constant 608 : index
    %swap3A_229 = tpu.vector_load %arg5[%swap3A_228] {strides = array<i32>} : memref<640xf32, #tpu.memory_space<vmem>>, vector<16xf32>,
    %swap3A_230 = vector.shape_cast %swap3A_229 : vector<16xf32> to vector<16xf32>
    %swap3A_231 = vector.shape_cast %broadcast_in_dim3A_227 : vector<16xf32> to vector<16xf32>
    tpu.vector_store %arg5[%swap3A_228], %swap3A_231 {strides = array<i32>} : memref<640xf32, #tpu.memory_space<vmem>>, vector<16xf32>,
    %broadcast_in_dim3A_232 = arith.constant 0.000000e+00 : f32
    %broadcast_in_dim3A_233 = vector.broadcast %broadcast_in_dim3A_232 : f32 to vector<16xf32>
    %swap3A_234 = arith.constant 624 : index
    %swap3A_235 = tpu.vector_load %arg5[%swap3A_234] {strides = array<i32>} : memref<640xf32, #tpu.memory_space<vmem>>, vector<16xf32>,
    %swap3A_236 = vector.shape_cast %swap3A_235 : vector<16xf32> to vector<16xf32>
    %swap3A_237 = vector.shape_cast %broadcast_in_dim3A_233 : vector<16xf32> to vector<16xf32>
    tpu.vector_store %arg5[%swap3A_234], %swap3A_237 {strides = array<i32>} : memref<640xf32, #tpu.memory_space<vmem>>, vector<16xf32>,
    %broadcast_in_dim3A_238 = arith.constant 1.000000e+00 : f32
    %broadcast_in_dim3A_239 = vector.broadcast %broadcast_in_dim3A_238 : f32 to vector<16xf32>
    %swap3A_240 = arith.constant 0 : index
    %swap3A_241 = tpu.vector_load %arg6[%swap3A_240] {strides = array<i32>} : memref<128xf32, #tpu.memory_space<vmem>>, vector<16xf32>,
    %swap3A_242 = vector.shape_cast %swap3A_241 : vector<16xf32> to vector<16xf32>
    %swap3A_243 = vector.shape_cast %broadcast_in_dim3A_239 : vector<16xf32> to vector<16xf32>
    tpu.vector_store %arg6[%swap3A_240], %swap3A_243 {strides = array<i32>} : memref<128xf32, #tpu.memory_space<vmem>>, vector<16xf32>,
    %broadcast_in_dim3A_244 = arith.constant 1.000000e+00 : f32
    %broadcast_in_dim3A_245 = vector.broadcast %broadcast_in_dim3A_244 : f32 to vector<16xf32>
    %swap3A_246 = arith.constant 16 : index
    %swap3A_247 = tpu.vector_load %arg6[%swap3A_246] {strides = array<i32>} : memref<128xf32, #tpu.memory_space<vmem>>, vector<16xf32>,
    %swap3A_248 = vector.shape_cast %swap3A_247 : vector<16xf32> to vector<16xf32>
    %swap3A_249 = vector.shape_cast %broadcast_in_dim3A_245 : vector<16xf32> to vector<16xf32>
    tpu.vector_store %arg6[%swap3A_246], %swap3A_249 {strides = array<i32>} : memref<128xf32, #tpu.memory_space<vmem>>, vector<16xf32>,
    %broadcast_in_dim3A_250 = arith.constant 1.000000e+00 : f32
    %broadcast_in_dim3A_251 = vector.broadcast %broadcast_in_dim3A_250 : f32 to vector<16xf32>
    %swap3A_252 = arith.constant 32 : index
    %swap3A_253 = tpu.vector_load %arg6[%swap3A_252] {strides = array<i32>} : memref<128xf32, #tpu.memory_space<vmem>>, vector<16xf32>,
    %swap3A_254 = vector.shape_cast %swap3A_253 : vector<16xf32> to vector<16xf32>
    %swap3A_255 = vector.shape_cast %broadcast_in_dim3A_251 : vector<16xf32> to vector<16xf32>
    tpu.vector_store %arg6[%swap3A_252], %swap3A_255 {strides = array<i32>} : memref<128xf32, #tpu.memory_space<vmem>>, vector<16xf32>,
    %broadcast_in_dim3A_256 = arith.constant 1.000000e+00 : f32
    %broadcast_in_dim3A_257 = vector.broadcast %broadcast_in_dim3A_256 : f32 to vector<16xf32>
    %swap3A_258 = arith.constant 48 : index
    %swap3A_259 = tpu.vector_load %arg6[%swap3A_258] {strides = array<i32>} : memref<128xf32, #tpu.memory_space<vmem>>, vector<16xf32>,
    %swap3A_260 = vector.shape_cast %swap3A_259 : vector<16xf32> to vector<16xf32>
    %swap3A_261 = vector.shape_cast %broadcast_in_dim3A_257 : vector<16xf32> to vector<16xf32>
    tpu.vector_store %arg6[%swap3A_258], %swap3A_261 {strides = array<i32>} : memref<128xf32, #tpu.memory_space<vmem>>, vector<16xf32>,
    %broadcast_in_dim3A_262 = arith.constant 1.000000e+00 : f32
    %broadcast_in_dim3A_263 = vector.broadcast %broadcast_in_dim3A_262 : f32 to vector<16xf32>
    %swap3A_264 = arith.constant 64 : index
    %swap3A_265 = tpu.vector_load %arg6[%swap3A_264] {strides = array<i32>} : memref<128xf32, #tpu.memory_space<vmem>>, vector<16xf32>,
    %swap3A_266 = vector.shape_cast %swap3A_265 : vector<16xf32> to vector<16xf32>
    %swap3A_267 = vector.shape_cast %broadcast_in_dim3A_263 : vector<16xf32> to vector<16xf32>
    tpu.vector_store %arg6[%swap3A_264], %swap3A_267 {strides = array<i32>} : memref<128xf32, #tpu.memory_space<vmem>>, vector<16xf32>,
    %broadcast_in_dim3A_268 = arith.constant 1.000000e+00 : f32
    %broadcast_in_dim3A_269 = vector.broadcast %broadcast_in_dim3A_268 : f32 to vector<16xf32>
    %swap3A_270 = arith.constant 80 : index
    %swap3A_271 = tpu.vector_load %arg6[%swap3A_270] {strides = array<i32>} : memref<128xf32, #tpu.memory_space<vmem>>, vector<16xf32>,
    %swap3A_272 = vector.shape_cast %swap3A_271 : vector<16xf32> to vector<16xf32>
    %swap3A_273 = vector.shape_cast %broadcast_in_dim3A_269 : vector<16xf32> to vector<16xf32>
    tpu.vector_store %arg6[%swap3A_270], %swap3A_273 {strides = array<i32>} : memref<128xf32, #tpu.memory_space<vmem>>, vector<16xf32>,
    %broadcast_in_dim3A_274 = arith.constant 1.000000e+00 : f32
    %broadcast_in_dim3A_275 = vector.broadcast %broadcast_in_dim3A_274 : f32 to vector<16xf32>
    %swap3A_276 = arith.constant 96 : index
    %swap3A_277 = tpu.vector_load %arg6[%swap3A_276] {strides = array<i32>} : memref<128xf32, #tpu.memory_space<vmem>>, vector<16xf32>,
    %swap3A_278 = vector.shape_cast %swap3A_277 : vector<16xf32> to vector<16xf32>
    %swap3A_279 = vector.shape_cast %broadcast_in_dim3A_275 : vector<16xf32> to vector<16xf32>
    tpu.vector_store %arg6[%swap3A_276], %swap3A_279 {strides = array<i32>} : memref<128xf32, #tpu.memory_space<vmem>>, vector<16xf32>,
    %broadcast_in_dim3A_280 = arith.constant 1.000000e+00 : f32
    %broadcast_in_dim3A_281 = vector.broadcast %broadcast_in_dim3A_280 : f32 to vector<16xf32>
    %swap3A_282 = arith.constant 112 : index
    %swap3A_283 = tpu.vector_load %arg6[%swap3A_282] {strides = array<i32>} : memref<128xf32, #tpu.memory_space<vmem>>, vector<16xf32>,
    %swap3A_284 = vector.shape_cast %swap3A_283 : vector<16xf32> to vector<16xf32>
    %swap3A_285 = vector.shape_cast %broadcast_in_dim3A_281 : vector<16xf32> to vector<16xf32>
    tpu.vector_store %arg6[%swap3A_282], %swap3A_285 {strides = array<i32>} : memref<128xf32, #tpu.memory_space<vmem>>, vector<16xf32>,
    "tpu.region"() ({
      %run_scoped3A = tpu.sem_alloc : memref<!tpu.dma_semaphore, #tpu.memory_space<semaphore_mem>>
      %dma_start3A = arith.constant 0 : i32
      %dma_start3A_304 = arith.constant 0 : i32
      %dma_start3A_305 = tpu.memref_slice %arg2[%arg0, %arg1, %dma_start3A, %dma_start3A_304] : memref<2x16x80x128xi32, #tpu.memory_space<hbm>> -> memref<1x1x80x128xi32, #tpu.memory_space<hbm>>
      %dma_start3A_306 = tpu.memref_squeeze %dma_start3A_305 : memref<1x1x80x128xi32, #tpu.memory_space<hbm>> -> memref<80x128xi32, #tpu.memory_space<hbm>>
      %dma_start3A_307 = arith.constant 0 : i32
      %dma_start3A_308 = arith.constant 0 : i32
      %dma_start3A_309 = tpu.memref_slice %arg2[%arg0, %arg1, %dma_start3A_307, %dma_start3A_308] : memref<2x16x80x128xi32, #tpu.memory_space<hbm>> -> memref<1x1x80x128xi32, #tpu.memory_space<hbm>>
      %dma_start3A_310 = tpu.memref_squeeze %dma_start3A_309 : memref<1x1x80x128xi32, #tpu.memory_space<hbm>> -> memref<80x128xi32, #tpu.memory_space<hbm>>
      tpu.enqueue_dma source(%dma_start3A_310 : memref<80x128xi32, #tpu.memory_space<hbm>>) target(%arg7 : memref<80x128xi32, #tpu.memory_space<vmem>>) target_semaphore(%run_scoped3A : memref<!tpu.dma_semaphore, #tpu.memory_space<semaphore_mem>>)
      %dma_wait3A_311 = arith.constant 0 : i32
      %dma_wait3A_312 = arith.constant 0 : i32
      %dma_wait3A_313 = tpu.memref_slice %arg2[%arg0, %arg1, %dma_wait3A_311, %dma_wait3A_312] : memref<2x16x80x128xi32, #tpu.memory_space<hbm>> -> memref<1x1x80x128xi32, #tpu.memory_space<hbm>>
      %dma_wait3A_314 = tpu.memref_squeeze %dma_wait3A_313 : memref<1x1x80x128xi32, #tpu.memory_space<hbm>> -> memref<80x128xi32, #tpu.memory_space<hbm>>
      %dma_wait3A_315 = arith.constant 0 : i32
      %dma_wait3A_316 = arith.constant 0 : i32
      %dma_wait3A_317 = tpu.memref_slice %arg2[%arg0, %arg1, %dma_wait3A_315, %dma_wait3A_316] : memref<2x16x80x128xi32, #tpu.memory_space<hbm>> -> memref<1x1x80x128xi32, #tpu.memory_space<hbm>>
      %dma_wait3A_318 = tpu.memref_squeeze %dma_wait3A_317 : memref<1x1x80x128xi32, #tpu.memory_space<hbm>> -> memref<80x128xi32, #tpu.memory_space<hbm>>
      tpu.wait_dma2 semaphore(%run_scoped3A : memref<!tpu.dma_semaphore, #tpu.memory_space<semaphore_mem>>) src(%dma_wait3A_318 : memref<80x128xi32, #tpu.memory_space<hbm>>) dst(%arg7 : memref<80x128xi32, #tpu.memory_space<vmem>>)
      tpu.yield
    }) : () -> ()
    %mul3A = arith.constant 640 : i32
    %mul3A_286 = arith.muli %arg1, %mul3A : i32
    "tpu.region"() ({
      %run_scoped3A = tpu.sem_alloc : memref<!tpu.dma_semaphore, #tpu.memory_space<semaphore_mem>>
      %dma_start3A = tpu.memref_slice %arg4[%mul3A_286] : memref<10240xf32, #tpu.memory_space<vmem_shared>> -> memref<640xf32, #tpu.memory_space<vmem_shared>>
      %dma_start3A_304 = tpu.memref_slice %arg4[%mul3A_286] : memref<10240xf32, #tpu.memory_space<vmem_shared>> -> memref<640xf32, #tpu.memory_space<vmem_shared>>
      tpu.enqueue_dma source(%arg5 : memref<640xf32, #tpu.memory_space<vmem>>) target(%dma_start3A_304 : memref<640xf32, #tpu.memory_space<vmem_shared>>) target_semaphore(%run_scoped3A : memref<!tpu.dma_semaphore, #tpu.memory_space<semaphore_mem>>)
      %dma_wait3A_305 = tpu.memref_slice %arg4[%mul3A_286] : memref<10240xf32, #tpu.memory_space<vmem_shared>> -> memref<640xf32, #tpu.memory_space<vmem_shared>>
      %dma_wait3A_306 = tpu.memref_slice %arg4[%mul3A_286] : memref<10240xf32, #tpu.memory_space<vmem_shared>> -> memref<640xf32, #tpu.memory_space<vmem_shared>>
      tpu.wait_dma2 semaphore(%run_scoped3A : memref<!tpu.dma_semaphore, #tpu.memory_space<semaphore_mem>>) src(%arg5 : memref<640xf32, #tpu.memory_space<vmem>>) dst(%dma_wait3A_306 : memref<640xf32, #tpu.memory_space<vmem_shared>>)
      tpu.yield
    }) : () -> ()
    %barrier3A = arith.constant 0 : index
    tpu.barrier barrier_id(%barrier3A)
    %scan3A = arith.constant 0 : i32
    %scan3A_287 = arith.constant 0 : i32
    %scan3A_288 = arith.constant 80 : i32
    %scan3A_289 = arith.addi %scan3A_287, %scan3A_288 : i32
    %scan3A_290 = arith.constant 1 : i32
    scf.for %scan3A_304 = %scan3A_287 to %scan3A_289 step %scan3A_290  : i32 {
      %dma_start3A = arith.constant 0 : i32
      %dma_start3A_305 = tpu.memref_slice %arg7[%scan3A_304, %dma_start3A] : memref<80x128xi32, #tpu.memory_space<vmem>> -> memref<1x128xi32, #tpu.memory_space<vmem>>
      %dma_start3A_306 = tpu.memref_squeeze %dma_start3A_305 : memref<1x128xi32, #tpu.memory_space<vmem>> -> memref<128xi32, #tpu.memory_space<vmem>>
      %dma_start3A_307 = arith.constant 0 : i32
      %dma_start3A_308 = tpu.memref_slice %arg4[%dma_start3A_307] : memref<10240xf32, #tpu.memory_space<vmem_shared>> -> memref<10240xf32, #tpu.memory_space<vmem_shared>>
      tpu.enqueue_indirect_dma source(%arg6 : memref<128xf32, #tpu.memory_space<vmem>>) target(%dma_start3A_308 : memref<10240xf32, #tpu.memory_space<vmem_shared>>) offsets(%dma_start3A_306 : memref<128xi32, #tpu.memory_space<vmem>>) semaphore(%arg8 : memref<!tpu.dma_semaphore, #tpu.memory_space<semaphore_mem>>) {add = true}
    }
    %scan3A_291 = arith.constant 80 : i32
    %dma_wait3A = arith.constant 0 : i32
    %dma_wait3A_292 = arith.constant 0 : i32
    %dma_wait3A_293 = tpu.memref_slice %arg2[%arg0, %arg1, %dma_wait3A, %dma_wait3A_292] : memref<2x16x80x128xi32, #tpu.memory_space<hbm>> -> memref<1x1x80x128xi32, #tpu.memory_space<hbm>>
    %dma_wait3A_294 = tpu.memref_squeeze %dma_wait3A_293 : memref<1x1x80x128xi32, #tpu.memory_space<hbm>> -> memref<80x128xi32, #tpu.memory_space<hbm>>
    %dma_wait3A_295 = arith.constant 0 : i32
    %dma_wait3A_296 = arith.constant 0 : i32
    %dma_wait3A_297 = tpu.memref_slice %arg2[%arg0, %arg1, %dma_wait3A_295, %dma_wait3A_296] : memref<2x16x80x128xi32, #tpu.memory_space<hbm>> -> memref<1x1x80x128xi32, #tpu.memory_space<hbm>>
    %dma_wait3A_298 = tpu.memref_squeeze %dma_wait3A_297 : memref<1x1x80x128xi32, #tpu.memory_space<hbm>> -> memref<80x128xi32, #tpu.memory_space<hbm>>
    tpu.wait_dma2 semaphore(%arg8 : memref<!tpu.dma_semaphore, #tpu.memory_space<semaphore_mem>>) src(%dma_wait3A_298 : memref<80x128xi32, #tpu.memory_space<hbm>>) dst(%arg7 : memref<80x128xi32, #tpu.memory_space<vmem>>)
    %barrier3A_299 = arith.constant 0 : index
    tpu.barrier barrier_id(%barrier3A_299)
    %mul3A_300 = arith.constant 640 : i32
    %mul3A_301 = arith.muli %arg1, %mul3A_300 : i32
    %mul3A_302 = arith.constant 640 : i32
    %mul3A_303 = arith.muli %arg1, %mul3A_302 : i32
    "tpu.region"() ({
      %run_scoped3A = tpu.sem_alloc : memref<!tpu.dma_semaphore, #tpu.memory_space<semaphore_mem>>
      %dma_start3A = tpu.memref_slice %arg3[%arg0, %mul3A_303] : memref<2x10240xf32, #tpu.memory_space<hbm>> -> memref<1x640xf32, #tpu.memory_space<hbm>>
      %dma_start3A_304 = tpu.memref_squeeze %dma_start3A : memref<1x640xf32, #tpu.memory_space<hbm>> -> memref<640xf32, #tpu.memory_space<hbm>>
      %dma_start3A_305 = tpu.memref_slice %arg4[%mul3A_301] : memref<10240xf32, #tpu.memory_space<vmem_shared>> -> memref<640xf32, #tpu.memory_space<vmem_shared>>
      tpu.enqueue_dma source(%dma_start3A_305 : memref<640xf32, #tpu.memory_space<vmem_shared>>) target(%dma_start3A_304 : memref<640xf32, #tpu.memory_space<hbm>>) target_semaphore(%run_scoped3A : memref<!tpu.dma_semaphore, #tpu.memory_space<semaphore_mem>>)
      %dma_wait3A_306 = tpu.memref_slice %arg3[%arg0, %mul3A_303] : memref<2x10240xf32, #tpu.memory_space<hbm>> -> memref<1x640xf32, #tpu.memory_space<hbm>>
      %dma_wait3A_307 = tpu.memref_squeeze %dma_wait3A_306 : memref<1x640xf32, #tpu.memory_space<hbm>> -> memref<640xf32, #tpu.memory_space<hbm>>
      %dma_wait3A_308 = tpu.memref_slice %arg4[%mul3A_301] : memref<10240xf32, #tpu.memory_space<vmem_shared>> -> memref<640xf32, #tpu.memory_space<vmem_shared>>
      tpu.wait_dma2 semaphore(%run_scoped3A : memref<!tpu.dma_semaphore, #tpu.memory_space<semaphore_mem>>) src(%dma_wait3A_308 : memref<640xf32, #tpu.memory_space<vmem_shared>>) dst(%dma_wait3A_307 : memref<640xf32, #tpu.memory_space<hbm>>)
      tpu.yield
    }) : () -> ()
    return
  }
}

#map = affine_map<(d0, d1) -> (0, 0)>
#map1 = affine_map<(d0, d1) -> (0, 0, 0)>
module attributes {stable_mosaic.version = 14 : i64} {
  func.func @_scatter_body(%arg0: i32, %arg1: i32, %arg2: memref<10112x128xf32, #tpu.memory_space<hbm>>, %arg3: memref<2x16x10240xi32, #tpu.memory_space<hbm>>, %arg4: memref<2x10112x128xf32, #tpu.memory_space<hbm>>, %arg5: memref<10112x128xf32, #tpu.memory_space<vmem_shared>>, %arg6: memref<10240xi32, #tpu.memory_space<vmem>>, %arg7: memref<64xi32, #tpu.memory_space<vmem>>, %arg8: memref<64xi32, #tpu.memory_space<vmem>>, %arg9: memref<64xi32, #tpu.memory_space<vmem>>, %arg10: memref<64xi32, #tpu.memory_space<vmem>>, %arg11: memref<64xi32, #tpu.memory_space<vmem>>, %arg12: memref<64xi32, #tpu.memory_space<vmem>>, %arg13: memref<64xi32, #tpu.memory_space<vmem>>, %arg14: memref<64xi32, #tpu.memory_space<vmem>>, %arg15: memref<64x128xf32, #tpu.memory_space<vmem>>, %arg16: memref<64x128xf32, #tpu.memory_space<vmem>>, %arg17: memref<64x128xf32, #tpu.memory_space<vmem>>, %arg18: memref<64x128xf32, #tpu.memory_space<vmem>>, %arg19: memref<!tpu.dma_semaphore, #tpu.memory_space<semaphore_mem>>, %arg20: memref<!tpu.dma_semaphore, #tpu.memory_space<semaphore_mem>>, %arg21: memref<!tpu.dma_semaphore, #tpu.memory_space<semaphore_mem>>, %arg22: memref<!tpu.dma_semaphore, #tpu.memory_space<semaphore_mem>>, %arg23: memref<!tpu.dma_semaphore, #tpu.memory_space<semaphore_mem>>, %arg24: memref<!tpu.dma_semaphore, #tpu.memory_space<semaphore_mem>>, %arg25: memref<!tpu.dma_semaphore, #tpu.memory_space<semaphore_mem>>, %arg26: memref<!tpu.dma_semaphore, #tpu.memory_space<semaphore_mem>>) attributes {dimension_semantics = [#tpu.dimension_semantics<core_parallel>, #tpu.dimension_semantics<subcore_parallel>], iteration_bounds = array<i64: 2, 16>, scalar_prefetch = 0 : i64, scratch_operands = 22 : i64, tpu.core_type = #tpu.core_type<sc_vector_subcore>, window_params = [{transform_indices = #map}, {transform_indices = #map1}, {transform_indices = #map1}]} {
    %scan3A = arith.constant 0 : i32
    %scan3A_0 = arith.constant 0 : i32
    %scan3A_1 = arith.constant 64 : i32
    %scan3A_2 = arith.addi %scan3A_0, %scan3A_1 : i32
    %scan3A_3 = arith.constant 1 : i32
    scf.for %scan3A_369 = %scan3A_0 to %scan3A_2 step %scan3A_3  : i32 {
      %broadcast_in_dim3A = arith.constant 0.000000e+00 : f32
      %broadcast_in_dim3A_370 = vector.broadcast %broadcast_in_dim3A : f32 to vector<16xf32>
      %swap3A_371 = arith.index_cast %scan3A_369 : i32 to index
      %swap3A_372 = arith.constant 0 : index
      %swap3A_373 = tpu.vector_load %arg15[%swap3A_371, %swap3A_372] {strides = array<i32>} : memref<64x128xf32, #tpu.memory_space<vmem>>, vector<1x16xf32>,
      %swap3A_374 = vector.shape_cast %swap3A_373 : vector<1x16xf32> to vector<16xf32>
      %swap3A_375 = vector.shape_cast %broadcast_in_dim3A_370 : vector<16xf32> to vector<1x16xf32>
      tpu.vector_store %arg15[%swap3A_371, %swap3A_372], %swap3A_375 {strides = array<i32>} : memref<64x128xf32, #tpu.memory_space<vmem>>, vector<1x16xf32>,
      %broadcast_in_dim3A_376 = arith.constant 0.000000e+00 : f32
      %broadcast_in_dim3A_377 = vector.broadcast %broadcast_in_dim3A_376 : f32 to vector<16xf32>
      %swap3A_378 = arith.index_cast %scan3A_369 : i32 to index
      %swap3A_379 = arith.constant 16 : index
      %swap3A_380 = tpu.vector_load %arg15[%swap3A_378, %swap3A_379] {strides = array<i32>} : memref<64x128xf32, #tpu.memory_space<vmem>>, vector<1x16xf32>,
      %swap3A_381 = vector.shape_cast %swap3A_380 : vector<1x16xf32> to vector<16xf32>
      %swap3A_382 = vector.shape_cast %broadcast_in_dim3A_377 : vector<16xf32> to vector<1x16xf32>
      tpu.vector_store %arg15[%swap3A_378, %swap3A_379], %swap3A_382 {strides = array<i32>} : memref<64x128xf32, #tpu.memory_space<vmem>>, vector<1x16xf32>,
      %broadcast_in_dim3A_383 = arith.constant 0.000000e+00 : f32
      %broadcast_in_dim3A_384 = vector.broadcast %broadcast_in_dim3A_383 : f32 to vector<16xf32>
      %swap3A_385 = arith.index_cast %scan3A_369 : i32 to index
      %swap3A_386 = arith.constant 32 : index
      %swap3A_387 = tpu.vector_load %arg15[%swap3A_385, %swap3A_386] {strides = array<i32>} : memref<64x128xf32, #tpu.memory_space<vmem>>, vector<1x16xf32>,
      %swap3A_388 = vector.shape_cast %swap3A_387 : vector<1x16xf32> to vector<16xf32>
      %swap3A_389 = vector.shape_cast %broadcast_in_dim3A_384 : vector<16xf32> to vector<1x16xf32>
      tpu.vector_store %arg15[%swap3A_385, %swap3A_386], %swap3A_389 {strides = array<i32>} : memref<64x128xf32, #tpu.memory_space<vmem>>, vector<1x16xf32>,
      %broadcast_in_dim3A_390 = arith.constant 0.000000e+00 : f32
      %broadcast_in_dim3A_391 = vector.broadcast %broadcast_in_dim3A_390 : f32 to vector<16xf32>
      %swap3A_392 = arith.index_cast %scan3A_369 : i32 to index
      %swap3A_393 = arith.constant 48 : index
      %swap3A_394 = tpu.vector_load %arg15[%swap3A_392, %swap3A_393] {strides = array<i32>} : memref<64x128xf32, #tpu.memory_space<vmem>>, vector<1x16xf32>,
      %swap3A_395 = vector.shape_cast %swap3A_394 : vector<1x16xf32> to vector<16xf32>
      %swap3A_396 = vector.shape_cast %broadcast_in_dim3A_391 : vector<16xf32> to vector<1x16xf32>
      tpu.vector_store %arg15[%swap3A_392, %swap3A_393], %swap3A_396 {strides = array<i32>} : memref<64x128xf32, #tpu.memory_space<vmem>>, vector<1x16xf32>,
      %broadcast_in_dim3A_397 = arith.constant 0.000000e+00 : f32
      %broadcast_in_dim3A_398 = vector.broadcast %broadcast_in_dim3A_397 : f32 to vector<16xf32>
      %swap3A_399 = arith.index_cast %scan3A_369 : i32 to index
      %swap3A_400 = arith.constant 64 : index
      %swap3A_401 = tpu.vector_load %arg15[%swap3A_399, %swap3A_400] {strides = array<i32>} : memref<64x128xf32, #tpu.memory_space<vmem>>, vector<1x16xf32>,
      %swap3A_402 = vector.shape_cast %swap3A_401 : vector<1x16xf32> to vector<16xf32>
      %swap3A_403 = vector.shape_cast %broadcast_in_dim3A_398 : vector<16xf32> to vector<1x16xf32>
      tpu.vector_store %arg15[%swap3A_399, %swap3A_400], %swap3A_403 {strides = array<i32>} : memref<64x128xf32, #tpu.memory_space<vmem>>, vector<1x16xf32>,
      %broadcast_in_dim3A_404 = arith.constant 0.000000e+00 : f32
      %broadcast_in_dim3A_405 = vector.broadcast %broadcast_in_dim3A_404 : f32 to vector<16xf32>
      %swap3A_406 = arith.index_cast %scan3A_369 : i32 to index
      %swap3A_407 = arith.constant 80 : index
      %swap3A_408 = tpu.vector_load %arg15[%swap3A_406, %swap3A_407] {strides = array<i32>} : memref<64x128xf32, #tpu.memory_space<vmem>>, vector<1x16xf32>,
      %swap3A_409 = vector.shape_cast %swap3A_408 : vector<1x16xf32> to vector<16xf32>
      %swap3A_410 = vector.shape_cast %broadcast_in_dim3A_405 : vector<16xf32> to vector<1x16xf32>
      tpu.vector_store %arg15[%swap3A_406, %swap3A_407], %swap3A_410 {strides = array<i32>} : memref<64x128xf32, #tpu.memory_space<vmem>>, vector<1x16xf32>,
      %broadcast_in_dim3A_411 = arith.constant 0.000000e+00 : f32
      %broadcast_in_dim3A_412 = vector.broadcast %broadcast_in_dim3A_411 : f32 to vector<16xf32>
      %swap3A_413 = arith.index_cast %scan3A_369 : i32 to index
      %swap3A_414 = arith.constant 96 : index
      %swap3A_415 = tpu.vector_load %arg15[%swap3A_413, %swap3A_414] {strides = array<i32>} : memref<64x128xf32, #tpu.memory_space<vmem>>, vector<1x16xf32>,
      %swap3A_416 = vector.shape_cast %swap3A_415 : vector<1x16xf32> to vector<16xf32>
      %swap3A_417 = vector.shape_cast %broadcast_in_dim3A_412 : vector<16xf32> to vector<1x16xf32>
      tpu.vector_store %arg15[%swap3A_413, %swap3A_414], %swap3A_417 {strides = array<i32>} : memref<64x128xf32, #tpu.memory_space<vmem>>, vector<1x16xf32>,
      %broadcast_in_dim3A_418 = arith.constant 0.000000e+00 : f32
      %broadcast_in_dim3A_419 = vector.broadcast %broadcast_in_dim3A_418 : f32 to vector<16xf32>
      %swap3A_420 = arith.index_cast %scan3A_369 : i32 to index
      %swap3A_421 = arith.constant 112 : index
      %swap3A_422 = tpu.vector_load %arg15[%swap3A_420, %swap3A_421] {strides = array<i32>} : memref<64x128xf32, #tpu.memory_space<vmem>>, vector<1x16xf32>,
      %swap3A_423 = vector.shape_cast %swap3A_422 : vector<1x16xf32> to vector<16xf32>
      %swap3A_424 = vector.shape_cast %broadcast_in_dim3A_419 : vector<16xf32> to vector<1x16xf32>
      tpu.vector_store %arg15[%swap3A_420, %swap3A_421], %swap3A_424 {strides = array<i32>} : memref<64x128xf32, #tpu.memory_space<vmem>>, vector<1x16xf32>,
    }
    %scan3A_4 = arith.constant 64 : i32
    %mul3A = arith.constant 632 : i32
    %mul3A_5 = arith.muli %arg1, %mul3A : i32
    %add3A = arith.constant 0 : i32
    %add3A_6 = arith.addi %mul3A_5, %add3A : i32
    "tpu.region"() ({
      %run_scoped3A = tpu.sem_alloc : memref<!tpu.dma_semaphore, #tpu.memory_space<semaphore_mem>>
      %dma_start3A_369 = arith.constant 0 : i32
      %dma_start3A_370 = tpu.memref_slice %arg5[%add3A_6, %dma_start3A_369] : memref<10112x128xf32, #tpu.memory_space<vmem_shared>> -> memref<64x128xf32, #tpu.memory_space<vmem_shared>>
      %dma_start3A_371 = arith.constant 0 : i32
      %dma_start3A_372 = tpu.memref_slice %arg5[%add3A_6, %dma_start3A_371] : memref<10112x128xf32, #tpu.memory_space<vmem_shared>> -> memref<64x128xf32, #tpu.memory_space<vmem_shared>>
      tpu.enqueue_dma source(%arg15 : memref<64x128xf32, #tpu.memory_space<vmem>>) target(%dma_start3A_372 : memref<64x128xf32, #tpu.memory_space<vmem_shared>>) target_semaphore(%run_scoped3A : memref<!tpu.dma_semaphore, #tpu.memory_space<semaphore_mem>>)
      %dma_wait3A_373 = arith.constant 0 : i32
      %dma_wait3A_374 = tpu.memref_slice %arg5[%add3A_6, %dma_wait3A_373] : memref<10112x128xf32, #tpu.memory_space<vmem_shared>> -> memref<64x128xf32, #tpu.memory_space<vmem_shared>>
      %dma_wait3A_375 = arith.constant 0 : i32
      %dma_wait3A_376 = tpu.memref_slice %arg5[%add3A_6, %dma_wait3A_375] : memref<10112x128xf32, #tpu.memory_space<vmem_shared>> -> memref<64x128xf32, #tpu.memory_space<vmem_shared>>
      tpu.wait_dma2 semaphore(%run_scoped3A : memref<!tpu.dma_semaphore, #tpu.memory_space<semaphore_mem>>) src(%arg15 : memref<64x128xf32, #tpu.memory_space<vmem>>) dst(%dma_wait3A_376 : memref<64x128xf32, #tpu.memory_space<vmem_shared>>)
      tpu.yield
    }) : () -> ()
    %add3A_7 = arith.constant 64 : i32
    %add3A_8 = arith.addi %mul3A_5, %add3A_7 : i32
    "tpu.region"() ({
      %run_scoped3A = tpu.sem_alloc : memref<!tpu.dma_semaphore, #tpu.memory_space<semaphore_mem>>
      %dma_start3A_369 = arith.constant 0 : i32
      %dma_start3A_370 = tpu.memref_slice %arg5[%add3A_8, %dma_start3A_369] : memref<10112x128xf32, #tpu.memory_space<vmem_shared>> -> memref<64x128xf32, #tpu.memory_space<vmem_shared>>
      %dma_start3A_371 = arith.constant 0 : i32
      %dma_start3A_372 = tpu.memref_slice %arg5[%add3A_8, %dma_start3A_371] : memref<10112x128xf32, #tpu.memory_space<vmem_shared>> -> memref<64x128xf32, #tpu.memory_space<vmem_shared>>
      tpu.enqueue_dma source(%arg15 : memref<64x128xf32, #tpu.memory_space<vmem>>) target(%dma_start3A_372 : memref<64x128xf32, #tpu.memory_space<vmem_shared>>) target_semaphore(%run_scoped3A : memref<!tpu.dma_semaphore, #tpu.memory_space<semaphore_mem>>)
      %dma_wait3A_373 = arith.constant 0 : i32
      %dma_wait3A_374 = tpu.memref_slice %arg5[%add3A_8, %dma_wait3A_373] : memref<10112x128xf32, #tpu.memory_space<vmem_shared>> -> memref<64x128xf32, #tpu.memory_space<vmem_shared>>
      %dma_wait3A_375 = arith.constant 0 : i32
      %dma_wait3A_376 = tpu.memref_slice %arg5[%add3A_8, %dma_wait3A_375] : memref<10112x128xf32, #tpu.memory_space<vmem_shared>> -> memref<64x128xf32, #tpu.memory_space<vmem_shared>>
      tpu.wait_dma2 semaphore(%run_scoped3A : memref<!tpu.dma_semaphore, #tpu.memory_space<semaphore_mem>>) src(%arg15 : memref<64x128xf32, #tpu.memory_space<vmem>>) dst(%dma_wait3A_376 : memref<64x128xf32, #tpu.memory_space<vmem_shared>>)
      tpu.yield
    }) : () -> ()
    %add3A_9 = arith.constant 128 : i32
    %add3A_10 = arith.addi %mul3A_5, %add3A_9 : i32
    "tpu.region"() ({
      %run_scoped3A = tpu.sem_alloc : memref<!tpu.dma_semaphore, #tpu.memory_space<semaphore_mem>>
      %dma_start3A_369 = arith.constant 0 : i32
      %dma_start3A_370 = tpu.memref_slice %arg5[%add3A_10, %dma_start3A_369] : memref<10112x128xf32, #tpu.memory_space<vmem_shared>> -> memref<64x128xf32, #tpu.memory_space<vmem_shared>>
      %dma_start3A_371 = arith.constant 0 : i32
      %dma_start3A_372 = tpu.memref_slice %arg5[%add3A_10, %dma_start3A_371] : memref<10112x128xf32, #tpu.memory_space<vmem_shared>> -> memref<64x128xf32, #tpu.memory_space<vmem_shared>>
      tpu.enqueue_dma source(%arg15 : memref<64x128xf32, #tpu.memory_space<vmem>>) target(%dma_start3A_372 : memref<64x128xf32, #tpu.memory_space<vmem_shared>>) target_semaphore(%run_scoped3A : memref<!tpu.dma_semaphore, #tpu.memory_space<semaphore_mem>>)
      %dma_wait3A_373 = arith.constant 0 : i32
      %dma_wait3A_374 = tpu.memref_slice %arg5[%add3A_10, %dma_wait3A_373] : memref<10112x128xf32, #tpu.memory_space<vmem_shared>> -> memref<64x128xf32, #tpu.memory_space<vmem_shared>>
      %dma_wait3A_375 = arith.constant 0 : i32
      %dma_wait3A_376 = tpu.memref_slice %arg5[%add3A_10, %dma_wait3A_375] : memref<10112x128xf32, #tpu.memory_space<vmem_shared>> -> memref<64x128xf32, #tpu.memory_space<vmem_shared>>
      tpu.wait_dma2 semaphore(%run_scoped3A : memref<!tpu.dma_semaphore, #tpu.memory_space<semaphore_mem>>) src(%arg15 : memref<64x128xf32, #tpu.memory_space<vmem>>) dst(%dma_wait3A_376 : memref<64x128xf32, #tpu.memory_space<vmem_shared>>)
      tpu.yield
    }) : () -> ()
    %add3A_11 = arith.constant 192 : i32
    %add3A_12 = arith.addi %mul3A_5, %add3A_11 : i32
    "tpu.region"() ({
      %run_scoped3A = tpu.sem_alloc : memref<!tpu.dma_semaphore, #tpu.memory_space<semaphore_mem>>
      %dma_start3A_369 = arith.constant 0 : i32
      %dma_start3A_370 = tpu.memref_slice %arg5[%add3A_12, %dma_start3A_369] : memref<10112x128xf32, #tpu.memory_space<vmem_shared>> -> memref<64x128xf32, #tpu.memory_space<vmem_shared>>
      %dma_start3A_371 = arith.constant 0 : i32
      %dma_start3A_372 = tpu.memref_slice %arg5[%add3A_12, %dma_start3A_371] : memref<10112x128xf32, #tpu.memory_space<vmem_shared>> -> memref<64x128xf32, #tpu.memory_space<vmem_shared>>
      tpu.enqueue_dma source(%arg15 : memref<64x128xf32, #tpu.memory_space<vmem>>) target(%dma_start3A_372 : memref<64x128xf32, #tpu.memory_space<vmem_shared>>) target_semaphore(%run_scoped3A : memref<!tpu.dma_semaphore, #tpu.memory_space<semaphore_mem>>)
      %dma_wait3A_373 = arith.constant 0 : i32
      %dma_wait3A_374 = tpu.memref_slice %arg5[%add3A_12, %dma_wait3A_373] : memref<10112x128xf32, #tpu.memory_space<vmem_shared>> -> memref<64x128xf32, #tpu.memory_space<vmem_shared>>
      %dma_wait3A_375 = arith.constant 0 : i32
      %dma_wait3A_376 = tpu.memref_slice %arg5[%add3A_12, %dma_wait3A_375] : memref<10112x128xf32, #tpu.memory_space<vmem_shared>> -> memref<64x128xf32, #tpu.memory_space<vmem_shared>>
      tpu.wait_dma2 semaphore(%run_scoped3A : memref<!tpu.dma_semaphore, #tpu.memory_space<semaphore_mem>>) src(%arg15 : memref<64x128xf32, #tpu.memory_space<vmem>>) dst(%dma_wait3A_376 : memref<64x128xf32, #tpu.memory_space<vmem_shared>>)
      tpu.yield
    }) : () -> ()
    %add3A_13 = arith.constant 256 : i32
    %add3A_14 = arith.addi %mul3A_5, %add3A_13 : i32
    "tpu.region"() ({
      %run_scoped3A = tpu.sem_alloc : memref<!tpu.dma_semaphore, #tpu.memory_space<semaphore_mem>>
      %dma_start3A_369 = arith.constant 0 : i32
      %dma_start3A_370 = tpu.memref_slice %arg5[%add3A_14, %dma_start3A_369] : memref<10112x128xf32, #tpu.memory_space<vmem_shared>> -> memref<64x128xf32, #tpu.memory_space<vmem_shared>>
      %dma_start3A_371 = arith.constant 0 : i32
      %dma_start3A_372 = tpu.memref_slice %arg5[%add3A_14, %dma_start3A_371] : memref<10112x128xf32, #tpu.memory_space<vmem_shared>> -> memref<64x128xf32, #tpu.memory_space<vmem_shared>>
      tpu.enqueue_dma source(%arg15 : memref<64x128xf32, #tpu.memory_space<vmem>>) target(%dma_start3A_372 : memref<64x128xf32, #tpu.memory_space<vmem_shared>>) target_semaphore(%run_scoped3A : memref<!tpu.dma_semaphore, #tpu.memory_space<semaphore_mem>>)
      %dma_wait3A_373 = arith.constant 0 : i32
      %dma_wait3A_374 = tpu.memref_slice %arg5[%add3A_14, %dma_wait3A_373] : memref<10112x128xf32, #tpu.memory_space<vmem_shared>> -> memref<64x128xf32, #tpu.memory_space<vmem_shared>>
      %dma_wait3A_375 = arith.constant 0 : i32
      %dma_wait3A_376 = tpu.memref_slice %arg5[%add3A_14, %dma_wait3A_375] : memref<10112x128xf32, #tpu.memory_space<vmem_shared>> -> memref<64x128xf32, #tpu.memory_space<vmem_shared>>
      tpu.wait_dma2 semaphore(%run_scoped3A : memref<!tpu.dma_semaphore, #tpu.memory_space<semaphore_mem>>) src(%arg15 : memref<64x128xf32, #tpu.memory_space<vmem>>) dst(%dma_wait3A_376 : memref<64x128xf32, #tpu.memory_space<vmem_shared>>)
      tpu.yield
    }) : () -> ()
    %add3A_15 = arith.constant 320 : i32
    %add3A_16 = arith.addi %mul3A_5, %add3A_15 : i32
    "tpu.region"() ({
      %run_scoped3A = tpu.sem_alloc : memref<!tpu.dma_semaphore, #tpu.memory_space<semaphore_mem>>
      %dma_start3A_369 = arith.constant 0 : i32
      %dma_start3A_370 = tpu.memref_slice %arg5[%add3A_16, %dma_start3A_369] : memref<10112x128xf32, #tpu.memory_space<vmem_shared>> -> memref<64x128xf32, #tpu.memory_space<vmem_shared>>
      %dma_start3A_371 = arith.constant 0 : i32
      %dma_start3A_372 = tpu.memref_slice %arg5[%add3A_16, %dma_start3A_371] : memref<10112x128xf32, #tpu.memory_space<vmem_shared>> -> memref<64x128xf32, #tpu.memory_space<vmem_shared>>
      tpu.enqueue_dma source(%arg15 : memref<64x128xf32, #tpu.memory_space<vmem>>) target(%dma_start3A_372 : memref<64x128xf32, #tpu.memory_space<vmem_shared>>) target_semaphore(%run_scoped3A : memref<!tpu.dma_semaphore, #tpu.memory_space<semaphore_mem>>)
      %dma_wait3A_373 = arith.constant 0 : i32
      %dma_wait3A_374 = tpu.memref_slice %arg5[%add3A_16, %dma_wait3A_373] : memref<10112x128xf32, #tpu.memory_space<vmem_shared>> -> memref<64x128xf32, #tpu.memory_space<vmem_shared>>
      %dma_wait3A_375 = arith.constant 0 : i32
      %dma_wait3A_376 = tpu.memref_slice %arg5[%add3A_16, %dma_wait3A_375] : memref<10112x128xf32, #tpu.memory_space<vmem_shared>> -> memref<64x128xf32, #tpu.memory_space<vmem_shared>>
      tpu.wait_dma2 semaphore(%run_scoped3A : memref<!tpu.dma_semaphore, #tpu.memory_space<semaphore_mem>>) src(%arg15 : memref<64x128xf32, #tpu.memory_space<vmem>>) dst(%dma_wait3A_376 : memref<64x128xf32, #tpu.memory_space<vmem_shared>>)
      tpu.yield
    }) : () -> ()
    %add3A_17 = arith.constant 384 : i32
    %add3A_18 = arith.addi %mul3A_5, %add3A_17 : i32
    "tpu.region"() ({
      %run_scoped3A = tpu.sem_alloc : memref<!tpu.dma_semaphore, #tpu.memory_space<semaphore_mem>>
      %dma_start3A_369 = arith.constant 0 : i32
      %dma_start3A_370 = tpu.memref_slice %arg5[%add3A_18, %dma_start3A_369] : memref<10112x128xf32, #tpu.memory_space<vmem_shared>> -> memref<64x128xf32, #tpu.memory_space<vmem_shared>>
      %dma_start3A_371 = arith.constant 0 : i32
      %dma_start3A_372 = tpu.memref_slice %arg5[%add3A_18, %dma_start3A_371] : memref<10112x128xf32, #tpu.memory_space<vmem_shared>> -> memref<64x128xf32, #tpu.memory_space<vmem_shared>>
      tpu.enqueue_dma source(%arg15 : memref<64x128xf32, #tpu.memory_space<vmem>>) target(%dma_start3A_372 : memref<64x128xf32, #tpu.memory_space<vmem_shared>>) target_semaphore(%run_scoped3A : memref<!tpu.dma_semaphore, #tpu.memory_space<semaphore_mem>>)
      %dma_wait3A_373 = arith.constant 0 : i32
      %dma_wait3A_374 = tpu.memref_slice %arg5[%add3A_18, %dma_wait3A_373] : memref<10112x128xf32, #tpu.memory_space<vmem_shared>> -> memref<64x128xf32, #tpu.memory_space<vmem_shared>>
      %dma_wait3A_375 = arith.constant 0 : i32
      %dma_wait3A_376 = tpu.memref_slice %arg5[%add3A_18, %dma_wait3A_375] : memref<10112x128xf32, #tpu.memory_space<vmem_shared>> -> memref<64x128xf32, #tpu.memory_space<vmem_shared>>
      tpu.wait_dma2 semaphore(%run_scoped3A : memref<!tpu.dma_semaphore, #tpu.memory_space<semaphore_mem>>) src(%arg15 : memref<64x128xf32, #tpu.memory_space<vmem>>) dst(%dma_wait3A_376 : memref<64x128xf32, #tpu.memory_space<vmem_shared>>)
      tpu.yield
    }) : () -> ()
    %add3A_19 = arith.constant 448 : i32
    %add3A_20 = arith.addi %mul3A_5, %add3A_19 : i32
    "tpu.region"() ({
      %run_scoped3A = tpu.sem_alloc : memref<!tpu.dma_semaphore, #tpu.memory_space<semaphore_mem>>
      %dma_start3A_369 = arith.constant 0 : i32
      %dma_start3A_370 = tpu.memref_slice %arg5[%add3A_20, %dma_start3A_369] : memref<10112x128xf32, #tpu.memory_space<vmem_shared>> -> memref<64x128xf32, #tpu.memory_space<vmem_shared>>
      %dma_start3A_371 = arith.constant 0 : i32
      %dma_start3A_372 = tpu.memref_slice %arg5[%add3A_20, %dma_start3A_371] : memref<10112x128xf32, #tpu.memory_space<vmem_shared>> -> memref<64x128xf32, #tpu.memory_space<vmem_shared>>
      tpu.enqueue_dma source(%arg15 : memref<64x128xf32, #tpu.memory_space<vmem>>) target(%dma_start3A_372 : memref<64x128xf32, #tpu.memory_space<vmem_shared>>) target_semaphore(%run_scoped3A : memref<!tpu.dma_semaphore, #tpu.memory_space<semaphore_mem>>)
      %dma_wait3A_373 = arith.constant 0 : i32
      %dma_wait3A_374 = tpu.memref_slice %arg5[%add3A_20, %dma_wait3A_373] : memref<10112x128xf32, #tpu.memory_space<vmem_shared>> -> memref<64x128xf32, #tpu.memory_space<vmem_shared>>
      %dma_wait3A_375 = arith.constant 0 : i32
      %dma_wait3A_376 = tpu.memref_slice %arg5[%add3A_20, %dma_wait3A_375] : memref<10112x128xf32, #tpu.memory_space<vmem_shared>> -> memref<64x128xf32, #tpu.memory_space<vmem_shared>>
      tpu.wait_dma2 semaphore(%run_scoped3A : memref<!tpu.dma_semaphore, #tpu.memory_space<semaphore_mem>>) src(%arg15 : memref<64x128xf32, #tpu.memory_space<vmem>>) dst(%dma_wait3A_376 : memref<64x128xf32, #tpu.memory_space<vmem_shared>>)
      tpu.yield
    }) : () -> ()
    %add3A_21 = arith.constant 512 : i32
    %add3A_22 = arith.addi %mul3A_5, %add3A_21 : i32
    "tpu.region"() ({
      %run_scoped3A = tpu.sem_alloc : memref<!tpu.dma_semaphore, #tpu.memory_space<semaphore_mem>>
      %dma_start3A_369 = arith.constant 0 : i32
      %dma_start3A_370 = tpu.memref_slice %arg5[%add3A_22, %dma_start3A_369] : memref<10112x128xf32, #tpu.memory_space<vmem_shared>> -> memref<64x128xf32, #tpu.memory_space<vmem_shared>>
      %dma_start3A_371 = arith.constant 0 : i32
      %dma_start3A_372 = tpu.memref_slice %arg5[%add3A_22, %dma_start3A_371] : memref<10112x128xf32, #tpu.memory_space<vmem_shared>> -> memref<64x128xf32, #tpu.memory_space<vmem_shared>>
      tpu.enqueue_dma source(%arg15 : memref<64x128xf32, #tpu.memory_space<vmem>>) target(%dma_start3A_372 : memref<64x128xf32, #tpu.memory_space<vmem_shared>>) target_semaphore(%run_scoped3A : memref<!tpu.dma_semaphore, #tpu.memory_space<semaphore_mem>>)
      %dma_wait3A_373 = arith.constant 0 : i32
      %dma_wait3A_374 = tpu.memref_slice %arg5[%add3A_22, %dma_wait3A_373] : memref<10112x128xf32, #tpu.memory_space<vmem_shared>> -> memref<64x128xf32, #tpu.memory_space<vmem_shared>>
      %dma_wait3A_375 = arith.constant 0 : i32
      %dma_wait3A_376 = tpu.memref_slice %arg5[%add3A_22, %dma_wait3A_375] : memref<10112x128xf32, #tpu.memory_space<vmem_shared>> -> memref<64x128xf32, #tpu.memory_space<vmem_shared>>
      tpu.wait_dma2 semaphore(%run_scoped3A : memref<!tpu.dma_semaphore, #tpu.memory_space<semaphore_mem>>) src(%arg15 : memref<64x128xf32, #tpu.memory_space<vmem>>) dst(%dma_wait3A_376 : memref<64x128xf32, #tpu.memory_space<vmem_shared>>)
      tpu.yield
    }) : () -> ()
    %add3A_23 = arith.constant 632 : i32
    %add3A_24 = arith.addi %mul3A_5, %add3A_23 : i32
    %sub3A = arith.constant 56 : i32
    %sub3A_25 = arith.subi %add3A_24, %sub3A : i32
    "tpu.region"() ({
      %run_scoped3A = tpu.sem_alloc : memref<!tpu.dma_semaphore, #tpu.memory_space<semaphore_mem>>
      %dma_start3A_369 = arith.constant 0 : i32
      %dma_start3A_370 = arith.constant 0 : i32
      %dma_start3A_371 = tpu.memref_slice %arg15[%dma_start3A_369, %dma_start3A_370] : memref<64x128xf32, #tpu.memory_space<vmem>> -> memref<56x128xf32, #tpu.memory_space<vmem>>
      %dma_start3A_372 = arith.constant 0 : i32
      %dma_start3A_373 = tpu.memref_slice %arg5[%sub3A_25, %dma_start3A_372] : memref<10112x128xf32, #tpu.memory_space<vmem_shared>> -> memref<56x128xf32, #tpu.memory_space<vmem_shared>>
      %dma_start3A_374 = arith.constant 0 : i32
      %dma_start3A_375 = tpu.memref_slice %arg5[%sub3A_25, %dma_start3A_374] : memref<10112x128xf32, #tpu.memory_space<vmem_shared>> -> memref<56x128xf32, #tpu.memory_space<vmem_shared>>
      %dma_start3A_376 = arith.constant 0 : i32
      %dma_start3A_377 = arith.constant 0 : i32
      %dma_start3A_378 = tpu.memref_slice %arg15[%dma_start3A_376, %dma_start3A_377] : memref<64x128xf32, #tpu.memory_space<vmem>> -> memref<56x128xf32, #tpu.memory_space<vmem>>
      tpu.enqueue_dma source(%dma_start3A_378 : memref<56x128xf32, #tpu.memory_space<vmem>>) target(%dma_start3A_375 : memref<56x128xf32, #tpu.memory_space<vmem_shared>>) target_semaphore(%run_scoped3A : memref<!tpu.dma_semaphore, #tpu.memory_space<semaphore_mem>>)
      %dma_wait3A_379 = arith.constant 0 : i32
      %dma_wait3A_380 = arith.constant 0 : i32
      %dma_wait3A_381 = tpu.memref_slice %arg15[%dma_wait3A_379, %dma_wait3A_380] : memref<64x128xf32, #tpu.memory_space<vmem>> -> memref<56x128xf32, #tpu.memory_space<vmem>>
      %dma_wait3A_382 = arith.constant 0 : i32
      %dma_wait3A_383 = tpu.memref_slice %arg5[%sub3A_25, %dma_wait3A_382] : memref<10112x128xf32, #tpu.memory_space<vmem_shared>> -> memref<56x128xf32, #tpu.memory_space<vmem_shared>>
      %dma_wait3A_384 = arith.constant 0 : i32
      %dma_wait3A_385 = tpu.memref_slice %arg5[%sub3A_25, %dma_wait3A_384] : memref<10112x128xf32, #tpu.memory_space<vmem_shared>> -> memref<56x128xf32, #tpu.memory_space<vmem_shared>>
      %dma_wait3A_386 = arith.constant 0 : i32
      %dma_wait3A_387 = arith.constant 0 : i32
      %dma_wait3A_388 = tpu.memref_slice %arg15[%dma_wait3A_386, %dma_wait3A_387] : memref<64x128xf32, #tpu.memory_space<vmem>> -> memref<56x128xf32, #tpu.memory_space<vmem>>
      tpu.wait_dma2 semaphore(%run_scoped3A : memref<!tpu.dma_semaphore, #tpu.memory_space<semaphore_mem>>) src(%dma_wait3A_388 : memref<56x128xf32, #tpu.memory_space<vmem>>) dst(%dma_wait3A_385 : memref<56x128xf32, #tpu.memory_space<vmem_shared>>)
      tpu.yield
    }) : () -> ()
    "tpu.region"() ({
      %run_scoped3A = tpu.sem_alloc : memref<!tpu.dma_semaphore, #tpu.memory_space<semaphore_mem>>
      %dma_start3A_369 = arith.constant 0 : i32
      %dma_start3A_370 = tpu.memref_slice %arg3[%arg0, %arg1, %dma_start3A_369] : memref<2x16x10240xi32, #tpu.memory_space<hbm>> -> memref<1x1x10240xi32, #tpu.memory_space<hbm>>
      %dma_start3A_371 = tpu.memref_squeeze %dma_start3A_370 : memref<1x1x10240xi32, #tpu.memory_space<hbm>> -> memref<10240xi32, #tpu.memory_space<hbm>>
      %dma_start3A_372 = arith.constant 0 : i32
      %dma_start3A_373 = tpu.memref_slice %arg3[%arg0, %arg1, %dma_start3A_372] : memref<2x16x10240xi32, #tpu.memory_space<hbm>> -> memref<1x1x10240xi32, #tpu.memory_space<hbm>>
      %dma_start3A_374 = tpu.memref_squeeze %dma_start3A_373 : memref<1x1x10240xi32, #tpu.memory_space<hbm>> -> memref<10240xi32, #tpu.memory_space<hbm>>
      tpu.enqueue_dma source(%dma_start3A_374 : memref<10240xi32, #tpu.memory_space<hbm>>) target(%arg6 : memref<10240xi32, #tpu.memory_space<vmem>>) target_semaphore(%run_scoped3A : memref<!tpu.dma_semaphore, #tpu.memory_space<semaphore_mem>>)
      %dma_wait3A_375 = arith.constant 0 : i32
      %dma_wait3A_376 = tpu.memref_slice %arg3[%arg0, %arg1, %dma_wait3A_375] : memref<2x16x10240xi32, #tpu.memory_space<hbm>> -> memref<1x1x10240xi32, #tpu.memory_space<hbm>>
      %dma_wait3A_377 = tpu.memref_squeeze %dma_wait3A_376 : memref<1x1x10240xi32, #tpu.memory_space<hbm>> -> memref<10240xi32, #tpu.memory_space<hbm>>
      %dma_wait3A_378 = arith.constant 0 : i32
      %dma_wait3A_379 = tpu.memref_slice %arg3[%arg0, %arg1, %dma_wait3A_378] : memref<2x16x10240xi32, #tpu.memory_space<hbm>> -> memref<1x1x10240xi32, #tpu.memory_space<hbm>>
      %dma_wait3A_380 = tpu.memref_squeeze %dma_wait3A_379 : memref<1x1x10240xi32, #tpu.memory_space<hbm>> -> memref<10240xi32, #tpu.memory_space<hbm>>
      tpu.wait_dma2 semaphore(%run_scoped3A : memref<!tpu.dma_semaphore, #tpu.memory_space<semaphore_mem>>) src(%dma_wait3A_380 : memref<10240xi32, #tpu.memory_space<hbm>>) dst(%arg6 : memref<10240xi32, #tpu.memory_space<vmem>>)
      tpu.yield
    }) : () -> ()
    %get3A = arith.constant 0 : index
    %get3A_26 = tpu.vector_load %arg6[%get3A] {strides = array<i32>} : memref<10240xi32, #tpu.memory_space<vmem>>, vector<16xi32>,
    %get3A_27 = vector.shape_cast %get3A_26 : vector<16xi32> to vector<16xi32>
    %and3A = arith.constant 16383 : i32
    %and3A_28 = vector.broadcast %and3A : i32 to vector<16xi32>
    %and3A_29 = arith.andi %get3A_27, %and3A_28 : vector<16xi32>
    %swap3A = arith.constant 0 : index
    %swap3A_30 = tpu.vector_load %arg7[%swap3A] {strides = array<i32>} : memref<64xi32, #tpu.memory_space<vmem>>, vector<16xi32>,
    %swap3A_31 = vector.shape_cast %swap3A_30 : vector<16xi32> to vector<16xi32>
    %swap3A_32 = vector.shape_cast %and3A_29 : vector<16xi32> to vector<16xi32>
    tpu.vector_store %arg7[%swap3A], %swap3A_32 {strides = array<i32>} : memref<64xi32, #tpu.memory_space<vmem>>, vector<16xi32>,
    %shift_right_logical3A = arith.constant 14 : i32
    %shift_right_logical3A_33 = vector.broadcast %shift_right_logical3A : i32 to vector<16xi32>
    %shift_right_logical3A_34 = arith.shrui %get3A_27, %shift_right_logical3A_33 : vector<16xi32>
    %swap3A_35 = arith.constant 0 : index
    %swap3A_36 = tpu.vector_load %arg11[%swap3A_35] {strides = array<i32>} : memref<64xi32, #tpu.memory_space<vmem>>, vector<16xi32>,
    %swap3A_37 = vector.shape_cast %swap3A_36 : vector<16xi32> to vector<16xi32>
    %swap3A_38 = vector.shape_cast %shift_right_logical3A_34 : vector<16xi32> to vector<16xi32>
    tpu.vector_store %arg11[%swap3A_35], %swap3A_38 {strides = array<i32>} : memref<64xi32, #tpu.memory_space<vmem>>, vector<16xi32>,
    %get3A_39 = arith.constant 16 : index
    %get3A_40 = tpu.vector_load %arg6[%get3A_39] {strides = array<i32>} : memref<10240xi32, #tpu.memory_space<vmem>>, vector<16xi32>,
    %get3A_41 = vector.shape_cast %get3A_40 : vector<16xi32> to vector<16xi32>
    %and3A_42 = arith.constant 16383 : i32
    %and3A_43 = vector.broadcast %and3A_42 : i32 to vector<16xi32>
    %and3A_44 = arith.andi %get3A_41, %and3A_43 : vector<16xi32>
    %swap3A_45 = arith.constant 16 : index
    %swap3A_46 = tpu.vector_load %arg7[%swap3A_45] {strides = array<i32>} : memref<64xi32, #tpu.memory_space<vmem>>, vector<16xi32>,
    %swap3A_47 = vector.shape_cast %swap3A_46 : vector<16xi32> to vector<16xi32>
    %swap3A_48 = vector.shape_cast %and3A_44 : vector<16xi32> to vector<16xi32>
    tpu.vector_store %arg7[%swap3A_45], %swap3A_48 {strides = array<i32>} : memref<64xi32, #tpu.memory_space<vmem>>, vector<16xi32>,
    %shift_right_logical3A_49 = arith.constant 14 : i32
    %shift_right_logical3A_50 = vector.broadcast %shift_right_logical3A_49 : i32 to vector<16xi32>
    %shift_right_logical3A_51 = arith.shrui %get3A_41, %shift_right_logical3A_50 : vector<16xi32>
    %swap3A_52 = arith.constant 16 : index
    %swap3A_53 = tpu.vector_load %arg11[%swap3A_52] {strides = array<i32>} : memref<64xi32, #tpu.memory_space<vmem>>, vector<16xi32>,
    %swap3A_54 = vector.shape_cast %swap3A_53 : vector<16xi32> to vector<16xi32>
    %swap3A_55 = vector.shape_cast %shift_right_logical3A_51 : vector<16xi32> to vector<16xi32>
    tpu.vector_store %arg11[%swap3A_52], %swap3A_55 {strides = array<i32>} : memref<64xi32, #tpu.memory_space<vmem>>, vector<16xi32>,
    %get3A_56 = arith.constant 32 : index
    %get3A_57 = tpu.vector_load %arg6[%get3A_56] {strides = array<i32>} : memref<10240xi32, #tpu.memory_space<vmem>>, vector<16xi32>,
    %get3A_58 = vector.shape_cast %get3A_57 : vector<16xi32> to vector<16xi32>
    %and3A_59 = arith.constant 16383 : i32
    %and3A_60 = vector.broadcast %and3A_59 : i32 to vector<16xi32>
    %and3A_61 = arith.andi %get3A_58, %and3A_60 : vector<16xi32>
    %swap3A_62 = arith.constant 32 : index
    %swap3A_63 = tpu.vector_load %arg7[%swap3A_62] {strides = array<i32>} : memref<64xi32, #tpu.memory_space<vmem>>, vector<16xi32>,
    %swap3A_64 = vector.shape_cast %swap3A_63 : vector<16xi32> to vector<16xi32>
    %swap3A_65 = vector.shape_cast %and3A_61 : vector<16xi32> to vector<16xi32>
    tpu.vector_store %arg7[%swap3A_62], %swap3A_65 {strides = array<i32>} : memref<64xi32, #tpu.memory_space<vmem>>, vector<16xi32>,
    %shift_right_logical3A_66 = arith.constant 14 : i32
    %shift_right_logical3A_67 = vector.broadcast %shift_right_logical3A_66 : i32 to vector<16xi32>
    %shift_right_logical3A_68 = arith.shrui %get3A_58, %shift_right_logical3A_67 : vector<16xi32>
    %swap3A_69 = arith.constant 32 : index
    %swap3A_70 = tpu.vector_load %arg11[%swap3A_69] {strides = array<i32>} : memref<64xi32, #tpu.memory_space<vmem>>, vector<16xi32>,
    %swap3A_71 = vector.shape_cast %swap3A_70 : vector<16xi32> to vector<16xi32>
    %swap3A_72 = vector.shape_cast %shift_right_logical3A_68 : vector<16xi32> to vector<16xi32>
    tpu.vector_store %arg11[%swap3A_69], %swap3A_72 {strides = array<i32>} : memref<64xi32, #tpu.memory_space<vmem>>, vector<16xi32>,
    %get3A_73 = arith.constant 48 : index
    %get3A_74 = tpu.vector_load %arg6[%get3A_73] {strides = array<i32>} : memref<10240xi32, #tpu.memory_space<vmem>>, vector<16xi32>,
    %get3A_75 = vector.shape_cast %get3A_74 : vector<16xi32> to vector<16xi32>
    %and3A_76 = arith.constant 16383 : i32
    %and3A_77 = vector.broadcast %and3A_76 : i32 to vector<16xi32>
    %and3A_78 = arith.andi %get3A_75, %and3A_77 : vector<16xi32>
    %swap3A_79 = arith.constant 48 : index
    %swap3A_80 = tpu.vector_load %arg7[%swap3A_79] {strides = array<i32>} : memref<64xi32, #tpu.memory_space<vmem>>, vector<16xi32>,
    %swap3A_81 = vector.shape_cast %swap3A_80 : vector<16xi32> to vector<16xi32>
    %swap3A_82 = vector.shape_cast %and3A_78 : vector<16xi32> to vector<16xi32>
    tpu.vector_store %arg7[%swap3A_79], %swap3A_82 {strides = array<i32>} : memref<64xi32, #tpu.memory_space<vmem>>, vector<16xi32>,
    %shift_right_logical3A_83 = arith.constant 14 : i32
    %shift_right_logical3A_84 = vector.broadcast %shift_right_logical3A_83 : i32 to vector<16xi32>
    %shift_right_logical3A_85 = arith.shrui %get3A_75, %shift_right_logical3A_84 : vector<16xi32>
    %swap3A_86 = arith.constant 48 : index
    %swap3A_87 = tpu.vector_load %arg11[%swap3A_86] {strides = array<i32>} : memref<64xi32, #tpu.memory_space<vmem>>, vector<16xi32>,
    %swap3A_88 = vector.shape_cast %swap3A_87 : vector<16xi32> to vector<16xi32>
    %swap3A_89 = vector.shape_cast %shift_right_logical3A_85 : vector<16xi32> to vector<16xi32>
    tpu.vector_store %arg11[%swap3A_86], %swap3A_89 {strides = array<i32>} : memref<64xi32, #tpu.memory_space<vmem>>, vector<16xi32>,
    %dma_start3A = arith.constant 0 : i32
    %dma_start3A_90 = arith.constant 0 : i32
    %dma_start3A_91 = tpu.memref_slice %arg2[%dma_start3A, %dma_start3A_90] : memref<10112x128xf32, #tpu.memory_space<hbm>> -> memref<10112x128xf32, #tpu.memory_space<hbm>>
    tpu.enqueue_indirect_dma source(%dma_start3A_91 : memref<10112x128xf32, #tpu.memory_space<hbm>>) target(%arg15 : memref<64x128xf32, #tpu.memory_space<vmem>>) offsets(%arg7 : memref<64xi32, #tpu.memory_space<vmem>>) semaphore(%arg19 : memref<!tpu.dma_semaphore, #tpu.memory_space<semaphore_mem>>)
    %get3A_92 = arith.constant 64 : index
    %get3A_93 = tpu.vector_load %arg6[%get3A_92] {strides = array<i32>} : memref<10240xi32, #tpu.memory_space<vmem>>, vector<16xi32>,
    %get3A_94 = vector.shape_cast %get3A_93 : vector<16xi32> to vector<16xi32>
    %and3A_95 = arith.constant 16383 : i32
    %and3A_96 = vector.broadcast %and3A_95 : i32 to vector<16xi32>
    %and3A_97 = arith.andi %get3A_94, %and3A_96 : vector<16xi32>
    %swap3A_98 = arith.constant 0 : index
    %swap3A_99 = tpu.vector_load %arg8[%swap3A_98] {strides = array<i32>} : memref<64xi32, #tpu.memory_space<vmem>>, vector<16xi32>,
    %swap3A_100 = vector.shape_cast %swap3A_99 : vector<16xi32> to vector<16xi32>
    %swap3A_101 = vector.shape_cast %and3A_97 : vector<16xi32> to vector<16xi32>
    tpu.vector_store %arg8[%swap3A_98], %swap3A_101 {strides = array<i32>} : memref<64xi32, #tpu.memory_space<vmem>>, vector<16xi32>,
    %shift_right_logical3A_102 = arith.constant 14 : i32
    %shift_right_logical3A_103 = vector.broadcast %shift_right_logical3A_102 : i32 to vector<16xi32>
    %shift_right_logical3A_104 = arith.shrui %get3A_94, %shift_right_logical3A_103 : vector<16xi32>
    %swap3A_105 = arith.constant 0 : index
    %swap3A_106 = tpu.vector_load %arg12[%swap3A_105] {strides = array<i32>} : memref<64xi32, #tpu.memory_space<vmem>>, vector<16xi32>,
    %swap3A_107 = vector.shape_cast %swap3A_106 : vector<16xi32> to vector<16xi32>
    %swap3A_108 = vector.shape_cast %shift_right_logical3A_104 : vector<16xi32> to vector<16xi32>
    tpu.vector_store %arg12[%swap3A_105], %swap3A_108 {strides = array<i32>} : memref<64xi32, #tpu.memory_space<vmem>>, vector<16xi32>,
    %get3A_109 = arith.constant 80 : index
    %get3A_110 = tpu.vector_load %arg6[%get3A_109] {strides = array<i32>} : memref<10240xi32, #tpu.memory_space<vmem>>, vector<16xi32>,
    %get3A_111 = vector.shape_cast %get3A_110 : vector<16xi32> to vector<16xi32>
    %and3A_112 = arith.constant 16383 : i32
    %and3A_113 = vector.broadcast %and3A_112 : i32 to vector<16xi32>
    %and3A_114 = arith.andi %get3A_111, %and3A_113 : vector<16xi32>
    %swap3A_115 = arith.constant 16 : index
    %swap3A_116 = tpu.vector_load %arg8[%swap3A_115] {strides = array<i32>} : memref<64xi32, #tpu.memory_space<vmem>>, vector<16xi32>,
    %swap3A_117 = vector.shape_cast %swap3A_116 : vector<16xi32> to vector<16xi32>
    %swap3A_118 = vector.shape_cast %and3A_114 : vector<16xi32> to vector<16xi32>
    tpu.vector_store %arg8[%swap3A_115], %swap3A_118 {strides = array<i32>} : memref<64xi32, #tpu.memory_space<vmem>>, vector<16xi32>,
    %shift_right_logical3A_119 = arith.constant 14 : i32
    %shift_right_logical3A_120 = vector.broadcast %shift_right_logical3A_119 : i32 to vector<16xi32>
    %shift_right_logical3A_121 = arith.shrui %get3A_111, %shift_right_logical3A_120 : vector<16xi32>
    %swap3A_122 = arith.constant 16 : index
    %swap3A_123 = tpu.vector_load %arg12[%swap3A_122] {strides = array<i32>} : memref<64xi32, #tpu.memory_space<vmem>>, vector<16xi32>,
    %swap3A_124 = vector.shape_cast %swap3A_123 : vector<16xi32> to vector<16xi32>
    %swap3A_125 = vector.shape_cast %shift_right_logical3A_121 : vector<16xi32> to vector<16xi32>
    tpu.vector_store %arg12[%swap3A_122], %swap3A_125 {strides = array<i32>} : memref<64xi32, #tpu.memory_space<vmem>>, vector<16xi32>,
    %get3A_126 = arith.constant 96 : index
    %get3A_127 = tpu.vector_load %arg6[%get3A_126] {strides = array<i32>} : memref<10240xi32, #tpu.memory_space<vmem>>, vector<16xi32>,
    %get3A_128 = vector.shape_cast %get3A_127 : vector<16xi32> to vector<16xi32>
    %and3A_129 = arith.constant 16383 : i32
    %and3A_130 = vector.broadcast %and3A_129 : i32 to vector<16xi32>
    %and3A_131 = arith.andi %get3A_128, %and3A_130 : vector<16xi32>
    %swap3A_132 = arith.constant 32 : index
    %swap3A_133 = tpu.vector_load %arg8[%swap3A_132] {strides = array<i32>} : memref<64xi32, #tpu.memory_space<vmem>>, vector<16xi32>,
    %swap3A_134 = vector.shape_cast %swap3A_133 : vector<16xi32> to vector<16xi32>
    %swap3A_135 = vector.shape_cast %and3A_131 : vector<16xi32> to vector<16xi32>
    tpu.vector_store %arg8[%swap3A_132], %swap3A_135 {strides = array<i32>} : memref<64xi32, #tpu.memory_space<vmem>>, vector<16xi32>,
    %shift_right_logical3A_136 = arith.constant 14 : i32
    %shift_right_logical3A_137 = vector.broadcast %shift_right_logical3A_136 : i32 to vector<16xi32>
    %shift_right_logical3A_138 = arith.shrui %get3A_128, %shift_right_logical3A_137 : vector<16xi32>
    %swap3A_139 = arith.constant 32 : index
    %swap3A_140 = tpu.vector_load %arg12[%swap3A_139] {strides = array<i32>} : memref<64xi32, #tpu.memory_space<vmem>>, vector<16xi32>,
    %swap3A_141 = vector.shape_cast %swap3A_140 : vector<16xi32> to vector<16xi32>
    %swap3A_142 = vector.shape_cast %shift_right_logical3A_138 : vector<16xi32> to vector<16xi32>
    tpu.vector_store %arg12[%swap3A_139], %swap3A_142 {strides = array<i32>} : memref<64xi32, #tpu.memory_space<vmem>>, vector<16xi32>,
    %get3A_143 = arith.constant 112 : index
    %get3A_144 = tpu.vector_load %arg6[%get3A_143] {strides = array<i32>} : memref<10240xi32, #tpu.memory_space<vmem>>, vector<16xi32>,
    %get3A_145 = vector.shape_cast %get3A_144 : vector<16xi32> to vector<16xi32>
    %and3A_146 = arith.constant 16383 : i32
    %and3A_147 = vector.broadcast %and3A_146 : i32 to vector<16xi32>
    %and3A_148 = arith.andi %get3A_145, %and3A_147 : vector<16xi32>
    %swap3A_149 = arith.constant 48 : index
    %swap3A_150 = tpu.vector_load %arg8[%swap3A_149] {strides = array<i32>} : memref<64xi32, #tpu.memory_space<vmem>>, vector<16xi32>,
    %swap3A_151 = vector.shape_cast %swap3A_150 : vector<16xi32> to vector<16xi32>
    %swap3A_152 = vector.shape_cast %and3A_148 : vector<16xi32> to vector<16xi32>
    tpu.vector_store %arg8[%swap3A_149], %swap3A_152 {strides = array<i32>} : memref<64xi32, #tpu.memory_space<vmem>>, vector<16xi32>,
    %shift_right_logical3A_153 = arith.constant 14 : i32
    %shift_right_logical3A_154 = vector.broadcast %shift_right_logical3A_153 : i32 to vector<16xi32>
    %shift_right_logical3A_155 = arith.shrui %get3A_145, %shift_right_logical3A_154 : vector<16xi32>
    %swap3A_156 = arith.constant 48 : index
    %swap3A_157 = tpu.vector_load %arg12[%swap3A_156] {strides = array<i32>} : memref<64xi32, #tpu.memory_space<vmem>>, vector<16xi32>,
    %swap3A_158 = vector.shape_cast %swap3A_157 : vector<16xi32> to vector<16xi32>
    %swap3A_159 = vector.shape_cast %shift_right_logical3A_155 : vector<16xi32> to vector<16xi32>
    tpu.vector_store %arg12[%swap3A_156], %swap3A_159 {strides = array<i32>} : memref<64xi32, #tpu.memory_space<vmem>>, vector<16xi32>,
    %dma_start3A_160 = arith.constant 0 : i32
    %dma_start3A_161 = arith.constant 0 : i32
    %dma_start3A_162 = tpu.memref_slice %arg2[%dma_start3A_160, %dma_start3A_161] : memref<10112x128xf32, #tpu.memory_space<hbm>> -> memref<10112x128xf32, #tpu.memory_space<hbm>>
    tpu.enqueue_indirect_dma source(%dma_start3A_162 : memref<10112x128xf32, #tpu.memory_space<hbm>>) target(%arg16 : memref<64x128xf32, #tpu.memory_space<vmem>>) offsets(%arg8 : memref<64xi32, #tpu.memory_space<vmem>>) semaphore(%arg20 : memref<!tpu.dma_semaphore, #tpu.memory_space<semaphore_mem>>)
    %get3A_163 = arith.constant 128 : index
    %get3A_164 = tpu.vector_load %arg6[%get3A_163] {strides = array<i32>} : memref<10240xi32, #tpu.memory_space<vmem>>, vector<16xi32>,
    %get3A_165 = vector.shape_cast %get3A_164 : vector<16xi32> to vector<16xi32>
    %and3A_166 = arith.constant 16383 : i32
    %and3A_167 = vector.broadcast %and3A_166 : i32 to vector<16xi32>
    %and3A_168 = arith.andi %get3A_165, %and3A_167 : vector<16xi32>
    %swap3A_169 = arith.constant 0 : index
    %swap3A_170 = tpu.vector_load %arg9[%swap3A_169] {strides = array<i32>} : memref<64xi32, #tpu.memory_space<vmem>>, vector<16xi32>,
    %swap3A_171 = vector.shape_cast %swap3A_170 : vector<16xi32> to vector<16xi32>
    %swap3A_172 = vector.shape_cast %and3A_168 : vector<16xi32> to vector<16xi32>
    tpu.vector_store %arg9[%swap3A_169], %swap3A_172 {strides = array<i32>} : memref<64xi32, #tpu.memory_space<vmem>>, vector<16xi32>,
    %shift_right_logical3A_173 = arith.constant 14 : i32
    %shift_right_logical3A_174 = vector.broadcast %shift_right_logical3A_173 : i32 to vector<16xi32>
    %shift_right_logical3A_175 = arith.shrui %get3A_165, %shift_right_logical3A_174 : vector<16xi32>
    %swap3A_176 = arith.constant 0 : index
    %swap3A_177 = tpu.vector_load %arg13[%swap3A_176] {strides = array<i32>} : memref<64xi32, #tpu.memory_space<vmem>>, vector<16xi32>,
    %swap3A_178 = vector.shape_cast %swap3A_177 : vector<16xi32> to vector<16xi32>
    %swap3A_179 = vector.shape_cast %shift_right_logical3A_175 : vector<16xi32> to vector<16xi32>
    tpu.vector_store %arg13[%swap3A_176], %swap3A_179 {strides = array<i32>} : memref<64xi32, #tpu.memory_space<vmem>>, vector<16xi32>,
    %get3A_180 = arith.constant 144 : index
    %get3A_181 = tpu.vector_load %arg6[%get3A_180] {strides = array<i32>} : memref<10240xi32, #tpu.memory_space<vmem>>, vector<16xi32>,
    %get3A_182 = vector.shape_cast %get3A_181 : vector<16xi32> to vector<16xi32>
    %and3A_183 = arith.constant 16383 : i32
    %and3A_184 = vector.broadcast %and3A_183 : i32 to vector<16xi32>
    %and3A_185 = arith.andi %get3A_182, %and3A_184 : vector<16xi32>
    %swap3A_186 = arith.constant 16 : index
    %swap3A_187 = tpu.vector_load %arg9[%swap3A_186] {strides = array<i32>} : memref<64xi32, #tpu.memory_space<vmem>>, vector<16xi32>,
    %swap3A_188 = vector.shape_cast %swap3A_187 : vector<16xi32> to vector<16xi32>
    %swap3A_189 = vector.shape_cast %and3A_185 : vector<16xi32> to vector<16xi32>
    tpu.vector_store %arg9[%swap3A_186], %swap3A_189 {strides = array<i32>} : memref<64xi32, #tpu.memory_space<vmem>>, vector<16xi32>,
    %shift_right_logical3A_190 = arith.constant 14 : i32
    %shift_right_logical3A_191 = vector.broadcast %shift_right_logical3A_190 : i32 to vector<16xi32>
    %shift_right_logical3A_192 = arith.shrui %get3A_182, %shift_right_logical3A_191 : vector<16xi32>
    %swap3A_193 = arith.constant 16 : index
    %swap3A_194 = tpu.vector_load %arg13[%swap3A_193] {strides = array<i32>} : memref<64xi32, #tpu.memory_space<vmem>>, vector<16xi32>,
    %swap3A_195 = vector.shape_cast %swap3A_194 : vector<16xi32> to vector<16xi32>
    %swap3A_196 = vector.shape_cast %shift_right_logical3A_192 : vector<16xi32> to vector<16xi32>
    tpu.vector_store %arg13[%swap3A_193], %swap3A_196 {strides = array<i32>} : memref<64xi32, #tpu.memory_space<vmem>>, vector<16xi32>,
    %get3A_197 = arith.constant 160 : index
    %get3A_198 = tpu.vector_load %arg6[%get3A_197] {strides = array<i32>} : memref<10240xi32, #tpu.memory_space<vmem>>, vector<16xi32>,
    %get3A_199 = vector.shape_cast %get3A_198 : vector<16xi32> to vector<16xi32>
    %and3A_200 = arith.constant 16383 : i32
    %and3A_201 = vector.broadcast %and3A_200 : i32 to vector<16xi32>
    %and3A_202 = arith.andi %get3A_199, %and3A_201 : vector<16xi32>
    %swap3A_203 = arith.constant 32 : index
    %swap3A_204 = tpu.vector_load %arg9[%swap3A_203] {strides = array<i32>} : memref<64xi32, #tpu.memory_space<vmem>>, vector<16xi32>,
    %swap3A_205 = vector.shape_cast %swap3A_204 : vector<16xi32> to vector<16xi32>
    %swap3A_206 = vector.shape_cast %and3A_202 : vector<16xi32> to vector<16xi32>
    tpu.vector_store %arg9[%swap3A_203], %swap3A_206 {strides = array<i32>} : memref<64xi32, #tpu.memory_space<vmem>>, vector<16xi32>,
    %shift_right_logical3A_207 = arith.constant 14 : i32
    %shift_right_logical3A_208 = vector.broadcast %shift_right_logical3A_207 : i32 to vector<16xi32>
    %shift_right_logical3A_209 = arith.shrui %get3A_199, %shift_right_logical3A_208 : vector<16xi32>
    %swap3A_210 = arith.constant 32 : index
    %swap3A_211 = tpu.vector_load %arg13[%swap3A_210] {strides = array<i32>} : memref<64xi32, #tpu.memory_space<vmem>>, vector<16xi32>,
    %swap3A_212 = vector.shape_cast %swap3A_211 : vector<16xi32> to vector<16xi32>
    %swap3A_213 = vector.shape_cast %shift_right_logical3A_209 : vector<16xi32> to vector<16xi32>
    tpu.vector_store %arg13[%swap3A_210], %swap3A_213 {strides = array<i32>} : memref<64xi32, #tpu.memory_space<vmem>>, vector<16xi32>,
    %get3A_214 = arith.constant 176 : index
    %get3A_215 = tpu.vector_load %arg6[%get3A_214] {strides = array<i32>} : memref<10240xi32, #tpu.memory_space<vmem>>, vector<16xi32>,
    %get3A_216 = vector.shape_cast %get3A_215 : vector<16xi32> to vector<16xi32>
    %and3A_217 = arith.constant 16383 : i32
    %and3A_218 = vector.broadcast %and3A_217 : i32 to vector<16xi32>
    %and3A_219 = arith.andi %get3A_216, %and3A_218 : vector<16xi32>
    %swap3A_220 = arith.constant 48 : index
    %swap3A_221 = tpu.vector_load %arg9[%swap3A_220] {strides = array<i32>} : memref<64xi32, #tpu.memory_space<vmem>>, vector<16xi32>,
    %swap3A_222 = vector.shape_cast %swap3A_221 : vector<16xi32> to vector<16xi32>
    %swap3A_223 = vector.shape_cast %and3A_219 : vector<16xi32> to vector<16xi32>
    tpu.vector_store %arg9[%swap3A_220], %swap3A_223 {strides = array<i32>} : memref<64xi32, #tpu.memory_space<vmem>>, vector<16xi32>,
    %shift_right_logical3A_224 = arith.constant 14 : i32
    %shift_right_logical3A_225 = vector.broadcast %shift_right_logical3A_224 : i32 to vector<16xi32>
    %shift_right_logical3A_226 = arith.shrui %get3A_216, %shift_right_logical3A_225 : vector<16xi32>
    %swap3A_227 = arith.constant 48 : index
    %swap3A_228 = tpu.vector_load %arg13[%swap3A_227] {strides = array<i32>} : memref<64xi32, #tpu.memory_space<vmem>>, vector<16xi32>,
    %swap3A_229 = vector.shape_cast %swap3A_228 : vector<16xi32> to vector<16xi32>
    %swap3A_230 = vector.shape_cast %shift_right_logical3A_226 : vector<16xi32> to vector<16xi32>
    tpu.vector_store %arg13[%swap3A_227], %swap3A_230 {strides = array<i32>} : memref<64xi32, #tpu.memory_space<vmem>>, vector<16xi32>,
    %dma_start3A_231 = arith.constant 0 : i32
    %dma_start3A_232 = arith.constant 0 : i32
    %dma_start3A_233 = tpu.memref_slice %arg2[%dma_start3A_231, %dma_start3A_232] : memref<10112x128xf32, #tpu.memory_space<hbm>> -> memref<10112x128xf32, #tpu.memory_space<hbm>>
    tpu.enqueue_indirect_dma source(%dma_start3A_233 : memref<10112x128xf32, #tpu.memory_space<hbm>>) target(%arg17 : memref<64x128xf32, #tpu.memory_space<vmem>>) offsets(%arg9 : memref<64xi32, #tpu.memory_space<vmem>>) semaphore(%arg21 : memref<!tpu.dma_semaphore, #tpu.memory_space<semaphore_mem>>)
    %get3A_234 = arith.constant 192 : index
    %get3A_235 = tpu.vector_load %arg6[%get3A_234] {strides = array<i32>} : memref<10240xi32, #tpu.memory_space<vmem>>, vector<16xi32>,
    %get3A_236 = vector.shape_cast %get3A_235 : vector<16xi32> to vector<16xi32>
    %and3A_237 = arith.constant 16383 : i32
    %and3A_238 = vector.broadcast %and3A_237 : i32 to vector<16xi32>
    %and3A_239 = arith.andi %get3A_236, %and3A_238 : vector<16xi32>
    %swap3A_240 = arith.constant 0 : index
    %swap3A_241 = tpu.vector_load %arg10[%swap3A_240] {strides = array<i32>} : memref<64xi32, #tpu.memory_space<vmem>>, vector<16xi32>,
    %swap3A_242 = vector.shape_cast %swap3A_241 : vector<16xi32> to vector<16xi32>
    %swap3A_243 = vector.shape_cast %and3A_239 : vector<16xi32> to vector<16xi32>
    tpu.vector_store %arg10[%swap3A_240], %swap3A_243 {strides = array<i32>} : memref<64xi32, #tpu.memory_space<vmem>>, vector<16xi32>,
    %shift_right_logical3A_244 = arith.constant 14 : i32
    %shift_right_logical3A_245 = vector.broadcast %shift_right_logical3A_244 : i32 to vector<16xi32>
    %shift_right_logical3A_246 = arith.shrui %get3A_236, %shift_right_logical3A_245 : vector<16xi32>
    %swap3A_247 = arith.constant 0 : index
    %swap3A_248 = tpu.vector_load %arg14[%swap3A_247] {strides = array<i32>} : memref<64xi32, #tpu.memory_space<vmem>>, vector<16xi32>,
    %swap3A_249 = vector.shape_cast %swap3A_248 : vector<16xi32> to vector<16xi32>
    %swap3A_250 = vector.shape_cast %shift_right_logical3A_246 : vector<16xi32> to vector<16xi32>
    tpu.vector_store %arg14[%swap3A_247], %swap3A_250 {strides = array<i32>} : memref<64xi32, #tpu.memory_space<vmem>>, vector<16xi32>,
    %get3A_251 = arith.constant 208 : index
    %get3A_252 = tpu.vector_load %arg6[%get3A_251] {strides = array<i32>} : memref<10240xi32, #tpu.memory_space<vmem>>, vector<16xi32>,
    %get3A_253 = vector.shape_cast %get3A_252 : vector<16xi32> to vector<16xi32>
    %and3A_254 = arith.constant 16383 : i32
    %and3A_255 = vector.broadcast %and3A_254 : i32 to vector<16xi32>
    %and3A_256 = arith.andi %get3A_253, %and3A_255 : vector<16xi32>
    %swap3A_257 = arith.constant 16 : index
    %swap3A_258 = tpu.vector_load %arg10[%swap3A_257] {strides = array<i32>} : memref<64xi32, #tpu.memory_space<vmem>>, vector<16xi32>,
    %swap3A_259 = vector.shape_cast %swap3A_258 : vector<16xi32> to vector<16xi32>
    %swap3A_260 = vector.shape_cast %and3A_256 : vector<16xi32> to vector<16xi32>
    tpu.vector_store %arg10[%swap3A_257], %swap3A_260 {strides = array<i32>} : memref<64xi32, #tpu.memory_space<vmem>>, vector<16xi32>,
    %shift_right_logical3A_261 = arith.constant 14 : i32
    %shift_right_logical3A_262 = vector.broadcast %shift_right_logical3A_261 : i32 to vector<16xi32>
    %shift_right_logical3A_263 = arith.shrui %get3A_253, %shift_right_logical3A_262 : vector<16xi32>
    %swap3A_264 = arith.constant 16 : index
    %swap3A_265 = tpu.vector_load %arg14[%swap3A_264] {strides = array<i32>} : memref<64xi32, #tpu.memory_space<vmem>>, vector<16xi32>,
    %swap3A_266 = vector.shape_cast %swap3A_265 : vector<16xi32> to vector<16xi32>
    %swap3A_267 = vector.shape_cast %shift_right_logical3A_263 : vector<16xi32> to vector<16xi32>
    tpu.vector_store %arg14[%swap3A_264], %swap3A_267 {strides = array<i32>} : memref<64xi32, #tpu.memory_space<vmem>>, vector<16xi32>,
    %get3A_268 = arith.constant 224 : index
    %get3A_269 = tpu.vector_load %arg6[%get3A_268] {strides = array<i32>} : memref<10240xi32, #tpu.memory_space<vmem>>, vector<16xi32>,
    %get3A_270 = vector.shape_cast %get3A_269 : vector<16xi32> to vector<16xi32>
    %and3A_271 = arith.constant 16383 : i32
    %and3A_272 = vector.broadcast %and3A_271 : i32 to vector<16xi32>
    %and3A_273 = arith.andi %get3A_270, %and3A_272 : vector<16xi32>
    %swap3A_274 = arith.constant 32 : index
    %swap3A_275 = tpu.vector_load %arg10[%swap3A_274] {strides = array<i32>} : memref<64xi32, #tpu.memory_space<vmem>>, vector<16xi32>,
    %swap3A_276 = vector.shape_cast %swap3A_275 : vector<16xi32> to vector<16xi32>
    %swap3A_277 = vector.shape_cast %and3A_273 : vector<16xi32> to vector<16xi32>
    tpu.vector_store %arg10[%swap3A_274], %swap3A_277 {strides = array<i32>} : memref<64xi32, #tpu.memory_space<vmem>>, vector<16xi32>,
    %shift_right_logical3A_278 = arith.constant 14 : i32
    %shift_right_logical3A_279 = vector.broadcast %shift_right_logical3A_278 : i32 to vector<16xi32>
    %shift_right_logical3A_280 = arith.shrui %get3A_270, %shift_right_logical3A_279 : vector<16xi32>
    %swap3A_281 = arith.constant 32 : index
    %swap3A_282 = tpu.vector_load %arg14[%swap3A_281] {strides = array<i32>} : memref<64xi32, #tpu.memory_space<vmem>>, vector<16xi32>,
    %swap3A_283 = vector.shape_cast %swap3A_282 : vector<16xi32> to vector<16xi32>
    %swap3A_284 = vector.shape_cast %shift_right_logical3A_280 : vector<16xi32> to vector<16xi32>
    tpu.vector_store %arg14[%swap3A_281], %swap3A_284 {strides = array<i32>} : memref<64xi32, #tpu.memory_space<vmem>>, vector<16xi32>,
    %get3A_285 = arith.constant 240 : index
    %get3A_286 = tpu.vector_load %arg6[%get3A_285] {strides = array<i32>} : memref<10240xi32, #tpu.memory_space<vmem>>, vector<16xi32>,
    %get3A_287 = vector.shape_cast %get3A_286 : vector<16xi32> to vector<16xi32>
    %and3A_288 = arith.constant 16383 : i32
    %and3A_289 = vector.broadcast %and3A_288 : i32 to vector<16xi32>
    %and3A_290 = arith.andi %get3A_287, %and3A_289 : vector<16xi32>
    %swap3A_291 = arith.constant 48 : index
    %swap3A_292 = tpu.vector_load %arg10[%swap3A_291] {strides = array<i32>} : memref<64xi32, #tpu.memory_space<vmem>>, vector<16xi32>,
    %swap3A_293 = vector.shape_cast %swap3A_292 : vector<16xi32> to vector<16xi32>
    %swap3A_294 = vector.shape_cast %and3A_290 : vector<16xi32> to vector<16xi32>
    tpu.vector_store %arg10[%swap3A_291], %swap3A_294 {strides = array<i32>} : memref<64xi32, #tpu.memory_space<vmem>>, vector<16xi32>,
    %shift_right_logical3A_295 = arith.constant 14 : i32
    %shift_right_logical3A_296 = vector.broadcast %shift_right_logical3A_295 : i32 to vector<16xi32>
    %shift_right_logical3A_297 = arith.shrui %get3A_287, %shift_right_logical3A_296 : vector<16xi32>
    %swap3A_298 = arith.constant 48 : index
    %swap3A_299 = tpu.vector_load %arg14[%swap3A_298] {strides = array<i32>} : memref<64xi32, #tpu.memory_space<vmem>>, vector<16xi32>,
    %swap3A_300 = vector.shape_cast %swap3A_299 : vector<16xi32> to vector<16xi32>
    %swap3A_301 = vector.shape_cast %shift_right_logical3A_297 : vector<16xi32> to vector<16xi32>
    tpu.vector_store %arg14[%swap3A_298], %swap3A_301 {strides = array<i32>} : memref<64xi32, #tpu.memory_space<vmem>>, vector<16xi32>,
    %dma_start3A_302 = arith.constant 0 : i32
    %dma_start3A_303 = arith.constant 0 : i32
    %dma_start3A_304 = tpu.memref_slice %arg2[%dma_start3A_302, %dma_start3A_303] : memref<10112x128xf32, #tpu.memory_space<hbm>> -> memref<10112x128xf32, #tpu.memory_space<hbm>>
    tpu.enqueue_indirect_dma source(%dma_start3A_304 : memref<10112x128xf32, #tpu.memory_space<hbm>>) target(%arg18 : memref<64x128xf32, #tpu.memory_space<vmem>>) offsets(%arg10 : memref<64xi32, #tpu.memory_space<vmem>>) semaphore(%arg22 : memref<!tpu.dma_semaphore, #tpu.memory_space<semaphore_mem>>)
    %barrier3A = arith.constant 0 : index
    tpu.barrier barrier_id(%barrier3A)
    %scan3A_305 = arith.constant 0 : i32
    %scan3A_306 = arith.constant 0 : i32
    %scan3A_307 = arith.constant 39 : i32
    %scan3A_308 = arith.addi %scan3A_306, %scan3A_307 : i32
    %scan3A_309 = arith.constant 1 : i32
    scf.for %scan3A_369 = %scan3A_306 to %scan3A_308 step %scan3A_309  : i32 {
      %mul3A_370 = arith.constant 4 : i32
      %mul3A_371 = arith.muli %scan3A_369, %mul3A_370 : i32
      %dma_wait3A_372 = arith.constant 0 : i32
      %dma_wait3A_373 = arith.constant 0 : i32
      %dma_wait3A_374 = tpu.memref_slice %arg2[%dma_wait3A_372, %dma_wait3A_373] : memref<10112x128xf32, #tpu.memory_space<hbm>> -> memref<10112x128xf32, #tpu.memory_space<hbm>>
      tpu.wait_indirect_dma semaphore(%arg19 : memref<!tpu.dma_semaphore, #tpu.memory_space<semaphore_mem>>) src(%dma_wait3A_374 : memref<10112x128xf32, #tpu.memory_space<hbm>>) dst(%arg15 : memref<64x128xf32, #tpu.memory_space<vmem>>)
      %dma_start3A_375 = arith.constant 0 : i32
      %dma_start3A_376 = arith.constant 0 : i32
      %dma_start3A_377 = tpu.memref_slice %arg5[%dma_start3A_375, %dma_start3A_376] : memref<10112x128xf32, #tpu.memory_space<vmem_shared>> -> memref<10112x128xf32, #tpu.memory_space<vmem_shared>>
      tpu.enqueue_indirect_dma source(%arg15 : memref<64x128xf32, #tpu.memory_space<vmem>>) target(%dma_start3A_377 : memref<10112x128xf32, #tpu.memory_space<vmem_shared>>) offsets(%arg11 : memref<64xi32, #tpu.memory_space<vmem>>) semaphore(%arg23 : memref<!tpu.dma_semaphore, #tpu.memory_space<semaphore_mem>>) {add = true}
      %dma_wait3A_378 = arith.constant 0 : i32
      %dma_wait3A_379 = arith.constant 0 : i32
      %dma_wait3A_380 = tpu.memref_slice %arg2[%dma_wait3A_378, %dma_wait3A_379] : memref<10112x128xf32, #tpu.memory_space<hbm>> -> memref<10112x128xf32, #tpu.memory_space<hbm>>
      tpu.wait_indirect_dma semaphore(%arg20 : memref<!tpu.dma_semaphore, #tpu.memory_space<semaphore_mem>>) src(%dma_wait3A_380 : memref<10112x128xf32, #tpu.memory_space<hbm>>) dst(%arg16 : memref<64x128xf32, #tpu.memory_space<vmem>>)
      %dma_start3A_381 = arith.constant 0 : i32
      %dma_start3A_382 = arith.constant 0 : i32
      %dma_start3A_383 = tpu.memref_slice %arg5[%dma_start3A_381, %dma_start3A_382] : memref<10112x128xf32, #tpu.memory_space<vmem_shared>> -> memref<10112x128xf32, #tpu.memory_space<vmem_shared>>
      tpu.enqueue_indirect_dma source(%arg16 : memref<64x128xf32, #tpu.memory_space<vmem>>) target(%dma_start3A_383 : memref<10112x128xf32, #tpu.memory_space<vmem_shared>>) offsets(%arg12 : memref<64xi32, #tpu.memory_space<vmem>>) semaphore(%arg24 : memref<!tpu.dma_semaphore, #tpu.memory_space<semaphore_mem>>) {add = true}
      %dma_wait3A_384 = arith.constant 0 : i32
      %dma_wait3A_385 = arith.constant 0 : i32
      %dma_wait3A_386 = tpu.memref_slice %arg2[%dma_wait3A_384, %dma_wait3A_385] : memref<10112x128xf32, #tpu.memory_space<hbm>> -> memref<10112x128xf32, #tpu.memory_space<hbm>>
      tpu.wait_indirect_dma semaphore(%arg21 : memref<!tpu.dma_semaphore, #tpu.memory_space<semaphore_mem>>) src(%dma_wait3A_386 : memref<10112x128xf32, #tpu.memory_space<hbm>>) dst(%arg17 : memref<64x128xf32, #tpu.memory_space<vmem>>)
      %dma_start3A_387 = arith.constant 0 : i32
      %dma_start3A_388 = arith.constant 0 : i32
      %dma_start3A_389 = tpu.memref_slice %arg5[%dma_start3A_387, %dma_start3A_388] : memref<10112x128xf32, #tpu.memory_space<vmem_shared>> -> memref<10112x128xf32, #tpu.memory_space<vmem_shared>>
      tpu.enqueue_indirect_dma source(%arg17 : memref<64x128xf32, #tpu.memory_space<vmem>>) target(%dma_start3A_389 : memref<10112x128xf32, #tpu.memory_space<vmem_shared>>) offsets(%arg13 : memref<64xi32, #tpu.memory_space<vmem>>) semaphore(%arg25 : memref<!tpu.dma_semaphore, #tpu.memory_space<semaphore_mem>>) {add = true}
      %dma_wait3A_390 = arith.constant 0 : i32
      %dma_wait3A_391 = arith.constant 0 : i32
      %dma_wait3A_392 = tpu.memref_slice %arg2[%dma_wait3A_390, %dma_wait3A_391] : memref<10112x128xf32, #tpu.memory_space<hbm>> -> memref<10112x128xf32, #tpu.memory_space<hbm>>
      tpu.wait_indirect_dma semaphore(%arg22 : memref<!tpu.dma_semaphore, #tpu.memory_space<semaphore_mem>>) src(%dma_wait3A_392 : memref<10112x128xf32, #tpu.memory_space<hbm>>) dst(%arg18 : memref<64x128xf32, #tpu.memory_space<vmem>>)
      %dma_start3A_393 = arith.constant 0 : i32
      %dma_start3A_394 = arith.constant 0 : i32
      %dma_start3A_395 = tpu.memref_slice %arg5[%dma_start3A_393, %dma_start3A_394] : memref<10112x128xf32, #tpu.memory_space<vmem_shared>> -> memref<10112x128xf32, #tpu.memory_space<vmem_shared>>
      tpu.enqueue_indirect_dma source(%arg18 : memref<64x128xf32, #tpu.memory_space<vmem>>) target(%dma_start3A_395 : memref<10112x128xf32, #tpu.memory_space<vmem_shared>>) offsets(%arg14 : memref<64xi32, #tpu.memory_space<vmem>>) semaphore(%arg26 : memref<!tpu.dma_semaphore, #tpu.memory_space<semaphore_mem>>) {add = true}
      %dma_wait3A_396 = arith.constant 0 : i32
      %dma_wait3A_397 = arith.constant 0 : i32
      %dma_wait3A_398 = tpu.memref_slice %arg5[%dma_wait3A_396, %dma_wait3A_397] : memref<10112x128xf32, #tpu.memory_space<vmem_shared>> -> memref<10112x128xf32, #tpu.memory_space<vmem_shared>>
      tpu.wait_indirect_dma semaphore(%arg23 : memref<!tpu.dma_semaphore, #tpu.memory_space<semaphore_mem>>) src(%arg15 : memref<64x128xf32, #tpu.memory_space<vmem>>) dst(%dma_wait3A_398 : memref<10112x128xf32, #tpu.memory_space<vmem_shared>>)
      %add3A_399 = arith.constant 4 : i32
      %add3A_400 = arith.addi %mul3A_371, %add3A_399 : i32
      %add3A_401 = arith.constant 0 : i32
      %add3A_402 = arith.addi %add3A_400, %add3A_401 : i32
      %mul3A_403 = arith.constant 64 : i32
      %mul3A_404 = arith.muli %add3A_402, %mul3A_403 : i32
      %add3A_405 = arith.constant 0 : i32
      %add3A_406 = arith.addi %mul3A_404, %add3A_405 : i32
      %get3A_407 = arith.index_cast %add3A_406 : i32 to index
      %get3A_408 = tpu.vector_load %arg6[%get3A_407] {strides = array<i32>} : memref<10240xi32, #tpu.memory_space<vmem>>, vector<16xi32>,
      %get3A_409 = vector.shape_cast %get3A_408 : vector<16xi32> to vector<16xi32>
      %and3A_410 = arith.constant 16383 : i32
      %and3A_411 = vector.broadcast %and3A_410 : i32 to vector<16xi32>
      %and3A_412 = arith.andi %get3A_409, %and3A_411 : vector<16xi32>
      %swap3A_413 = arith.constant 0 : index
      %swap3A_414 = tpu.vector_load %arg7[%swap3A_413] {strides = array<i32>} : memref<64xi32, #tpu.memory_space<vmem>>, vector<16xi32>,
      %swap3A_415 = vector.shape_cast %swap3A_414 : vector<16xi32> to vector<16xi32>
      %swap3A_416 = vector.shape_cast %and3A_412 : vector<16xi32> to vector<16xi32>
      tpu.vector_store %arg7[%swap3A_413], %swap3A_416 {strides = array<i32>} : memref<64xi32, #tpu.memory_space<vmem>>, vector<16xi32>,
      %shift_right_logical3A_417 = arith.constant 14 : i32
      %shift_right_logical3A_418 = vector.broadcast %shift_right_logical3A_417 : i32 to vector<16xi32>
      %shift_right_logical3A_419 = arith.shrui %get3A_409, %shift_right_logical3A_418 : vector<16xi32>
      %swap3A_420 = arith.constant 0 : index
      %swap3A_421 = tpu.vector_load %arg11[%swap3A_420] {strides = array<i32>} : memref<64xi32, #tpu.memory_space<vmem>>, vector<16xi32>,
      %swap3A_422 = vector.shape_cast %swap3A_421 : vector<16xi32> to vector<16xi32>
      %swap3A_423 = vector.shape_cast %shift_right_logical3A_419 : vector<16xi32> to vector<16xi32>
      tpu.vector_store %arg11[%swap3A_420], %swap3A_423 {strides = array<i32>} : memref<64xi32, #tpu.memory_space<vmem>>, vector<16xi32>,
      %mul3A_424 = arith.constant 64 : i32
      %mul3A_425 = arith.muli %add3A_402, %mul3A_424 : i32
      %add3A_426 = arith.constant 16 : i32
      %add3A_427 = arith.addi %mul3A_425, %add3A_426 : i32
      %get3A_428 = arith.index_cast %add3A_427 : i32 to index
      %get3A_429 = tpu.vector_load %arg6[%get3A_428] {strides = array<i32>} : memref<10240xi32, #tpu.memory_space<vmem>>, vector<16xi32>,
      %get3A_430 = vector.shape_cast %get3A_429 : vector<16xi32> to vector<16xi32>
      %and3A_431 = arith.constant 16383 : i32
      %and3A_432 = vector.broadcast %and3A_431 : i32 to vector<16xi32>
      %and3A_433 = arith.andi %get3A_430, %and3A_432 : vector<16xi32>
      %swap3A_434 = arith.constant 16 : index
      %swap3A_435 = tpu.vector_load %arg7[%swap3A_434] {strides = array<i32>} : memref<64xi32, #tpu.memory_space<vmem>>, vector<16xi32>,
      %swap3A_436 = vector.shape_cast %swap3A_435 : vector<16xi32> to vector<16xi32>
      %swap3A_437 = vector.shape_cast %and3A_433 : vector<16xi32> to vector<16xi32>
      tpu.vector_store %arg7[%swap3A_434], %swap3A_437 {strides = array<i32>} : memref<64xi32, #tpu.memory_space<vmem>>, vector<16xi32>,
      %shift_right_logical3A_438 = arith.constant 14 : i32
      %shift_right_logical3A_439 = vector.broadcast %shift_right_logical3A_438 : i32 to vector<16xi32>
      %shift_right_logical3A_440 = arith.shrui %get3A_430, %shift_right_logical3A_439 : vector<16xi32>
      %swap3A_441 = arith.constant 16 : index
      %swap3A_442 = tpu.vector_load %arg11[%swap3A_441] {strides = array<i32>} : memref<64xi32, #tpu.memory_space<vmem>>, vector<16xi32>,
      %swap3A_443 = vector.shape_cast %swap3A_442 : vector<16xi32> to vector<16xi32>
      %swap3A_444 = vector.shape_cast %shift_right_logical3A_440 : vector<16xi32> to vector<16xi32>
      tpu.vector_store %arg11[%swap3A_441], %swap3A_444 {strides = array<i32>} : memref<64xi32, #tpu.memory_space<vmem>>, vector<16xi32>,
      %mul3A_445 = arith.constant 64 : i32
      %mul3A_446 = arith.muli %add3A_402, %mul3A_445 : i32
      %add3A_447 = arith.constant 32 : i32
      %add3A_448 = arith.addi %mul3A_446, %add3A_447 : i32
      %get3A_449 = arith.index_cast %add3A_448 : i32 to index
      %get3A_450 = tpu.vector_load %arg6[%get3A_449] {strides = array<i32>} : memref<10240xi32, #tpu.memory_space<vmem>>, vector<16xi32>,
      %get3A_451 = vector.shape_cast %get3A_450 : vector<16xi32> to vector<16xi32>
      %and3A_452 = arith.constant 16383 : i32
      %and3A_453 = vector.broadcast %and3A_452 : i32 to vector<16xi32>
      %and3A_454 = arith.andi %get3A_451, %and3A_453 : vector<16xi32>
      %swap3A_455 = arith.constant 32 : index
      %swap3A_456 = tpu.vector_load %arg7[%swap3A_455] {strides = array<i32>} : memref<64xi32, #tpu.memory_space<vmem>>, vector<16xi32>,
      %swap3A_457 = vector.shape_cast %swap3A_456 : vector<16xi32> to vector<16xi32>
      %swap3A_458 = vector.shape_cast %and3A_454 : vector<16xi32> to vector<16xi32>
      tpu.vector_store %arg7[%swap3A_455], %swap3A_458 {strides = array<i32>} : memref<64xi32, #tpu.memory_space<vmem>>, vector<16xi32>,
      %shift_right_logical3A_459 = arith.constant 14 : i32
      %shift_right_logical3A_460 = vector.broadcast %shift_right_logical3A_459 : i32 to vector<16xi32>
      %shift_right_logical3A_461 = arith.shrui %get3A_451, %shift_right_logical3A_460 : vector<16xi32>
      %swap3A_462 = arith.constant 32 : index
      %swap3A_463 = tpu.vector_load %arg11[%swap3A_462] {strides = array<i32>} : memref<64xi32, #tpu.memory_space<vmem>>, vector<16xi32>,
      %swap3A_464 = vector.shape_cast %swap3A_463 : vector<16xi32> to vector<16xi32>
      %swap3A_465 = vector.shape_cast %shift_right_logical3A_461 : vector<16xi32> to vector<16xi32>
      tpu.vector_store %arg11[%swap3A_462], %swap3A_465 {strides = array<i32>} : memref<64xi32, #tpu.memory_space<vmem>>, vector<16xi32>,
      %mul3A_466 = arith.constant 64 : i32
      %mul3A_467 = arith.muli %add3A_402, %mul3A_466 : i32
      %add3A_468 = arith.constant 48 : i32
      %add3A_469 = arith.addi %mul3A_467, %add3A_468 : i32
      %get3A_470 = arith.index_cast %add3A_469 : i32 to index
      %get3A_471 = tpu.vector_load %arg6[%get3A_470] {strides = array<i32>} : memref<10240xi32, #tpu.memory_space<vmem>>, vector<16xi32>,
      %get3A_472 = vector.shape_cast %get3A_471 : vector<16xi32> to vector<16xi32>
      %and3A_473 = arith.constant 16383 : i32
      %and3A_474 = vector.broadcast %and3A_473 : i32 to vector<16xi32>
      %and3A_475 = arith.andi %get3A_472, %and3A_474 : vector<16xi32>
      %swap3A_476 = arith.constant 48 : index
      %swap3A_477 = tpu.vector_load %arg7[%swap3A_476] {strides = array<i32>} : memref<64xi32, #tpu.memory_space<vmem>>, vector<16xi32>,
      %swap3A_478 = vector.shape_cast %swap3A_477 : vector<16xi32> to vector<16xi32>
      %swap3A_479 = vector.shape_cast %and3A_475 : vector<16xi32> to vector<16xi32>
      tpu.vector_store %arg7[%swap3A_476], %swap3A_479 {strides = array<i32>} : memref<64xi32, #tpu.memory_space<vmem>>, vector<16xi32>,
      %shift_right_logical3A_480 = arith.constant 14 : i32
      %shift_right_logical3A_481 = vector.broadcast %shift_right_logical3A_480 : i32 to vector<16xi32>
      %shift_right_logical3A_482 = arith.shrui %get3A_472, %shift_right_logical3A_481 : vector<16xi32>
      %swap3A_483 = arith.constant 48 : index
      %swap3A_484 = tpu.vector_load %arg11[%swap3A_483] {strides = array<i32>} : memref<64xi32, #tpu.memory_space<vmem>>, vector<16xi32>,
      %swap3A_485 = vector.shape_cast %swap3A_484 : vector<16xi32> to vector<16xi32>
      %swap3A_486 = vector.shape_cast %shift_right_logical3A_482 : vector<16xi32> to vector<16xi32>
      tpu.vector_store %arg11[%swap3A_483], %swap3A_486 {strides = array<i32>} : memref<64xi32, #tpu.memory_space<vmem>>, vector<16xi32>,
      %dma_start3A_487 = arith.constant 0 : i32
      %dma_start3A_488 = arith.constant 0 : i32
      %dma_start3A_489 = tpu.memref_slice %arg2[%dma_start3A_487, %dma_start3A_488] : memref<10112x128xf32, #tpu.memory_space<hbm>> -> memref<10112x128xf32, #tpu.memory_space<hbm>>
      tpu.enqueue_indirect_dma source(%dma_start3A_489 : memref<10112x128xf32, #tpu.memory_space<hbm>>) target(%arg15 : memref<64x128xf32, #tpu.memory_space<vmem>>) offsets(%arg7 : memref<64xi32, #tpu.memory_space<vmem>>) semaphore(%arg19 : memref<!tpu.dma_semaphore, #tpu.memory_space<semaphore_mem>>)
      %dma_wait3A_490 = arith.constant 0 : i32
      %dma_wait3A_491 = arith.constant 0 : i32
      %dma_wait3A_492 = tpu.memref_slice %arg5[%dma_wait3A_490, %dma_wait3A_491] : memref<10112x128xf32, #tpu.memory_space<vmem_shared>> -> memref<10112x128xf32, #tpu.memory_space<vmem_shared>>
      tpu.wait_indirect_dma semaphore(%arg24 : memref<!tpu.dma_semaphore, #tpu.memory_space<semaphore_mem>>) src(%arg16 : memref<64x128xf32, #tpu.memory_space<vmem>>) dst(%dma_wait3A_492 : memref<10112x128xf32, #tpu.memory_space<vmem_shared>>)
      %add3A_493 = arith.constant 4 : i32
      %add3A_494 = arith.addi %mul3A_371, %add3A_493 : i32
      %add3A_495 = arith.constant 1 : i32
      %add3A_496 = arith.addi %add3A_494, %add3A_495 : i32
      %mul3A_497 = arith.constant 64 : i32
      %mul3A_498 = arith.muli %add3A_496, %mul3A_497 : i32
      %add3A_499 = arith.constant 0 : i32
      %add3A_500 = arith.addi %mul3A_498, %add3A_499 : i32
      %get3A_501 = arith.index_cast %add3A_500 : i32 to index
      %get3A_502 = tpu.vector_load %arg6[%get3A_501] {strides = array<i32>} : memref<10240xi32, #tpu.memory_space<vmem>>, vector<16xi32>,
      %get3A_503 = vector.shape_cast %get3A_502 : vector<16xi32> to vector<16xi32>
      %and3A_504 = arith.constant 16383 : i32
      %and3A_505 = vector.broadcast %and3A_504 : i32 to vector<16xi32>
      %and3A_506 = arith.andi %get3A_503, %and3A_505 : vector<16xi32>
      %swap3A_507 = arith.constant 0 : index
      %swap3A_508 = tpu.vector_load %arg8[%swap3A_507] {strides = array<i32>} : memref<64xi32, #tpu.memory_space<vmem>>, vector<16xi32>,
      %swap3A_509 = vector.shape_cast %swap3A_508 : vector<16xi32> to vector<16xi32>
      %swap3A_510 = vector.shape_cast %and3A_506 : vector<16xi32> to vector<16xi32>
      tpu.vector_store %arg8[%swap3A_507], %swap3A_510 {strides = array<i32>} : memref<64xi32, #tpu.memory_space<vmem>>, vector<16xi32>,
      %shift_right_logical3A_511 = arith.constant 14 : i32
      %shift_right_logical3A_512 = vector.broadcast %shift_right_logical3A_511 : i32 to vector<16xi32>
      %shift_right_logical3A_513 = arith.shrui %get3A_503, %shift_right_logical3A_512 : vector<16xi32>
      %swap3A_514 = arith.constant 0 : index
      %swap3A_515 = tpu.vector_load %arg12[%swap3A_514] {strides = array<i32>} : memref<64xi32, #tpu.memory_space<vmem>>, vector<16xi32>,
      %swap3A_516 = vector.shape_cast %swap3A_515 : vector<16xi32> to vector<16xi32>
      %swap3A_517 = vector.shape_cast %shift_right_logical3A_513 : vector<16xi32> to vector<16xi32>
      tpu.vector_store %arg12[%swap3A_514], %swap3A_517 {strides = array<i32>} : memref<64xi32, #tpu.memory_space<vmem>>, vector<16xi32>,
      %mul3A_518 = arith.constant 64 : i32
      %mul3A_519 = arith.muli %add3A_496, %mul3A_518 : i32
      %add3A_520 = arith.constant 16 : i32
      %add3A_521 = arith.addi %mul3A_519, %add3A_520 : i32
      %get3A_522 = arith.index_cast %add3A_521 : i32 to index
      %get3A_523 = tpu.vector_load %arg6[%get3A_522] {strides = array<i32>} : memref<10240xi32, #tpu.memory_space<vmem>>, vector<16xi32>,
      %get3A_524 = vector.shape_cast %get3A_523 : vector<16xi32> to vector<16xi32>
      %and3A_525 = arith.constant 16383 : i32
      %and3A_526 = vector.broadcast %and3A_525 : i32 to vector<16xi32>
      %and3A_527 = arith.andi %get3A_524, %and3A_526 : vector<16xi32>
      %swap3A_528 = arith.constant 16 : index
      %swap3A_529 = tpu.vector_load %arg8[%swap3A_528] {strides = array<i32>} : memref<64xi32, #tpu.memory_space<vmem>>, vector<16xi32>,
      %swap3A_530 = vector.shape_cast %swap3A_529 : vector<16xi32> to vector<16xi32>
      %swap3A_531 = vector.shape_cast %and3A_527 : vector<16xi32> to vector<16xi32>
      tpu.vector_store %arg8[%swap3A_528], %swap3A_531 {strides = array<i32>} : memref<64xi32, #tpu.memory_space<vmem>>, vector<16xi32>,
      %shift_right_logical3A_532 = arith.constant 14 : i32
      %shift_right_logical3A_533 = vector.broadcast %shift_right_logical3A_532 : i32 to vector<16xi32>
      %shift_right_logical3A_534 = arith.shrui %get3A_524, %shift_right_logical3A_533 : vector<16xi32>
      %swap3A_535 = arith.constant 16 : index
      %swap3A_536 = tpu.vector_load %arg12[%swap3A_535] {strides = array<i32>} : memref<64xi32, #tpu.memory_space<vmem>>, vector<16xi32>,
      %swap3A_537 = vector.shape_cast %swap3A_536 : vector<16xi32> to vector<16xi32>
      %swap3A_538 = vector.shape_cast %shift_right_logical3A_534 : vector<16xi32> to vector<16xi32>
      tpu.vector_store %arg12[%swap3A_535], %swap3A_538 {strides = array<i32>} : memref<64xi32, #tpu.memory_space<vmem>>, vector<16xi32>,
      %mul3A_539 = arith.constant 64 : i32
      %mul3A_540 = arith.muli %add3A_496, %mul3A_539 : i32
      %add3A_541 = arith.constant 32 : i32
      %add3A_542 = arith.addi %mul3A_540, %add3A_541 : i32
      %get3A_543 = arith.index_cast %add3A_542 : i32 to index
      %get3A_544 = tpu.vector_load %arg6[%get3A_543] {strides = array<i32>} : memref<10240xi32, #tpu.memory_space<vmem>>, vector<16xi32>,
      %get3A_545 = vector.shape_cast %get3A_544 : vector<16xi32> to vector<16xi32>
      %and3A_546 = arith.constant 16383 : i32
      %and3A_547 = vector.broadcast %and3A_546 : i32 to vector<16xi32>
      %and3A_548 = arith.andi %get3A_545, %and3A_547 : vector<16xi32>
      %swap3A_549 = arith.constant 32 : index
      %swap3A_550 = tpu.vector_load %arg8[%swap3A_549] {strides = array<i32>} : memref<64xi32, #tpu.memory_space<vmem>>, vector<16xi32>,
      %swap3A_551 = vector.shape_cast %swap3A_550 : vector<16xi32> to vector<16xi32>
      %swap3A_552 = vector.shape_cast %and3A_548 : vector<16xi32> to vector<16xi32>
      tpu.vector_store %arg8[%swap3A_549], %swap3A_552 {strides = array<i32>} : memref<64xi32, #tpu.memory_space<vmem>>, vector<16xi32>,
      %shift_right_logical3A_553 = arith.constant 14 : i32
      %shift_right_logical3A_554 = vector.broadcast %shift_right_logical3A_553 : i32 to vector<16xi32>
      %shift_right_logical3A_555 = arith.shrui %get3A_545, %shift_right_logical3A_554 : vector<16xi32>
      %swap3A_556 = arith.constant 32 : index
      %swap3A_557 = tpu.vector_load %arg12[%swap3A_556] {strides = array<i32>} : memref<64xi32, #tpu.memory_space<vmem>>, vector<16xi32>,
      %swap3A_558 = vector.shape_cast %swap3A_557 : vector<16xi32> to vector<16xi32>
      %swap3A_559 = vector.shape_cast %shift_right_logical3A_555 : vector<16xi32> to vector<16xi32>
      tpu.vector_store %arg12[%swap3A_556], %swap3A_559 {strides = array<i32>} : memref<64xi32, #tpu.memory_space<vmem>>, vector<16xi32>,
      %mul3A_560 = arith.constant 64 : i32
      %mul3A_561 = arith.muli %add3A_496, %mul3A_560 : i32
      %add3A_562 = arith.constant 48 : i32
      %add3A_563 = arith.addi %mul3A_561, %add3A_562 : i32
      %get3A_564 = arith.index_cast %add3A_563 : i32 to index
      %get3A_565 = tpu.vector_load %arg6[%get3A_564] {strides = array<i32>} : memref<10240xi32, #tpu.memory_space<vmem>>, vector<16xi32>,
      %get3A_566 = vector.shape_cast %get3A_565 : vector<16xi32> to vector<16xi32>
      %and3A_567 = arith.constant 16383 : i32
      %and3A_568 = vector.broadcast %and3A_567 : i32 to vector<16xi32>
      %and3A_569 = arith.andi %get3A_566, %and3A_568 : vector<16xi32>
      %swap3A_570 = arith.constant 48 : index
      %swap3A_571 = tpu.vector_load %arg8[%swap3A_570] {strides = array<i32>} : memref<64xi32, #tpu.memory_space<vmem>>, vector<16xi32>,
      %swap3A_572 = vector.shape_cast %swap3A_571 : vector<16xi32> to vector<16xi32>
      %swap3A_573 = vector.shape_cast %and3A_569 : vector<16xi32> to vector<16xi32>
      tpu.vector_store %arg8[%swap3A_570], %swap3A_573 {strides = array<i32>} : memref<64xi32, #tpu.memory_space<vmem>>, vector<16xi32>,
      %shift_right_logical3A_574 = arith.constant 14 : i32
      %shift_right_logical3A_575 = vector.broadcast %shift_right_logical3A_574 : i32 to vector<16xi32>
      %shift_right_logical3A_576 = arith.shrui %get3A_566, %shift_right_logical3A_575 : vector<16xi32>
      %swap3A_577 = arith.constant 48 : index
      %swap3A_578 = tpu.vector_load %arg12[%swap3A_577] {strides = array<i32>} : memref<64xi32, #tpu.memory_space<vmem>>, vector<16xi32>,
      %swap3A_579 = vector.shape_cast %swap3A_578 : vector<16xi32> to vector<16xi32>
      %swap3A_580 = vector.shape_cast %shift_right_logical3A_576 : vector<16xi32> to vector<16xi32>
      tpu.vector_store %arg12[%swap3A_577], %swap3A_580 {strides = array<i32>} : memref<64xi32, #tpu.memory_space<vmem>>, vector<16xi32>,
      %dma_start3A_581 = arith.constant 0 : i32
      %dma_start3A_582 = arith.constant 0 : i32
      %dma_start3A_583 = tpu.memref_slice %arg2[%dma_start3A_581, %dma_start3A_582] : memref<10112x128xf32, #tpu.memory_space<hbm>> -> memref<10112x128xf32, #tpu.memory_space<hbm>>
      tpu.enqueue_indirect_dma source(%dma_start3A_583 : memref<10112x128xf32, #tpu.memory_space<hbm>>) target(%arg16 : memref<64x128xf32, #tpu.memory_space<vmem>>) offsets(%arg8 : memref<64xi32, #tpu.memory_space<vmem>>) semaphore(%arg20 : memref<!tpu.dma_semaphore, #tpu.memory_space<semaphore_mem>>)
      %dma_wait3A_584 = arith.constant 0 : i32
      %dma_wait3A_585 = arith.constant 0 : i32
      %dma_wait3A_586 = tpu.memref_slice %arg5[%dma_wait3A_584, %dma_wait3A_585] : memref<10112x128xf32, #tpu.memory_space<vmem_shared>> -> memref<10112x128xf32, #tpu.memory_space<vmem_shared>>
      tpu.wait_indirect_dma semaphore(%arg25 : memref<!tpu.dma_semaphore, #tpu.memory_space<semaphore_mem>>) src(%arg17 : memref<64x128xf32, #tpu.memory_space<vmem>>) dst(%dma_wait3A_586 : memref<10112x128xf32, #tpu.memory_space<vmem_shared>>)
      %add3A_587 = arith.constant 4 : i32
      %add3A_588 = arith.addi %mul3A_371, %add3A_587 : i32
      %add3A_589 = arith.constant 2 : i32
      %add3A_590 = arith.addi %add3A_588, %add3A_589 : i32
      %mul3A_591 = arith.constant 64 : i32
      %mul3A_592 = arith.muli %add3A_590, %mul3A_591 : i32
      %add3A_593 = arith.constant 0 : i32
      %add3A_594 = arith.addi %mul3A_592, %add3A_593 : i32
      %get3A_595 = arith.index_cast %add3A_594 : i32 to index
      %get3A_596 = tpu.vector_load %arg6[%get3A_595] {strides = array<i32>} : memref<10240xi32, #tpu.memory_space<vmem>>, vector<16xi32>,
      %get3A_597 = vector.shape_cast %get3A_596 : vector<16xi32> to vector<16xi32>
      %and3A_598 = arith.constant 16383 : i32
      %and3A_599 = vector.broadcast %and3A_598 : i32 to vector<16xi32>
      %and3A_600 = arith.andi %get3A_597, %and3A_599 : vector<16xi32>
      %swap3A_601 = arith.constant 0 : index
      %swap3A_602 = tpu.vector_load %arg9[%swap3A_601] {strides = array<i32>} : memref<64xi32, #tpu.memory_space<vmem>>, vector<16xi32>,
      %swap3A_603 = vector.shape_cast %swap3A_602 : vector<16xi32> to vector<16xi32>
      %swap3A_604 = vector.shape_cast %and3A_600 : vector<16xi32> to vector<16xi32>
      tpu.vector_store %arg9[%swap3A_601], %swap3A_604 {strides = array<i32>} : memref<64xi32, #tpu.memory_space<vmem>>, vector<16xi32>,
      %shift_right_logical3A_605 = arith.constant 14 : i32
      %shift_right_logical3A_606 = vector.broadcast %shift_right_logical3A_605 : i32 to vector<16xi32>
      %shift_right_logical3A_607 = arith.shrui %get3A_597, %shift_right_logical3A_606 : vector<16xi32>
      %swap3A_608 = arith.constant 0 : index
      %swap3A_609 = tpu.vector_load %arg13[%swap3A_608] {strides = array<i32>} : memref<64xi32, #tpu.memory_space<vmem>>, vector<16xi32>,
      %swap3A_610 = vector.shape_cast %swap3A_609 : vector<16xi32> to vector<16xi32>
      %swap3A_611 = vector.shape_cast %shift_right_logical3A_607 : vector<16xi32> to vector<16xi32>
      tpu.vector_store %arg13[%swap3A_608], %swap3A_611 {strides = array<i32>} : memref<64xi32, #tpu.memory_space<vmem>>, vector<16xi32>,
      %mul3A_612 = arith.constant 64 : i32
      %mul3A_613 = arith.muli %add3A_590, %mul3A_612 : i32
      %add3A_614 = arith.constant 16 : i32
      %add3A_615 = arith.addi %mul3A_613, %add3A_614 : i32
      %get3A_616 = arith.index_cast %add3A_615 : i32 to index
      %get3A_617 = tpu.vector_load %arg6[%get3A_616] {strides = array<i32>} : memref<10240xi32, #tpu.memory_space<vmem>>, vector<16xi32>,
      %get3A_618 = vector.shape_cast %get3A_617 : vector<16xi32> to vector<16xi32>
      %and3A_619 = arith.constant 16383 : i32
      %and3A_620 = vector.broadcast %and3A_619 : i32 to vector<16xi32>
      %and3A_621 = arith.andi %get3A_618, %and3A_620 : vector<16xi32>
      %swap3A_622 = arith.constant 16 : index
      %swap3A_623 = tpu.vector_load %arg9[%swap3A_622] {strides = array<i32>} : memref<64xi32, #tpu.memory_space<vmem>>, vector<16xi32>,
      %swap3A_624 = vector.shape_cast %swap3A_623 : vector<16xi32> to vector<16xi32>
      %swap3A_625 = vector.shape_cast %and3A_621 : vector<16xi32> to vector<16xi32>
      tpu.vector_store %arg9[%swap3A_622], %swap3A_625 {strides = array<i32>} : memref<64xi32, #tpu.memory_space<vmem>>, vector<16xi32>,
      %shift_right_logical3A_626 = arith.constant 14 : i32
      %shift_right_logical3A_627 = vector.broadcast %shift_right_logical3A_626 : i32 to vector<16xi32>
      %shift_right_logical3A_628 = arith.shrui %get3A_618, %shift_right_logical3A_627 : vector<16xi32>
      %swap3A_629 = arith.constant 16 : index
      %swap3A_630 = tpu.vector_load %arg13[%swap3A_629] {strides = array<i32>} : memref<64xi32, #tpu.memory_space<vmem>>, vector<16xi32>,
      %swap3A_631 = vector.shape_cast %swap3A_630 : vector<16xi32> to vector<16xi32>
      %swap3A_632 = vector.shape_cast %shift_right_logical3A_628 : vector<16xi32> to vector<16xi32>
      tpu.vector_store %arg13[%swap3A_629], %swap3A_632 {strides = array<i32>} : memref<64xi32, #tpu.memory_space<vmem>>, vector<16xi32>,
      %mul3A_633 = arith.constant 64 : i32
      %mul3A_634 = arith.muli %add3A_590, %mul3A_633 : i32
      %add3A_635 = arith.constant 32 : i32
      %add3A_636 = arith.addi %mul3A_634, %add3A_635 : i32
      %get3A_637 = arith.index_cast %add3A_636 : i32 to index
      %get3A_638 = tpu.vector_load %arg6[%get3A_637] {strides = array<i32>} : memref<10240xi32, #tpu.memory_space<vmem>>, vector<16xi32>,
      %get3A_639 = vector.shape_cast %get3A_638 : vector<16xi32> to vector<16xi32>
      %and3A_640 = arith.constant 16383 : i32
      %and3A_641 = vector.broadcast %and3A_640 : i32 to vector<16xi32>
      %and3A_642 = arith.andi %get3A_639, %and3A_641 : vector<16xi32>
      %swap3A_643 = arith.constant 32 : index
      %swap3A_644 = tpu.vector_load %arg9[%swap3A_643] {strides = array<i32>} : memref<64xi32, #tpu.memory_space<vmem>>, vector<16xi32>,
      %swap3A_645 = vector.shape_cast %swap3A_644 : vector<16xi32> to vector<16xi32>
      %swap3A_646 = vector.shape_cast %and3A_642 : vector<16xi32> to vector<16xi32>
      tpu.vector_store %arg9[%swap3A_643], %swap3A_646 {strides = array<i32>} : memref<64xi32, #tpu.memory_space<vmem>>, vector<16xi32>,
      %shift_right_logical3A_647 = arith.constant 14 : i32
      %shift_right_logical3A_648 = vector.broadcast %shift_right_logical3A_647 : i32 to vector<16xi32>
      %shift_right_logical3A_649 = arith.shrui %get3A_639, %shift_right_logical3A_648 : vector<16xi32>
      %swap3A_650 = arith.constant 32 : index
      %swap3A_651 = tpu.vector_load %arg13[%swap3A_650] {strides = array<i32>} : memref<64xi32, #tpu.memory_space<vmem>>, vector<16xi32>,
      %swap3A_652 = vector.shape_cast %swap3A_651 : vector<16xi32> to vector<16xi32>
      %swap3A_653 = vector.shape_cast %shift_right_logical3A_649 : vector<16xi32> to vector<16xi32>
      tpu.vector_store %arg13[%swap3A_650], %swap3A_653 {strides = array<i32>} : memref<64xi32, #tpu.memory_space<vmem>>, vector<16xi32>,
      %mul3A_654 = arith.constant 64 : i32
      %mul3A_655 = arith.muli %add3A_590, %mul3A_654 : i32
      %add3A_656 = arith.constant 48 : i32
      %add3A_657 = arith.addi %mul3A_655, %add3A_656 : i32
      %get3A_658 = arith.index_cast %add3A_657 : i32 to index
      %get3A_659 = tpu.vector_load %arg6[%get3A_658] {strides = array<i32>} : memref<10240xi32, #tpu.memory_space<vmem>>, vector<16xi32>,
      %get3A_660 = vector.shape_cast %get3A_659 : vector<16xi32> to vector<16xi32>
      %and3A_661 = arith.constant 16383 : i32
      %and3A_662 = vector.broadcast %and3A_661 : i32 to vector<16xi32>
      %and3A_663 = arith.andi %get3A_660, %and3A_662 : vector<16xi32>
      %swap3A_664 = arith.constant 48 : index
      %swap3A_665 = tpu.vector_load %arg9[%swap3A_664] {strides = array<i32>} : memref<64xi32, #tpu.memory_space<vmem>>, vector<16xi32>,
      %swap3A_666 = vector.shape_cast %swap3A_665 : vector<16xi32> to vector<16xi32>
      %swap3A_667 = vector.shape_cast %and3A_663 : vector<16xi32> to vector<16xi32>
      tpu.vector_store %arg9[%swap3A_664], %swap3A_667 {strides = array<i32>} : memref<64xi32, #tpu.memory_space<vmem>>, vector<16xi32>,
      %shift_right_logical3A_668 = arith.constant 14 : i32
      %shift_right_logical3A_669 = vector.broadcast %shift_right_logical3A_668 : i32 to vector<16xi32>
      %shift_right_logical3A_670 = arith.shrui %get3A_660, %shift_right_logical3A_669 : vector<16xi32>
      %swap3A_671 = arith.constant 48 : index
      %swap3A_672 = tpu.vector_load %arg13[%swap3A_671] {strides = array<i32>} : memref<64xi32, #tpu.memory_space<vmem>>, vector<16xi32>,
      %swap3A_673 = vector.shape_cast %swap3A_672 : vector<16xi32> to vector<16xi32>
      %swap3A_674 = vector.shape_cast %shift_right_logical3A_670 : vector<16xi32> to vector<16xi32>
      tpu.vector_store %arg13[%swap3A_671], %swap3A_674 {strides = array<i32>} : memref<64xi32, #tpu.memory_space<vmem>>, vector<16xi32>,
      %dma_start3A_675 = arith.constant 0 : i32
      %dma_start3A_676 = arith.constant 0 : i32
      %dma_start3A_677 = tpu.memref_slice %arg2[%dma_start3A_675, %dma_start3A_676] : memref<10112x128xf32, #tpu.memory_space<hbm>> -> memref<10112x128xf32, #tpu.memory_space<hbm>>
      tpu.enqueue_indirect_dma source(%dma_start3A_677 : memref<10112x128xf32, #tpu.memory_space<hbm>>) target(%arg17 : memref<64x128xf32, #tpu.memory_space<vmem>>) offsets(%arg9 : memref<64xi32, #tpu.memory_space<vmem>>) semaphore(%arg21 : memref<!tpu.dma_semaphore, #tpu.memory_space<semaphore_mem>>)
      %dma_wait3A_678 = arith.constant 0 : i32
      %dma_wait3A_679 = arith.constant 0 : i32
      %dma_wait3A_680 = tpu.memref_slice %arg5[%dma_wait3A_678, %dma_wait3A_679] : memref<10112x128xf32, #tpu.memory_space<vmem_shared>> -> memref<10112x128xf32, #tpu.memory_space<vmem_shared>>
      tpu.wait_indirect_dma semaphore(%arg26 : memref<!tpu.dma_semaphore, #tpu.memory_space<semaphore_mem>>) src(%arg18 : memref<64x128xf32, #tpu.memory_space<vmem>>) dst(%dma_wait3A_680 : memref<10112x128xf32, #tpu.memory_space<vmem_shared>>)
      %add3A_681 = arith.constant 4 : i32
      %add3A_682 = arith.addi %mul3A_371, %add3A_681 : i32
      %add3A_683 = arith.constant 3 : i32
      %add3A_684 = arith.addi %add3A_682, %add3A_683 : i32
      %mul3A_685 = arith.constant 64 : i32
      %mul3A_686 = arith.muli %add3A_684, %mul3A_685 : i32
      %add3A_687 = arith.constant 0 : i32
      %add3A_688 = arith.addi %mul3A_686, %add3A_687 : i32
      %get3A_689 = arith.index_cast %add3A_688 : i32 to index
      %get3A_690 = tpu.vector_load %arg6[%get3A_689] {strides = array<i32>} : memref<10240xi32, #tpu.memory_space<vmem>>, vector<16xi32>,
      %get3A_691 = vector.shape_cast %get3A_690 : vector<16xi32> to vector<16xi32>
      %and3A_692 = arith.constant 16383 : i32
      %and3A_693 = vector.broadcast %and3A_692 : i32 to vector<16xi32>
      %and3A_694 = arith.andi %get3A_691, %and3A_693 : vector<16xi32>
      %swap3A_695 = arith.constant 0 : index
      %swap3A_696 = tpu.vector_load %arg10[%swap3A_695] {strides = array<i32>} : memref<64xi32, #tpu.memory_space<vmem>>, vector<16xi32>,
      %swap3A_697 = vector.shape_cast %swap3A_696 : vector<16xi32> to vector<16xi32>
      %swap3A_698 = vector.shape_cast %and3A_694 : vector<16xi32> to vector<16xi32>
      tpu.vector_store %arg10[%swap3A_695], %swap3A_698 {strides = array<i32>} : memref<64xi32, #tpu.memory_space<vmem>>, vector<16xi32>,
      %shift_right_logical3A_699 = arith.constant 14 : i32
      %shift_right_logical3A_700 = vector.broadcast %shift_right_logical3A_699 : i32 to vector<16xi32>
      %shift_right_logical3A_701 = arith.shrui %get3A_691, %shift_right_logical3A_700 : vector<16xi32>
      %swap3A_702 = arith.constant 0 : index
      %swap3A_703 = tpu.vector_load %arg14[%swap3A_702] {strides = array<i32>} : memref<64xi32, #tpu.memory_space<vmem>>, vector<16xi32>,
      %swap3A_704 = vector.shape_cast %swap3A_703 : vector<16xi32> to vector<16xi32>
      %swap3A_705 = vector.shape_cast %shift_right_logical3A_701 : vector<16xi32> to vector<16xi32>
      tpu.vector_store %arg14[%swap3A_702], %swap3A_705 {strides = array<i32>} : memref<64xi32, #tpu.memory_space<vmem>>, vector<16xi32>,
      %mul3A_706 = arith.constant 64 : i32
      %mul3A_707 = arith.muli %add3A_684, %mul3A_706 : i32
      %add3A_708 = arith.constant 16 : i32
      %add3A_709 = arith.addi %mul3A_707, %add3A_708 : i32
      %get3A_710 = arith.index_cast %add3A_709 : i32 to index
      %get3A_711 = tpu.vector_load %arg6[%get3A_710] {strides = array<i32>} : memref<10240xi32, #tpu.memory_space<vmem>>, vector<16xi32>,
      %get3A_712 = vector.shape_cast %get3A_711 : vector<16xi32> to vector<16xi32>
      %and3A_713 = arith.constant 16383 : i32
      %and3A_714 = vector.broadcast %and3A_713 : i32 to vector<16xi32>
      %and3A_715 = arith.andi %get3A_712, %and3A_714 : vector<16xi32>
      %swap3A_716 = arith.constant 16 : index
      %swap3A_717 = tpu.vector_load %arg10[%swap3A_716] {strides = array<i32>} : memref<64xi32, #tpu.memory_space<vmem>>, vector<16xi32>,
      %swap3A_718 = vector.shape_cast %swap3A_717 : vector<16xi32> to vector<16xi32>
      %swap3A_719 = vector.shape_cast %and3A_715 : vector<16xi32> to vector<16xi32>
      tpu.vector_store %arg10[%swap3A_716], %swap3A_719 {strides = array<i32>} : memref<64xi32, #tpu.memory_space<vmem>>, vector<16xi32>,
      %shift_right_logical3A_720 = arith.constant 14 : i32
      %shift_right_logical3A_721 = vector.broadcast %shift_right_logical3A_720 : i32 to vector<16xi32>
      %shift_right_logical3A_722 = arith.shrui %get3A_712, %shift_right_logical3A_721 : vector<16xi32>
      %swap3A_723 = arith.constant 16 : index
      %swap3A_724 = tpu.vector_load %arg14[%swap3A_723] {strides = array<i32>} : memref<64xi32, #tpu.memory_space<vmem>>, vector<16xi32>,
      %swap3A_725 = vector.shape_cast %swap3A_724 : vector<16xi32> to vector<16xi32>
      %swap3A_726 = vector.shape_cast %shift_right_logical3A_722 : vector<16xi32> to vector<16xi32>
      tpu.vector_store %arg14[%swap3A_723], %swap3A_726 {strides = array<i32>} : memref<64xi32, #tpu.memory_space<vmem>>, vector<16xi32>,
      %mul3A_727 = arith.constant 64 : i32
      %mul3A_728 = arith.muli %add3A_684, %mul3A_727 : i32
      %add3A_729 = arith.constant 32 : i32
      %add3A_730 = arith.addi %mul3A_728, %add3A_729 : i32
      %get3A_731 = arith.index_cast %add3A_730 : i32 to index
      %get3A_732 = tpu.vector_load %arg6[%get3A_731] {strides = array<i32>} : memref<10240xi32, #tpu.memory_space<vmem>>, vector<16xi32>,
      %get3A_733 = vector.shape_cast %get3A_732 : vector<16xi32> to vector<16xi32>
      %and3A_734 = arith.constant 16383 : i32
      %and3A_735 = vector.broadcast %and3A_734 : i32 to vector<16xi32>
      %and3A_736 = arith.andi %get3A_733, %and3A_735 : vector<16xi32>
      %swap3A_737 = arith.constant 32 : index
      %swap3A_738 = tpu.vector_load %arg10[%swap3A_737] {strides = array<i32>} : memref<64xi32, #tpu.memory_space<vmem>>, vector<16xi32>,
      %swap3A_739 = vector.shape_cast %swap3A_738 : vector<16xi32> to vector<16xi32>
      %swap3A_740 = vector.shape_cast %and3A_736 : vector<16xi32> to vector<16xi32>
      tpu.vector_store %arg10[%swap3A_737], %swap3A_740 {strides = array<i32>} : memref<64xi32, #tpu.memory_space<vmem>>, vector<16xi32>,
      %shift_right_logical3A_741 = arith.constant 14 : i32
      %shift_right_logical3A_742 = vector.broadcast %shift_right_logical3A_741 : i32 to vector<16xi32>
      %shift_right_logical3A_743 = arith.shrui %get3A_733, %shift_right_logical3A_742 : vector<16xi32>
      %swap3A_744 = arith.constant 32 : index
      %swap3A_745 = tpu.vector_load %arg14[%swap3A_744] {strides = array<i32>} : memref<64xi32, #tpu.memory_space<vmem>>, vector<16xi32>,
      %swap3A_746 = vector.shape_cast %swap3A_745 : vector<16xi32> to vector<16xi32>
      %swap3A_747 = vector.shape_cast %shift_right_logical3A_743 : vector<16xi32> to vector<16xi32>
      tpu.vector_store %arg14[%swap3A_744], %swap3A_747 {strides = array<i32>} : memref<64xi32, #tpu.memory_space<vmem>>, vector<16xi32>,
      %mul3A_748 = arith.constant 64 : i32
      %mul3A_749 = arith.muli %add3A_684, %mul3A_748 : i32
      %add3A_750 = arith.constant 48 : i32
      %add3A_751 = arith.addi %mul3A_749, %add3A_750 : i32
      %get3A_752 = arith.index_cast %add3A_751 : i32 to index
      %get3A_753 = tpu.vector_load %arg6[%get3A_752] {strides = array<i32>} : memref<10240xi32, #tpu.memory_space<vmem>>, vector<16xi32>,
      %get3A_754 = vector.shape_cast %get3A_753 : vector<16xi32> to vector<16xi32>
      %and3A_755 = arith.constant 16383 : i32
      %and3A_756 = vector.broadcast %and3A_755 : i32 to vector<16xi32>
      %and3A_757 = arith.andi %get3A_754, %and3A_756 : vector<16xi32>
      %swap3A_758 = arith.constant 48 : index
      %swap3A_759 = tpu.vector_load %arg10[%swap3A_758] {strides = array<i32>} : memref<64xi32, #tpu.memory_space<vmem>>, vector<16xi32>,
      %swap3A_760 = vector.shape_cast %swap3A_759 : vector<16xi32> to vector<16xi32>
      %swap3A_761 = vector.shape_cast %and3A_757 : vector<16xi32> to vector<16xi32>
      tpu.vector_store %arg10[%swap3A_758], %swap3A_761 {strides = array<i32>} : memref<64xi32, #tpu.memory_space<vmem>>, vector<16xi32>,
      %shift_right_logical3A_762 = arith.constant 14 : i32
      %shift_right_logical3A_763 = vector.broadcast %shift_right_logical3A_762 : i32 to vector<16xi32>
      %shift_right_logical3A_764 = arith.shrui %get3A_754, %shift_right_logical3A_763 : vector<16xi32>
      %swap3A_765 = arith.constant 48 : index
      %swap3A_766 = tpu.vector_load %arg14[%swap3A_765] {strides = array<i32>} : memref<64xi32, #tpu.memory_space<vmem>>, vector<16xi32>,
      %swap3A_767 = vector.shape_cast %swap3A_766 : vector<16xi32> to vector<16xi32>
      %swap3A_768 = vector.shape_cast %shift_right_logical3A_764 : vector<16xi32> to vector<16xi32>
      tpu.vector_store %arg14[%swap3A_765], %swap3A_768 {strides = array<i32>} : memref<64xi32, #tpu.memory_space<vmem>>, vector<16xi32>,
      %dma_start3A_769 = arith.constant 0 : i32
      %dma_start3A_770 = arith.constant 0 : i32
      %dma_start3A_771 = tpu.memref_slice %arg2[%dma_start3A_769, %dma_start3A_770] : memref<10112x128xf32, #tpu.memory_space<hbm>> -> memref<10112x128xf32, #tpu.memory_space<hbm>>
      tpu.enqueue_indirect_dma source(%dma_start3A_771 : memref<10112x128xf32, #tpu.memory_space<hbm>>) target(%arg18 : memref<64x128xf32, #tpu.memory_space<vmem>>) offsets(%arg10 : memref<64xi32, #tpu.memory_space<vmem>>) semaphore(%arg22 : memref<!tpu.dma_semaphore, #tpu.memory_space<semaphore_mem>>)
    }
    %scan3A_310 = arith.constant 39 : i32
    %dma_wait3A = arith.constant 0 : i32
    %dma_wait3A_311 = arith.constant 0 : i32
    %dma_wait3A_312 = tpu.memref_slice %arg2[%dma_wait3A, %dma_wait3A_311] : memref<10112x128xf32, #tpu.memory_space<hbm>> -> memref<10112x128xf32, #tpu.memory_space<hbm>>
    tpu.wait_indirect_dma semaphore(%arg19 : memref<!tpu.dma_semaphore, #tpu.memory_space<semaphore_mem>>) src(%dma_wait3A_312 : memref<10112x128xf32, #tpu.memory_space<hbm>>) dst(%arg15 : memref<64x128xf32, #tpu.memory_space<vmem>>)
    %dma_start3A_313 = arith.constant 0 : i32
    %dma_start3A_314 = arith.constant 0 : i32
    %dma_start3A_315 = tpu.memref_slice %arg5[%dma_start3A_313, %dma_start3A_314] : memref<10112x128xf32, #tpu.memory_space<vmem_shared>> -> memref<10112x128xf32, #tpu.memory_space<vmem_shared>>
    tpu.enqueue_indirect_dma source(%arg15 : memref<64x128xf32, #tpu.memory_space<vmem>>) target(%dma_start3A_315 : memref<10112x128xf32, #tpu.memory_space<vmem_shared>>) offsets(%arg11 : memref<64xi32, #tpu.memory_space<vmem>>) semaphore(%arg23 : memref<!tpu.dma_semaphore, #tpu.memory_space<semaphore_mem>>) {add = true}
    %dma_wait3A_316 = arith.constant 0 : i32
    %dma_wait3A_317 = arith.constant 0 : i32
    %dma_wait3A_318 = tpu.memref_slice %arg2[%dma_wait3A_316, %dma_wait3A_317] : memref<10112x128xf32, #tpu.memory_space<hbm>> -> memref<10112x128xf32, #tpu.memory_space<hbm>>
    tpu.wait_indirect_dma semaphore(%arg20 : memref<!tpu.dma_semaphore, #tpu.memory_space<semaphore_mem>>) src(%dma_wait3A_318 : memref<10112x128xf32, #tpu.memory_space<hbm>>) dst(%arg16 : memref<64x128xf32, #tpu.memory_space<vmem>>)
    %dma_start3A_319 = arith.constant 0 : i32
    %dma_start3A_320 = arith.constant 0 : i32
    %dma_start3A_321 = tpu.memref_slice %arg5[%dma_start3A_319, %dma_start3A_320] : memref<10112x128xf32, #tpu.memory_space<vmem_shared>> -> memref<10112x128xf32, #tpu.memory_space<vmem_shared>>
    tpu.enqueue_indirect_dma source(%arg16 : memref<64x128xf32, #tpu.memory_space<vmem>>) target(%dma_start3A_321 : memref<10112x128xf32, #tpu.memory_space<vmem_shared>>) offsets(%arg12 : memref<64xi32, #tpu.memory_space<vmem>>) semaphore(%arg24 : memref<!tpu.dma_semaphore, #tpu.memory_space<semaphore_mem>>) {add = true}
    %dma_wait3A_322 = arith.constant 0 : i32
    %dma_wait3A_323 = arith.constant 0 : i32
    %dma_wait3A_324 = tpu.memref_slice %arg2[%dma_wait3A_322, %dma_wait3A_323] : memref<10112x128xf32, #tpu.memory_space<hbm>> -> memref<10112x128xf32, #tpu.memory_space<hbm>>
    tpu.wait_indirect_dma semaphore(%arg21 : memref<!tpu.dma_semaphore, #tpu.memory_space<semaphore_mem>>) src(%dma_wait3A_324 : memref<10112x128xf32, #tpu.memory_space<hbm>>) dst(%arg17 : memref<64x128xf32, #tpu.memory_space<vmem>>)
    %dma_start3A_325 = arith.constant 0 : i32
    %dma_start3A_326 = arith.constant 0 : i32
    %dma_start3A_327 = tpu.memref_slice %arg5[%dma_start3A_325, %dma_start3A_326] : memref<10112x128xf32, #tpu.memory_space<vmem_shared>> -> memref<10112x128xf32, #tpu.memory_space<vmem_shared>>
    tpu.enqueue_indirect_dma source(%arg17 : memref<64x128xf32, #tpu.memory_space<vmem>>) target(%dma_start3A_327 : memref<10112x128xf32, #tpu.memory_space<vmem_shared>>) offsets(%arg13 : memref<64xi32, #tpu.memory_space<vmem>>) semaphore(%arg25 : memref<!tpu.dma_semaphore, #tpu.memory_space<semaphore_mem>>) {add = true}
    %dma_wait3A_328 = arith.constant 0 : i32
    %dma_wait3A_329 = arith.constant 0 : i32
    %dma_wait3A_330 = tpu.memref_slice %arg2[%dma_wait3A_328, %dma_wait3A_329] : memref<10112x128xf32, #tpu.memory_space<hbm>> -> memref<10112x128xf32, #tpu.memory_space<hbm>>
    tpu.wait_indirect_dma semaphore(%arg22 : memref<!tpu.dma_semaphore, #tpu.memory_space<semaphore_mem>>) src(%dma_wait3A_330 : memref<10112x128xf32, #tpu.memory_space<hbm>>) dst(%arg18 : memref<64x128xf32, #tpu.memory_space<vmem>>)
    %dma_start3A_331 = arith.constant 0 : i32
    %dma_start3A_332 = arith.constant 0 : i32
    %dma_start3A_333 = tpu.memref_slice %arg5[%dma_start3A_331, %dma_start3A_332] : memref<10112x128xf32, #tpu.memory_space<vmem_shared>> -> memref<10112x128xf32, #tpu.memory_space<vmem_shared>>
    tpu.enqueue_indirect_dma source(%arg18 : memref<64x128xf32, #tpu.memory_space<vmem>>) target(%dma_start3A_333 : memref<10112x128xf32, #tpu.memory_space<vmem_shared>>) offsets(%arg14 : memref<64xi32, #tpu.memory_space<vmem>>) semaphore(%arg26 : memref<!tpu.dma_semaphore, #tpu.memory_space<semaphore_mem>>) {add = true}
    %dma_wait3A_334 = arith.constant 0 : i32
    %dma_wait3A_335 = arith.constant 0 : i32
    %dma_wait3A_336 = tpu.memref_slice %arg5[%dma_wait3A_334, %dma_wait3A_335] : memref<10112x128xf32, #tpu.memory_space<vmem_shared>> -> memref<10112x128xf32, #tpu.memory_space<vmem_shared>>
    tpu.wait_indirect_dma semaphore(%arg23 : memref<!tpu.dma_semaphore, #tpu.memory_space<semaphore_mem>>) src(%arg15 : memref<64x128xf32, #tpu.memory_space<vmem>>) dst(%dma_wait3A_336 : memref<10112x128xf32, #tpu.memory_space<vmem_shared>>)
    %dma_wait3A_337 = arith.constant 0 : i32
    %dma_wait3A_338 = arith.constant 0 : i32
    %dma_wait3A_339 = tpu.memref_slice %arg5[%dma_wait3A_337, %dma_wait3A_338] : memref<10112x128xf32, #tpu.memory_space<vmem_shared>> -> memref<10112x128xf32, #tpu.memory_space<vmem_shared>>
    tpu.wait_indirect_dma semaphore(%arg24 : memref<!tpu.dma_semaphore, #tpu.memory_space<semaphore_mem>>) src(%arg16 : memref<64x128xf32, #tpu.memory_space<vmem>>) dst(%dma_wait3A_339 : memref<10112x128xf32, #tpu.memory_space<vmem_shared>>)
    %dma_wait3A_340 = arith.constant 0 : i32
    %dma_wait3A_341 = arith.constant 0 : i32
    %dma_wait3A_342 = tpu.memref_slice %arg5[%dma_wait3A_340, %dma_wait3A_341] : memref<10112x128xf32, #tpu.memory_space<vmem_shared>> -> memref<10112x128xf32, #tpu.memory_space<vmem_shared>>
    tpu.wait_indirect_dma semaphore(%arg25 : memref<!tpu.dma_semaphore, #tpu.memory_space<semaphore_mem>>) src(%arg17 : memref<64x128xf32, #tpu.memory_space<vmem>>) dst(%dma_wait3A_342 : memref<10112x128xf32, #tpu.memory_space<vmem_shared>>)
    %dma_wait3A_343 = arith.constant 0 : i32
    %dma_wait3A_344 = arith.constant 0 : i32
    %dma_wait3A_345 = tpu.memref_slice %arg5[%dma_wait3A_343, %dma_wait3A_344] : memref<10112x128xf32, #tpu.memory_space<vmem_shared>> -> memref<10112x128xf32, #tpu.memory_space<vmem_shared>>
    tpu.wait_indirect_dma semaphore(%arg26 : memref<!tpu.dma_semaphore, #tpu.memory_space<semaphore_mem>>) src(%arg18 : memref<64x128xf32, #tpu.memory_space<vmem>>) dst(%dma_wait3A_345 : memref<10112x128xf32, #tpu.memory_space<vmem_shared>>)
    %barrier3A_346 = arith.constant 0 : index
    tpu.barrier barrier_id(%barrier3A_346)
    %add3A_347 = arith.constant 0 : i32
    %add3A_348 = arith.addi %mul3A_5, %add3A_347 : i32
    "tpu.region"() ({
      %run_scoped3A = tpu.sem_alloc : memref<!tpu.dma_semaphore, #tpu.memory_space<semaphore_mem>>
      %dma_start3A_369 = arith.constant 0 : i32
      %dma_start3A_370 = tpu.memref_slice %arg4[%arg0, %add3A_348, %dma_start3A_369] : memref<2x10112x128xf32, #tpu.memory_space<hbm>> -> memref<1x64x128xf32, #tpu.memory_space<hbm>>
      %dma_start3A_371 = tpu.memref_squeeze %dma_start3A_370 : memref<1x64x128xf32, #tpu.memory_space<hbm>> -> memref<64x128xf32, #tpu.memory_space<hbm>>
      %dma_start3A_372 = arith.constant 0 : i32
      %dma_start3A_373 = tpu.memref_slice %arg5[%add3A_348, %dma_start3A_372] : memref<10112x128xf32, #tpu.memory_space<vmem_shared>> -> memref<64x128xf32, #tpu.memory_space<vmem_shared>>
      tpu.enqueue_dma source(%dma_start3A_373 : memref<64x128xf32, #tpu.memory_space<vmem_shared>>) target(%dma_start3A_371 : memref<64x128xf32, #tpu.memory_space<hbm>>) target_semaphore(%run_scoped3A : memref<!tpu.dma_semaphore, #tpu.memory_space<semaphore_mem>>)
      %dma_wait3A_374 = arith.constant 0 : i32
      %dma_wait3A_375 = tpu.memref_slice %arg4[%arg0, %add3A_348, %dma_wait3A_374] : memref<2x10112x128xf32, #tpu.memory_space<hbm>> -> memref<1x64x128xf32, #tpu.memory_space<hbm>>
      %dma_wait3A_376 = tpu.memref_squeeze %dma_wait3A_375 : memref<1x64x128xf32, #tpu.memory_space<hbm>> -> memref<64x128xf32, #tpu.memory_space<hbm>>
      %dma_wait3A_377 = arith.constant 0 : i32
      %dma_wait3A_378 = tpu.memref_slice %arg5[%add3A_348, %dma_wait3A_377] : memref<10112x128xf32, #tpu.memory_space<vmem_shared>> -> memref<64x128xf32, #tpu.memory_space<vmem_shared>>
      tpu.wait_dma2 semaphore(%run_scoped3A : memref<!tpu.dma_semaphore, #tpu.memory_space<semaphore_mem>>) src(%dma_wait3A_378 : memref<64x128xf32, #tpu.memory_space<vmem_shared>>) dst(%dma_wait3A_376 : memref<64x128xf32, #tpu.memory_space<hbm>>)
      tpu.yield
    }) : () -> ()
    %add3A_349 = arith.constant 64 : i32
    %add3A_350 = arith.addi %mul3A_5, %add3A_349 : i32
    "tpu.region"() ({
      %run_scoped3A = tpu.sem_alloc : memref<!tpu.dma_semaphore, #tpu.memory_space<semaphore_mem>>
      %dma_start3A_369 = arith.constant 0 : i32
      %dma_start3A_370 = tpu.memref_slice %arg4[%arg0, %add3A_350, %dma_start3A_369] : memref<2x10112x128xf32, #tpu.memory_space<hbm>> -> memref<1x64x128xf32, #tpu.memory_space<hbm>>
      %dma_start3A_371 = tpu.memref_squeeze %dma_start3A_370 : memref<1x64x128xf32, #tpu.memory_space<hbm>> -> memref<64x128xf32, #tpu.memory_space<hbm>>
      %dma_start3A_372 = arith.constant 0 : i32
      %dma_start3A_373 = tpu.memref_slice %arg5[%add3A_350, %dma_start3A_372] : memref<10112x128xf32, #tpu.memory_space<vmem_shared>> -> memref<64x128xf32, #tpu.memory_space<vmem_shared>>
      tpu.enqueue_dma source(%dma_start3A_373 : memref<64x128xf32, #tpu.memory_space<vmem_shared>>) target(%dma_start3A_371 : memref<64x128xf32, #tpu.memory_space<hbm>>) target_semaphore(%run_scoped3A : memref<!tpu.dma_semaphore, #tpu.memory_space<semaphore_mem>>)
      %dma_wait3A_374 = arith.constant 0 : i32
      %dma_wait3A_375 = tpu.memref_slice %arg4[%arg0, %add3A_350, %dma_wait3A_374] : memref<2x10112x128xf32, #tpu.memory_space<hbm>> -> memref<1x64x128xf32, #tpu.memory_space<hbm>>
      %dma_wait3A_376 = tpu.memref_squeeze %dma_wait3A_375 : memref<1x64x128xf32, #tpu.memory_space<hbm>> -> memref<64x128xf32, #tpu.memory_space<hbm>>
      %dma_wait3A_377 = arith.constant 0 : i32
      %dma_wait3A_378 = tpu.memref_slice %arg5[%add3A_350, %dma_wait3A_377] : memref<10112x128xf32, #tpu.memory_space<vmem_shared>> -> memref<64x128xf32, #tpu.memory_space<vmem_shared>>
      tpu.wait_dma2 semaphore(%run_scoped3A : memref<!tpu.dma_semaphore, #tpu.memory_space<semaphore_mem>>) src(%dma_wait3A_378 : memref<64x128xf32, #tpu.memory_space<vmem_shared>>) dst(%dma_wait3A_376 : memref<64x128xf32, #tpu.memory_space<hbm>>)
      tpu.yield
    }) : () -> ()
    %add3A_351 = arith.constant 128 : i32
    %add3A_352 = arith.addi %mul3A_5, %add3A_351 : i32
    "tpu.region"() ({
      %run_scoped3A = tpu.sem_alloc : memref<!tpu.dma_semaphore, #tpu.memory_space<semaphore_mem>>
      %dma_start3A_369 = arith.constant 0 : i32
      %dma_start3A_370 = tpu.memref_slice %arg4[%arg0, %add3A_352, %dma_start3A_369] : memref<2x10112x128xf32, #tpu.memory_space<hbm>> -> memref<1x64x128xf32, #tpu.memory_space<hbm>>
      %dma_start3A_371 = tpu.memref_squeeze %dma_start3A_370 : memref<1x64x128xf32, #tpu.memory_space<hbm>> -> memref<64x128xf32, #tpu.memory_space<hbm>>
      %dma_start3A_372 = arith.constant 0 : i32
      %dma_start3A_373 = tpu.memref_slice %arg5[%add3A_352, %dma_start3A_372] : memref<10112x128xf32, #tpu.memory_space<vmem_shared>> -> memref<64x128xf32, #tpu.memory_space<vmem_shared>>
      tpu.enqueue_dma source(%dma_start3A_373 : memref<64x128xf32, #tpu.memory_space<vmem_shared>>) target(%dma_start3A_371 : memref<64x128xf32, #tpu.memory_space<hbm>>) target_semaphore(%run_scoped3A : memref<!tpu.dma_semaphore, #tpu.memory_space<semaphore_mem>>)
      %dma_wait3A_374 = arith.constant 0 : i32
      %dma_wait3A_375 = tpu.memref_slice %arg4[%arg0, %add3A_352, %dma_wait3A_374] : memref<2x10112x128xf32, #tpu.memory_space<hbm>> -> memref<1x64x128xf32, #tpu.memory_space<hbm>>
      %dma_wait3A_376 = tpu.memref_squeeze %dma_wait3A_375 : memref<1x64x128xf32, #tpu.memory_space<hbm>> -> memref<64x128xf32, #tpu.memory_space<hbm>>
      %dma_wait3A_377 = arith.constant 0 : i32
      %dma_wait3A_378 = tpu.memref_slice %arg5[%add3A_352, %dma_wait3A_377] : memref<10112x128xf32, #tpu.memory_space<vmem_shared>> -> memref<64x128xf32, #tpu.memory_space<vmem_shared>>
      tpu.wait_dma2 semaphore(%run_scoped3A : memref<!tpu.dma_semaphore, #tpu.memory_space<semaphore_mem>>) src(%dma_wait3A_378 : memref<64x128xf32, #tpu.memory_space<vmem_shared>>) dst(%dma_wait3A_376 : memref<64x128xf32, #tpu.memory_space<hbm>>)
      tpu.yield
    }) : () -> ()
    %add3A_353 = arith.constant 192 : i32
    %add3A_354 = arith.addi %mul3A_5, %add3A_353 : i32
    "tpu.region"() ({
      %run_scoped3A = tpu.sem_alloc : memref<!tpu.dma_semaphore, #tpu.memory_space<semaphore_mem>>
      %dma_start3A_369 = arith.constant 0 : i32
      %dma_start3A_370 = tpu.memref_slice %arg4[%arg0, %add3A_354, %dma_start3A_369] : memref<2x10112x128xf32, #tpu.memory_space<hbm>> -> memref<1x64x128xf32, #tpu.memory_space<hbm>>
      %dma_start3A_371 = tpu.memref_squeeze %dma_start3A_370 : memref<1x64x128xf32, #tpu.memory_space<hbm>> -> memref<64x128xf32, #tpu.memory_space<hbm>>
      %dma_start3A_372 = arith.constant 0 : i32
      %dma_start3A_373 = tpu.memref_slice %arg5[%add3A_354, %dma_start3A_372] : memref<10112x128xf32, #tpu.memory_space<vmem_shared>> -> memref<64x128xf32, #tpu.memory_space<vmem_shared>>
      tpu.enqueue_dma source(%dma_start3A_373 : memref<64x128xf32, #tpu.memory_space<vmem_shared>>) target(%dma_start3A_371 : memref<64x128xf32, #tpu.memory_space<hbm>>) target_semaphore(%run_scoped3A : memref<!tpu.dma_semaphore, #tpu.memory_space<semaphore_mem>>)
      %dma_wait3A_374 = arith.constant 0 : i32
      %dma_wait3A_375 = tpu.memref_slice %arg4[%arg0, %add3A_354, %dma_wait3A_374] : memref<2x10112x128xf32, #tpu.memory_space<hbm>> -> memref<1x64x128xf32, #tpu.memory_space<hbm>>
      %dma_wait3A_376 = tpu.memref_squeeze %dma_wait3A_375 : memref<1x64x128xf32, #tpu.memory_space<hbm>> -> memref<64x128xf32, #tpu.memory_space<hbm>>
      %dma_wait3A_377 = arith.constant 0 : i32
      %dma_wait3A_378 = tpu.memref_slice %arg5[%add3A_354, %dma_wait3A_377] : memref<10112x128xf32, #tpu.memory_space<vmem_shared>> -> memref<64x128xf32, #tpu.memory_space<vmem_shared>>
      tpu.wait_dma2 semaphore(%run_scoped3A : memref<!tpu.dma_semaphore, #tpu.memory_space<semaphore_mem>>) src(%dma_wait3A_378 : memref<64x128xf32, #tpu.memory_space<vmem_shared>>) dst(%dma_wait3A_376 : memref<64x128xf32, #tpu.memory_space<hbm>>)
      tpu.yield
    }) : () -> ()
    %add3A_355 = arith.constant 256 : i32
    %add3A_356 = arith.addi %mul3A_5, %add3A_355 : i32
    "tpu.region"() ({
      %run_scoped3A = tpu.sem_alloc : memref<!tpu.dma_semaphore, #tpu.memory_space<semaphore_mem>>
      %dma_start3A_369 = arith.constant 0 : i32
      %dma_start3A_370 = tpu.memref_slice %arg4[%arg0, %add3A_356, %dma_start3A_369] : memref<2x10112x128xf32, #tpu.memory_space<hbm>> -> memref<1x64x128xf32, #tpu.memory_space<hbm>>
      %dma_start3A_371 = tpu.memref_squeeze %dma_start3A_370 : memref<1x64x128xf32, #tpu.memory_space<hbm>> -> memref<64x128xf32, #tpu.memory_space<hbm>>
      %dma_start3A_372 = arith.constant 0 : i32
      %dma_start3A_373 = tpu.memref_slice %arg5[%add3A_356, %dma_start3A_372] : memref<10112x128xf32, #tpu.memory_space<vmem_shared>> -> memref<64x128xf32, #tpu.memory_space<vmem_shared>>
      tpu.enqueue_dma source(%dma_start3A_373 : memref<64x128xf32, #tpu.memory_space<vmem_shared>>) target(%dma_start3A_371 : memref<64x128xf32, #tpu.memory_space<hbm>>) target_semaphore(%run_scoped3A : memref<!tpu.dma_semaphore, #tpu.memory_space<semaphore_mem>>)
      %dma_wait3A_374 = arith.constant 0 : i32
      %dma_wait3A_375 = tpu.memref_slice %arg4[%arg0, %add3A_356, %dma_wait3A_374] : memref<2x10112x128xf32, #tpu.memory_space<hbm>> -> memref<1x64x128xf32, #tpu.memory_space<hbm>>
      %dma_wait3A_376 = tpu.memref_squeeze %dma_wait3A_375 : memref<1x64x128xf32, #tpu.memory_space<hbm>> -> memref<64x128xf32, #tpu.memory_space<hbm>>
      %dma_wait3A_377 = arith.constant 0 : i32
      %dma_wait3A_378 = tpu.memref_slice %arg5[%add3A_356, %dma_wait3A_377] : memref<10112x128xf32, #tpu.memory_space<vmem_shared>> -> memref<64x128xf32, #tpu.memory_space<vmem_shared>>
      tpu.wait_dma2 semaphore(%run_scoped3A : memref<!tpu.dma_semaphore, #tpu.memory_space<semaphore_mem>>) src(%dma_wait3A_378 : memref<64x128xf32, #tpu.memory_space<vmem_shared>>) dst(%dma_wait3A_376 : memref<64x128xf32, #tpu.memory_space<hbm>>)
      tpu.yield
    }) : () -> ()
    %add3A_357 = arith.constant 320 : i32
    %add3A_358 = arith.addi %mul3A_5, %add3A_357 : i32
    "tpu.region"() ({
      %run_scoped3A = tpu.sem_alloc : memref<!tpu.dma_semaphore, #tpu.memory_space<semaphore_mem>>
      %dma_start3A_369 = arith.constant 0 : i32
      %dma_start3A_370 = tpu.memref_slice %arg4[%arg0, %add3A_358, %dma_start3A_369] : memref<2x10112x128xf32, #tpu.memory_space<hbm>> -> memref<1x64x128xf32, #tpu.memory_space<hbm>>
      %dma_start3A_371 = tpu.memref_squeeze %dma_start3A_370 : memref<1x64x128xf32, #tpu.memory_space<hbm>> -> memref<64x128xf32, #tpu.memory_space<hbm>>
      %dma_start3A_372 = arith.constant 0 : i32
      %dma_start3A_373 = tpu.memref_slice %arg5[%add3A_358, %dma_start3A_372] : memref<10112x128xf32, #tpu.memory_space<vmem_shared>> -> memref<64x128xf32, #tpu.memory_space<vmem_shared>>
      tpu.enqueue_dma source(%dma_start3A_373 : memref<64x128xf32, #tpu.memory_space<vmem_shared>>) target(%dma_start3A_371 : memref<64x128xf32, #tpu.memory_space<hbm>>) target_semaphore(%run_scoped3A : memref<!tpu.dma_semaphore, #tpu.memory_space<semaphore_mem>>)
      %dma_wait3A_374 = arith.constant 0 : i32
      %dma_wait3A_375 = tpu.memref_slice %arg4[%arg0, %add3A_358, %dma_wait3A_374] : memref<2x10112x128xf32, #tpu.memory_space<hbm>> -> memref<1x64x128xf32, #tpu.memory_space<hbm>>
      %dma_wait3A_376 = tpu.memref_squeeze %dma_wait3A_375 : memref<1x64x128xf32, #tpu.memory_space<hbm>> -> memref<64x128xf32, #tpu.memory_space<hbm>>
      %dma_wait3A_377 = arith.constant 0 : i32
      %dma_wait3A_378 = tpu.memref_slice %arg5[%add3A_358, %dma_wait3A_377] : memref<10112x128xf32, #tpu.memory_space<vmem_shared>> -> memref<64x128xf32, #tpu.memory_space<vmem_shared>>
      tpu.wait_dma2 semaphore(%run_scoped3A : memref<!tpu.dma_semaphore, #tpu.memory_space<semaphore_mem>>) src(%dma_wait3A_378 : memref<64x128xf32, #tpu.memory_space<vmem_shared>>) dst(%dma_wait3A_376 : memref<64x128xf32, #tpu.memory_space<hbm>>)
      tpu.yield
    }) : () -> ()
    %add3A_359 = arith.constant 384 : i32
    %add3A_360 = arith.addi %mul3A_5, %add3A_359 : i32
    "tpu.region"() ({
      %run_scoped3A = tpu.sem_alloc : memref<!tpu.dma_semaphore, #tpu.memory_space<semaphore_mem>>
      %dma_start3A_369 = arith.constant 0 : i32
      %dma_start3A_370 = tpu.memref_slice %arg4[%arg0, %add3A_360, %dma_start3A_369] : memref<2x10112x128xf32, #tpu.memory_space<hbm>> -> memref<1x64x128xf32, #tpu.memory_space<hbm>>
      %dma_start3A_371 = tpu.memref_squeeze %dma_start3A_370 : memref<1x64x128xf32, #tpu.memory_space<hbm>> -> memref<64x128xf32, #tpu.memory_space<hbm>>
      %dma_start3A_372 = arith.constant 0 : i32
      %dma_start3A_373 = tpu.memref_slice %arg5[%add3A_360, %dma_start3A_372] : memref<10112x128xf32, #tpu.memory_space<vmem_shared>> -> memref<64x128xf32, #tpu.memory_space<vmem_shared>>
      tpu.enqueue_dma source(%dma_start3A_373 : memref<64x128xf32, #tpu.memory_space<vmem_shared>>) target(%dma_start3A_371 : memref<64x128xf32, #tpu.memory_space<hbm>>) target_semaphore(%run_scoped3A : memref<!tpu.dma_semaphore, #tpu.memory_space<semaphore_mem>>)
      %dma_wait3A_374 = arith.constant 0 : i32
      %dma_wait3A_375 = tpu.memref_slice %arg4[%arg0, %add3A_360, %dma_wait3A_374] : memref<2x10112x128xf32, #tpu.memory_space<hbm>> -> memref<1x64x128xf32, #tpu.memory_space<hbm>>
      %dma_wait3A_376 = tpu.memref_squeeze %dma_wait3A_375 : memref<1x64x128xf32, #tpu.memory_space<hbm>> -> memref<64x128xf32, #tpu.memory_space<hbm>>
      %dma_wait3A_377 = arith.constant 0 : i32
      %dma_wait3A_378 = tpu.memref_slice %arg5[%add3A_360, %dma_wait3A_377] : memref<10112x128xf32, #tpu.memory_space<vmem_shared>> -> memref<64x128xf32, #tpu.memory_space<vmem_shared>>
      tpu.wait_dma2 semaphore(%run_scoped3A : memref<!tpu.dma_semaphore, #tpu.memory_space<semaphore_mem>>) src(%dma_wait3A_378 : memref<64x128xf32, #tpu.memory_space<vmem_shared>>) dst(%dma_wait3A_376 : memref<64x128xf32, #tpu.memory_space<hbm>>)
      tpu.yield
    }) : () -> ()
    %add3A_361 = arith.constant 448 : i32
    %add3A_362 = arith.addi %mul3A_5, %add3A_361 : i32
    "tpu.region"() ({
      %run_scoped3A = tpu.sem_alloc : memref<!tpu.dma_semaphore, #tpu.memory_space<semaphore_mem>>
      %dma_start3A_369 = arith.constant 0 : i32
      %dma_start3A_370 = tpu.memref_slice %arg4[%arg0, %add3A_362, %dma_start3A_369] : memref<2x10112x128xf32, #tpu.memory_space<hbm>> -> memref<1x64x128xf32, #tpu.memory_space<hbm>>
      %dma_start3A_371 = tpu.memref_squeeze %dma_start3A_370 : memref<1x64x128xf32, #tpu.memory_space<hbm>> -> memref<64x128xf32, #tpu.memory_space<hbm>>
      %dma_start3A_372 = arith.constant 0 : i32
      %dma_start3A_373 = tpu.memref_slice %arg5[%add3A_362, %dma_start3A_372] : memref<10112x128xf32, #tpu.memory_space<vmem_shared>> -> memref<64x128xf32, #tpu.memory_space<vmem_shared>>
      tpu.enqueue_dma source(%dma_start3A_373 : memref<64x128xf32, #tpu.memory_space<vmem_shared>>) target(%dma_start3A_371 : memref<64x128xf32, #tpu.memory_space<hbm>>) target_semaphore(%run_scoped3A : memref<!tpu.dma_semaphore, #tpu.memory_space<semaphore_mem>>)
      %dma_wait3A_374 = arith.constant 0 : i32
      %dma_wait3A_375 = tpu.memref_slice %arg4[%arg0, %add3A_362, %dma_wait3A_374] : memref<2x10112x128xf32, #tpu.memory_space<hbm>> -> memref<1x64x128xf32, #tpu.memory_space<hbm>>
      %dma_wait3A_376 = tpu.memref_squeeze %dma_wait3A_375 : memref<1x64x128xf32, #tpu.memory_space<hbm>> -> memref<64x128xf32, #tpu.memory_space<hbm>>
      %dma_wait3A_377 = arith.constant 0 : i32
      %dma_wait3A_378 = tpu.memref_slice %arg5[%add3A_362, %dma_wait3A_377] : memref<10112x128xf32, #tpu.memory_space<vmem_shared>> -> memref<64x128xf32, #tpu.memory_space<vmem_shared>>
      tpu.wait_dma2 semaphore(%run_scoped3A : memref<!tpu.dma_semaphore, #tpu.memory_space<semaphore_mem>>) src(%dma_wait3A_378 : memref<64x128xf32, #tpu.memory_space<vmem_shared>>) dst(%dma_wait3A_376 : memref<64x128xf32, #tpu.memory_space<hbm>>)
      tpu.yield
    }) : () -> ()
    %add3A_363 = arith.constant 512 : i32
    %add3A_364 = arith.addi %mul3A_5, %add3A_363 : i32
    "tpu.region"() ({
      %run_scoped3A = tpu.sem_alloc : memref<!tpu.dma_semaphore, #tpu.memory_space<semaphore_mem>>
      %dma_start3A_369 = arith.constant 0 : i32
      %dma_start3A_370 = tpu.memref_slice %arg4[%arg0, %add3A_364, %dma_start3A_369] : memref<2x10112x128xf32, #tpu.memory_space<hbm>> -> memref<1x64x128xf32, #tpu.memory_space<hbm>>
      %dma_start3A_371 = tpu.memref_squeeze %dma_start3A_370 : memref<1x64x128xf32, #tpu.memory_space<hbm>> -> memref<64x128xf32, #tpu.memory_space<hbm>>
      %dma_start3A_372 = arith.constant 0 : i32
      %dma_start3A_373 = tpu.memref_slice %arg5[%add3A_364, %dma_start3A_372] : memref<10112x128xf32, #tpu.memory_space<vmem_shared>> -> memref<64x128xf32, #tpu.memory_space<vmem_shared>>
      tpu.enqueue_dma source(%dma_start3A_373 : memref<64x128xf32, #tpu.memory_space<vmem_shared>>) target(%dma_start3A_371 : memref<64x128xf32, #tpu.memory_space<hbm>>) target_semaphore(%run_scoped3A : memref<!tpu.dma_semaphore, #tpu.memory_space<semaphore_mem>>)
      %dma_wait3A_374 = arith.constant 0 : i32
      %dma_wait3A_375 = tpu.memref_slice %arg4[%arg0, %add3A_364, %dma_wait3A_374] : memref<2x10112x128xf32, #tpu.memory_space<hbm>> -> memref<1x64x128xf32, #tpu.memory_space<hbm>>
      %dma_wait3A_376 = tpu.memref_squeeze %dma_wait3A_375 : memref<1x64x128xf32, #tpu.memory_space<hbm>> -> memref<64x128xf32, #tpu.memory_space<hbm>>
      %dma_wait3A_377 = arith.constant 0 : i32
      %dma_wait3A_378 = tpu.memref_slice %arg5[%add3A_364, %dma_wait3A_377] : memref<10112x128xf32, #tpu.memory_space<vmem_shared>> -> memref<64x128xf32, #tpu.memory_space<vmem_shared>>
      tpu.wait_dma2 semaphore(%run_scoped3A : memref<!tpu.dma_semaphore, #tpu.memory_space<semaphore_mem>>) src(%dma_wait3A_378 : memref<64x128xf32, #tpu.memory_space<vmem_shared>>) dst(%dma_wait3A_376 : memref<64x128xf32, #tpu.memory_space<hbm>>)
      tpu.yield
    }) : () -> ()
    %add3A_365 = arith.constant 632 : i32
    %add3A_366 = arith.addi %mul3A_5, %add3A_365 : i32
    %sub3A_367 = arith.constant 56 : i32
    %sub3A_368 = arith.subi %add3A_366, %sub3A_367 : i32
    "tpu.region"() ({
      %run_scoped3A = tpu.sem_alloc : memref<!tpu.dma_semaphore, #tpu.memory_space<semaphore_mem>>
      %dma_start3A_369 = arith.constant 0 : i32
      %dma_start3A_370 = tpu.memref_slice %arg4[%arg0, %sub3A_368, %dma_start3A_369] : memref<2x10112x128xf32, #tpu.memory_space<hbm>> -> memref<1x56x128xf32, #tpu.memory_space<hbm>>
      %dma_start3A_371 = tpu.memref_squeeze %dma_start3A_370 : memref<1x56x128xf32, #tpu.memory_space<hbm>> -> memref<56x128xf32, #tpu.memory_space<hbm>>
      %dma_start3A_372 = arith.constant 0 : i32
      %dma_start3A_373 = tpu.memref_slice %arg5[%sub3A_368, %dma_start3A_372] : memref<10112x128xf32, #tpu.memory_space<vmem_shared>> -> memref<56x128xf32, #tpu.memory_space<vmem_shared>>
      tpu.enqueue_dma source(%dma_start3A_373 : memref<56x128xf32, #tpu.memory_space<vmem_shared>>) target(%dma_start3A_371 : memref<56x128xf32, #tpu.memory_space<hbm>>) target_semaphore(%run_scoped3A : memref<!tpu.dma_semaphore, #tpu.memory_space<semaphore_mem>>)
      %dma_wait3A_374 = arith.constant 0 : i32
      %dma_wait3A_375 = tpu.memref_slice %arg4[%arg0, %sub3A_368, %dma_wait3A_374] : memref<2x10112x128xf32, #tpu.memory_space<hbm>> -> memref<1x56x128xf32, #tpu.memory_space<hbm>>
      %dma_wait3A_376 = tpu.memref_squeeze %dma_wait3A_375 : memref<1x56x128xf32, #tpu.memory_space<hbm>> -> memref<56x128xf32, #tpu.memory_space<hbm>>
      %dma_wait3A_377 = arith.constant 0 : i32
      %dma_wait3A_378 = tpu.memref_slice %arg5[%sub3A_368, %dma_wait3A_377] : memref<10112x128xf32, #tpu.memory_space<vmem_shared>> -> memref<56x128xf32, #tpu.memory_space<vmem_shared>>
      tpu.wait_dma2 semaphore(%run_scoped3A : memref<!tpu.dma_semaphore, #tpu.memory_space<semaphore_mem>>) src(%dma_wait3A_378 : memref<56x128xf32, #tpu.memory_space<vmem_shared>>) dst(%dma_wait3A_376 : memref<56x128xf32, #tpu.memory_space<hbm>>)
      tpu.yield
    }) : () -> ()
    return
  }
}

#map = affine_map<(d0, d1) -> (0, 0)>
#map1 = affine_map<(d0, d1) -> (0, 0, 0)>
module attributes {stable_mosaic.version = 14 : i64} {
  func.func @_scatter_body(%arg0: i32, %arg1: i32, %arg2: memref<10112x128xf32, #tpu.memory_space<hbm>>, %arg3: memref<2x16x10240xi32, #tpu.memory_space<hbm>>, %arg4: memref<2x10112x128xf32, #tpu.memory_space<hbm>>, %arg5: memref<10112x128xf32, #tpu.memory_space<vmem_shared>>, %arg6: memref<10240xi32, #tpu.memory_space<vmem>>, %arg7: memref<64xi32, #tpu.memory_space<vmem>>, %arg8: memref<64xi32, #tpu.memory_space<vmem>>, %arg9: memref<64xi32, #tpu.memory_space<vmem>>, %arg10: memref<64xi32, #tpu.memory_space<vmem>>, %arg11: memref<64xi32, #tpu.memory_space<vmem>>, %arg12: memref<64xi32, #tpu.memory_space<vmem>>, %arg13: memref<64xi32, #tpu.memory_space<vmem>>, %arg14: memref<64xi32, #tpu.memory_space<vmem>>, %arg15: memref<64x128xf32, #tpu.memory_space<vmem>>, %arg16: memref<64x128xf32, #tpu.memory_space<vmem>>, %arg17: memref<64x128xf32, #tpu.memory_space<vmem>>, %arg18: memref<64x128xf32, #tpu.memory_space<vmem>>, %arg19: memref<!tpu.dma_semaphore, #tpu.memory_space<semaphore_mem>>, %arg20: memref<!tpu.dma_semaphore, #tpu.memory_space<semaphore_mem>>, %arg21: memref<!tpu.dma_semaphore, #tpu.memory_space<semaphore_mem>>, %arg22: memref<!tpu.dma_semaphore, #tpu.memory_space<semaphore_mem>>, %arg23: memref<!tpu.dma_semaphore, #tpu.memory_space<semaphore_mem>>, %arg24: memref<!tpu.dma_semaphore, #tpu.memory_space<semaphore_mem>>, %arg25: memref<!tpu.dma_semaphore, #tpu.memory_space<semaphore_mem>>, %arg26: memref<!tpu.dma_semaphore, #tpu.memory_space<semaphore_mem>>) attributes {dimension_semantics = [#tpu.dimension_semantics<core_parallel>, #tpu.dimension_semantics<subcore_parallel>], iteration_bounds = array<i64: 2, 16>, scalar_prefetch = 0 : i64, scratch_operands = 22 : i64, tpu.core_type = #tpu.core_type<sc_vector_subcore>, window_params = [{transform_indices = #map}, {transform_indices = #map1}, {transform_indices = #map1}]} {
    %scan3A = arith.constant 0 : i32
    %scan3A_0 = arith.constant 0 : i32
    %scan3A_1 = arith.constant 64 : i32
    %scan3A_2 = arith.addi %scan3A_0, %scan3A_1 : i32
    %scan3A_3 = arith.constant 1 : i32
    scf.for %scan3A_369 = %scan3A_0 to %scan3A_2 step %scan3A_3  : i32 {
      %broadcast_in_dim3A = arith.constant 0.000000e+00 : f32
      %broadcast_in_dim3A_370 = vector.broadcast %broadcast_in_dim3A : f32 to vector<16xf32>
      %swap3A_371 = arith.index_cast %scan3A_369 : i32 to index
      %swap3A_372 = arith.constant 0 : index
      %swap3A_373 = tpu.vector_load %arg15[%swap3A_371, %swap3A_372] {strides = array<i32>} : memref<64x128xf32, #tpu.memory_space<vmem>>, vector<1x16xf32>,
      %swap3A_374 = vector.shape_cast %swap3A_373 : vector<1x16xf32> to vector<16xf32>
      %swap3A_375 = vector.shape_cast %broadcast_in_dim3A_370 : vector<16xf32> to vector<1x16xf32>
      tpu.vector_store %arg15[%swap3A_371, %swap3A_372], %swap3A_375 {strides = array<i32>} : memref<64x128xf32, #tpu.memory_space<vmem>>, vector<1x16xf32>,
      %broadcast_in_dim3A_376 = arith.constant 0.000000e+00 : f32
      %broadcast_in_dim3A_377 = vector.broadcast %broadcast_in_dim3A_376 : f32 to vector<16xf32>
      %swap3A_378 = arith.index_cast %scan3A_369 : i32 to index
      %swap3A_379 = arith.constant 16 : index
      %swap3A_380 = tpu.vector_load %arg15[%swap3A_378, %swap3A_379] {strides = array<i32>} : memref<64x128xf32, #tpu.memory_space<vmem>>, vector<1x16xf32>,
      %swap3A_381 = vector.shape_cast %swap3A_380 : vector<1x16xf32> to vector<16xf32>
      %swap3A_382 = vector.shape_cast %broadcast_in_dim3A_377 : vector<16xf32> to vector<1x16xf32>
      tpu.vector_store %arg15[%swap3A_378, %swap3A_379], %swap3A_382 {strides = array<i32>} : memref<64x128xf32, #tpu.memory_space<vmem>>, vector<1x16xf32>,
      %broadcast_in_dim3A_383 = arith.constant 0.000000e+00 : f32
      %broadcast_in_dim3A_384 = vector.broadcast %broadcast_in_dim3A_383 : f32 to vector<16xf32>
      %swap3A_385 = arith.index_cast %scan3A_369 : i32 to index
      %swap3A_386 = arith.constant 32 : index
      %swap3A_387 = tpu.vector_load %arg15[%swap3A_385, %swap3A_386] {strides = array<i32>} : memref<64x128xf32, #tpu.memory_space<vmem>>, vector<1x16xf32>,
      %swap3A_388 = vector.shape_cast %swap3A_387 : vector<1x16xf32> to vector<16xf32>
      %swap3A_389 = vector.shape_cast %broadcast_in_dim3A_384 : vector<16xf32> to vector<1x16xf32>
      tpu.vector_store %arg15[%swap3A_385, %swap3A_386], %swap3A_389 {strides = array<i32>} : memref<64x128xf32, #tpu.memory_space<vmem>>, vector<1x16xf32>,
      %broadcast_in_dim3A_390 = arith.constant 0.000000e+00 : f32
      %broadcast_in_dim3A_391 = vector.broadcast %broadcast_in_dim3A_390 : f32 to vector<16xf32>
      %swap3A_392 = arith.index_cast %scan3A_369 : i32 to index
      %swap3A_393 = arith.constant 48 : index
      %swap3A_394 = tpu.vector_load %arg15[%swap3A_392, %swap3A_393] {strides = array<i32>} : memref<64x128xf32, #tpu.memory_space<vmem>>, vector<1x16xf32>,
      %swap3A_395 = vector.shape_cast %swap3A_394 : vector<1x16xf32> to vector<16xf32>
      %swap3A_396 = vector.shape_cast %broadcast_in_dim3A_391 : vector<16xf32> to vector<1x16xf32>
      tpu.vector_store %arg15[%swap3A_392, %swap3A_393], %swap3A_396 {strides = array<i32>} : memref<64x128xf32, #tpu.memory_space<vmem>>, vector<1x16xf32>,
      %broadcast_in_dim3A_397 = arith.constant 0.000000e+00 : f32
      %broadcast_in_dim3A_398 = vector.broadcast %broadcast_in_dim3A_397 : f32 to vector<16xf32>
      %swap3A_399 = arith.index_cast %scan3A_369 : i32 to index
      %swap3A_400 = arith.constant 64 : index
      %swap3A_401 = tpu.vector_load %arg15[%swap3A_399, %swap3A_400] {strides = array<i32>} : memref<64x128xf32, #tpu.memory_space<vmem>>, vector<1x16xf32>,
      %swap3A_402 = vector.shape_cast %swap3A_401 : vector<1x16xf32> to vector<16xf32>
      %swap3A_403 = vector.shape_cast %broadcast_in_dim3A_398 : vector<16xf32> to vector<1x16xf32>
      tpu.vector_store %arg15[%swap3A_399, %swap3A_400], %swap3A_403 {strides = array<i32>} : memref<64x128xf32, #tpu.memory_space<vmem>>, vector<1x16xf32>,
      %broadcast_in_dim3A_404 = arith.constant 0.000000e+00 : f32
      %broadcast_in_dim3A_405 = vector.broadcast %broadcast_in_dim3A_404 : f32 to vector<16xf32>
      %swap3A_406 = arith.index_cast %scan3A_369 : i32 to index
      %swap3A_407 = arith.constant 80 : index
      %swap3A_408 = tpu.vector_load %arg15[%swap3A_406, %swap3A_407] {strides = array<i32>} : memref<64x128xf32, #tpu.memory_space<vmem>>, vector<1x16xf32>,
      %swap3A_409 = vector.shape_cast %swap3A_408 : vector<1x16xf32> to vector<16xf32>
      %swap3A_410 = vector.shape_cast %broadcast_in_dim3A_405 : vector<16xf32> to vector<1x16xf32>
      tpu.vector_store %arg15[%swap3A_406, %swap3A_407], %swap3A_410 {strides = array<i32>} : memref<64x128xf32, #tpu.memory_space<vmem>>, vector<1x16xf32>,
      %broadcast_in_dim3A_411 = arith.constant 0.000000e+00 : f32
      %broadcast_in_dim3A_412 = vector.broadcast %broadcast_in_dim3A_411 : f32 to vector<16xf32>
      %swap3A_413 = arith.index_cast %scan3A_369 : i32 to index
      %swap3A_414 = arith.constant 96 : index
      %swap3A_415 = tpu.vector_load %arg15[%swap3A_413, %swap3A_414] {strides = array<i32>} : memref<64x128xf32, #tpu.memory_space<vmem>>, vector<1x16xf32>,
      %swap3A_416 = vector.shape_cast %swap3A_415 : vector<1x16xf32> to vector<16xf32>
      %swap3A_417 = vector.shape_cast %broadcast_in_dim3A_412 : vector<16xf32> to vector<1x16xf32>
      tpu.vector_store %arg15[%swap3A_413, %swap3A_414], %swap3A_417 {strides = array<i32>} : memref<64x128xf32, #tpu.memory_space<vmem>>, vector<1x16xf32>,
      %broadcast_in_dim3A_418 = arith.constant 0.000000e+00 : f32
      %broadcast_in_dim3A_419 = vector.broadcast %broadcast_in_dim3A_418 : f32 to vector<16xf32>
      %swap3A_420 = arith.index_cast %scan3A_369 : i32 to index
      %swap3A_421 = arith.constant 112 : index
      %swap3A_422 = tpu.vector_load %arg15[%swap3A_420, %swap3A_421] {strides = array<i32>} : memref<64x128xf32, #tpu.memory_space<vmem>>, vector<1x16xf32>,
      %swap3A_423 = vector.shape_cast %swap3A_422 : vector<1x16xf32> to vector<16xf32>
      %swap3A_424 = vector.shape_cast %broadcast_in_dim3A_419 : vector<16xf32> to vector<1x16xf32>
      tpu.vector_store %arg15[%swap3A_420, %swap3A_421], %swap3A_424 {strides = array<i32>} : memref<64x128xf32, #tpu.memory_space<vmem>>, vector<1x16xf32>,
    }
    %scan3A_4 = arith.constant 64 : i32
    %mul3A = arith.constant 632 : i32
    %mul3A_5 = arith.muli %arg1, %mul3A : i32
    %add3A = arith.constant 0 : i32
    %add3A_6 = arith.addi %mul3A_5, %add3A : i32
    "tpu.region"() ({
      %run_scoped3A = tpu.sem_alloc : memref<!tpu.dma_semaphore, #tpu.memory_space<semaphore_mem>>
      %dma_start3A_369 = arith.constant 0 : i32
      %dma_start3A_370 = tpu.memref_slice %arg5[%add3A_6, %dma_start3A_369] : memref<10112x128xf32, #tpu.memory_space<vmem_shared>> -> memref<64x128xf32, #tpu.memory_space<vmem_shared>>
      %dma_start3A_371 = arith.constant 0 : i32
      %dma_start3A_372 = tpu.memref_slice %arg5[%add3A_6, %dma_start3A_371] : memref<10112x128xf32, #tpu.memory_space<vmem_shared>> -> memref<64x128xf32, #tpu.memory_space<vmem_shared>>
      tpu.enqueue_dma source(%arg15 : memref<64x128xf32, #tpu.memory_space<vmem>>) target(%dma_start3A_372 : memref<64x128xf32, #tpu.memory_space<vmem_shared>>) target_semaphore(%run_scoped3A : memref<!tpu.dma_semaphore, #tpu.memory_space<semaphore_mem>>)
      %dma_wait3A_373 = arith.constant 0 : i32
      %dma_wait3A_374 = tpu.memref_slice %arg5[%add3A_6, %dma_wait3A_373] : memref<10112x128xf32, #tpu.memory_space<vmem_shared>> -> memref<64x128xf32, #tpu.memory_space<vmem_shared>>
      %dma_wait3A_375 = arith.constant 0 : i32
      %dma_wait3A_376 = tpu.memref_slice %arg5[%add3A_6, %dma_wait3A_375] : memref<10112x128xf32, #tpu.memory_space<vmem_shared>> -> memref<64x128xf32, #tpu.memory_space<vmem_shared>>
      tpu.wait_dma2 semaphore(%run_scoped3A : memref<!tpu.dma_semaphore, #tpu.memory_space<semaphore_mem>>) src(%arg15 : memref<64x128xf32, #tpu.memory_space<vmem>>) dst(%dma_wait3A_376 : memref<64x128xf32, #tpu.memory_space<vmem_shared>>)
      tpu.yield
    }) : () -> ()
    %add3A_7 = arith.constant 64 : i32
    %add3A_8 = arith.addi %mul3A_5, %add3A_7 : i32
    "tpu.region"() ({
      %run_scoped3A = tpu.sem_alloc : memref<!tpu.dma_semaphore, #tpu.memory_space<semaphore_mem>>
      %dma_start3A_369 = arith.constant 0 : i32
      %dma_start3A_370 = tpu.memref_slice %arg5[%add3A_8, %dma_start3A_369] : memref<10112x128xf32, #tpu.memory_space<vmem_shared>> -> memref<64x128xf32, #tpu.memory_space<vmem_shared>>
      %dma_start3A_371 = arith.constant 0 : i32
      %dma_start3A_372 = tpu.memref_slice %arg5[%add3A_8, %dma_start3A_371] : memref<10112x128xf32, #tpu.memory_space<vmem_shared>> -> memref<64x128xf32, #tpu.memory_space<vmem_shared>>
      tpu.enqueue_dma source(%arg15 : memref<64x128xf32, #tpu.memory_space<vmem>>) target(%dma_start3A_372 : memref<64x128xf32, #tpu.memory_space<vmem_shared>>) target_semaphore(%run_scoped3A : memref<!tpu.dma_semaphore, #tpu.memory_space<semaphore_mem>>)
      %dma_wait3A_373 = arith.constant 0 : i32
      %dma_wait3A_374 = tpu.memref_slice %arg5[%add3A_8, %dma_wait3A_373] : memref<10112x128xf32, #tpu.memory_space<vmem_shared>> -> memref<64x128xf32, #tpu.memory_space<vmem_shared>>
      %dma_wait3A_375 = arith.constant 0 : i32
      %dma_wait3A_376 = tpu.memref_slice %arg5[%add3A_8, %dma_wait3A_375] : memref<10112x128xf32, #tpu.memory_space<vmem_shared>> -> memref<64x128xf32, #tpu.memory_space<vmem_shared>>
      tpu.wait_dma2 semaphore(%run_scoped3A : memref<!tpu.dma_semaphore, #tpu.memory_space<semaphore_mem>>) src(%arg15 : memref<64x128xf32, #tpu.memory_space<vmem>>) dst(%dma_wait3A_376 : memref<64x128xf32, #tpu.memory_space<vmem_shared>>)
      tpu.yield
    }) : () -> ()
    %add3A_9 = arith.constant 128 : i32
    %add3A_10 = arith.addi %mul3A_5, %add3A_9 : i32
    "tpu.region"() ({
      %run_scoped3A = tpu.sem_alloc : memref<!tpu.dma_semaphore, #tpu.memory_space<semaphore_mem>>
      %dma_start3A_369 = arith.constant 0 : i32
      %dma_start3A_370 = tpu.memref_slice %arg5[%add3A_10, %dma_start3A_369] : memref<10112x128xf32, #tpu.memory_space<vmem_shared>> -> memref<64x128xf32, #tpu.memory_space<vmem_shared>>
      %dma_start3A_371 = arith.constant 0 : i32
      %dma_start3A_372 = tpu.memref_slice %arg5[%add3A_10, %dma_start3A_371] : memref<10112x128xf32, #tpu.memory_space<vmem_shared>> -> memref<64x128xf32, #tpu.memory_space<vmem_shared>>
      tpu.enqueue_dma source(%arg15 : memref<64x128xf32, #tpu.memory_space<vmem>>) target(%dma_start3A_372 : memref<64x128xf32, #tpu.memory_space<vmem_shared>>) target_semaphore(%run_scoped3A : memref<!tpu.dma_semaphore, #tpu.memory_space<semaphore_mem>>)
      %dma_wait3A_373 = arith.constant 0 : i32
      %dma_wait3A_374 = tpu.memref_slice %arg5[%add3A_10, %dma_wait3A_373] : memref<10112x128xf32, #tpu.memory_space<vmem_shared>> -> memref<64x128xf32, #tpu.memory_space<vmem_shared>>
      %dma_wait3A_375 = arith.constant 0 : i32
      %dma_wait3A_376 = tpu.memref_slice %arg5[%add3A_10, %dma_wait3A_375] : memref<10112x128xf32, #tpu.memory_space<vmem_shared>> -> memref<64x128xf32, #tpu.memory_space<vmem_shared>>
      tpu.wait_dma2 semaphore(%run_scoped3A : memref<!tpu.dma_semaphore, #tpu.memory_space<semaphore_mem>>) src(%arg15 : memref<64x128xf32, #tpu.memory_space<vmem>>) dst(%dma_wait3A_376 : memref<64x128xf32, #tpu.memory_space<vmem_shared>>)
      tpu.yield
    }) : () -> ()
    %add3A_11 = arith.constant 192 : i32
    %add3A_12 = arith.addi %mul3A_5, %add3A_11 : i32
    "tpu.region"() ({
      %run_scoped3A = tpu.sem_alloc : memref<!tpu.dma_semaphore, #tpu.memory_space<semaphore_mem>>
      %dma_start3A_369 = arith.constant 0 : i32
      %dma_start3A_370 = tpu.memref_slice %arg5[%add3A_12, %dma_start3A_369] : memref<10112x128xf32, #tpu.memory_space<vmem_shared>> -> memref<64x128xf32, #tpu.memory_space<vmem_shared>>
      %dma_start3A_371 = arith.constant 0 : i32
      %dma_start3A_372 = tpu.memref_slice %arg5[%add3A_12, %dma_start3A_371] : memref<10112x128xf32, #tpu.memory_space<vmem_shared>> -> memref<64x128xf32, #tpu.memory_space<vmem_shared>>
      tpu.enqueue_dma source(%arg15 : memref<64x128xf32, #tpu.memory_space<vmem>>) target(%dma_start3A_372 : memref<64x128xf32, #tpu.memory_space<vmem_shared>>) target_semaphore(%run_scoped3A : memref<!tpu.dma_semaphore, #tpu.memory_space<semaphore_mem>>)
      %dma_wait3A_373 = arith.constant 0 : i32
      %dma_wait3A_374 = tpu.memref_slice %arg5[%add3A_12, %dma_wait3A_373] : memref<10112x128xf32, #tpu.memory_space<vmem_shared>> -> memref<64x128xf32, #tpu.memory_space<vmem_shared>>
      %dma_wait3A_375 = arith.constant 0 : i32
      %dma_wait3A_376 = tpu.memref_slice %arg5[%add3A_12, %dma_wait3A_375] : memref<10112x128xf32, #tpu.memory_space<vmem_shared>> -> memref<64x128xf32, #tpu.memory_space<vmem_shared>>
      tpu.wait_dma2 semaphore(%run_scoped3A : memref<!tpu.dma_semaphore, #tpu.memory_space<semaphore_mem>>) src(%arg15 : memref<64x128xf32, #tpu.memory_space<vmem>>) dst(%dma_wait3A_376 : memref<64x128xf32, #tpu.memory_space<vmem_shared>>)
      tpu.yield
    }) : () -> ()
    %add3A_13 = arith.constant 256 : i32
    %add3A_14 = arith.addi %mul3A_5, %add3A_13 : i32
    "tpu.region"() ({
      %run_scoped3A = tpu.sem_alloc : memref<!tpu.dma_semaphore, #tpu.memory_space<semaphore_mem>>
      %dma_start3A_369 = arith.constant 0 : i32
      %dma_start3A_370 = tpu.memref_slice %arg5[%add3A_14, %dma_start3A_369] : memref<10112x128xf32, #tpu.memory_space<vmem_shared>> -> memref<64x128xf32, #tpu.memory_space<vmem_shared>>
      %dma_start3A_371 = arith.constant 0 : i32
      %dma_start3A_372 = tpu.memref_slice %arg5[%add3A_14, %dma_start3A_371] : memref<10112x128xf32, #tpu.memory_space<vmem_shared>> -> memref<64x128xf32, #tpu.memory_space<vmem_shared>>
      tpu.enqueue_dma source(%arg15 : memref<64x128xf32, #tpu.memory_space<vmem>>) target(%dma_start3A_372 : memref<64x128xf32, #tpu.memory_space<vmem_shared>>) target_semaphore(%run_scoped3A : memref<!tpu.dma_semaphore, #tpu.memory_space<semaphore_mem>>)
      %dma_wait3A_373 = arith.constant 0 : i32
      %dma_wait3A_374 = tpu.memref_slice %arg5[%add3A_14, %dma_wait3A_373] : memref<10112x128xf32, #tpu.memory_space<vmem_shared>> -> memref<64x128xf32, #tpu.memory_space<vmem_shared>>
      %dma_wait3A_375 = arith.constant 0 : i32
      %dma_wait3A_376 = tpu.memref_slice %arg5[%add3A_14, %dma_wait3A_375] : memref<10112x128xf32, #tpu.memory_space<vmem_shared>> -> memref<64x128xf32, #tpu.memory_space<vmem_shared>>
      tpu.wait_dma2 semaphore(%run_scoped3A : memref<!tpu.dma_semaphore, #tpu.memory_space<semaphore_mem>>) src(%arg15 : memref<64x128xf32, #tpu.memory_space<vmem>>) dst(%dma_wait3A_376 : memref<64x128xf32, #tpu.memory_space<vmem_shared>>)
      tpu.yield
    }) : () -> ()
    %add3A_15 = arith.constant 320 : i32
    %add3A_16 = arith.addi %mul3A_5, %add3A_15 : i32
    "tpu.region"() ({
      %run_scoped3A = tpu.sem_alloc : memref<!tpu.dma_semaphore, #tpu.memory_space<semaphore_mem>>
      %dma_start3A_369 = arith.constant 0 : i32
      %dma_start3A_370 = tpu.memref_slice %arg5[%add3A_16, %dma_start3A_369] : memref<10112x128xf32, #tpu.memory_space<vmem_shared>> -> memref<64x128xf32, #tpu.memory_space<vmem_shared>>
      %dma_start3A_371 = arith.constant 0 : i32
      %dma_start3A_372 = tpu.memref_slice %arg5[%add3A_16, %dma_start3A_371] : memref<10112x128xf32, #tpu.memory_space<vmem_shared>> -> memref<64x128xf32, #tpu.memory_space<vmem_shared>>
      tpu.enqueue_dma source(%arg15 : memref<64x128xf32, #tpu.memory_space<vmem>>) target(%dma_start3A_372 : memref<64x128xf32, #tpu.memory_space<vmem_shared>>) target_semaphore(%run_scoped3A : memref<!tpu.dma_semaphore, #tpu.memory_space<semaphore_mem>>)
      %dma_wait3A_373 = arith.constant 0 : i32
      %dma_wait3A_374 = tpu.memref_slice %arg5[%add3A_16, %dma_wait3A_373] : memref<10112x128xf32, #tpu.memory_space<vmem_shared>> -> memref<64x128xf32, #tpu.memory_space<vmem_shared>>
      %dma_wait3A_375 = arith.constant 0 : i32
      %dma_wait3A_376 = tpu.memref_slice %arg5[%add3A_16, %dma_wait3A_375] : memref<10112x128xf32, #tpu.memory_space<vmem_shared>> -> memref<64x128xf32, #tpu.memory_space<vmem_shared>>
      tpu.wait_dma2 semaphore(%run_scoped3A : memref<!tpu.dma_semaphore, #tpu.memory_space<semaphore_mem>>) src(%arg15 : memref<64x128xf32, #tpu.memory_space<vmem>>) dst(%dma_wait3A_376 : memref<64x128xf32, #tpu.memory_space<vmem_shared>>)
      tpu.yield
    }) : () -> ()
    %add3A_17 = arith.constant 384 : i32
    %add3A_18 = arith.addi %mul3A_5, %add3A_17 : i32
    "tpu.region"() ({
      %run_scoped3A = tpu.sem_alloc : memref<!tpu.dma_semaphore, #tpu.memory_space<semaphore_mem>>
      %dma_start3A_369 = arith.constant 0 : i32
      %dma_start3A_370 = tpu.memref_slice %arg5[%add3A_18, %dma_start3A_369] : memref<10112x128xf32, #tpu.memory_space<vmem_shared>> -> memref<64x128xf32, #tpu.memory_space<vmem_shared>>
      %dma_start3A_371 = arith.constant 0 : i32
      %dma_start3A_372 = tpu.memref_slice %arg5[%add3A_18, %dma_start3A_371] : memref<10112x128xf32, #tpu.memory_space<vmem_shared>> -> memref<64x128xf32, #tpu.memory_space<vmem_shared>>
      tpu.enqueue_dma source(%arg15 : memref<64x128xf32, #tpu.memory_space<vmem>>) target(%dma_start3A_372 : memref<64x128xf32, #tpu.memory_space<vmem_shared>>) target_semaphore(%run_scoped3A : memref<!tpu.dma_semaphore, #tpu.memory_space<semaphore_mem>>)
      %dma_wait3A_373 = arith.constant 0 : i32
      %dma_wait3A_374 = tpu.memref_slice %arg5[%add3A_18, %dma_wait3A_373] : memref<10112x128xf32, #tpu.memory_space<vmem_shared>> -> memref<64x128xf32, #tpu.memory_space<vmem_shared>>
      %dma_wait3A_375 = arith.constant 0 : i32
      %dma_wait3A_376 = tpu.memref_slice %arg5[%add3A_18, %dma_wait3A_375] : memref<10112x128xf32, #tpu.memory_space<vmem_shared>> -> memref<64x128xf32, #tpu.memory_space<vmem_shared>>
      tpu.wait_dma2 semaphore(%run_scoped3A : memref<!tpu.dma_semaphore, #tpu.memory_space<semaphore_mem>>) src(%arg15 : memref<64x128xf32, #tpu.memory_space<vmem>>) dst(%dma_wait3A_376 : memref<64x128xf32, #tpu.memory_space<vmem_shared>>)
      tpu.yield
    }) : () -> ()
    %add3A_19 = arith.constant 448 : i32
    %add3A_20 = arith.addi %mul3A_5, %add3A_19 : i32
    "tpu.region"() ({
      %run_scoped3A = tpu.sem_alloc : memref<!tpu.dma_semaphore, #tpu.memory_space<semaphore_mem>>
      %dma_start3A_369 = arith.constant 0 : i32
      %dma_start3A_370 = tpu.memref_slice %arg5[%add3A_20, %dma_start3A_369] : memref<10112x128xf32, #tpu.memory_space<vmem_shared>> -> memref<64x128xf32, #tpu.memory_space<vmem_shared>>
      %dma_start3A_371 = arith.constant 0 : i32
      %dma_start3A_372 = tpu.memref_slice %arg5[%add3A_20, %dma_start3A_371] : memref<10112x128xf32, #tpu.memory_space<vmem_shared>> -> memref<64x128xf32, #tpu.memory_space<vmem_shared>>
      tpu.enqueue_dma source(%arg15 : memref<64x128xf32, #tpu.memory_space<vmem>>) target(%dma_start3A_372 : memref<64x128xf32, #tpu.memory_space<vmem_shared>>) target_semaphore(%run_scoped3A : memref<!tpu.dma_semaphore, #tpu.memory_space<semaphore_mem>>)
      %dma_wait3A_373 = arith.constant 0 : i32
      %dma_wait3A_374 = tpu.memref_slice %arg5[%add3A_20, %dma_wait3A_373] : memref<10112x128xf32, #tpu.memory_space<vmem_shared>> -> memref<64x128xf32, #tpu.memory_space<vmem_shared>>
      %dma_wait3A_375 = arith.constant 0 : i32
      %dma_wait3A_376 = tpu.memref_slice %arg5[%add3A_20, %dma_wait3A_375] : memref<10112x128xf32, #tpu.memory_space<vmem_shared>> -> memref<64x128xf32, #tpu.memory_space<vmem_shared>>
      tpu.wait_dma2 semaphore(%run_scoped3A : memref<!tpu.dma_semaphore, #tpu.memory_space<semaphore_mem>>) src(%arg15 : memref<64x128xf32, #tpu.memory_space<vmem>>) dst(%dma_wait3A_376 : memref<64x128xf32, #tpu.memory_space<vmem_shared>>)
      tpu.yield
    }) : () -> ()
    %add3A_21 = arith.constant 512 : i32
    %add3A_22 = arith.addi %mul3A_5, %add3A_21 : i32
    "tpu.region"() ({
      %run_scoped3A = tpu.sem_alloc : memref<!tpu.dma_semaphore, #tpu.memory_space<semaphore_mem>>
      %dma_start3A_369 = arith.constant 0 : i32
      %dma_start3A_370 = tpu.memref_slice %arg5[%add3A_22, %dma_start3A_369] : memref<10112x128xf32, #tpu.memory_space<vmem_shared>> -> memref<64x128xf32, #tpu.memory_space<vmem_shared>>
      %dma_start3A_371 = arith.constant 0 : i32
      %dma_start3A_372 = tpu.memref_slice %arg5[%add3A_22, %dma_start3A_371] : memref<10112x128xf32, #tpu.memory_space<vmem_shared>> -> memref<64x128xf32, #tpu.memory_space<vmem_shared>>
      tpu.enqueue_dma source(%arg15 : memref<64x128xf32, #tpu.memory_space<vmem>>) target(%dma_start3A_372 : memref<64x128xf32, #tpu.memory_space<vmem_shared>>) target_semaphore(%run_scoped3A : memref<!tpu.dma_semaphore, #tpu.memory_space<semaphore_mem>>)
      %dma_wait3A_373 = arith.constant 0 : i32
      %dma_wait3A_374 = tpu.memref_slice %arg5[%add3A_22, %dma_wait3A_373] : memref<10112x128xf32, #tpu.memory_space<vmem_shared>> -> memref<64x128xf32, #tpu.memory_space<vmem_shared>>
      %dma_wait3A_375 = arith.constant 0 : i32
      %dma_wait3A_376 = tpu.memref_slice %arg5[%add3A_22, %dma_wait3A_375] : memref<10112x128xf32, #tpu.memory_space<vmem_shared>> -> memref<64x128xf32, #tpu.memory_space<vmem_shared>>
      tpu.wait_dma2 semaphore(%run_scoped3A : memref<!tpu.dma_semaphore, #tpu.memory_space<semaphore_mem>>) src(%arg15 : memref<64x128xf32, #tpu.memory_space<vmem>>) dst(%dma_wait3A_376 : memref<64x128xf32, #tpu.memory_space<vmem_shared>>)
      tpu.yield
    }) : () -> ()
    %add3A_23 = arith.constant 632 : i32
    %add3A_24 = arith.addi %mul3A_5, %add3A_23 : i32
    %sub3A = arith.constant 56 : i32
    %sub3A_25 = arith.subi %add3A_24, %sub3A : i32
    "tpu.region"() ({
      %run_scoped3A = tpu.sem_alloc : memref<!tpu.dma_semaphore, #tpu.memory_space<semaphore_mem>>
      %dma_start3A_369 = arith.constant 0 : i32
      %dma_start3A_370 = arith.constant 0 : i32
      %dma_start3A_371 = tpu.memref_slice %arg15[%dma_start3A_369, %dma_start3A_370] : memref<64x128xf32, #tpu.memory_space<vmem>> -> memref<56x128xf32, #tpu.memory_space<vmem>>
      %dma_start3A_372 = arith.constant 0 : i32
      %dma_start3A_373 = tpu.memref_slice %arg5[%sub3A_25, %dma_start3A_372] : memref<10112x128xf32, #tpu.memory_space<vmem_shared>> -> memref<56x128xf32, #tpu.memory_space<vmem_shared>>
      %dma_start3A_374 = arith.constant 0 : i32
      %dma_start3A_375 = tpu.memref_slice %arg5[%sub3A_25, %dma_start3A_374] : memref<10112x128xf32, #tpu.memory_space<vmem_shared>> -> memref<56x128xf32, #tpu.memory_space<vmem_shared>>
      %dma_start3A_376 = arith.constant 0 : i32
      %dma_start3A_377 = arith.constant 0 : i32
      %dma_start3A_378 = tpu.memref_slice %arg15[%dma_start3A_376, %dma_start3A_377] : memref<64x128xf32, #tpu.memory_space<vmem>> -> memref<56x128xf32, #tpu.memory_space<vmem>>
      tpu.enqueue_dma source(%dma_start3A_378 : memref<56x128xf32, #tpu.memory_space<vmem>>) target(%dma_start3A_375 : memref<56x128xf32, #tpu.memory_space<vmem_shared>>) target_semaphore(%run_scoped3A : memref<!tpu.dma_semaphore, #tpu.memory_space<semaphore_mem>>)
      %dma_wait3A_379 = arith.constant 0 : i32
      %dma_wait3A_380 = arith.constant 0 : i32
      %dma_wait3A_381 = tpu.memref_slice %arg15[%dma_wait3A_379, %dma_wait3A_380] : memref<64x128xf32, #tpu.memory_space<vmem>> -> memref<56x128xf32, #tpu.memory_space<vmem>>
      %dma_wait3A_382 = arith.constant 0 : i32
      %dma_wait3A_383 = tpu.memref_slice %arg5[%sub3A_25, %dma_wait3A_382] : memref<10112x128xf32, #tpu.memory_space<vmem_shared>> -> memref<56x128xf32, #tpu.memory_space<vmem_shared>>
      %dma_wait3A_384 = arith.constant 0 : i32
      %dma_wait3A_385 = tpu.memref_slice %arg5[%sub3A_25, %dma_wait3A_384] : memref<10112x128xf32, #tpu.memory_space<vmem_shared>> -> memref<56x128xf32, #tpu.memory_space<vmem_shared>>
      %dma_wait3A_386 = arith.constant 0 : i32
      %dma_wait3A_387 = arith.constant 0 : i32
      %dma_wait3A_388 = tpu.memref_slice %arg15[%dma_wait3A_386, %dma_wait3A_387] : memref<64x128xf32, #tpu.memory_space<vmem>> -> memref<56x128xf32, #tpu.memory_space<vmem>>
      tpu.wait_dma2 semaphore(%run_scoped3A : memref<!tpu.dma_semaphore, #tpu.memory_space<semaphore_mem>>) src(%dma_wait3A_388 : memref<56x128xf32, #tpu.memory_space<vmem>>) dst(%dma_wait3A_385 : memref<56x128xf32, #tpu.memory_space<vmem_shared>>)
      tpu.yield
    }) : () -> ()
    "tpu.region"() ({
      %run_scoped3A = tpu.sem_alloc : memref<!tpu.dma_semaphore, #tpu.memory_space<semaphore_mem>>
      %dma_start3A_369 = arith.constant 0 : i32
      %dma_start3A_370 = tpu.memref_slice %arg3[%arg0, %arg1, %dma_start3A_369] : memref<2x16x10240xi32, #tpu.memory_space<hbm>> -> memref<1x1x10240xi32, #tpu.memory_space<hbm>>
      %dma_start3A_371 = tpu.memref_squeeze %dma_start3A_370 : memref<1x1x10240xi32, #tpu.memory_space<hbm>> -> memref<10240xi32, #tpu.memory_space<hbm>>
      %dma_start3A_372 = arith.constant 0 : i32
      %dma_start3A_373 = tpu.memref_slice %arg3[%arg0, %arg1, %dma_start3A_372] : memref<2x16x10240xi32, #tpu.memory_space<hbm>> -> memref<1x1x10240xi32, #tpu.memory_space<hbm>>
      %dma_start3A_374 = tpu.memref_squeeze %dma_start3A_373 : memref<1x1x10240xi32, #tpu.memory_space<hbm>> -> memref<10240xi32, #tpu.memory_space<hbm>>
      tpu.enqueue_dma source(%dma_start3A_374 : memref<10240xi32, #tpu.memory_space<hbm>>) target(%arg6 : memref<10240xi32, #tpu.memory_space<vmem>>) target_semaphore(%run_scoped3A : memref<!tpu.dma_semaphore, #tpu.memory_space<semaphore_mem>>)
      %dma_wait3A_375 = arith.constant 0 : i32
      %dma_wait3A_376 = tpu.memref_slice %arg3[%arg0, %arg1, %dma_wait3A_375] : memref<2x16x10240xi32, #tpu.memory_space<hbm>> -> memref<1x1x10240xi32, #tpu.memory_space<hbm>>
      %dma_wait3A_377 = tpu.memref_squeeze %dma_wait3A_376 : memref<1x1x10240xi32, #tpu.memory_space<hbm>> -> memref<10240xi32, #tpu.memory_space<hbm>>
      %dma_wait3A_378 = arith.constant 0 : i32
      %dma_wait3A_379 = tpu.memref_slice %arg3[%arg0, %arg1, %dma_wait3A_378] : memref<2x16x10240xi32, #tpu.memory_space<hbm>> -> memref<1x1x10240xi32, #tpu.memory_space<hbm>>
      %dma_wait3A_380 = tpu.memref_squeeze %dma_wait3A_379 : memref<1x1x10240xi32, #tpu.memory_space<hbm>> -> memref<10240xi32, #tpu.memory_space<hbm>>
      tpu.wait_dma2 semaphore(%run_scoped3A : memref<!tpu.dma_semaphore, #tpu.memory_space<semaphore_mem>>) src(%dma_wait3A_380 : memref<10240xi32, #tpu.memory_space<hbm>>) dst(%arg6 : memref<10240xi32, #tpu.memory_space<vmem>>)
      tpu.yield
    }) : () -> ()
    %get3A = arith.constant 0 : index
    %get3A_26 = tpu.vector_load %arg6[%get3A] {strides = array<i32>} : memref<10240xi32, #tpu.memory_space<vmem>>, vector<16xi32>,
    %get3A_27 = vector.shape_cast %get3A_26 : vector<16xi32> to vector<16xi32>
    %and3A = arith.constant 16383 : i32
    %and3A_28 = vector.broadcast %and3A : i32 to vector<16xi32>
    %and3A_29 = arith.andi %get3A_27, %and3A_28 : vector<16xi32>
    %swap3A = arith.constant 0 : index
    %swap3A_30 = tpu.vector_load %arg7[%swap3A] {strides = array<i32>} : memref<64xi32, #tpu.memory_space<vmem>>, vector<16xi32>,
    %swap3A_31 = vector.shape_cast %swap3A_30 : vector<16xi32> to vector<16xi32>
    %swap3A_32 = vector.shape_cast %and3A_29 : vector<16xi32> to vector<16xi32>
    tpu.vector_store %arg7[%swap3A], %swap3A_32 {strides = array<i32>} : memref<64xi32, #tpu.memory_space<vmem>>, vector<16xi32>,
    %shift_right_logical3A = arith.constant 14 : i32
    %shift_right_logical3A_33 = vector.broadcast %shift_right_logical3A : i32 to vector<16xi32>
    %shift_right_logical3A_34 = arith.shrui %get3A_27, %shift_right_logical3A_33 : vector<16xi32>
    %swap3A_35 = arith.constant 0 : index
    %swap3A_36 = tpu.vector_load %arg11[%swap3A_35] {strides = array<i32>} : memref<64xi32, #tpu.memory_space<vmem>>, vector<16xi32>,
    %swap3A_37 = vector.shape_cast %swap3A_36 : vector<16xi32> to vector<16xi32>
    %swap3A_38 = vector.shape_cast %shift_right_logical3A_34 : vector<16xi32> to vector<16xi32>
    tpu.vector_store %arg11[%swap3A_35], %swap3A_38 {strides = array<i32>} : memref<64xi32, #tpu.memory_space<vmem>>, vector<16xi32>,
    %get3A_39 = arith.constant 16 : index
    %get3A_40 = tpu.vector_load %arg6[%get3A_39] {strides = array<i32>} : memref<10240xi32, #tpu.memory_space<vmem>>, vector<16xi32>,
    %get3A_41 = vector.shape_cast %get3A_40 : vector<16xi32> to vector<16xi32>
    %and3A_42 = arith.constant 16383 : i32
    %and3A_43 = vector.broadcast %and3A_42 : i32 to vector<16xi32>
    %and3A_44 = arith.andi %get3A_41, %and3A_43 : vector<16xi32>
    %swap3A_45 = arith.constant 16 : index
    %swap3A_46 = tpu.vector_load %arg7[%swap3A_45] {strides = array<i32>} : memref<64xi32, #tpu.memory_space<vmem>>, vector<16xi32>,
    %swap3A_47 = vector.shape_cast %swap3A_46 : vector<16xi32> to vector<16xi32>
    %swap3A_48 = vector.shape_cast %and3A_44 : vector<16xi32> to vector<16xi32>
    tpu.vector_store %arg7[%swap3A_45], %swap3A_48 {strides = array<i32>} : memref<64xi32, #tpu.memory_space<vmem>>, vector<16xi32>,
    %shift_right_logical3A_49 = arith.constant 14 : i32
    %shift_right_logical3A_50 = vector.broadcast %shift_right_logical3A_49 : i32 to vector<16xi32>
    %shift_right_logical3A_51 = arith.shrui %get3A_41, %shift_right_logical3A_50 : vector<16xi32>
    %swap3A_52 = arith.constant 16 : index
    %swap3A_53 = tpu.vector_load %arg11[%swap3A_52] {strides = array<i32>} : memref<64xi32, #tpu.memory_space<vmem>>, vector<16xi32>,
    %swap3A_54 = vector.shape_cast %swap3A_53 : vector<16xi32> to vector<16xi32>
    %swap3A_55 = vector.shape_cast %shift_right_logical3A_51 : vector<16xi32> to vector<16xi32>
    tpu.vector_store %arg11[%swap3A_52], %swap3A_55 {strides = array<i32>} : memref<64xi32, #tpu.memory_space<vmem>>, vector<16xi32>,
    %get3A_56 = arith.constant 32 : index
    %get3A_57 = tpu.vector_load %arg6[%get3A_56] {strides = array<i32>} : memref<10240xi32, #tpu.memory_space<vmem>>, vector<16xi32>,
    %get3A_58 = vector.shape_cast %get3A_57 : vector<16xi32> to vector<16xi32>
    %and3A_59 = arith.constant 16383 : i32
    %and3A_60 = vector.broadcast %and3A_59 : i32 to vector<16xi32>
    %and3A_61 = arith.andi %get3A_58, %and3A_60 : vector<16xi32>
    %swap3A_62 = arith.constant 32 : index
    %swap3A_63 = tpu.vector_load %arg7[%swap3A_62] {strides = array<i32>} : memref<64xi32, #tpu.memory_space<vmem>>, vector<16xi32>,
    %swap3A_64 = vector.shape_cast %swap3A_63 : vector<16xi32> to vector<16xi32>
    %swap3A_65 = vector.shape_cast %and3A_61 : vector<16xi32> to vector<16xi32>
    tpu.vector_store %arg7[%swap3A_62], %swap3A_65 {strides = array<i32>} : memref<64xi32, #tpu.memory_space<vmem>>, vector<16xi32>,
    %shift_right_logical3A_66 = arith.constant 14 : i32
    %shift_right_logical3A_67 = vector.broadcast %shift_right_logical3A_66 : i32 to vector<16xi32>
    %shift_right_logical3A_68 = arith.shrui %get3A_58, %shift_right_logical3A_67 : vector<16xi32>
    %swap3A_69 = arith.constant 32 : index
    %swap3A_70 = tpu.vector_load %arg11[%swap3A_69] {strides = array<i32>} : memref<64xi32, #tpu.memory_space<vmem>>, vector<16xi32>,
    %swap3A_71 = vector.shape_cast %swap3A_70 : vector<16xi32> to vector<16xi32>
    %swap3A_72 = vector.shape_cast %shift_right_logical3A_68 : vector<16xi32> to vector<16xi32>
    tpu.vector_store %arg11[%swap3A_69], %swap3A_72 {strides = array<i32>} : memref<64xi32, #tpu.memory_space<vmem>>, vector<16xi32>,
    %get3A_73 = arith.constant 48 : index
    %get3A_74 = tpu.vector_load %arg6[%get3A_73] {strides = array<i32>} : memref<10240xi32, #tpu.memory_space<vmem>>, vector<16xi32>,
    %get3A_75 = vector.shape_cast %get3A_74 : vector<16xi32> to vector<16xi32>
    %and3A_76 = arith.constant 16383 : i32
    %and3A_77 = vector.broadcast %and3A_76 : i32 to vector<16xi32>
    %and3A_78 = arith.andi %get3A_75, %and3A_77 : vector<16xi32>
    %swap3A_79 = arith.constant 48 : index
    %swap3A_80 = tpu.vector_load %arg7[%swap3A_79] {strides = array<i32>} : memref<64xi32, #tpu.memory_space<vmem>>, vector<16xi32>,
    %swap3A_81 = vector.shape_cast %swap3A_80 : vector<16xi32> to vector<16xi32>
    %swap3A_82 = vector.shape_cast %and3A_78 : vector<16xi32> to vector<16xi32>
    tpu.vector_store %arg7[%swap3A_79], %swap3A_82 {strides = array<i32>} : memref<64xi32, #tpu.memory_space<vmem>>, vector<16xi32>,
    %shift_right_logical3A_83 = arith.constant 14 : i32
    %shift_right_logical3A_84 = vector.broadcast %shift_right_logical3A_83 : i32 to vector<16xi32>
    %shift_right_logical3A_85 = arith.shrui %get3A_75, %shift_right_logical3A_84 : vector<16xi32>
    %swap3A_86 = arith.constant 48 : index
    %swap3A_87 = tpu.vector_load %arg11[%swap3A_86] {strides = array<i32>} : memref<64xi32, #tpu.memory_space<vmem>>, vector<16xi32>,
    %swap3A_88 = vector.shape_cast %swap3A_87 : vector<16xi32> to vector<16xi32>
    %swap3A_89 = vector.shape_cast %shift_right_logical3A_85 : vector<16xi32> to vector<16xi32>
    tpu.vector_store %arg11[%swap3A_86], %swap3A_89 {strides = array<i32>} : memref<64xi32, #tpu.memory_space<vmem>>, vector<16xi32>,
    %dma_start3A = arith.constant 0 : i32
    %dma_start3A_90 = arith.constant 0 : i32
    %dma_start3A_91 = tpu.memref_slice %arg2[%dma_start3A, %dma_start3A_90] : memref<10112x128xf32, #tpu.memory_space<hbm>> -> memref<10112x128xf32, #tpu.memory_space<hbm>>
    tpu.enqueue_indirect_dma source(%dma_start3A_91 : memref<10112x128xf32, #tpu.memory_space<hbm>>) target(%arg15 : memref<64x128xf32, #tpu.memory_space<vmem>>) offsets(%arg7 : memref<64xi32, #tpu.memory_space<vmem>>) semaphore(%arg19 : memref<!tpu.dma_semaphore, #tpu.memory_space<semaphore_mem>>)
    %get3A_92 = arith.constant 64 : index
    %get3A_93 = tpu.vector_load %arg6[%get3A_92] {strides = array<i32>} : memref<10240xi32, #tpu.memory_space<vmem>>, vector<16xi32>,
    %get3A_94 = vector.shape_cast %get3A_93 : vector<16xi32> to vector<16xi32>
    %and3A_95 = arith.constant 16383 : i32
    %and3A_96 = vector.broadcast %and3A_95 : i32 to vector<16xi32>
    %and3A_97 = arith.andi %get3A_94, %and3A_96 : vector<16xi32>
    %swap3A_98 = arith.constant 0 : index
    %swap3A_99 = tpu.vector_load %arg8[%swap3A_98] {strides = array<i32>} : memref<64xi32, #tpu.memory_space<vmem>>, vector<16xi32>,
    %swap3A_100 = vector.shape_cast %swap3A_99 : vector<16xi32> to vector<16xi32>
    %swap3A_101 = vector.shape_cast %and3A_97 : vector<16xi32> to vector<16xi32>
    tpu.vector_store %arg8[%swap3A_98], %swap3A_101 {strides = array<i32>} : memref<64xi32, #tpu.memory_space<vmem>>, vector<16xi32>,
    %shift_right_logical3A_102 = arith.constant 14 : i32
    %shift_right_logical3A_103 = vector.broadcast %shift_right_logical3A_102 : i32 to vector<16xi32>
    %shift_right_logical3A_104 = arith.shrui %get3A_94, %shift_right_logical3A_103 : vector<16xi32>
    %swap3A_105 = arith.constant 0 : index
    %swap3A_106 = tpu.vector_load %arg12[%swap3A_105] {strides = array<i32>} : memref<64xi32, #tpu.memory_space<vmem>>, vector<16xi32>,
    %swap3A_107 = vector.shape_cast %swap3A_106 : vector<16xi32> to vector<16xi32>
    %swap3A_108 = vector.shape_cast %shift_right_logical3A_104 : vector<16xi32> to vector<16xi32>
    tpu.vector_store %arg12[%swap3A_105], %swap3A_108 {strides = array<i32>} : memref<64xi32, #tpu.memory_space<vmem>>, vector<16xi32>,
    %get3A_109 = arith.constant 80 : index
    %get3A_110 = tpu.vector_load %arg6[%get3A_109] {strides = array<i32>} : memref<10240xi32, #tpu.memory_space<vmem>>, vector<16xi32>,
    %get3A_111 = vector.shape_cast %get3A_110 : vector<16xi32> to vector<16xi32>
    %and3A_112 = arith.constant 16383 : i32
    %and3A_113 = vector.broadcast %and3A_112 : i32 to vector<16xi32>
    %and3A_114 = arith.andi %get3A_111, %and3A_113 : vector<16xi32>
    %swap3A_115 = arith.constant 16 : index
    %swap3A_116 = tpu.vector_load %arg8[%swap3A_115] {strides = array<i32>} : memref<64xi32, #tpu.memory_space<vmem>>, vector<16xi32>,
    %swap3A_117 = vector.shape_cast %swap3A_116 : vector<16xi32> to vector<16xi32>
    %swap3A_118 = vector.shape_cast %and3A_114 : vector<16xi32> to vector<16xi32>
    tpu.vector_store %arg8[%swap3A_115], %swap3A_118 {strides = array<i32>} : memref<64xi32, #tpu.memory_space<vmem>>, vector<16xi32>,
    %shift_right_logical3A_119 = arith.constant 14 : i32
    %shift_right_logical3A_120 = vector.broadcast %shift_right_logical3A_119 : i32 to vector<16xi32>
    %shift_right_logical3A_121 = arith.shrui %get3A_111, %shift_right_logical3A_120 : vector<16xi32>
    %swap3A_122 = arith.constant 16 : index
    %swap3A_123 = tpu.vector_load %arg12[%swap3A_122] {strides = array<i32>} : memref<64xi32, #tpu.memory_space<vmem>>, vector<16xi32>,
    %swap3A_124 = vector.shape_cast %swap3A_123 : vector<16xi32> to vector<16xi32>
    %swap3A_125 = vector.shape_cast %shift_right_logical3A_121 : vector<16xi32> to vector<16xi32>
    tpu.vector_store %arg12[%swap3A_122], %swap3A_125 {strides = array<i32>} : memref<64xi32, #tpu.memory_space<vmem>>, vector<16xi32>,
    %get3A_126 = arith.constant 96 : index
    %get3A_127 = tpu.vector_load %arg6[%get3A_126] {strides = array<i32>} : memref<10240xi32, #tpu.memory_space<vmem>>, vector<16xi32>,
    %get3A_128 = vector.shape_cast %get3A_127 : vector<16xi32> to vector<16xi32>
    %and3A_129 = arith.constant 16383 : i32
    %and3A_130 = vector.broadcast %and3A_129 : i32 to vector<16xi32>
    %and3A_131 = arith.andi %get3A_128, %and3A_130 : vector<16xi32>
    %swap3A_132 = arith.constant 32 : index
    %swap3A_133 = tpu.vector_load %arg8[%swap3A_132] {strides = array<i32>} : memref<64xi32, #tpu.memory_space<vmem>>, vector<16xi32>,
    %swap3A_134 = vector.shape_cast %swap3A_133 : vector<16xi32> to vector<16xi32>
    %swap3A_135 = vector.shape_cast %and3A_131 : vector<16xi32> to vector<16xi32>
    tpu.vector_store %arg8[%swap3A_132], %swap3A_135 {strides = array<i32>} : memref<64xi32, #tpu.memory_space<vmem>>, vector<16xi32>,
    %shift_right_logical3A_136 = arith.constant 14 : i32
    %shift_right_logical3A_137 = vector.broadcast %shift_right_logical3A_136 : i32 to vector<16xi32>
    %shift_right_logical3A_138 = arith.shrui %get3A_128, %shift_right_logical3A_137 : vector<16xi32>
    %swap3A_139 = arith.constant 32 : index
    %swap3A_140 = tpu.vector_load %arg12[%swap3A_139] {strides = array<i32>} : memref<64xi32, #tpu.memory_space<vmem>>, vector<16xi32>,
    %swap3A_141 = vector.shape_cast %swap3A_140 : vector<16xi32> to vector<16xi32>
    %swap3A_142 = vector.shape_cast %shift_right_logical3A_138 : vector<16xi32> to vector<16xi32>
    tpu.vector_store %arg12[%swap3A_139], %swap3A_142 {strides = array<i32>} : memref<64xi32, #tpu.memory_space<vmem>>, vector<16xi32>,
    %get3A_143 = arith.constant 112 : index
    %get3A_144 = tpu.vector_load %arg6[%get3A_143] {strides = array<i32>} : memref<10240xi32, #tpu.memory_space<vmem>>, vector<16xi32>,
    %get3A_145 = vector.shape_cast %get3A_144 : vector<16xi32> to vector<16xi32>
    %and3A_146 = arith.constant 16383 : i32
    %and3A_147 = vector.broadcast %and3A_146 : i32 to vector<16xi32>
    %and3A_148 = arith.andi %get3A_145, %and3A_147 : vector<16xi32>
    %swap3A_149 = arith.constant 48 : index
    %swap3A_150 = tpu.vector_load %arg8[%swap3A_149] {strides = array<i32>} : memref<64xi32, #tpu.memory_space<vmem>>, vector<16xi32>,
    %swap3A_151 = vector.shape_cast %swap3A_150 : vector<16xi32> to vector<16xi32>
    %swap3A_152 = vector.shape_cast %and3A_148 : vector<16xi32> to vector<16xi32>
    tpu.vector_store %arg8[%swap3A_149], %swap3A_152 {strides = array<i32>} : memref<64xi32, #tpu.memory_space<vmem>>, vector<16xi32>,
    %shift_right_logical3A_153 = arith.constant 14 : i32
    %shift_right_logical3A_154 = vector.broadcast %shift_right_logical3A_153 : i32 to vector<16xi32>
    %shift_right_logical3A_155 = arith.shrui %get3A_145, %shift_right_logical3A_154 : vector<16xi32>
    %swap3A_156 = arith.constant 48 : index
    %swap3A_157 = tpu.vector_load %arg12[%swap3A_156] {strides = array<i32>} : memref<64xi32, #tpu.memory_space<vmem>>, vector<16xi32>,
    %swap3A_158 = vector.shape_cast %swap3A_157 : vector<16xi32> to vector<16xi32>
    %swap3A_159 = vector.shape_cast %shift_right_logical3A_155 : vector<16xi32> to vector<16xi32>
    tpu.vector_store %arg12[%swap3A_156], %swap3A_159 {strides = array<i32>} : memref<64xi32, #tpu.memory_space<vmem>>, vector<16xi32>,
    %dma_start3A_160 = arith.constant 0 : i32
    %dma_start3A_161 = arith.constant 0 : i32
    %dma_start3A_162 = tpu.memref_slice %arg2[%dma_start3A_160, %dma_start3A_161] : memref<10112x128xf32, #tpu.memory_space<hbm>> -> memref<10112x128xf32, #tpu.memory_space<hbm>>
    tpu.enqueue_indirect_dma source(%dma_start3A_162 : memref<10112x128xf32, #tpu.memory_space<hbm>>) target(%arg16 : memref<64x128xf32, #tpu.memory_space<vmem>>) offsets(%arg8 : memref<64xi32, #tpu.memory_space<vmem>>) semaphore(%arg20 : memref<!tpu.dma_semaphore, #tpu.memory_space<semaphore_mem>>)
    %get3A_163 = arith.constant 128 : index
    %get3A_164 = tpu.vector_load %arg6[%get3A_163] {strides = array<i32>} : memref<10240xi32, #tpu.memory_space<vmem>>, vector<16xi32>,
    %get3A_165 = vector.shape_cast %get3A_164 : vector<16xi32> to vector<16xi32>
    %and3A_166 = arith.constant 16383 : i32
    %and3A_167 = vector.broadcast %and3A_166 : i32 to vector<16xi32>
    %and3A_168 = arith.andi %get3A_165, %and3A_167 : vector<16xi32>
    %swap3A_169 = arith.constant 0 : index
    %swap3A_170 = tpu.vector_load %arg9[%swap3A_169] {strides = array<i32>} : memref<64xi32, #tpu.memory_space<vmem>>, vector<16xi32>,
    %swap3A_171 = vector.shape_cast %swap3A_170 : vector<16xi32> to vector<16xi32>
    %swap3A_172 = vector.shape_cast %and3A_168 : vector<16xi32> to vector<16xi32>
    tpu.vector_store %arg9[%swap3A_169], %swap3A_172 {strides = array<i32>} : memref<64xi32, #tpu.memory_space<vmem>>, vector<16xi32>,
    %shift_right_logical3A_173 = arith.constant 14 : i32
    %shift_right_logical3A_174 = vector.broadcast %shift_right_logical3A_173 : i32 to vector<16xi32>
    %shift_right_logical3A_175 = arith.shrui %get3A_165, %shift_right_logical3A_174 : vector<16xi32>
    %swap3A_176 = arith.constant 0 : index
    %swap3A_177 = tpu.vector_load %arg13[%swap3A_176] {strides = array<i32>} : memref<64xi32, #tpu.memory_space<vmem>>, vector<16xi32>,
    %swap3A_178 = vector.shape_cast %swap3A_177 : vector<16xi32> to vector<16xi32>
    %swap3A_179 = vector.shape_cast %shift_right_logical3A_175 : vector<16xi32> to vector<16xi32>
    tpu.vector_store %arg13[%swap3A_176], %swap3A_179 {strides = array<i32>} : memref<64xi32, #tpu.memory_space<vmem>>, vector<16xi32>,
    %get3A_180 = arith.constant 144 : index
    %get3A_181 = tpu.vector_load %arg6[%get3A_180] {strides = array<i32>} : memref<10240xi32, #tpu.memory_space<vmem>>, vector<16xi32>,
    %get3A_182 = vector.shape_cast %get3A_181 : vector<16xi32> to vector<16xi32>
    %and3A_183 = arith.constant 16383 : i32
    %and3A_184 = vector.broadcast %and3A_183 : i32 to vector<16xi32>
    %and3A_185 = arith.andi %get3A_182, %and3A_184 : vector<16xi32>
    %swap3A_186 = arith.constant 16 : index
    %swap3A_187 = tpu.vector_load %arg9[%swap3A_186] {strides = array<i32>} : memref<64xi32, #tpu.memory_space<vmem>>, vector<16xi32>,
    %swap3A_188 = vector.shape_cast %swap3A_187 : vector<16xi32> to vector<16xi32>
    %swap3A_189 = vector.shape_cast %and3A_185 : vector<16xi32> to vector<16xi32>
    tpu.vector_store %arg9[%swap3A_186], %swap3A_189 {strides = array<i32>} : memref<64xi32, #tpu.memory_space<vmem>>, vector<16xi32>,
    %shift_right_logical3A_190 = arith.constant 14 : i32
    %shift_right_logical3A_191 = vector.broadcast %shift_right_logical3A_190 : i32 to vector<16xi32>
    %shift_right_logical3A_192 = arith.shrui %get3A_182, %shift_right_logical3A_191 : vector<16xi32>
    %swap3A_193 = arith.constant 16 : index
    %swap3A_194 = tpu.vector_load %arg13[%swap3A_193] {strides = array<i32>} : memref<64xi32, #tpu.memory_space<vmem>>, vector<16xi32>,
    %swap3A_195 = vector.shape_cast %swap3A_194 : vector<16xi32> to vector<16xi32>
    %swap3A_196 = vector.shape_cast %shift_right_logical3A_192 : vector<16xi32> to vector<16xi32>
    tpu.vector_store %arg13[%swap3A_193], %swap3A_196 {strides = array<i32>} : memref<64xi32, #tpu.memory_space<vmem>>, vector<16xi32>,
    %get3A_197 = arith.constant 160 : index
    %get3A_198 = tpu.vector_load %arg6[%get3A_197] {strides = array<i32>} : memref<10240xi32, #tpu.memory_space<vmem>>, vector<16xi32>,
    %get3A_199 = vector.shape_cast %get3A_198 : vector<16xi32> to vector<16xi32>
    %and3A_200 = arith.constant 16383 : i32
    %and3A_201 = vector.broadcast %and3A_200 : i32 to vector<16xi32>
    %and3A_202 = arith.andi %get3A_199, %and3A_201 : vector<16xi32>
    %swap3A_203 = arith.constant 32 : index
    %swap3A_204 = tpu.vector_load %arg9[%swap3A_203] {strides = array<i32>} : memref<64xi32, #tpu.memory_space<vmem>>, vector<16xi32>,
    %swap3A_205 = vector.shape_cast %swap3A_204 : vector<16xi32> to vector<16xi32>
    %swap3A_206 = vector.shape_cast %and3A_202 : vector<16xi32> to vector<16xi32>
    tpu.vector_store %arg9[%swap3A_203], %swap3A_206 {strides = array<i32>} : memref<64xi32, #tpu.memory_space<vmem>>, vector<16xi32>,
    %shift_right_logical3A_207 = arith.constant 14 : i32
    %shift_right_logical3A_208 = vector.broadcast %shift_right_logical3A_207 : i32 to vector<16xi32>
    %shift_right_logical3A_209 = arith.shrui %get3A_199, %shift_right_logical3A_208 : vector<16xi32>
    %swap3A_210 = arith.constant 32 : index
    %swap3A_211 = tpu.vector_load %arg13[%swap3A_210] {strides = array<i32>} : memref<64xi32, #tpu.memory_space<vmem>>, vector<16xi32>,
    %swap3A_212 = vector.shape_cast %swap3A_211 : vector<16xi32> to vector<16xi32>
    %swap3A_213 = vector.shape_cast %shift_right_logical3A_209 : vector<16xi32> to vector<16xi32>
    tpu.vector_store %arg13[%swap3A_210], %swap3A_213 {strides = array<i32>} : memref<64xi32, #tpu.memory_space<vmem>>, vector<16xi32>,
    %get3A_214 = arith.constant 176 : index
    %get3A_215 = tpu.vector_load %arg6[%get3A_214] {strides = array<i32>} : memref<10240xi32, #tpu.memory_space<vmem>>, vector<16xi32>,
    %get3A_216 = vector.shape_cast %get3A_215 : vector<16xi32> to vector<16xi32>
    %and3A_217 = arith.constant 16383 : i32
    %and3A_218 = vector.broadcast %and3A_217 : i32 to vector<16xi32>
    %and3A_219 = arith.andi %get3A_216, %and3A_218 : vector<16xi32>
    %swap3A_220 = arith.constant 48 : index
    %swap3A_221 = tpu.vector_load %arg9[%swap3A_220] {strides = array<i32>} : memref<64xi32, #tpu.memory_space<vmem>>, vector<16xi32>,
    %swap3A_222 = vector.shape_cast %swap3A_221 : vector<16xi32> to vector<16xi32>
    %swap3A_223 = vector.shape_cast %and3A_219 : vector<16xi32> to vector<16xi32>
    tpu.vector_store %arg9[%swap3A_220], %swap3A_223 {strides = array<i32>} : memref<64xi32, #tpu.memory_space<vmem>>, vector<16xi32>,
    %shift_right_logical3A_224 = arith.constant 14 : i32
    %shift_right_logical3A_225 = vector.broadcast %shift_right_logical3A_224 : i32 to vector<16xi32>
    %shift_right_logical3A_226 = arith.shrui %get3A_216, %shift_right_logical3A_225 : vector<16xi32>
    %swap3A_227 = arith.constant 48 : index
    %swap3A_228 = tpu.vector_load %arg13[%swap3A_227] {strides = array<i32>} : memref<64xi32, #tpu.memory_space<vmem>>, vector<16xi32>,
    %swap3A_229 = vector.shape_cast %swap3A_228 : vector<16xi32> to vector<16xi32>
    %swap3A_230 = vector.shape_cast %shift_right_logical3A_226 : vector<16xi32> to vector<16xi32>
    tpu.vector_store %arg13[%swap3A_227], %swap3A_230 {strides = array<i32>} : memref<64xi32, #tpu.memory_space<vmem>>, vector<16xi32>,
    %dma_start3A_231 = arith.constant 0 : i32
    %dma_start3A_232 = arith.constant 0 : i32
    %dma_start3A_233 = tpu.memref_slice %arg2[%dma_start3A_231, %dma_start3A_232] : memref<10112x128xf32, #tpu.memory_space<hbm>> -> memref<10112x128xf32, #tpu.memory_space<hbm>>
    tpu.enqueue_indirect_dma source(%dma_start3A_233 : memref<10112x128xf32, #tpu.memory_space<hbm>>) target(%arg17 : memref<64x128xf32, #tpu.memory_space<vmem>>) offsets(%arg9 : memref<64xi32, #tpu.memory_space<vmem>>) semaphore(%arg21 : memref<!tpu.dma_semaphore, #tpu.memory_space<semaphore_mem>>)
    %get3A_234 = arith.constant 192 : index
    %get3A_235 = tpu.vector_load %arg6[%get3A_234] {strides = array<i32>} : memref<10240xi32, #tpu.memory_space<vmem>>, vector<16xi32>,
    %get3A_236 = vector.shape_cast %get3A_235 : vector<16xi32> to vector<16xi32>
    %and3A_237 = arith.constant 16383 : i32
    %and3A_238 = vector.broadcast %and3A_237 : i32 to vector<16xi32>
    %and3A_239 = arith.andi %get3A_236, %and3A_238 : vector<16xi32>
    %swap3A_240 = arith.constant 0 : index
    %swap3A_241 = tpu.vector_load %arg10[%swap3A_240] {strides = array<i32>} : memref<64xi32, #tpu.memory_space<vmem>>, vector<16xi32>,
    %swap3A_242 = vector.shape_cast %swap3A_241 : vector<16xi32> to vector<16xi32>
    %swap3A_243 = vector.shape_cast %and3A_239 : vector<16xi32> to vector<16xi32>
    tpu.vector_store %arg10[%swap3A_240], %swap3A_243 {strides = array<i32>} : memref<64xi32, #tpu.memory_space<vmem>>, vector<16xi32>,
    %shift_right_logical3A_244 = arith.constant 14 : i32
    %shift_right_logical3A_245 = vector.broadcast %shift_right_logical3A_244 : i32 to vector<16xi32>
    %shift_right_logical3A_246 = arith.shrui %get3A_236, %shift_right_logical3A_245 : vector<16xi32>
    %swap3A_247 = arith.constant 0 : index
    %swap3A_248 = tpu.vector_load %arg14[%swap3A_247] {strides = array<i32>} : memref<64xi32, #tpu.memory_space<vmem>>, vector<16xi32>,
    %swap3A_249 = vector.shape_cast %swap3A_248 : vector<16xi32> to vector<16xi32>
    %swap3A_250 = vector.shape_cast %shift_right_logical3A_246 : vector<16xi32> to vector<16xi32>
    tpu.vector_store %arg14[%swap3A_247], %swap3A_250 {strides = array<i32>} : memref<64xi32, #tpu.memory_space<vmem>>, vector<16xi32>,
    %get3A_251 = arith.constant 208 : index
    %get3A_252 = tpu.vector_load %arg6[%get3A_251] {strides = array<i32>} : memref<10240xi32, #tpu.memory_space<vmem>>, vector<16xi32>,
    %get3A_253 = vector.shape_cast %get3A_252 : vector<16xi32> to vector<16xi32>
    %and3A_254 = arith.constant 16383 : i32
    %and3A_255 = vector.broadcast %and3A_254 : i32 to vector<16xi32>
    %and3A_256 = arith.andi %get3A_253, %and3A_255 : vector<16xi32>
    %swap3A_257 = arith.constant 16 : index
    %swap3A_258 = tpu.vector_load %arg10[%swap3A_257] {strides = array<i32>} : memref<64xi32, #tpu.memory_space<vmem>>, vector<16xi32>,
    %swap3A_259 = vector.shape_cast %swap3A_258 : vector<16xi32> to vector<16xi32>
    %swap3A_260 = vector.shape_cast %and3A_256 : vector<16xi32> to vector<16xi32>
    tpu.vector_store %arg10[%swap3A_257], %swap3A_260 {strides = array<i32>} : memref<64xi32, #tpu.memory_space<vmem>>, vector<16xi32>,
    %shift_right_logical3A_261 = arith.constant 14 : i32
    %shift_right_logical3A_262 = vector.broadcast %shift_right_logical3A_261 : i32 to vector<16xi32>
    %shift_right_logical3A_263 = arith.shrui %get3A_253, %shift_right_logical3A_262 : vector<16xi32>
    %swap3A_264 = arith.constant 16 : index
    %swap3A_265 = tpu.vector_load %arg14[%swap3A_264] {strides = array<i32>} : memref<64xi32, #tpu.memory_space<vmem>>, vector<16xi32>,
    %swap3A_266 = vector.shape_cast %swap3A_265 : vector<16xi32> to vector<16xi32>
    %swap3A_267 = vector.shape_cast %shift_right_logical3A_263 : vector<16xi32> to vector<16xi32>
    tpu.vector_store %arg14[%swap3A_264], %swap3A_267 {strides = array<i32>} : memref<64xi32, #tpu.memory_space<vmem>>, vector<16xi32>,
    %get3A_268 = arith.constant 224 : index
    %get3A_269 = tpu.vector_load %arg6[%get3A_268] {strides = array<i32>} : memref<10240xi32, #tpu.memory_space<vmem>>, vector<16xi32>,
    %get3A_270 = vector.shape_cast %get3A_269 : vector<16xi32> to vector<16xi32>
    %and3A_271 = arith.constant 16383 : i32
    %and3A_272 = vector.broadcast %and3A_271 : i32 to vector<16xi32>
    %and3A_273 = arith.andi %get3A_270, %and3A_272 : vector<16xi32>
    %swap3A_274 = arith.constant 32 : index
    %swap3A_275 = tpu.vector_load %arg10[%swap3A_274] {strides = array<i32>} : memref<64xi32, #tpu.memory_space<vmem>>, vector<16xi32>,
    %swap3A_276 = vector.shape_cast %swap3A_275 : vector<16xi32> to vector<16xi32>
    %swap3A_277 = vector.shape_cast %and3A_273 : vector<16xi32> to vector<16xi32>
    tpu.vector_store %arg10[%swap3A_274], %swap3A_277 {strides = array<i32>} : memref<64xi32, #tpu.memory_space<vmem>>, vector<16xi32>,
    %shift_right_logical3A_278 = arith.constant 14 : i32
    %shift_right_logical3A_279 = vector.broadcast %shift_right_logical3A_278 : i32 to vector<16xi32>
    %shift_right_logical3A_280 = arith.shrui %get3A_270, %shift_right_logical3A_279 : vector<16xi32>
    %swap3A_281 = arith.constant 32 : index
    %swap3A_282 = tpu.vector_load %arg14[%swap3A_281] {strides = array<i32>} : memref<64xi32, #tpu.memory_space<vmem>>, vector<16xi32>,
    %swap3A_283 = vector.shape_cast %swap3A_282 : vector<16xi32> to vector<16xi32>
    %swap3A_284 = vector.shape_cast %shift_right_logical3A_280 : vector<16xi32> to vector<16xi32>
    tpu.vector_store %arg14[%swap3A_281], %swap3A_284 {strides = array<i32>} : memref<64xi32, #tpu.memory_space<vmem>>, vector<16xi32>,
    %get3A_285 = arith.constant 240 : index
    %get3A_286 = tpu.vector_load %arg6[%get3A_285] {strides = array<i32>} : memref<10240xi32, #tpu.memory_space<vmem>>, vector<16xi32>,
    %get3A_287 = vector.shape_cast %get3A_286 : vector<16xi32> to vector<16xi32>
    %and3A_288 = arith.constant 16383 : i32
    %and3A_289 = vector.broadcast %and3A_288 : i32 to vector<16xi32>
    %and3A_290 = arith.andi %get3A_287, %and3A_289 : vector<16xi32>
    %swap3A_291 = arith.constant 48 : index
    %swap3A_292 = tpu.vector_load %arg10[%swap3A_291] {strides = array<i32>} : memref<64xi32, #tpu.memory_space<vmem>>, vector<16xi32>,
    %swap3A_293 = vector.shape_cast %swap3A_292 : vector<16xi32> to vector<16xi32>
    %swap3A_294 = vector.shape_cast %and3A_290 : vector<16xi32> to vector<16xi32>
    tpu.vector_store %arg10[%swap3A_291], %swap3A_294 {strides = array<i32>} : memref<64xi32, #tpu.memory_space<vmem>>, vector<16xi32>,
    %shift_right_logical3A_295 = arith.constant 14 : i32
    %shift_right_logical3A_296 = vector.broadcast %shift_right_logical3A_295 : i32 to vector<16xi32>
    %shift_right_logical3A_297 = arith.shrui %get3A_287, %shift_right_logical3A_296 : vector<16xi32>
    %swap3A_298 = arith.constant 48 : index
    %swap3A_299 = tpu.vector_load %arg14[%swap3A_298] {strides = array<i32>} : memref<64xi32, #tpu.memory_space<vmem>>, vector<16xi32>,
    %swap3A_300 = vector.shape_cast %swap3A_299 : vector<16xi32> to vector<16xi32>
    %swap3A_301 = vector.shape_cast %shift_right_logical3A_297 : vector<16xi32> to vector<16xi32>
    tpu.vector_store %arg14[%swap3A_298], %swap3A_301 {strides = array<i32>} : memref<64xi32, #tpu.memory_space<vmem>>, vector<16xi32>,
    %dma_start3A_302 = arith.constant 0 : i32
    %dma_start3A_303 = arith.constant 0 : i32
    %dma_start3A_304 = tpu.memref_slice %arg2[%dma_start3A_302, %dma_start3A_303] : memref<10112x128xf32, #tpu.memory_space<hbm>> -> memref<10112x128xf32, #tpu.memory_space<hbm>>
    tpu.enqueue_indirect_dma source(%dma_start3A_304 : memref<10112x128xf32, #tpu.memory_space<hbm>>) target(%arg18 : memref<64x128xf32, #tpu.memory_space<vmem>>) offsets(%arg10 : memref<64xi32, #tpu.memory_space<vmem>>) semaphore(%arg22 : memref<!tpu.dma_semaphore, #tpu.memory_space<semaphore_mem>>)
    %barrier3A = arith.constant 0 : index
    tpu.barrier barrier_id(%barrier3A)
    %scan3A_305 = arith.constant 0 : i32
    %scan3A_306 = arith.constant 0 : i32
    %scan3A_307 = arith.constant 39 : i32
    %scan3A_308 = arith.addi %scan3A_306, %scan3A_307 : i32
    %scan3A_309 = arith.constant 1 : i32
    scf.for %scan3A_369 = %scan3A_306 to %scan3A_308 step %scan3A_309  : i32 {
      %mul3A_370 = arith.constant 4 : i32
      %mul3A_371 = arith.muli %scan3A_369, %mul3A_370 : i32
      %dma_wait3A_372 = arith.constant 0 : i32
      %dma_wait3A_373 = arith.constant 0 : i32
      %dma_wait3A_374 = tpu.memref_slice %arg2[%dma_wait3A_372, %dma_wait3A_373] : memref<10112x128xf32, #tpu.memory_space<hbm>> -> memref<10112x128xf32, #tpu.memory_space<hbm>>
      tpu.wait_indirect_dma semaphore(%arg19 : memref<!tpu.dma_semaphore, #tpu.memory_space<semaphore_mem>>) src(%dma_wait3A_374 : memref<10112x128xf32, #tpu.memory_space<hbm>>) dst(%arg15 : memref<64x128xf32, #tpu.memory_space<vmem>>)
      %dma_start3A_375 = arith.constant 0 : i32
      %dma_start3A_376 = arith.constant 0 : i32
      %dma_start3A_377 = tpu.memref_slice %arg5[%dma_start3A_375, %dma_start3A_376] : memref<10112x128xf32, #tpu.memory_space<vmem_shared>> -> memref<10112x128xf32, #tpu.memory_space<vmem_shared>>
      tpu.enqueue_indirect_dma source(%arg15 : memref<64x128xf32, #tpu.memory_space<vmem>>) target(%dma_start3A_377 : memref<10112x128xf32, #tpu.memory_space<vmem_shared>>) offsets(%arg11 : memref<64xi32, #tpu.memory_space<vmem>>) semaphore(%arg23 : memref<!tpu.dma_semaphore, #tpu.memory_space<semaphore_mem>>) {add = true}
      %dma_wait3A_378 = arith.constant 0 : i32
      %dma_wait3A_379 = arith.constant 0 : i32
      %dma_wait3A_380 = tpu.memref_slice %arg2[%dma_wait3A_378, %dma_wait3A_379] : memref<10112x128xf32, #tpu.memory_space<hbm>> -> memref<10112x128xf32, #tpu.memory_space<hbm>>
      tpu.wait_indirect_dma semaphore(%arg20 : memref<!tpu.dma_semaphore, #tpu.memory_space<semaphore_mem>>) src(%dma_wait3A_380 : memref<10112x128xf32, #tpu.memory_space<hbm>>) dst(%arg16 : memref<64x128xf32, #tpu.memory_space<vmem>>)
      %dma_start3A_381 = arith.constant 0 : i32
      %dma_start3A_382 = arith.constant 0 : i32
      %dma_start3A_383 = tpu.memref_slice %arg5[%dma_start3A_381, %dma_start3A_382] : memref<10112x128xf32, #tpu.memory_space<vmem_shared>> -> memref<10112x128xf32, #tpu.memory_space<vmem_shared>>
      tpu.enqueue_indirect_dma source(%arg16 : memref<64x128xf32, #tpu.memory_space<vmem>>) target(%dma_start3A_383 : memref<10112x128xf32, #tpu.memory_space<vmem_shared>>) offsets(%arg12 : memref<64xi32, #tpu.memory_space<vmem>>) semaphore(%arg24 : memref<!tpu.dma_semaphore, #tpu.memory_space<semaphore_mem>>) {add = true}
      %dma_wait3A_384 = arith.constant 0 : i32
      %dma_wait3A_385 = arith.constant 0 : i32
      %dma_wait3A_386 = tpu.memref_slice %arg2[%dma_wait3A_384, %dma_wait3A_385] : memref<10112x128xf32, #tpu.memory_space<hbm>> -> memref<10112x128xf32, #tpu.memory_space<hbm>>
      tpu.wait_indirect_dma semaphore(%arg21 : memref<!tpu.dma_semaphore, #tpu.memory_space<semaphore_mem>>) src(%dma_wait3A_386 : memref<10112x128xf32, #tpu.memory_space<hbm>>) dst(%arg17 : memref<64x128xf32, #tpu.memory_space<vmem>>)
      %dma_start3A_387 = arith.constant 0 : i32
      %dma_start3A_388 = arith.constant 0 : i32
      %dma_start3A_389 = tpu.memref_slice %arg5[%dma_start3A_387, %dma_start3A_388] : memref<10112x128xf32, #tpu.memory_space<vmem_shared>> -> memref<10112x128xf32, #tpu.memory_space<vmem_shared>>
      tpu.enqueue_indirect_dma source(%arg17 : memref<64x128xf32, #tpu.memory_space<vmem>>) target(%dma_start3A_389 : memref<10112x128xf32, #tpu.memory_space<vmem_shared>>) offsets(%arg13 : memref<64xi32, #tpu.memory_space<vmem>>) semaphore(%arg25 : memref<!tpu.dma_semaphore, #tpu.memory_space<semaphore_mem>>) {add = true}
      %dma_wait3A_390 = arith.constant 0 : i32
      %dma_wait3A_391 = arith.constant 0 : i32
      %dma_wait3A_392 = tpu.memref_slice %arg2[%dma_wait3A_390, %dma_wait3A_391] : memref<10112x128xf32, #tpu.memory_space<hbm>> -> memref<10112x128xf32, #tpu.memory_space<hbm>>
      tpu.wait_indirect_dma semaphore(%arg22 : memref<!tpu.dma_semaphore, #tpu.memory_space<semaphore_mem>>) src(%dma_wait3A_392 : memref<10112x128xf32, #tpu.memory_space<hbm>>) dst(%arg18 : memref<64x128xf32, #tpu.memory_space<vmem>>)
      %dma_start3A_393 = arith.constant 0 : i32
      %dma_start3A_394 = arith.constant 0 : i32
      %dma_start3A_395 = tpu.memref_slice %arg5[%dma_start3A_393, %dma_start3A_394] : memref<10112x128xf32, #tpu.memory_space<vmem_shared>> -> memref<10112x128xf32, #tpu.memory_space<vmem_shared>>
      tpu.enqueue_indirect_dma source(%arg18 : memref<64x128xf32, #tpu.memory_space<vmem>>) target(%dma_start3A_395 : memref<10112x128xf32, #tpu.memory_space<vmem_shared>>) offsets(%arg14 : memref<64xi32, #tpu.memory_space<vmem>>) semaphore(%arg26 : memref<!tpu.dma_semaphore, #tpu.memory_space<semaphore_mem>>) {add = true}
      %dma_wait3A_396 = arith.constant 0 : i32
      %dma_wait3A_397 = arith.constant 0 : i32
      %dma_wait3A_398 = tpu.memref_slice %arg5[%dma_wait3A_396, %dma_wait3A_397] : memref<10112x128xf32, #tpu.memory_space<vmem_shared>> -> memref<10112x128xf32, #tpu.memory_space<vmem_shared>>
      tpu.wait_indirect_dma semaphore(%arg23 : memref<!tpu.dma_semaphore, #tpu.memory_space<semaphore_mem>>) src(%arg15 : memref<64x128xf32, #tpu.memory_space<vmem>>) dst(%dma_wait3A_398 : memref<10112x128xf32, #tpu.memory_space<vmem_shared>>)
      %add3A_399 = arith.constant 4 : i32
      %add3A_400 = arith.addi %mul3A_371, %add3A_399 : i32
      %add3A_401 = arith.constant 0 : i32
      %add3A_402 = arith.addi %add3A_400, %add3A_401 : i32
      %mul3A_403 = arith.constant 64 : i32
      %mul3A_404 = arith.muli %add3A_402, %mul3A_403 : i32
      %add3A_405 = arith.constant 0 : i32
      %add3A_406 = arith.addi %mul3A_404, %add3A_405 : i32
      %get3A_407 = arith.index_cast %add3A_406 : i32 to index
      %get3A_408 = tpu.vector_load %arg6[%get3A_407] {strides = array<i32>} : memref<10240xi32, #tpu.memory_space<vmem>>, vector<16xi32>,
      %get3A_409 = vector.shape_cast %get3A_408 : vector<16xi32> to vector<16xi32>
      %and3A_410 = arith.constant 16383 : i32
      %and3A_411 = vector.broadcast %and3A_410 : i32 to vector<16xi32>
      %and3A_412 = arith.andi %get3A_409, %and3A_411 : vector<16xi32>
      %swap3A_413 = arith.constant 0 : index
      %swap3A_414 = tpu.vector_load %arg7[%swap3A_413] {strides = array<i32>} : memref<64xi32, #tpu.memory_space<vmem>>, vector<16xi32>,
      %swap3A_415 = vector.shape_cast %swap3A_414 : vector<16xi32> to vector<16xi32>
      %swap3A_416 = vector.shape_cast %and3A_412 : vector<16xi32> to vector<16xi32>
      tpu.vector_store %arg7[%swap3A_413], %swap3A_416 {strides = array<i32>} : memref<64xi32, #tpu.memory_space<vmem>>, vector<16xi32>,
      %shift_right_logical3A_417 = arith.constant 14 : i32
      %shift_right_logical3A_418 = vector.broadcast %shift_right_logical3A_417 : i32 to vector<16xi32>
      %shift_right_logical3A_419 = arith.shrui %get3A_409, %shift_right_logical3A_418 : vector<16xi32>
      %swap3A_420 = arith.constant 0 : index
      %swap3A_421 = tpu.vector_load %arg11[%swap3A_420] {strides = array<i32>} : memref<64xi32, #tpu.memory_space<vmem>>, vector<16xi32>,
      %swap3A_422 = vector.shape_cast %swap3A_421 : vector<16xi32> to vector<16xi32>
      %swap3A_423 = vector.shape_cast %shift_right_logical3A_419 : vector<16xi32> to vector<16xi32>
      tpu.vector_store %arg11[%swap3A_420], %swap3A_423 {strides = array<i32>} : memref<64xi32, #tpu.memory_space<vmem>>, vector<16xi32>,
      %mul3A_424 = arith.constant 64 : i32
      %mul3A_425 = arith.muli %add3A_402, %mul3A_424 : i32
      %add3A_426 = arith.constant 16 : i32
      %add3A_427 = arith.addi %mul3A_425, %add3A_426 : i32
      %get3A_428 = arith.index_cast %add3A_427 : i32 to index
      %get3A_429 = tpu.vector_load %arg6[%get3A_428] {strides = array<i32>} : memref<10240xi32, #tpu.memory_space<vmem>>, vector<16xi32>,
      %get3A_430 = vector.shape_cast %get3A_429 : vector<16xi32> to vector<16xi32>
      %and3A_431 = arith.constant 16383 : i32
      %and3A_432 = vector.broadcast %and3A_431 : i32 to vector<16xi32>
      %and3A_433 = arith.andi %get3A_430, %and3A_432 : vector<16xi32>
      %swap3A_434 = arith.constant 16 : index
      %swap3A_435 = tpu.vector_load %arg7[%swap3A_434] {strides = array<i32>} : memref<64xi32, #tpu.memory_space<vmem>>, vector<16xi32>,
      %swap3A_436 = vector.shape_cast %swap3A_435 : vector<16xi32> to vector<16xi32>
      %swap3A_437 = vector.shape_cast %and3A_433 : vector<16xi32> to vector<16xi32>
      tpu.vector_store %arg7[%swap3A_434], %swap3A_437 {strides = array<i32>} : memref<64xi32, #tpu.memory_space<vmem>>, vector<16xi32>,
      %shift_right_logical3A_438 = arith.constant 14 : i32
      %shift_right_logical3A_439 = vector.broadcast %shift_right_logical3A_438 : i32 to vector<16xi32>
      %shift_right_logical3A_440 = arith.shrui %get3A_430, %shift_right_logical3A_439 : vector<16xi32>
      %swap3A_441 = arith.constant 16 : index
      %swap3A_442 = tpu.vector_load %arg11[%swap3A_441] {strides = array<i32>} : memref<64xi32, #tpu.memory_space<vmem>>, vector<16xi32>,
      %swap3A_443 = vector.shape_cast %swap3A_442 : vector<16xi32> to vector<16xi32>
      %swap3A_444 = vector.shape_cast %shift_right_logical3A_440 : vector<16xi32> to vector<16xi32>
      tpu.vector_store %arg11[%swap3A_441], %swap3A_444 {strides = array<i32>} : memref<64xi32, #tpu.memory_space<vmem>>, vector<16xi32>,
      %mul3A_445 = arith.constant 64 : i32
      %mul3A_446 = arith.muli %add3A_402, %mul3A_445 : i32
      %add3A_447 = arith.constant 32 : i32
      %add3A_448 = arith.addi %mul3A_446, %add3A_447 : i32
      %get3A_449 = arith.index_cast %add3A_448 : i32 to index
      %get3A_450 = tpu.vector_load %arg6[%get3A_449] {strides = array<i32>} : memref<10240xi32, #tpu.memory_space<vmem>>, vector<16xi32>,
      %get3A_451 = vector.shape_cast %get3A_450 : vector<16xi32> to vector<16xi32>
      %and3A_452 = arith.constant 16383 : i32
      %and3A_453 = vector.broadcast %and3A_452 : i32 to vector<16xi32>
      %and3A_454 = arith.andi %get3A_451, %and3A_453 : vector<16xi32>
      %swap3A_455 = arith.constant 32 : index
      %swap3A_456 = tpu.vector_load %arg7[%swap3A_455] {strides = array<i32>} : memref<64xi32, #tpu.memory_space<vmem>>, vector<16xi32>,
      %swap3A_457 = vector.shape_cast %swap3A_456 : vector<16xi32> to vector<16xi32>
      %swap3A_458 = vector.shape_cast %and3A_454 : vector<16xi32> to vector<16xi32>
      tpu.vector_store %arg7[%swap3A_455], %swap3A_458 {strides = array<i32>} : memref<64xi32, #tpu.memory_space<vmem>>, vector<16xi32>,
      %shift_right_logical3A_459 = arith.constant 14 : i32
      %shift_right_logical3A_460 = vector.broadcast %shift_right_logical3A_459 : i32 to vector<16xi32>
      %shift_right_logical3A_461 = arith.shrui %get3A_451, %shift_right_logical3A_460 : vector<16xi32>
      %swap3A_462 = arith.constant 32 : index
      %swap3A_463 = tpu.vector_load %arg11[%swap3A_462] {strides = array<i32>} : memref<64xi32, #tpu.memory_space<vmem>>, vector<16xi32>,
      %swap3A_464 = vector.shape_cast %swap3A_463 : vector<16xi32> to vector<16xi32>
      %swap3A_465 = vector.shape_cast %shift_right_logical3A_461 : vector<16xi32> to vector<16xi32>
      tpu.vector_store %arg11[%swap3A_462], %swap3A_465 {strides = array<i32>} : memref<64xi32, #tpu.memory_space<vmem>>, vector<16xi32>,
      %mul3A_466 = arith.constant 64 : i32
      %mul3A_467 = arith.muli %add3A_402, %mul3A_466 : i32
      %add3A_468 = arith.constant 48 : i32
      %add3A_469 = arith.addi %mul3A_467, %add3A_468 : i32
      %get3A_470 = arith.index_cast %add3A_469 : i32 to index
      %get3A_471 = tpu.vector_load %arg6[%get3A_470] {strides = array<i32>} : memref<10240xi32, #tpu.memory_space<vmem>>, vector<16xi32>,
      %get3A_472 = vector.shape_cast %get3A_471 : vector<16xi32> to vector<16xi32>
      %and3A_473 = arith.constant 16383 : i32
      %and3A_474 = vector.broadcast %and3A_473 : i32 to vector<16xi32>
      %and3A_475 = arith.andi %get3A_472, %and3A_474 : vector<16xi32>
      %swap3A_476 = arith.constant 48 : index
      %swap3A_477 = tpu.vector_load %arg7[%swap3A_476] {strides = array<i32>} : memref<64xi32, #tpu.memory_space<vmem>>, vector<16xi32>,
      %swap3A_478 = vector.shape_cast %swap3A_477 : vector<16xi32> to vector<16xi32>
      %swap3A_479 = vector.shape_cast %and3A_475 : vector<16xi32> to vector<16xi32>
      tpu.vector_store %arg7[%swap3A_476], %swap3A_479 {strides = array<i32>} : memref<64xi32, #tpu.memory_space<vmem>>, vector<16xi32>,
      %shift_right_logical3A_480 = arith.constant 14 : i32
      %shift_right_logical3A_481 = vector.broadcast %shift_right_logical3A_480 : i32 to vector<16xi32>
      %shift_right_logical3A_482 = arith.shrui %get3A_472, %shift_right_logical3A_481 : vector<16xi32>
      %swap3A_483 = arith.constant 48 : index
      %swap3A_484 = tpu.vector_load %arg11[%swap3A_483] {strides = array<i32>} : memref<64xi32, #tpu.memory_space<vmem>>, vector<16xi32>,
      %swap3A_485 = vector.shape_cast %swap3A_484 : vector<16xi32> to vector<16xi32>
      %swap3A_486 = vector.shape_cast %shift_right_logical3A_482 : vector<16xi32> to vector<16xi32>
      tpu.vector_store %arg11[%swap3A_483], %swap3A_486 {strides = array<i32>} : memref<64xi32, #tpu.memory_space<vmem>>, vector<16xi32>,
      %dma_start3A_487 = arith.constant 0 : i32
      %dma_start3A_488 = arith.constant 0 : i32
      %dma_start3A_489 = tpu.memref_slice %arg2[%dma_start3A_487, %dma_start3A_488] : memref<10112x128xf32, #tpu.memory_space<hbm>> -> memref<10112x128xf32, #tpu.memory_space<hbm>>
      tpu.enqueue_indirect_dma source(%dma_start3A_489 : memref<10112x128xf32, #tpu.memory_space<hbm>>) target(%arg15 : memref<64x128xf32, #tpu.memory_space<vmem>>) offsets(%arg7 : memref<64xi32, #tpu.memory_space<vmem>>) semaphore(%arg19 : memref<!tpu.dma_semaphore, #tpu.memory_space<semaphore_mem>>)
      %dma_wait3A_490 = arith.constant 0 : i32
      %dma_wait3A_491 = arith.constant 0 : i32
      %dma_wait3A_492 = tpu.memref_slice %arg5[%dma_wait3A_490, %dma_wait3A_491] : memref<10112x128xf32, #tpu.memory_space<vmem_shared>> -> memref<10112x128xf32, #tpu.memory_space<vmem_shared>>
      tpu.wait_indirect_dma semaphore(%arg24 : memref<!tpu.dma_semaphore, #tpu.memory_space<semaphore_mem>>) src(%arg16 : memref<64x128xf32, #tpu.memory_space<vmem>>) dst(%dma_wait3A_492 : memref<10112x128xf32, #tpu.memory_space<vmem_shared>>)
      %add3A_493 = arith.constant 4 : i32
      %add3A_494 = arith.addi %mul3A_371, %add3A_493 : i32
      %add3A_495 = arith.constant 1 : i32
      %add3A_496 = arith.addi %add3A_494, %add3A_495 : i32
      %mul3A_497 = arith.constant 64 : i32
      %mul3A_498 = arith.muli %add3A_496, %mul3A_497 : i32
      %add3A_499 = arith.constant 0 : i32
      %add3A_500 = arith.addi %mul3A_498, %add3A_499 : i32
      %get3A_501 = arith.index_cast %add3A_500 : i32 to index
      %get3A_502 = tpu.vector_load %arg6[%get3A_501] {strides = array<i32>} : memref<10240xi32, #tpu.memory_space<vmem>>, vector<16xi32>,
      %get3A_503 = vector.shape_cast %get3A_502 : vector<16xi32> to vector<16xi32>
      %and3A_504 = arith.constant 16383 : i32
      %and3A_505 = vector.broadcast %and3A_504 : i32 to vector<16xi32>
      %and3A_506 = arith.andi %get3A_503, %and3A_505 : vector<16xi32>
      %swap3A_507 = arith.constant 0 : index
      %swap3A_508 = tpu.vector_load %arg8[%swap3A_507] {strides = array<i32>} : memref<64xi32, #tpu.memory_space<vmem>>, vector<16xi32>,
      %swap3A_509 = vector.shape_cast %swap3A_508 : vector<16xi32> to vector<16xi32>
      %swap3A_510 = vector.shape_cast %and3A_506 : vector<16xi32> to vector<16xi32>
      tpu.vector_store %arg8[%swap3A_507], %swap3A_510 {strides = array<i32>} : memref<64xi32, #tpu.memory_space<vmem>>, vector<16xi32>,
      %shift_right_logical3A_511 = arith.constant 14 : i32
      %shift_right_logical3A_512 = vector.broadcast %shift_right_logical3A_511 : i32 to vector<16xi32>
      %shift_right_logical3A_513 = arith.shrui %get3A_503, %shift_right_logical3A_512 : vector<16xi32>
      %swap3A_514 = arith.constant 0 : index
      %swap3A_515 = tpu.vector_load %arg12[%swap3A_514] {strides = array<i32>} : memref<64xi32, #tpu.memory_space<vmem>>, vector<16xi32>,
      %swap3A_516 = vector.shape_cast %swap3A_515 : vector<16xi32> to vector<16xi32>
      %swap3A_517 = vector.shape_cast %shift_right_logical3A_513 : vector<16xi32> to vector<16xi32>
      tpu.vector_store %arg12[%swap3A_514], %swap3A_517 {strides = array<i32>} : memref<64xi32, #tpu.memory_space<vmem>>, vector<16xi32>,
      %mul3A_518 = arith.constant 64 : i32
      %mul3A_519 = arith.muli %add3A_496, %mul3A_518 : i32
      %add3A_520 = arith.constant 16 : i32
      %add3A_521 = arith.addi %mul3A_519, %add3A_520 : i32
      %get3A_522 = arith.index_cast %add3A_521 : i32 to index
      %get3A_523 = tpu.vector_load %arg6[%get3A_522] {strides = array<i32>} : memref<10240xi32, #tpu.memory_space<vmem>>, vector<16xi32>,
      %get3A_524 = vector.shape_cast %get3A_523 : vector<16xi32> to vector<16xi32>
      %and3A_525 = arith.constant 16383 : i32
      %and3A_526 = vector.broadcast %and3A_525 : i32 to vector<16xi32>
      %and3A_527 = arith.andi %get3A_524, %and3A_526 : vector<16xi32>
      %swap3A_528 = arith.constant 16 : index
      %swap3A_529 = tpu.vector_load %arg8[%swap3A_528] {strides = array<i32>} : memref<64xi32, #tpu.memory_space<vmem>>, vector<16xi32>,
      %swap3A_530 = vector.shape_cast %swap3A_529 : vector<16xi32> to vector<16xi32>
      %swap3A_531 = vector.shape_cast %and3A_527 : vector<16xi32> to vector<16xi32>
      tpu.vector_store %arg8[%swap3A_528], %swap3A_531 {strides = array<i32>} : memref<64xi32, #tpu.memory_space<vmem>>, vector<16xi32>,
      %shift_right_logical3A_532 = arith.constant 14 : i32
      %shift_right_logical3A_533 = vector.broadcast %shift_right_logical3A_532 : i32 to vector<16xi32>
      %shift_right_logical3A_534 = arith.shrui %get3A_524, %shift_right_logical3A_533 : vector<16xi32>
      %swap3A_535 = arith.constant 16 : index
      %swap3A_536 = tpu.vector_load %arg12[%swap3A_535] {strides = array<i32>} : memref<64xi32, #tpu.memory_space<vmem>>, vector<16xi32>,
      %swap3A_537 = vector.shape_cast %swap3A_536 : vector<16xi32> to vector<16xi32>
      %swap3A_538 = vector.shape_cast %shift_right_logical3A_534 : vector<16xi32> to vector<16xi32>
      tpu.vector_store %arg12[%swap3A_535], %swap3A_538 {strides = array<i32>} : memref<64xi32, #tpu.memory_space<vmem>>, vector<16xi32>,
      %mul3A_539 = arith.constant 64 : i32
      %mul3A_540 = arith.muli %add3A_496, %mul3A_539 : i32
      %add3A_541 = arith.constant 32 : i32
      %add3A_542 = arith.addi %mul3A_540, %add3A_541 : i32
      %get3A_543 = arith.index_cast %add3A_542 : i32 to index
      %get3A_544 = tpu.vector_load %arg6[%get3A_543] {strides = array<i32>} : memref<10240xi32, #tpu.memory_space<vmem>>, vector<16xi32>,
      %get3A_545 = vector.shape_cast %get3A_544 : vector<16xi32> to vector<16xi32>
      %and3A_546 = arith.constant 16383 : i32
      %and3A_547 = vector.broadcast %and3A_546 : i32 to vector<16xi32>
      %and3A_548 = arith.andi %get3A_545, %and3A_547 : vector<16xi32>
      %swap3A_549 = arith.constant 32 : index
      %swap3A_550 = tpu.vector_load %arg8[%swap3A_549] {strides = array<i32>} : memref<64xi32, #tpu.memory_space<vmem>>, vector<16xi32>,
      %swap3A_551 = vector.shape_cast %swap3A_550 : vector<16xi32> to vector<16xi32>
      %swap3A_552 = vector.shape_cast %and3A_548 : vector<16xi32> to vector<16xi32>
      tpu.vector_store %arg8[%swap3A_549], %swap3A_552 {strides = array<i32>} : memref<64xi32, #tpu.memory_space<vmem>>, vector<16xi32>,
      %shift_right_logical3A_553 = arith.constant 14 : i32
      %shift_right_logical3A_554 = vector.broadcast %shift_right_logical3A_553 : i32 to vector<16xi32>
      %shift_right_logical3A_555 = arith.shrui %get3A_545, %shift_right_logical3A_554 : vector<16xi32>
      %swap3A_556 = arith.constant 32 : index
      %swap3A_557 = tpu.vector_load %arg12[%swap3A_556] {strides = array<i32>} : memref<64xi32, #tpu.memory_space<vmem>>, vector<16xi32>,
      %swap3A_558 = vector.shape_cast %swap3A_557 : vector<16xi32> to vector<16xi32>
      %swap3A_559 = vector.shape_cast %shift_right_logical3A_555 : vector<16xi32> to vector<16xi32>
      tpu.vector_store %arg12[%swap3A_556], %swap3A_559 {strides = array<i32>} : memref<64xi32, #tpu.memory_space<vmem>>, vector<16xi32>,
      %mul3A_560 = arith.constant 64 : i32
      %mul3A_561 = arith.muli %add3A_496, %mul3A_560 : i32
      %add3A_562 = arith.constant 48 : i32
      %add3A_563 = arith.addi %mul3A_561, %add3A_562 : i32
      %get3A_564 = arith.index_cast %add3A_563 : i32 to index
      %get3A_565 = tpu.vector_load %arg6[%get3A_564] {strides = array<i32>} : memref<10240xi32, #tpu.memory_space<vmem>>, vector<16xi32>,
      %get3A_566 = vector.shape_cast %get3A_565 : vector<16xi32> to vector<16xi32>
      %and3A_567 = arith.constant 16383 : i32
      %and3A_568 = vector.broadcast %and3A_567 : i32 to vector<16xi32>
      %and3A_569 = arith.andi %get3A_566, %and3A_568 : vector<16xi32>
      %swap3A_570 = arith.constant 48 : index
      %swap3A_571 = tpu.vector_load %arg8[%swap3A_570] {strides = array<i32>} : memref<64xi32, #tpu.memory_space<vmem>>, vector<16xi32>,
      %swap3A_572 = vector.shape_cast %swap3A_571 : vector<16xi32> to vector<16xi32>
      %swap3A_573 = vector.shape_cast %and3A_569 : vector<16xi32> to vector<16xi32>
      tpu.vector_store %arg8[%swap3A_570], %swap3A_573 {strides = array<i32>} : memref<64xi32, #tpu.memory_space<vmem>>, vector<16xi32>,
      %shift_right_logical3A_574 = arith.constant 14 : i32
      %shift_right_logical3A_575 = vector.broadcast %shift_right_logical3A_574 : i32 to vector<16xi32>
      %shift_right_logical3A_576 = arith.shrui %get3A_566, %shift_right_logical3A_575 : vector<16xi32>
      %swap3A_577 = arith.constant 48 : index
      %swap3A_578 = tpu.vector_load %arg12[%swap3A_577] {strides = array<i32>} : memref<64xi32, #tpu.memory_space<vmem>>, vector<16xi32>,
      %swap3A_579 = vector.shape_cast %swap3A_578 : vector<16xi32> to vector<16xi32>
      %swap3A_580 = vector.shape_cast %shift_right_logical3A_576 : vector<16xi32> to vector<16xi32>
      tpu.vector_store %arg12[%swap3A_577], %swap3A_580 {strides = array<i32>} : memref<64xi32, #tpu.memory_space<vmem>>, vector<16xi32>,
      %dma_start3A_581 = arith.constant 0 : i32
      %dma_start3A_582 = arith.constant 0 : i32
      %dma_start3A_583 = tpu.memref_slice %arg2[%dma_start3A_581, %dma_start3A_582] : memref<10112x128xf32, #tpu.memory_space<hbm>> -> memref<10112x128xf32, #tpu.memory_space<hbm>>
      tpu.enqueue_indirect_dma source(%dma_start3A_583 : memref<10112x128xf32, #tpu.memory_space<hbm>>) target(%arg16 : memref<64x128xf32, #tpu.memory_space<vmem>>) offsets(%arg8 : memref<64xi32, #tpu.memory_space<vmem>>) semaphore(%arg20 : memref<!tpu.dma_semaphore, #tpu.memory_space<semaphore_mem>>)
      %dma_wait3A_584 = arith.constant 0 : i32
      %dma_wait3A_585 = arith.constant 0 : i32
      %dma_wait3A_586 = tpu.memref_slice %arg5[%dma_wait3A_584, %dma_wait3A_585] : memref<10112x128xf32, #tpu.memory_space<vmem_shared>> -> memref<10112x128xf32, #tpu.memory_space<vmem_shared>>
      tpu.wait_indirect_dma semaphore(%arg25 : memref<!tpu.dma_semaphore, #tpu.memory_space<semaphore_mem>>) src(%arg17 : memref<64x128xf32, #tpu.memory_space<vmem>>) dst(%dma_wait3A_586 : memref<10112x128xf32, #tpu.memory_space<vmem_shared>>)
      %add3A_587 = arith.constant 4 : i32
      %add3A_588 = arith.addi %mul3A_371, %add3A_587 : i32
      %add3A_589 = arith.constant 2 : i32
      %add3A_590 = arith.addi %add3A_588, %add3A_589 : i32
      %mul3A_591 = arith.constant 64 : i32
      %mul3A_592 = arith.muli %add3A_590, %mul3A_591 : i32
      %add3A_593 = arith.constant 0 : i32
      %add3A_594 = arith.addi %mul3A_592, %add3A_593 : i32
      %get3A_595 = arith.index_cast %add3A_594 : i32 to index
      %get3A_596 = tpu.vector_load %arg6[%get3A_595] {strides = array<i32>} : memref<10240xi32, #tpu.memory_space<vmem>>, vector<16xi32>,
      %get3A_597 = vector.shape_cast %get3A_596 : vector<16xi32> to vector<16xi32>
      %and3A_598 = arith.constant 16383 : i32
      %and3A_599 = vector.broadcast %and3A_598 : i32 to vector<16xi32>
      %and3A_600 = arith.andi %get3A_597, %and3A_599 : vector<16xi32>
      %swap3A_601 = arith.constant 0 : index
      %swap3A_602 = tpu.vector_load %arg9[%swap3A_601] {strides = array<i32>} : memref<64xi32, #tpu.memory_space<vmem>>, vector<16xi32>,
      %swap3A_603 = vector.shape_cast %swap3A_602 : vector<16xi32> to vector<16xi32>
      %swap3A_604 = vector.shape_cast %and3A_600 : vector<16xi32> to vector<16xi32>
      tpu.vector_store %arg9[%swap3A_601], %swap3A_604 {strides = array<i32>} : memref<64xi32, #tpu.memory_space<vmem>>, vector<16xi32>,
      %shift_right_logical3A_605 = arith.constant 14 : i32
      %shift_right_logical3A_606 = vector.broadcast %shift_right_logical3A_605 : i32 to vector<16xi32>
      %shift_right_logical3A_607 = arith.shrui %get3A_597, %shift_right_logical3A_606 : vector<16xi32>
      %swap3A_608 = arith.constant 0 : index
      %swap3A_609 = tpu.vector_load %arg13[%swap3A_608] {strides = array<i32>} : memref<64xi32, #tpu.memory_space<vmem>>, vector<16xi32>,
      %swap3A_610 = vector.shape_cast %swap3A_609 : vector<16xi32> to vector<16xi32>
      %swap3A_611 = vector.shape_cast %shift_right_logical3A_607 : vector<16xi32> to vector<16xi32>
      tpu.vector_store %arg13[%swap3A_608], %swap3A_611 {strides = array<i32>} : memref<64xi32, #tpu.memory_space<vmem>>, vector<16xi32>,
      %mul3A_612 = arith.constant 64 : i32
      %mul3A_613 = arith.muli %add3A_590, %mul3A_612 : i32
      %add3A_614 = arith.constant 16 : i32
      %add3A_615 = arith.addi %mul3A_613, %add3A_614 : i32
      %get3A_616 = arith.index_cast %add3A_615 : i32 to index
      %get3A_617 = tpu.vector_load %arg6[%get3A_616] {strides = array<i32>} : memref<10240xi32, #tpu.memory_space<vmem>>, vector<16xi32>,
      %get3A_618 = vector.shape_cast %get3A_617 : vector<16xi32> to vector<16xi32>
      %and3A_619 = arith.constant 16383 : i32
      %and3A_620 = vector.broadcast %and3A_619 : i32 to vector<16xi32>
      %and3A_621 = arith.andi %get3A_618, %and3A_620 : vector<16xi32>
      %swap3A_622 = arith.constant 16 : index
      %swap3A_623 = tpu.vector_load %arg9[%swap3A_622] {strides = array<i32>} : memref<64xi32, #tpu.memory_space<vmem>>, vector<16xi32>,
      %swap3A_624 = vector.shape_cast %swap3A_623 : vector<16xi32> to vector<16xi32>
      %swap3A_625 = vector.shape_cast %and3A_621 : vector<16xi32> to vector<16xi32>
      tpu.vector_store %arg9[%swap3A_622], %swap3A_625 {strides = array<i32>} : memref<64xi32, #tpu.memory_space<vmem>>, vector<16xi32>,
      %shift_right_logical3A_626 = arith.constant 14 : i32
      %shift_right_logical3A_627 = vector.broadcast %shift_right_logical3A_626 : i32 to vector<16xi32>
      %shift_right_logical3A_628 = arith.shrui %get3A_618, %shift_right_logical3A_627 : vector<16xi32>
      %swap3A_629 = arith.constant 16 : index
      %swap3A_630 = tpu.vector_load %arg13[%swap3A_629] {strides = array<i32>} : memref<64xi32, #tpu.memory_space<vmem>>, vector<16xi32>,
      %swap3A_631 = vector.shape_cast %swap3A_630 : vector<16xi32> to vector<16xi32>
      %swap3A_632 = vector.shape_cast %shift_right_logical3A_628 : vector<16xi32> to vector<16xi32>
      tpu.vector_store %arg13[%swap3A_629], %swap3A_632 {strides = array<i32>} : memref<64xi32, #tpu.memory_space<vmem>>, vector<16xi32>,
      %mul3A_633 = arith.constant 64 : i32
      %mul3A_634 = arith.muli %add3A_590, %mul3A_633 : i32
      %add3A_635 = arith.constant 32 : i32
      %add3A_636 = arith.addi %mul3A_634, %add3A_635 : i32
      %get3A_637 = arith.index_cast %add3A_636 : i32 to index
      %get3A_638 = tpu.vector_load %arg6[%get3A_637] {strides = array<i32>} : memref<10240xi32, #tpu.memory_space<vmem>>, vector<16xi32>,
      %get3A_639 = vector.shape_cast %get3A_638 : vector<16xi32> to vector<16xi32>
      %and3A_640 = arith.constant 16383 : i32
      %and3A_641 = vector.broadcast %and3A_640 : i32 to vector<16xi32>
      %and3A_642 = arith.andi %get3A_639, %and3A_641 : vector<16xi32>
      %swap3A_643 = arith.constant 32 : index
      %swap3A_644 = tpu.vector_load %arg9[%swap3A_643] {strides = array<i32>} : memref<64xi32, #tpu.memory_space<vmem>>, vector<16xi32>,
      %swap3A_645 = vector.shape_cast %swap3A_644 : vector<16xi32> to vector<16xi32>
      %swap3A_646 = vector.shape_cast %and3A_642 : vector<16xi32> to vector<16xi32>
      tpu.vector_store %arg9[%swap3A_643], %swap3A_646 {strides = array<i32>} : memref<64xi32, #tpu.memory_space<vmem>>, vector<16xi32>,
      %shift_right_logical3A_647 = arith.constant 14 : i32
      %shift_right_logical3A_648 = vector.broadcast %shift_right_logical3A_647 : i32 to vector<16xi32>
      %shift_right_logical3A_649 = arith.shrui %get3A_639, %shift_right_logical3A_648 : vector<16xi32>
      %swap3A_650 = arith.constant 32 : index
      %swap3A_651 = tpu.vector_load %arg13[%swap3A_650] {strides = array<i32>} : memref<64xi32, #tpu.memory_space<vmem>>, vector<16xi32>,
      %swap3A_652 = vector.shape_cast %swap3A_651 : vector<16xi32> to vector<16xi32>
      %swap3A_653 = vector.shape_cast %shift_right_logical3A_649 : vector<16xi32> to vector<16xi32>
      tpu.vector_store %arg13[%swap3A_650], %swap3A_653 {strides = array<i32>} : memref<64xi32, #tpu.memory_space<vmem>>, vector<16xi32>,
      %mul3A_654 = arith.constant 64 : i32
      %mul3A_655 = arith.muli %add3A_590, %mul3A_654 : i32
      %add3A_656 = arith.constant 48 : i32
      %add3A_657 = arith.addi %mul3A_655, %add3A_656 : i32
      %get3A_658 = arith.index_cast %add3A_657 : i32 to index
      %get3A_659 = tpu.vector_load %arg6[%get3A_658] {strides = array<i32>} : memref<10240xi32, #tpu.memory_space<vmem>>, vector<16xi32>,
      %get3A_660 = vector.shape_cast %get3A_659 : vector<16xi32> to vector<16xi32>
      %and3A_661 = arith.constant 16383 : i32
      %and3A_662 = vector.broadcast %and3A_661 : i32 to vector<16xi32>
      %and3A_663 = arith.andi %get3A_660, %and3A_662 : vector<16xi32>
      %swap3A_664 = arith.constant 48 : index
      %swap3A_665 = tpu.vector_load %arg9[%swap3A_664] {strides = array<i32>} : memref<64xi32, #tpu.memory_space<vmem>>, vector<16xi32>,
      %swap3A_666 = vector.shape_cast %swap3A_665 : vector<16xi32> to vector<16xi32>
      %swap3A_667 = vector.shape_cast %and3A_663 : vector<16xi32> to vector<16xi32>
      tpu.vector_store %arg9[%swap3A_664], %swap3A_667 {strides = array<i32>} : memref<64xi32, #tpu.memory_space<vmem>>, vector<16xi32>,
      %shift_right_logical3A_668 = arith.constant 14 : i32
      %shift_right_logical3A_669 = vector.broadcast %shift_right_logical3A_668 : i32 to vector<16xi32>
      %shift_right_logical3A_670 = arith.shrui %get3A_660, %shift_right_logical3A_669 : vector<16xi32>
      %swap3A_671 = arith.constant 48 : index
      %swap3A_672 = tpu.vector_load %arg13[%swap3A_671] {strides = array<i32>} : memref<64xi32, #tpu.memory_space<vmem>>, vector<16xi32>,
      %swap3A_673 = vector.shape_cast %swap3A_672 : vector<16xi32> to vector<16xi32>
      %swap3A_674 = vector.shape_cast %shift_right_logical3A_670 : vector<16xi32> to vector<16xi32>
      tpu.vector_store %arg13[%swap3A_671], %swap3A_674 {strides = array<i32>} : memref<64xi32, #tpu.memory_space<vmem>>, vector<16xi32>,
      %dma_start3A_675 = arith.constant 0 : i32
      %dma_start3A_676 = arith.constant 0 : i32
      %dma_start3A_677 = tpu.memref_slice %arg2[%dma_start3A_675, %dma_start3A_676] : memref<10112x128xf32, #tpu.memory_space<hbm>> -> memref<10112x128xf32, #tpu.memory_space<hbm>>
      tpu.enqueue_indirect_dma source(%dma_start3A_677 : memref<10112x128xf32, #tpu.memory_space<hbm>>) target(%arg17 : memref<64x128xf32, #tpu.memory_space<vmem>>) offsets(%arg9 : memref<64xi32, #tpu.memory_space<vmem>>) semaphore(%arg21 : memref<!tpu.dma_semaphore, #tpu.memory_space<semaphore_mem>>)
      %dma_wait3A_678 = arith.constant 0 : i32
      %dma_wait3A_679 = arith.constant 0 : i32
      %dma_wait3A_680 = tpu.memref_slice %arg5[%dma_wait3A_678, %dma_wait3A_679] : memref<10112x128xf32, #tpu.memory_space<vmem_shared>> -> memref<10112x128xf32, #tpu.memory_space<vmem_shared>>
      tpu.wait_indirect_dma semaphore(%arg26 : memref<!tpu.dma_semaphore, #tpu.memory_space<semaphore_mem>>) src(%arg18 : memref<64x128xf32, #tpu.memory_space<vmem>>) dst(%dma_wait3A_680 : memref<10112x128xf32, #tpu.memory_space<vmem_shared>>)
      %add3A_681 = arith.constant 4 : i32
      %add3A_682 = arith.addi %mul3A_371, %add3A_681 : i32
      %add3A_683 = arith.constant 3 : i32
      %add3A_684 = arith.addi %add3A_682, %add3A_683 : i32
      %mul3A_685 = arith.constant 64 : i32
      %mul3A_686 = arith.muli %add3A_684, %mul3A_685 : i32
      %add3A_687 = arith.constant 0 : i32
      %add3A_688 = arith.addi %mul3A_686, %add3A_687 : i32
      %get3A_689 = arith.index_cast %add3A_688 : i32 to index
      %get3A_690 = tpu.vector_load %arg6[%get3A_689] {strides = array<i32>} : memref<10240xi32, #tpu.memory_space<vmem>>, vector<16xi32>,
      %get3A_691 = vector.shape_cast %get3A_690 : vector<16xi32> to vector<16xi32>
      %and3A_692 = arith.constant 16383 : i32
      %and3A_693 = vector.broadcast %and3A_692 : i32 to vector<16xi32>
      %and3A_694 = arith.andi %get3A_691, %and3A_693 : vector<16xi32>
      %swap3A_695 = arith.constant 0 : index
      %swap3A_696 = tpu.vector_load %arg10[%swap3A_695] {strides = array<i32>} : memref<64xi32, #tpu.memory_space<vmem>>, vector<16xi32>,
      %swap3A_697 = vector.shape_cast %swap3A_696 : vector<16xi32> to vector<16xi32>
      %swap3A_698 = vector.shape_cast %and3A_694 : vector<16xi32> to vector<16xi32>
      tpu.vector_store %arg10[%swap3A_695], %swap3A_698 {strides = array<i32>} : memref<64xi32, #tpu.memory_space<vmem>>, vector<16xi32>,
      %shift_right_logical3A_699 = arith.constant 14 : i32
      %shift_right_logical3A_700 = vector.broadcast %shift_right_logical3A_699 : i32 to vector<16xi32>
      %shift_right_logical3A_701 = arith.shrui %get3A_691, %shift_right_logical3A_700 : vector<16xi32>
      %swap3A_702 = arith.constant 0 : index
      %swap3A_703 = tpu.vector_load %arg14[%swap3A_702] {strides = array<i32>} : memref<64xi32, #tpu.memory_space<vmem>>, vector<16xi32>,
      %swap3A_704 = vector.shape_cast %swap3A_703 : vector<16xi32> to vector<16xi32>
      %swap3A_705 = vector.shape_cast %shift_right_logical3A_701 : vector<16xi32> to vector<16xi32>
      tpu.vector_store %arg14[%swap3A_702], %swap3A_705 {strides = array<i32>} : memref<64xi32, #tpu.memory_space<vmem>>, vector<16xi32>,
      %mul3A_706 = arith.constant 64 : i32
      %mul3A_707 = arith.muli %add3A_684, %mul3A_706 : i32
      %add3A_708 = arith.constant 16 : i32
      %add3A_709 = arith.addi %mul3A_707, %add3A_708 : i32
      %get3A_710 = arith.index_cast %add3A_709 : i32 to index
      %get3A_711 = tpu.vector_load %arg6[%get3A_710] {strides = array<i32>} : memref<10240xi32, #tpu.memory_space<vmem>>, vector<16xi32>,
      %get3A_712 = vector.shape_cast %get3A_711 : vector<16xi32> to vector<16xi32>
      %and3A_713 = arith.constant 16383 : i32
      %and3A_714 = vector.broadcast %and3A_713 : i32 to vector<16xi32>
      %and3A_715 = arith.andi %get3A_712, %and3A_714 : vector<16xi32>
      %swap3A_716 = arith.constant 16 : index
      %swap3A_717 = tpu.vector_load %arg10[%swap3A_716] {strides = array<i32>} : memref<64xi32, #tpu.memory_space<vmem>>, vector<16xi32>,
      %swap3A_718 = vector.shape_cast %swap3A_717 : vector<16xi32> to vector<16xi32>
      %swap3A_719 = vector.shape_cast %and3A_715 : vector<16xi32> to vector<16xi32>
      tpu.vector_store %arg10[%swap3A_716], %swap3A_719 {strides = array<i32>} : memref<64xi32, #tpu.memory_space<vmem>>, vector<16xi32>,
      %shift_right_logical3A_720 = arith.constant 14 : i32
      %shift_right_logical3A_721 = vector.broadcast %shift_right_logical3A_720 : i32 to vector<16xi32>
      %shift_right_logical3A_722 = arith.shrui %get3A_712, %shift_right_logical3A_721 : vector<16xi32>
      %swap3A_723 = arith.constant 16 : index
      %swap3A_724 = tpu.vector_load %arg14[%swap3A_723] {strides = array<i32>} : memref<64xi32, #tpu.memory_space<vmem>>, vector<16xi32>,
      %swap3A_725 = vector.shape_cast %swap3A_724 : vector<16xi32> to vector<16xi32>
      %swap3A_726 = vector.shape_cast %shift_right_logical3A_722 : vector<16xi32> to vector<16xi32>
      tpu.vector_store %arg14[%swap3A_723], %swap3A_726 {strides = array<i32>} : memref<64xi32, #tpu.memory_space<vmem>>, vector<16xi32>,
      %mul3A_727 = arith.constant 64 : i32
      %mul3A_728 = arith.muli %add3A_684, %mul3A_727 : i32
      %add3A_729 = arith.constant 32 : i32
      %add3A_730 = arith.addi %mul3A_728, %add3A_729 : i32
      %get3A_731 = arith.index_cast %add3A_730 : i32 to index
      %get3A_732 = tpu.vector_load %arg6[%get3A_731] {strides = array<i32>} : memref<10240xi32, #tpu.memory_space<vmem>>, vector<16xi32>,
      %get3A_733 = vector.shape_cast %get3A_732 : vector<16xi32> to vector<16xi32>
      %and3A_734 = arith.constant 16383 : i32
      %and3A_735 = vector.broadcast %and3A_734 : i32 to vector<16xi32>
      %and3A_736 = arith.andi %get3A_733, %and3A_735 : vector<16xi32>
      %swap3A_737 = arith.constant 32 : index
      %swap3A_738 = tpu.vector_load %arg10[%swap3A_737] {strides = array<i32>} : memref<64xi32, #tpu.memory_space<vmem>>, vector<16xi32>,
      %swap3A_739 = vector.shape_cast %swap3A_738 : vector<16xi32> to vector<16xi32>
      %swap3A_740 = vector.shape_cast %and3A_736 : vector<16xi32> to vector<16xi32>
      tpu.vector_store %arg10[%swap3A_737], %swap3A_740 {strides = array<i32>} : memref<64xi32, #tpu.memory_space<vmem>>, vector<16xi32>,
      %shift_right_logical3A_741 = arith.constant 14 : i32
      %shift_right_logical3A_742 = vector.broadcast %shift_right_logical3A_741 : i32 to vector<16xi32>
      %shift_right_logical3A_743 = arith.shrui %get3A_733, %shift_right_logical3A_742 : vector<16xi32>
      %swap3A_744 = arith.constant 32 : index
      %swap3A_745 = tpu.vector_load %arg14[%swap3A_744] {strides = array<i32>} : memref<64xi32, #tpu.memory_space<vmem>>, vector<16xi32>,
      %swap3A_746 = vector.shape_cast %swap3A_745 : vector<16xi32> to vector<16xi32>
      %swap3A_747 = vector.shape_cast %shift_right_logical3A_743 : vector<16xi32> to vector<16xi32>
      tpu.vector_store %arg14[%swap3A_744], %swap3A_747 {strides = array<i32>} : memref<64xi32, #tpu.memory_space<vmem>>, vector<16xi32>,
      %mul3A_748 = arith.constant 64 : i32
      %mul3A_749 = arith.muli %add3A_684, %mul3A_748 : i32
      %add3A_750 = arith.constant 48 : i32
      %add3A_751 = arith.addi %mul3A_749, %add3A_750 : i32
      %get3A_752 = arith.index_cast %add3A_751 : i32 to index
      %get3A_753 = tpu.vector_load %arg6[%get3A_752] {strides = array<i32>} : memref<10240xi32, #tpu.memory_space<vmem>>, vector<16xi32>,
      %get3A_754 = vector.shape_cast %get3A_753 : vector<16xi32> to vector<16xi32>
      %and3A_755 = arith.constant 16383 : i32
      %and3A_756 = vector.broadcast %and3A_755 : i32 to vector<16xi32>
      %and3A_757 = arith.andi %get3A_754, %and3A_756 : vector<16xi32>
      %swap3A_758 = arith.constant 48 : index
      %swap3A_759 = tpu.vector_load %arg10[%swap3A_758] {strides = array<i32>} : memref<64xi32, #tpu.memory_space<vmem>>, vector<16xi32>,
      %swap3A_760 = vector.shape_cast %swap3A_759 : vector<16xi32> to vector<16xi32>
      %swap3A_761 = vector.shape_cast %and3A_757 : vector<16xi32> to vector<16xi32>
      tpu.vector_store %arg10[%swap3A_758], %swap3A_761 {strides = array<i32>} : memref<64xi32, #tpu.memory_space<vmem>>, vector<16xi32>,
      %shift_right_logical3A_762 = arith.constant 14 : i32
      %shift_right_logical3A_763 = vector.broadcast %shift_right_logical3A_762 : i32 to vector<16xi32>
      %shift_right_logical3A_764 = arith.shrui %get3A_754, %shift_right_logical3A_763 : vector<16xi32>
      %swap3A_765 = arith.constant 48 : index
      %swap3A_766 = tpu.vector_load %arg14[%swap3A_765] {strides = array<i32>} : memref<64xi32, #tpu.memory_space<vmem>>, vector<16xi32>,
      %swap3A_767 = vector.shape_cast %swap3A_766 : vector<16xi32> to vector<16xi32>
      %swap3A_768 = vector.shape_cast %shift_right_logical3A_764 : vector<16xi32> to vector<16xi32>
      tpu.vector_store %arg14[%swap3A_765], %swap3A_768 {strides = array<i32>} : memref<64xi32, #tpu.memory_space<vmem>>, vector<16xi32>,
      %dma_start3A_769 = arith.constant 0 : i32
      %dma_start3A_770 = arith.constant 0 : i32
      %dma_start3A_771 = tpu.memref_slice %arg2[%dma_start3A_769, %dma_start3A_770] : memref<10112x128xf32, #tpu.memory_space<hbm>> -> memref<10112x128xf32, #tpu.memory_space<hbm>>
      tpu.enqueue_indirect_dma source(%dma_start3A_771 : memref<10112x128xf32, #tpu.memory_space<hbm>>) target(%arg18 : memref<64x128xf32, #tpu.memory_space<vmem>>) offsets(%arg10 : memref<64xi32, #tpu.memory_space<vmem>>) semaphore(%arg22 : memref<!tpu.dma_semaphore, #tpu.memory_space<semaphore_mem>>)
    }
    %scan3A_310 = arith.constant 39 : i32
    %dma_wait3A = arith.constant 0 : i32
    %dma_wait3A_311 = arith.constant 0 : i32
    %dma_wait3A_312 = tpu.memref_slice %arg2[%dma_wait3A, %dma_wait3A_311] : memref<10112x128xf32, #tpu.memory_space<hbm>> -> memref<10112x128xf32, #tpu.memory_space<hbm>>
    tpu.wait_indirect_dma semaphore(%arg19 : memref<!tpu.dma_semaphore, #tpu.memory_space<semaphore_mem>>) src(%dma_wait3A_312 : memref<10112x128xf32, #tpu.memory_space<hbm>>) dst(%arg15 : memref<64x128xf32, #tpu.memory_space<vmem>>)
    %dma_start3A_313 = arith.constant 0 : i32
    %dma_start3A_314 = arith.constant 0 : i32
    %dma_start3A_315 = tpu.memref_slice %arg5[%dma_start3A_313, %dma_start3A_314] : memref<10112x128xf32, #tpu.memory_space<vmem_shared>> -> memref<10112x128xf32, #tpu.memory_space<vmem_shared>>
    tpu.enqueue_indirect_dma source(%arg15 : memref<64x128xf32, #tpu.memory_space<vmem>>) target(%dma_start3A_315 : memref<10112x128xf32, #tpu.memory_space<vmem_shared>>) offsets(%arg11 : memref<64xi32, #tpu.memory_space<vmem>>) semaphore(%arg23 : memref<!tpu.dma_semaphore, #tpu.memory_space<semaphore_mem>>) {add = true}
    %dma_wait3A_316 = arith.constant 0 : i32
    %dma_wait3A_317 = arith.constant 0 : i32
    %dma_wait3A_318 = tpu.memref_slice %arg2[%dma_wait3A_316, %dma_wait3A_317] : memref<10112x128xf32, #tpu.memory_space<hbm>> -> memref<10112x128xf32, #tpu.memory_space<hbm>>
    tpu.wait_indirect_dma semaphore(%arg20 : memref<!tpu.dma_semaphore, #tpu.memory_space<semaphore_mem>>) src(%dma_wait3A_318 : memref<10112x128xf32, #tpu.memory_space<hbm>>) dst(%arg16 : memref<64x128xf32, #tpu.memory_space<vmem>>)
    %dma_start3A_319 = arith.constant 0 : i32
    %dma_start3A_320 = arith.constant 0 : i32
    %dma_start3A_321 = tpu.memref_slice %arg5[%dma_start3A_319, %dma_start3A_320] : memref<10112x128xf32, #tpu.memory_space<vmem_shared>> -> memref<10112x128xf32, #tpu.memory_space<vmem_shared>>
    tpu.enqueue_indirect_dma source(%arg16 : memref<64x128xf32, #tpu.memory_space<vmem>>) target(%dma_start3A_321 : memref<10112x128xf32, #tpu.memory_space<vmem_shared>>) offsets(%arg12 : memref<64xi32, #tpu.memory_space<vmem>>) semaphore(%arg24 : memref<!tpu.dma_semaphore, #tpu.memory_space<semaphore_mem>>) {add = true}
    %dma_wait3A_322 = arith.constant 0 : i32
    %dma_wait3A_323 = arith.constant 0 : i32
    %dma_wait3A_324 = tpu.memref_slice %arg2[%dma_wait3A_322, %dma_wait3A_323] : memref<10112x128xf32, #tpu.memory_space<hbm>> -> memref<10112x128xf32, #tpu.memory_space<hbm>>
    tpu.wait_indirect_dma semaphore(%arg21 : memref<!tpu.dma_semaphore, #tpu.memory_space<semaphore_mem>>) src(%dma_wait3A_324 : memref<10112x128xf32, #tpu.memory_space<hbm>>) dst(%arg17 : memref<64x128xf32, #tpu.memory_space<vmem>>)
    %dma_start3A_325 = arith.constant 0 : i32
    %dma_start3A_326 = arith.constant 0 : i32
    %dma_start3A_327 = tpu.memref_slice %arg5[%dma_start3A_325, %dma_start3A_326] : memref<10112x128xf32, #tpu.memory_space<vmem_shared>> -> memref<10112x128xf32, #tpu.memory_space<vmem_shared>>
    tpu.enqueue_indirect_dma source(%arg17 : memref<64x128xf32, #tpu.memory_space<vmem>>) target(%dma_start3A_327 : memref<10112x128xf32, #tpu.memory_space<vmem_shared>>) offsets(%arg13 : memref<64xi32, #tpu.memory_space<vmem>>) semaphore(%arg25 : memref<!tpu.dma_semaphore, #tpu.memory_space<semaphore_mem>>) {add = true}
    %dma_wait3A_328 = arith.constant 0 : i32
    %dma_wait3A_329 = arith.constant 0 : i32
    %dma_wait3A_330 = tpu.memref_slice %arg2[%dma_wait3A_328, %dma_wait3A_329] : memref<10112x128xf32, #tpu.memory_space<hbm>> -> memref<10112x128xf32, #tpu.memory_space<hbm>>
    tpu.wait_indirect_dma semaphore(%arg22 : memref<!tpu.dma_semaphore, #tpu.memory_space<semaphore_mem>>) src(%dma_wait3A_330 : memref<10112x128xf32, #tpu.memory_space<hbm>>) dst(%arg18 : memref<64x128xf32, #tpu.memory_space<vmem>>)
    %dma_start3A_331 = arith.constant 0 : i32
    %dma_start3A_332 = arith.constant 0 : i32
    %dma_start3A_333 = tpu.memref_slice %arg5[%dma_start3A_331, %dma_start3A_332] : memref<10112x128xf32, #tpu.memory_space<vmem_shared>> -> memref<10112x128xf32, #tpu.memory_space<vmem_shared>>
    tpu.enqueue_indirect_dma source(%arg18 : memref<64x128xf32, #tpu.memory_space<vmem>>) target(%dma_start3A_333 : memref<10112x128xf32, #tpu.memory_space<vmem_shared>>) offsets(%arg14 : memref<64xi32, #tpu.memory_space<vmem>>) semaphore(%arg26 : memref<!tpu.dma_semaphore, #tpu.memory_space<semaphore_mem>>) {add = true}
    %dma_wait3A_334 = arith.constant 0 : i32
    %dma_wait3A_335 = arith.constant 0 : i32
    %dma_wait3A_336 = tpu.memref_slice %arg5[%dma_wait3A_334, %dma_wait3A_335] : memref<10112x128xf32, #tpu.memory_space<vmem_shared>> -> memref<10112x128xf32, #tpu.memory_space<vmem_shared>>
    tpu.wait_indirect_dma semaphore(%arg23 : memref<!tpu.dma_semaphore, #tpu.memory_space<semaphore_mem>>) src(%arg15 : memref<64x128xf32, #tpu.memory_space<vmem>>) dst(%dma_wait3A_336 : memref<10112x128xf32, #tpu.memory_space<vmem_shared>>)
    %dma_wait3A_337 = arith.constant 0 : i32
    %dma_wait3A_338 = arith.constant 0 : i32
    %dma_wait3A_339 = tpu.memref_slice %arg5[%dma_wait3A_337, %dma_wait3A_338] : memref<10112x128xf32, #tpu.memory_space<vmem_shared>> -> memref<10112x128xf32, #tpu.memory_space<vmem_shared>>
    tpu.wait_indirect_dma semaphore(%arg24 : memref<!tpu.dma_semaphore, #tpu.memory_space<semaphore_mem>>) src(%arg16 : memref<64x128xf32, #tpu.memory_space<vmem>>) dst(%dma_wait3A_339 : memref<10112x128xf32, #tpu.memory_space<vmem_shared>>)
    %dma_wait3A_340 = arith.constant 0 : i32
    %dma_wait3A_341 = arith.constant 0 : i32
    %dma_wait3A_342 = tpu.memref_slice %arg5[%dma_wait3A_340, %dma_wait3A_341] : memref<10112x128xf32, #tpu.memory_space<vmem_shared>> -> memref<10112x128xf32, #tpu.memory_space<vmem_shared>>
    tpu.wait_indirect_dma semaphore(%arg25 : memref<!tpu.dma_semaphore, #tpu.memory_space<semaphore_mem>>) src(%arg17 : memref<64x128xf32, #tpu.memory_space<vmem>>) dst(%dma_wait3A_342 : memref<10112x128xf32, #tpu.memory_space<vmem_shared>>)
    %dma_wait3A_343 = arith.constant 0 : i32
    %dma_wait3A_344 = arith.constant 0 : i32
    %dma_wait3A_345 = tpu.memref_slice %arg5[%dma_wait3A_343, %dma_wait3A_344] : memref<10112x128xf32, #tpu.memory_space<vmem_shared>> -> memref<10112x128xf32, #tpu.memory_space<vmem_shared>>
    tpu.wait_indirect_dma semaphore(%arg26 : memref<!tpu.dma_semaphore, #tpu.memory_space<semaphore_mem>>) src(%arg18 : memref<64x128xf32, #tpu.memory_space<vmem>>) dst(%dma_wait3A_345 : memref<10112x128xf32, #tpu.memory_space<vmem_shared>>)
    %barrier3A_346 = arith.constant 0 : index
    tpu.barrier barrier_id(%barrier3A_346)
    %add3A_347 = arith.constant 0 : i32
    %add3A_348 = arith.addi %mul3A_5, %add3A_347 : i32
    "tpu.region"() ({
      %run_scoped3A = tpu.sem_alloc : memref<!tpu.dma_semaphore, #tpu.memory_space<semaphore_mem>>
      %dma_start3A_369 = arith.constant 0 : i32
      %dma_start3A_370 = tpu.memref_slice %arg4[%arg0, %add3A_348, %dma_start3A_369] : memref<2x10112x128xf32, #tpu.memory_space<hbm>> -> memref<1x64x128xf32, #tpu.memory_space<hbm>>
      %dma_start3A_371 = tpu.memref_squeeze %dma_start3A_370 : memref<1x64x128xf32, #tpu.memory_space<hbm>> -> memref<64x128xf32, #tpu.memory_space<hbm>>
      %dma_start3A_372 = arith.constant 0 : i32
      %dma_start3A_373 = tpu.memref_slice %arg5[%add3A_348, %dma_start3A_372] : memref<10112x128xf32, #tpu.memory_space<vmem_shared>> -> memref<64x128xf32, #tpu.memory_space<vmem_shared>>
      tpu.enqueue_dma source(%dma_start3A_373 : memref<64x128xf32, #tpu.memory_space<vmem_shared>>) target(%dma_start3A_371 : memref<64x128xf32, #tpu.memory_space<hbm>>) target_semaphore(%run_scoped3A : memref<!tpu.dma_semaphore, #tpu.memory_space<semaphore_mem>>)
      %dma_wait3A_374 = arith.constant 0 : i32
      %dma_wait3A_375 = tpu.memref_slice %arg4[%arg0, %add3A_348, %dma_wait3A_374] : memref<2x10112x128xf32, #tpu.memory_space<hbm>> -> memref<1x64x128xf32, #tpu.memory_space<hbm>>
      %dma_wait3A_376 = tpu.memref_squeeze %dma_wait3A_375 : memref<1x64x128xf32, #tpu.memory_space<hbm>> -> memref<64x128xf32, #tpu.memory_space<hbm>>
      %dma_wait3A_377 = arith.constant 0 : i32
      %dma_wait3A_378 = tpu.memref_slice %arg5[%add3A_348, %dma_wait3A_377] : memref<10112x128xf32, #tpu.memory_space<vmem_shared>> -> memref<64x128xf32, #tpu.memory_space<vmem_shared>>
      tpu.wait_dma2 semaphore(%run_scoped3A : memref<!tpu.dma_semaphore, #tpu.memory_space<semaphore_mem>>) src(%dma_wait3A_378 : memref<64x128xf32, #tpu.memory_space<vmem_shared>>) dst(%dma_wait3A_376 : memref<64x128xf32, #tpu.memory_space<hbm>>)
      tpu.yield
    }) : () -> ()
    %add3A_349 = arith.constant 64 : i32
    %add3A_350 = arith.addi %mul3A_5, %add3A_349 : i32
    "tpu.region"() ({
      %run_scoped3A = tpu.sem_alloc : memref<!tpu.dma_semaphore, #tpu.memory_space<semaphore_mem>>
      %dma_start3A_369 = arith.constant 0 : i32
      %dma_start3A_370 = tpu.memref_slice %arg4[%arg0, %add3A_350, %dma_start3A_369] : memref<2x10112x128xf32, #tpu.memory_space<hbm>> -> memref<1x64x128xf32, #tpu.memory_space<hbm>>
      %dma_start3A_371 = tpu.memref_squeeze %dma_start3A_370 : memref<1x64x128xf32, #tpu.memory_space<hbm>> -> memref<64x128xf32, #tpu.memory_space<hbm>>
      %dma_start3A_372 = arith.constant 0 : i32
      %dma_start3A_373 = tpu.memref_slice %arg5[%add3A_350, %dma_start3A_372] : memref<10112x128xf32, #tpu.memory_space<vmem_shared>> -> memref<64x128xf32, #tpu.memory_space<vmem_shared>>
      tpu.enqueue_dma source(%dma_start3A_373 : memref<64x128xf32, #tpu.memory_space<vmem_shared>>) target(%dma_start3A_371 : memref<64x128xf32, #tpu.memory_space<hbm>>) target_semaphore(%run_scoped3A : memref<!tpu.dma_semaphore, #tpu.memory_space<semaphore_mem>>)
      %dma_wait3A_374 = arith.constant 0 : i32
      %dma_wait3A_375 = tpu.memref_slice %arg4[%arg0, %add3A_350, %dma_wait3A_374] : memref<2x10112x128xf32, #tpu.memory_space<hbm>> -> memref<1x64x128xf32, #tpu.memory_space<hbm>>
      %dma_wait3A_376 = tpu.memref_squeeze %dma_wait3A_375 : memref<1x64x128xf32, #tpu.memory_space<hbm>> -> memref<64x128xf32, #tpu.memory_space<hbm>>
      %dma_wait3A_377 = arith.constant 0 : i32
      %dma_wait3A_378 = tpu.memref_slice %arg5[%add3A_350, %dma_wait3A_377] : memref<10112x128xf32, #tpu.memory_space<vmem_shared>> -> memref<64x128xf32, #tpu.memory_space<vmem_shared>>
      tpu.wait_dma2 semaphore(%run_scoped3A : memref<!tpu.dma_semaphore, #tpu.memory_space<semaphore_mem>>) src(%dma_wait3A_378 : memref<64x128xf32, #tpu.memory_space<vmem_shared>>) dst(%dma_wait3A_376 : memref<64x128xf32, #tpu.memory_space<hbm>>)
      tpu.yield
    }) : () -> ()
    %add3A_351 = arith.constant 128 : i32
    %add3A_352 = arith.addi %mul3A_5, %add3A_351 : i32
    "tpu.region"() ({
      %run_scoped3A = tpu.sem_alloc : memref<!tpu.dma_semaphore, #tpu.memory_space<semaphore_mem>>
      %dma_start3A_369 = arith.constant 0 : i32
      %dma_start3A_370 = tpu.memref_slice %arg4[%arg0, %add3A_352, %dma_start3A_369] : memref<2x10112x128xf32, #tpu.memory_space<hbm>> -> memref<1x64x128xf32, #tpu.memory_space<hbm>>
      %dma_start3A_371 = tpu.memref_squeeze %dma_start3A_370 : memref<1x64x128xf32, #tpu.memory_space<hbm>> -> memref<64x128xf32, #tpu.memory_space<hbm>>
      %dma_start3A_372 = arith.constant 0 : i32
      %dma_start3A_373 = tpu.memref_slice %arg5[%add3A_352, %dma_start3A_372] : memref<10112x128xf32, #tpu.memory_space<vmem_shared>> -> memref<64x128xf32, #tpu.memory_space<vmem_shared>>
      tpu.enqueue_dma source(%dma_start3A_373 : memref<64x128xf32, #tpu.memory_space<vmem_shared>>) target(%dma_start3A_371 : memref<64x128xf32, #tpu.memory_space<hbm>>) target_semaphore(%run_scoped3A : memref<!tpu.dma_semaphore, #tpu.memory_space<semaphore_mem>>)
      %dma_wait3A_374 = arith.constant 0 : i32
      %dma_wait3A_375 = tpu.memref_slice %arg4[%arg0, %add3A_352, %dma_wait3A_374] : memref<2x10112x128xf32, #tpu.memory_space<hbm>> -> memref<1x64x128xf32, #tpu.memory_space<hbm>>
      %dma_wait3A_376 = tpu.memref_squeeze %dma_wait3A_375 : memref<1x64x128xf32, #tpu.memory_space<hbm>> -> memref<64x128xf32, #tpu.memory_space<hbm>>
      %dma_wait3A_377 = arith.constant 0 : i32
      %dma_wait3A_378 = tpu.memref_slice %arg5[%add3A_352, %dma_wait3A_377] : memref<10112x128xf32, #tpu.memory_space<vmem_shared>> -> memref<64x128xf32, #tpu.memory_space<vmem_shared>>
      tpu.wait_dma2 semaphore(%run_scoped3A : memref<!tpu.dma_semaphore, #tpu.memory_space<semaphore_mem>>) src(%dma_wait3A_378 : memref<64x128xf32, #tpu.memory_space<vmem_shared>>) dst(%dma_wait3A_376 : memref<64x128xf32, #tpu.memory_space<hbm>>)
      tpu.yield
    }) : () -> ()
    %add3A_353 = arith.constant 192 : i32
    %add3A_354 = arith.addi %mul3A_5, %add3A_353 : i32
    "tpu.region"() ({
      %run_scoped3A = tpu.sem_alloc : memref<!tpu.dma_semaphore, #tpu.memory_space<semaphore_mem>>
      %dma_start3A_369 = arith.constant 0 : i32
      %dma_start3A_370 = tpu.memref_slice %arg4[%arg0, %add3A_354, %dma_start3A_369] : memref<2x10112x128xf32, #tpu.memory_space<hbm>> -> memref<1x64x128xf32, #tpu.memory_space<hbm>>
      %dma_start3A_371 = tpu.memref_squeeze %dma_start3A_370 : memref<1x64x128xf32, #tpu.memory_space<hbm>> -> memref<64x128xf32, #tpu.memory_space<hbm>>
      %dma_start3A_372 = arith.constant 0 : i32
      %dma_start3A_373 = tpu.memref_slice %arg5[%add3A_354, %dma_start3A_372] : memref<10112x128xf32, #tpu.memory_space<vmem_shared>> -> memref<64x128xf32, #tpu.memory_space<vmem_shared>>
      tpu.enqueue_dma source(%dma_start3A_373 : memref<64x128xf32, #tpu.memory_space<vmem_shared>>) target(%dma_start3A_371 : memref<64x128xf32, #tpu.memory_space<hbm>>) target_semaphore(%run_scoped3A : memref<!tpu.dma_semaphore, #tpu.memory_space<semaphore_mem>>)
      %dma_wait3A_374 = arith.constant 0 : i32
      %dma_wait3A_375 = tpu.memref_slice %arg4[%arg0, %add3A_354, %dma_wait3A_374] : memref<2x10112x128xf32, #tpu.memory_space<hbm>> -> memref<1x64x128xf32, #tpu.memory_space<hbm>>
      %dma_wait3A_376 = tpu.memref_squeeze %dma_wait3A_375 : memref<1x64x128xf32, #tpu.memory_space<hbm>> -> memref<64x128xf32, #tpu.memory_space<hbm>>
      %dma_wait3A_377 = arith.constant 0 : i32
      %dma_wait3A_378 = tpu.memref_slice %arg5[%add3A_354, %dma_wait3A_377] : memref<10112x128xf32, #tpu.memory_space<vmem_shared>> -> memref<64x128xf32, #tpu.memory_space<vmem_shared>>
      tpu.wait_dma2 semaphore(%run_scoped3A : memref<!tpu.dma_semaphore, #tpu.memory_space<semaphore_mem>>) src(%dma_wait3A_378 : memref<64x128xf32, #tpu.memory_space<vmem_shared>>) dst(%dma_wait3A_376 : memref<64x128xf32, #tpu.memory_space<hbm>>)
      tpu.yield
    }) : () -> ()
    %add3A_355 = arith.constant 256 : i32
    %add3A_356 = arith.addi %mul3A_5, %add3A_355 : i32
    "tpu.region"() ({
      %run_scoped3A = tpu.sem_alloc : memref<!tpu.dma_semaphore, #tpu.memory_space<semaphore_mem>>
      %dma_start3A_369 = arith.constant 0 : i32
      %dma_start3A_370 = tpu.memref_slice %arg4[%arg0, %add3A_356, %dma_start3A_369] : memref<2x10112x128xf32, #tpu.memory_space<hbm>> -> memref<1x64x128xf32, #tpu.memory_space<hbm>>
      %dma_start3A_371 = tpu.memref_squeeze %dma_start3A_370 : memref<1x64x128xf32, #tpu.memory_space<hbm>> -> memref<64x128xf32, #tpu.memory_space<hbm>>
      %dma_start3A_372 = arith.constant 0 : i32
      %dma_start3A_373 = tpu.memref_slice %arg5[%add3A_356, %dma_start3A_372] : memref<10112x128xf32, #tpu.memory_space<vmem_shared>> -> memref<64x128xf32, #tpu.memory_space<vmem_shared>>
      tpu.enqueue_dma source(%dma_start3A_373 : memref<64x128xf32, #tpu.memory_space<vmem_shared>>) target(%dma_start3A_371 : memref<64x128xf32, #tpu.memory_space<hbm>>) target_semaphore(%run_scoped3A : memref<!tpu.dma_semaphore, #tpu.memory_space<semaphore_mem>>)
      %dma_wait3A_374 = arith.constant 0 : i32
      %dma_wait3A_375 = tpu.memref_slice %arg4[%arg0, %add3A_356, %dma_wait3A_374] : memref<2x10112x128xf32, #tpu.memory_space<hbm>> -> memref<1x64x128xf32, #tpu.memory_space<hbm>>
      %dma_wait3A_376 = tpu.memref_squeeze %dma_wait3A_375 : memref<1x64x128xf32, #tpu.memory_space<hbm>> -> memref<64x128xf32, #tpu.memory_space<hbm>>
      %dma_wait3A_377 = arith.constant 0 : i32
      %dma_wait3A_378 = tpu.memref_slice %arg5[%add3A_356, %dma_wait3A_377] : memref<10112x128xf32, #tpu.memory_space<vmem_shared>> -> memref<64x128xf32, #tpu.memory_space<vmem_shared>>
      tpu.wait_dma2 semaphore(%run_scoped3A : memref<!tpu.dma_semaphore, #tpu.memory_space<semaphore_mem>>) src(%dma_wait3A_378 : memref<64x128xf32, #tpu.memory_space<vmem_shared>>) dst(%dma_wait3A_376 : memref<64x128xf32, #tpu.memory_space<hbm>>)
      tpu.yield
    }) : () -> ()
    %add3A_357 = arith.constant 320 : i32
    %add3A_358 = arith.addi %mul3A_5, %add3A_357 : i32
    "tpu.region"() ({
      %run_scoped3A = tpu.sem_alloc : memref<!tpu.dma_semaphore, #tpu.memory_space<semaphore_mem>>
      %dma_start3A_369 = arith.constant 0 : i32
      %dma_start3A_370 = tpu.memref_slice %arg4[%arg0, %add3A_358, %dma_start3A_369] : memref<2x10112x128xf32, #tpu.memory_space<hbm>> -> memref<1x64x128xf32, #tpu.memory_space<hbm>>
      %dma_start3A_371 = tpu.memref_squeeze %dma_start3A_370 : memref<1x64x128xf32, #tpu.memory_space<hbm>> -> memref<64x128xf32, #tpu.memory_space<hbm>>
      %dma_start3A_372 = arith.constant 0 : i32
      %dma_start3A_373 = tpu.memref_slice %arg5[%add3A_358, %dma_start3A_372] : memref<10112x128xf32, #tpu.memory_space<vmem_shared>> -> memref<64x128xf32, #tpu.memory_space<vmem_shared>>
      tpu.enqueue_dma source(%dma_start3A_373 : memref<64x128xf32, #tpu.memory_space<vmem_shared>>) target(%dma_start3A_371 : memref<64x128xf32, #tpu.memory_space<hbm>>) target_semaphore(%run_scoped3A : memref<!tpu.dma_semaphore, #tpu.memory_space<semaphore_mem>>)
      %dma_wait3A_374 = arith.constant 0 : i32
      %dma_wait3A_375 = tpu.memref_slice %arg4[%arg0, %add3A_358, %dma_wait3A_374] : memref<2x10112x128xf32, #tpu.memory_space<hbm>> -> memref<1x64x128xf32, #tpu.memory_space<hbm>>
      %dma_wait3A_376 = tpu.memref_squeeze %dma_wait3A_375 : memref<1x64x128xf32, #tpu.memory_space<hbm>> -> memref<64x128xf32, #tpu.memory_space<hbm>>
      %dma_wait3A_377 = arith.constant 0 : i32
      %dma_wait3A_378 = tpu.memref_slice %arg5[%add3A_358, %dma_wait3A_377] : memref<10112x128xf32, #tpu.memory_space<vmem_shared>> -> memref<64x128xf32, #tpu.memory_space<vmem_shared>>
      tpu.wait_dma2 semaphore(%run_scoped3A : memref<!tpu.dma_semaphore, #tpu.memory_space<semaphore_mem>>) src(%dma_wait3A_378 : memref<64x128xf32, #tpu.memory_space<vmem_shared>>) dst(%dma_wait3A_376 : memref<64x128xf32, #tpu.memory_space<hbm>>)
      tpu.yield
    }) : () -> ()
    %add3A_359 = arith.constant 384 : i32
    %add3A_360 = arith.addi %mul3A_5, %add3A_359 : i32
    "tpu.region"() ({
      %run_scoped3A = tpu.sem_alloc : memref<!tpu.dma_semaphore, #tpu.memory_space<semaphore_mem>>
      %dma_start3A_369 = arith.constant 0 : i32
      %dma_start3A_370 = tpu.memref_slice %arg4[%arg0, %add3A_360, %dma_start3A_369] : memref<2x10112x128xf32, #tpu.memory_space<hbm>> -> memref<1x64x128xf32, #tpu.memory_space<hbm>>
      %dma_start3A_371 = tpu.memref_squeeze %dma_start3A_370 : memref<1x64x128xf32, #tpu.memory_space<hbm>> -> memref<64x128xf32, #tpu.memory_space<hbm>>
      %dma_start3A_372 = arith.constant 0 : i32
      %dma_start3A_373 = tpu.memref_slice %arg5[%add3A_360, %dma_start3A_372] : memref<10112x128xf32, #tpu.memory_space<vmem_shared>> -> memref<64x128xf32, #tpu.memory_space<vmem_shared>>
      tpu.enqueue_dma source(%dma_start3A_373 : memref<64x128xf32, #tpu.memory_space<vmem_shared>>) target(%dma_start3A_371 : memref<64x128xf32, #tpu.memory_space<hbm>>) target_semaphore(%run_scoped3A : memref<!tpu.dma_semaphore, #tpu.memory_space<semaphore_mem>>)
      %dma_wait3A_374 = arith.constant 0 : i32
      %dma_wait3A_375 = tpu.memref_slice %arg4[%arg0, %add3A_360, %dma_wait3A_374] : memref<2x10112x128xf32, #tpu.memory_space<hbm>> -> memref<1x64x128xf32, #tpu.memory_space<hbm>>
      %dma_wait3A_376 = tpu.memref_squeeze %dma_wait3A_375 : memref<1x64x128xf32, #tpu.memory_space<hbm>> -> memref<64x128xf32, #tpu.memory_space<hbm>>
      %dma_wait3A_377 = arith.constant 0 : i32
      %dma_wait3A_378 = tpu.memref_slice %arg5[%add3A_360, %dma_wait3A_377] : memref<10112x128xf32, #tpu.memory_space<vmem_shared>> -> memref<64x128xf32, #tpu.memory_space<vmem_shared>>
      tpu.wait_dma2 semaphore(%run_scoped3A : memref<!tpu.dma_semaphore, #tpu.memory_space<semaphore_mem>>) src(%dma_wait3A_378 : memref<64x128xf32, #tpu.memory_space<vmem_shared>>) dst(%dma_wait3A_376 : memref<64x128xf32, #tpu.memory_space<hbm>>)
      tpu.yield
    }) : () -> ()
    %add3A_361 = arith.constant 448 : i32
    %add3A_362 = arith.addi %mul3A_5, %add3A_361 : i32
    "tpu.region"() ({
      %run_scoped3A = tpu.sem_alloc : memref<!tpu.dma_semaphore, #tpu.memory_space<semaphore_mem>>
      %dma_start3A_369 = arith.constant 0 : i32
      %dma_start3A_370 = tpu.memref_slice %arg4[%arg0, %add3A_362, %dma_start3A_369] : memref<2x10112x128xf32, #tpu.memory_space<hbm>> -> memref<1x64x128xf32, #tpu.memory_space<hbm>>
      %dma_start3A_371 = tpu.memref_squeeze %dma_start3A_370 : memref<1x64x128xf32, #tpu.memory_space<hbm>> -> memref<64x128xf32, #tpu.memory_space<hbm>>
      %dma_start3A_372 = arith.constant 0 : i32
      %dma_start3A_373 = tpu.memref_slice %arg5[%add3A_362, %dma_start3A_372] : memref<10112x128xf32, #tpu.memory_space<vmem_shared>> -> memref<64x128xf32, #tpu.memory_space<vmem_shared>>
      tpu.enqueue_dma source(%dma_start3A_373 : memref<64x128xf32, #tpu.memory_space<vmem_shared>>) target(%dma_start3A_371 : memref<64x128xf32, #tpu.memory_space<hbm>>) target_semaphore(%run_scoped3A : memref<!tpu.dma_semaphore, #tpu.memory_space<semaphore_mem>>)
      %dma_wait3A_374 = arith.constant 0 : i32
      %dma_wait3A_375 = tpu.memref_slice %arg4[%arg0, %add3A_362, %dma_wait3A_374] : memref<2x10112x128xf32, #tpu.memory_space<hbm>> -> memref<1x64x128xf32, #tpu.memory_space<hbm>>
      %dma_wait3A_376 = tpu.memref_squeeze %dma_wait3A_375 : memref<1x64x128xf32, #tpu.memory_space<hbm>> -> memref<64x128xf32, #tpu.memory_space<hbm>>
      %dma_wait3A_377 = arith.constant 0 : i32
      %dma_wait3A_378 = tpu.memref_slice %arg5[%add3A_362, %dma_wait3A_377] : memref<10112x128xf32, #tpu.memory_space<vmem_shared>> -> memref<64x128xf32, #tpu.memory_space<vmem_shared>>
      tpu.wait_dma2 semaphore(%run_scoped3A : memref<!tpu.dma_semaphore, #tpu.memory_space<semaphore_mem>>) src(%dma_wait3A_378 : memref<64x128xf32, #tpu.memory_space<vmem_shared>>) dst(%dma_wait3A_376 : memref<64x128xf32, #tpu.memory_space<hbm>>)
      tpu.yield
    }) : () -> ()
    %add3A_363 = arith.constant 512 : i32
    %add3A_364 = arith.addi %mul3A_5, %add3A_363 : i32
    "tpu.region"() ({
      %run_scoped3A = tpu.sem_alloc : memref<!tpu.dma_semaphore, #tpu.memory_space<semaphore_mem>>
      %dma_start3A_369 = arith.constant 0 : i32
      %dma_start3A_370 = tpu.memref_slice %arg4[%arg0, %add3A_364, %dma_start3A_369] : memref<2x10112x128xf32, #tpu.memory_space<hbm>> -> memref<1x64x128xf32, #tpu.memory_space<hbm>>
      %dma_start3A_371 = tpu.memref_squeeze %dma_start3A_370 : memref<1x64x128xf32, #tpu.memory_space<hbm>> -> memref<64x128xf32, #tpu.memory_space<hbm>>
      %dma_start3A_372 = arith.constant 0 : i32
      %dma_start3A_373 = tpu.memref_slice %arg5[%add3A_364, %dma_start3A_372] : memref<10112x128xf32, #tpu.memory_space<vmem_shared>> -> memref<64x128xf32, #tpu.memory_space<vmem_shared>>
      tpu.enqueue_dma source(%dma_start3A_373 : memref<64x128xf32, #tpu.memory_space<vmem_shared>>) target(%dma_start3A_371 : memref<64x128xf32, #tpu.memory_space<hbm>>) target_semaphore(%run_scoped3A : memref<!tpu.dma_semaphore, #tpu.memory_space<semaphore_mem>>)
      %dma_wait3A_374 = arith.constant 0 : i32
      %dma_wait3A_375 = tpu.memref_slice %arg4[%arg0, %add3A_364, %dma_wait3A_374] : memref<2x10112x128xf32, #tpu.memory_space<hbm>> -> memref<1x64x128xf32, #tpu.memory_space<hbm>>
      %dma_wait3A_376 = tpu.memref_squeeze %dma_wait3A_375 : memref<1x64x128xf32, #tpu.memory_space<hbm>> -> memref<64x128xf32, #tpu.memory_space<hbm>>
      %dma_wait3A_377 = arith.constant 0 : i32
      %dma_wait3A_378 = tpu.memref_slice %arg5[%add3A_364, %dma_wait3A_377] : memref<10112x128xf32, #tpu.memory_space<vmem_shared>> -> memref<64x128xf32, #tpu.memory_space<vmem_shared>>
      tpu.wait_dma2 semaphore(%run_scoped3A : memref<!tpu.dma_semaphore, #tpu.memory_space<semaphore_mem>>) src(%dma_wait3A_378 : memref<64x128xf32, #tpu.memory_space<vmem_shared>>) dst(%dma_wait3A_376 : memref<64x128xf32, #tpu.memory_space<hbm>>)
      tpu.yield
    }) : () -> ()
    %add3A_365 = arith.constant 632 : i32
    %add3A_366 = arith.addi %mul3A_5, %add3A_365 : i32
    %sub3A_367 = arith.constant 56 : i32
    %sub3A_368 = arith.subi %add3A_366, %sub3A_367 : i32
    "tpu.region"() ({
      %run_scoped3A = tpu.sem_alloc : memref<!tpu.dma_semaphore, #tpu.memory_space<semaphore_mem>>
      %dma_start3A_369 = arith.constant 0 : i32
      %dma_start3A_370 = tpu.memref_slice %arg4[%arg0, %sub3A_368, %dma_start3A_369] : memref<2x10112x128xf32, #tpu.memory_space<hbm>> -> memref<1x56x128xf32, #tpu.memory_space<hbm>>
      %dma_start3A_371 = tpu.memref_squeeze %dma_start3A_370 : memref<1x56x128xf32, #tpu.memory_space<hbm>> -> memref<56x128xf32, #tpu.memory_space<hbm>>
      %dma_start3A_372 = arith.constant 0 : i32
      %dma_start3A_373 = tpu.memref_slice %arg5[%sub3A_368, %dma_start3A_372] : memref<10112x128xf32, #tpu.memory_space<vmem_shared>> -> memref<56x128xf32, #tpu.memory_space<vmem_shared>>
      tpu.enqueue_dma source(%dma_start3A_373 : memref<56x128xf32, #tpu.memory_space<vmem_shared>>) target(%dma_start3A_371 : memref<56x128xf32, #tpu.memory_space<hbm>>) target_semaphore(%run_scoped3A : memref<!tpu.dma_semaphore, #tpu.memory_space<semaphore_mem>>)
      %dma_wait3A_374 = arith.constant 0 : i32
      %dma_wait3A_375 = tpu.memref_slice %arg4[%arg0, %sub3A_368, %dma_wait3A_374] : memref<2x10112x128xf32, #tpu.memory_space<hbm>> -> memref<1x56x128xf32, #tpu.memory_space<hbm>>
      %dma_wait3A_376 = tpu.memref_squeeze %dma_wait3A_375 : memref<1x56x128xf32, #tpu.memory_space<hbm>> -> memref<56x128xf32, #tpu.memory_space<hbm>>
      %dma_wait3A_377 = arith.constant 0 : i32
      %dma_wait3A_378 = tpu.memref_slice %arg5[%sub3A_368, %dma_wait3A_377] : memref<10112x128xf32, #tpu.memory_space<vmem_shared>> -> memref<56x128xf32, #tpu.memory_space<vmem_shared>>
      tpu.wait_dma2 semaphore(%run_scoped3A : memref<!tpu.dma_semaphore, #tpu.memory_space<semaphore_mem>>) src(%dma_wait3A_378 : memref<56x128xf32, #tpu.memory_space<vmem_shared>>) dst(%dma_wait3A_376 : memref<56x128xf32, #tpu.memory_space<hbm>>)
      tpu.yield
    }) : () -> ()
    return
  }
}

module attributes {stable_mosaic.version = 14 : i64} {
  func.func @_pre_body(%arg0: i32, %arg1: memref<1264x1xf32, #tpu.memory_space<vmem>>, %arg2: memref<1264x128xf32, #tpu.memory_space<vmem>>, %arg3: memref<128x128xf32, #tpu.memory_space<vmem>>, %arg4: memref<1264x128xf32, #tpu.memory_space<vmem>>, %arg5: memref<1264x1xf32, #tpu.memory_space<vmem>>) attributes {dimension_semantics = [#tpu.dimension_semantics<arbitrary>], iteration_bounds = array<i64: 8>, scalar_prefetch = 0 : i64, scratch_operands = 0 : i64, tpu.core_type = #tpu.core_type<tc>, window_params = [{transform_indices = @transform_0, window_bounds = array<i64: 1264, 1>}, {transform_indices = @transform_1, window_bounds = array<i64: 1264, 128>}, {pipeline_mode = #tpu.pipeline_mode<synchronous>, transform_indices = @transform_2, window_bounds = array<i64: 128, 128>}, {transform_indices = @transform_3, window_bounds = array<i64: 1264, 128>}, {transform_indices = @transform_4, window_bounds = array<i64: 1264, 1>}]} {
    %get3A = arith.constant 0 : index
    %get3A_0 = arith.constant 0 : index
    %get3A_1 = vector.load %arg1[%get3A, %get3A_0] : memref<1264x1xf32, #tpu.memory_space<vmem>>, vector<1264x1xf32>
    %add3A = arith.constant 1.000000e+00 : f32
    %add3A_2 = vector.broadcast %add3A : f32 to vector<1264x1xf32>
    %add3A_3 = arith.addf %get3A_1, %add3A_2 : vector<1264x1xf32>
    %rsqrt3A = math.rsqrt %add3A_3 : vector<1264x1xf32>
    %get3A_4 = arith.constant 0 : index
    %get3A_5 = arith.constant 0 : index
    %get3A_6 = vector.load %arg2[%get3A_4, %get3A_5] : memref<1264x128xf32, #tpu.memory_space<vmem>>, vector<1264x128xf32>
    %get3A_7 = arith.constant 0 : index
    %get3A_8 = arith.constant 0 : index
    %get3A_9 = vector.load %arg3[%get3A_7, %get3A_8] : memref<128x128xf32, #tpu.memory_space<vmem>>, vector<128x128xf32>
    %dot_general3A = arith.constant dense<0.000000e+00> : vector<1264x128xf32>
    %dot_general3A_10 = tpu.matmul %get3A_6, %get3A_9, %dot_general3A {dimension_numbers = #tpu.dot_dimension_numbers<[1], [0], [0], [1], [0, 0, 1, 1], [], []>, transpose_lhs_hint = false} : vector<1264x128xf32>, vector<128x128xf32>, vector<1264x128xf32> -> vector<1264x128xf32>
    %mul3A = vector.broadcast %rsqrt3A : vector<1264x1xf32> to vector<1264x128xf32>
    %mul3A_11 = arith.mulf %mul3A, %dot_general3A_10 : vector<1264x128xf32>
    %swap3A = arith.constant 0 : index
    %swap3A_12 = arith.constant 0 : index
    %swap3A_13 = vector.load %arg4[%swap3A, %swap3A_12] : memref<1264x128xf32, #tpu.memory_space<vmem>>, vector<1264x128xf32>
    tpu.vector_store %arg4[%swap3A, %swap3A_12], %mul3A_11 {strides = array<i32>} : memref<1264x128xf32, #tpu.memory_space<vmem>>, vector<1264x128xf32>,
    %swap3A_14 = arith.constant 0 : index
    %swap3A_15 = arith.constant 0 : index
    %swap3A_16 = vector.load %arg5[%swap3A_14, %swap3A_15] : memref<1264x1xf32, #tpu.memory_space<vmem>>, vector<1264x1xf32>
    tpu.vector_store %arg5[%swap3A_14, %swap3A_15], %rsqrt3A {strides = array<i32>} : memref<1264x1xf32, #tpu.memory_space<vmem>>, vector<1264x1xf32>,
    return
  }
  func.func @transform_0(%arg0: i32) -> (i32, i32) {
    %c0_i32 = arith.constant 0 : i32
    %c0_i32_0 = arith.constant 0 : i32
    return %arg0, %c0_i32 : i32, i32
  }
  func.func @transform_1(%arg0: i32) -> (i32, i32) {
    %c0_i32 = arith.constant 0 : i32
    %c0_i32_0 = arith.constant 0 : i32
    return %arg0, %c0_i32 : i32, i32
  }
  func.func @transform_2(%arg0: i32) -> (i32, i32) {
    %c0_i32 = arith.constant 0 : i32
    %c0_i32_0 = arith.constant 0 : i32
    %c0_i32_1 = arith.constant 0 : i32
    return %c0_i32, %c0_i32_0 : i32, i32
  }
  func.func @transform_3(%arg0: i32) -> (i32, i32) {
    %c0_i32 = arith.constant 0 : i32
    %c0_i32_0 = arith.constant 0 : i32
    return %arg0, %c0_i32 : i32, i32
  }
  func.func @transform_4(%arg0: i32) -> (i32, i32) {
    %c0_i32 = arith.constant 0 : i32
    %c0_i32_0 = arith.constant 0 : i32
    return %arg0, %c0_i32 : i32, i32
  }
}

module attributes {stable_mosaic.version = 14 : i64} {
  func.func @_mid_body(%arg0: i32, %arg1: memref<1264x128xf32, #tpu.memory_space<vmem>>, %arg2: memref<1264x128xf32, #tpu.memory_space<vmem>>, %arg3: memref<1264x128xf32, #tpu.memory_space<vmem>>, %arg4: memref<1264x1xf32, #tpu.memory_space<vmem>>, %arg5: memref<1x128xf32, #tpu.memory_space<vmem>>, %arg6: memref<128x128xf32, #tpu.memory_space<vmem>>, %arg7: memref<1264x128xf32, #tpu.memory_space<vmem>>) attributes {dimension_semantics = [#tpu.dimension_semantics<arbitrary>], iteration_bounds = array<i64: 8>, scalar_prefetch = 0 : i64, scratch_operands = 0 : i64, tpu.core_type = #tpu.core_type<tc>, window_params = [{transform_indices = @transform_0, window_bounds = array<i64: 1264, 128>}, {transform_indices = @transform_1, window_bounds = array<i64: 1264, 128>}, {transform_indices = @transform_2, window_bounds = array<i64: 1264, 128>}, {transform_indices = @transform_3, window_bounds = array<i64: 1264, 1>}, {pipeline_mode = #tpu.pipeline_mode<synchronous>, transform_indices = @transform_4, window_bounds = array<i64: 1, 128>}, {pipeline_mode = #tpu.pipeline_mode<synchronous>, transform_indices = @transform_5, window_bounds = array<i64: 128, 128>}, {transform_indices = @transform_6, window_bounds = array<i64: 1264, 128>}]} {
    %get3A = arith.constant 0 : index
    %get3A_0 = arith.constant 0 : index
    %get3A_1 = vector.load %arg4[%get3A, %get3A_0] : memref<1264x1xf32, #tpu.memory_space<vmem>>, vector<1264x1xf32>
    %get3A_2 = arith.constant 0 : index
    %get3A_3 = arith.constant 0 : index
    %get3A_4 = vector.load %arg1[%get3A_2, %get3A_3] : memref<1264x128xf32, #tpu.memory_space<vmem>>, vector<1264x128xf32>
    %get3A_5 = arith.constant 0 : index
    %get3A_6 = arith.constant 0 : index
    %get3A_7 = vector.load %arg2[%get3A_5, %get3A_6] : memref<1264x128xf32, #tpu.memory_space<vmem>>, vector<1264x128xf32>
    %add3A = arith.addf %get3A_4, %get3A_7 : vector<1264x128xf32>
    %get3A_8 = arith.constant 0 : index
    %get3A_9 = arith.constant 0 : index
    %get3A_10 = vector.load %arg3[%get3A_8, %get3A_9] : memref<1264x128xf32, #tpu.memory_space<vmem>>, vector<1264x128xf32>
    %add3A_11 = arith.addf %add3A, %get3A_10 : vector<1264x128xf32>
    %mul3A = vector.broadcast %get3A_1 : vector<1264x1xf32> to vector<1264x128xf32>
    %mul3A_12 = arith.mulf %mul3A, %add3A_11 : vector<1264x128xf32>
    %get3A_13 = arith.constant 0 : index
    %get3A_14 = arith.constant 0 : index
    %get3A_15 = vector.load %arg5[%get3A_13, %get3A_14] : memref<1x128xf32, #tpu.memory_space<vmem>>, vector<1x128xf32>
    %add3A_16 = vector.broadcast %get3A_15 : vector<1x128xf32> to vector<1264x128xf32>
    %add3A_17 = arith.addf %mul3A_12, %add3A_16 : vector<1264x128xf32>
    %max3A = arith.constant 0.000000e+00 : f32
    %max3A_18 = vector.broadcast %max3A : f32 to vector<1264x128xf32>
    %max3A_19 = arith.maximumf %add3A_17, %max3A_18 : vector<1264x128xf32>
    %get3A_20 = arith.constant 0 : index
    %get3A_21 = arith.constant 0 : index
    %get3A_22 = vector.load %arg6[%get3A_20, %get3A_21] : memref<128x128xf32, #tpu.memory_space<vmem>>, vector<128x128xf32>
    %dot_general3A = arith.constant dense<0.000000e+00> : vector<1264x128xf32>
    %dot_general3A_23 = tpu.matmul %max3A_19, %get3A_22, %dot_general3A {dimension_numbers = #tpu.dot_dimension_numbers<[1], [0], [0], [1], [0, 0, 1, 1], [], []>, transpose_lhs_hint = false} : vector<1264x128xf32>, vector<128x128xf32>, vector<1264x128xf32> -> vector<1264x128xf32>
    %mul3A_24 = vector.broadcast %get3A_1 : vector<1264x1xf32> to vector<1264x128xf32>
    %mul3A_25 = arith.mulf %mul3A_24, %dot_general3A_23 : vector<1264x128xf32>
    %swap3A = arith.constant 0 : index
    %swap3A_26 = arith.constant 0 : index
    %swap3A_27 = vector.load %arg7[%swap3A, %swap3A_26] : memref<1264x128xf32, #tpu.memory_space<vmem>>, vector<1264x128xf32>
    tpu.vector_store %arg7[%swap3A, %swap3A_26], %mul3A_25 {strides = array<i32>} : memref<1264x128xf32, #tpu.memory_space<vmem>>, vector<1264x128xf32>,
    return
  }
  func.func @transform_0(%arg0: i32) -> (i32, i32) {
    %c0_i32 = arith.constant 0 : i32
    %c0_i32_0 = arith.constant 0 : i32
    return %arg0, %c0_i32 : i32, i32
  }
  func.func @transform_1(%arg0: i32) -> (i32, i32) {
    %c0_i32 = arith.constant 0 : i32
    %c0_i32_0 = arith.constant 0 : i32
    return %arg0, %c0_i32 : i32, i32
  }
  func.func @transform_2(%arg0: i32) -> (i32, i32) {
    %c0_i32 = arith.constant 0 : i32
    %c0_i32_0 = arith.constant 0 : i32
    return %arg0, %c0_i32 : i32, i32
  }
  func.func @transform_3(%arg0: i32) -> (i32, i32) {
    %c0_i32 = arith.constant 0 : i32
    %c0_i32_0 = arith.constant 0 : i32
    return %arg0, %c0_i32 : i32, i32
  }
  func.func @transform_4(%arg0: i32) -> (i32, i32) {
    %c0_i32 = arith.constant 0 : i32
    %c0_i32_0 = arith.constant 0 : i32
    %c0_i32_1 = arith.constant 0 : i32
    return %c0_i32, %c0_i32_0 : i32, i32
  }
  func.func @transform_5(%arg0: i32) -> (i32, i32) {
    %c0_i32 = arith.constant 0 : i32
    %c0_i32_0 = arith.constant 0 : i32
    %c0_i32_1 = arith.constant 0 : i32
    return %c0_i32, %c0_i32_0 : i32, i32
  }
  func.func @transform_6(%arg0: i32) -> (i32, i32) {
    %c0_i32 = arith.constant 0 : i32
    %c0_i32_0 = arith.constant 0 : i32
    return %arg0, %c0_i32 : i32, i32
  }
}

module attributes {stable_mosaic.version = 14 : i64} {
  func.func @_post_body(%arg0: i32, %arg1: memref<1264x128xf32, #tpu.memory_space<vmem>>, %arg2: memref<1264x128xf32, #tpu.memory_space<vmem>>, %arg3: memref<1264x128xf32, #tpu.memory_space<vmem>>, %arg4: memref<1264x1xf32, #tpu.memory_space<vmem>>, %arg5: memref<1x128xf32, #tpu.memory_space<vmem>>, %arg6: memref<1264x128xf32, #tpu.memory_space<vmem>>) attributes {dimension_semantics = [#tpu.dimension_semantics<arbitrary>], iteration_bounds = array<i64: 8>, scalar_prefetch = 0 : i64, scratch_operands = 0 : i64, tpu.core_type = #tpu.core_type<tc>, window_params = [{transform_indices = @transform_0, window_bounds = array<i64: 1264, 128>}, {transform_indices = @transform_1, window_bounds = array<i64: 1264, 128>}, {transform_indices = @transform_2, window_bounds = array<i64: 1264, 128>}, {transform_indices = @transform_3, window_bounds = array<i64: 1264, 1>}, {pipeline_mode = #tpu.pipeline_mode<synchronous>, transform_indices = @transform_4, window_bounds = array<i64: 1, 128>}, {transform_indices = @transform_5, window_bounds = array<i64: 1264, 128>}]} {
    %get3A = arith.constant 0 : index
    %get3A_0 = arith.constant 0 : index
    %get3A_1 = vector.load %arg4[%get3A, %get3A_0] : memref<1264x1xf32, #tpu.memory_space<vmem>>, vector<1264x1xf32>
    %get3A_2 = arith.constant 0 : index
    %get3A_3 = arith.constant 0 : index
    %get3A_4 = vector.load %arg1[%get3A_2, %get3A_3] : memref<1264x128xf32, #tpu.memory_space<vmem>>, vector<1264x128xf32>
    %get3A_5 = arith.constant 0 : index
    %get3A_6 = arith.constant 0 : index
    %get3A_7 = vector.load %arg2[%get3A_5, %get3A_6] : memref<1264x128xf32, #tpu.memory_space<vmem>>, vector<1264x128xf32>
    %add3A = arith.addf %get3A_4, %get3A_7 : vector<1264x128xf32>
    %get3A_8 = arith.constant 0 : index
    %get3A_9 = arith.constant 0 : index
    %get3A_10 = vector.load %arg3[%get3A_8, %get3A_9] : memref<1264x128xf32, #tpu.memory_space<vmem>>, vector<1264x128xf32>
    %add3A_11 = arith.addf %add3A, %get3A_10 : vector<1264x128xf32>
    %mul3A = vector.broadcast %get3A_1 : vector<1264x1xf32> to vector<1264x128xf32>
    %mul3A_12 = arith.mulf %mul3A, %add3A_11 : vector<1264x128xf32>
    %get3A_13 = arith.constant 0 : index
    %get3A_14 = arith.constant 0 : index
    %get3A_15 = vector.load %arg5[%get3A_13, %get3A_14] : memref<1x128xf32, #tpu.memory_space<vmem>>, vector<1x128xf32>
    %add3A_16 = vector.broadcast %get3A_15 : vector<1x128xf32> to vector<1264x128xf32>
    %add3A_17 = arith.addf %mul3A_12, %add3A_16 : vector<1264x128xf32>
    %max3A = arith.constant 0.000000e+00 : f32
    %max3A_18 = vector.broadcast %max3A : f32 to vector<1264x128xf32>
    %max3A_19 = arith.maximumf %add3A_17, %max3A_18 : vector<1264x128xf32>
    %swap3A = arith.constant 0 : index
    %swap3A_20 = arith.constant 0 : index
    %swap3A_21 = vector.load %arg6[%swap3A, %swap3A_20] : memref<1264x128xf32, #tpu.memory_space<vmem>>, vector<1264x128xf32>
    tpu.vector_store %arg6[%swap3A, %swap3A_20], %max3A_19 {strides = array<i32>} : memref<1264x128xf32, #tpu.memory_space<vmem>>, vector<1264x128xf32>,
    return
  }
  func.func @transform_0(%arg0: i32) -> (i32, i32) {
    %c0_i32 = arith.constant 0 : i32
    %c0_i32_0 = arith.constant 0 : i32
    return %arg0, %c0_i32 : i32, i32
  }
  func.func @transform_1(%arg0: i32) -> (i32, i32) {
    %c0_i32 = arith.constant 0 : i32
    %c0_i32_0 = arith.constant 0 : i32
    return %arg0, %c0_i32 : i32, i32
  }
  func.func @transform_2(%arg0: i32) -> (i32, i32) {
    %c0_i32 = arith.constant 0 : i32
    %c0_i32_0 = arith.constant 0 : i32
    return %arg0, %c0_i32 : i32, i32
  }
  func.func @transform_3(%arg0: i32) -> (i32, i32) {
    %c0_i32 = arith.constant 0 : i32
    %c0_i32_0 = arith.constant 0 : i32
    return %arg0, %c0_i32 : i32, i32
  }
  func.func @transform_4(%arg0: i32) -> (i32, i32) {
    %c0_i32 = arith.constant 0 : i32
    %c0_i32_0 = arith.constant 0 : i32
    %c0_i32_1 = arith.constant 0 : i32
    return %c0_i32, %c0_i32_0 : i32, i32
  }
  func.func @transform_5(%arg0: i32) -> (i32, i32) {
    %c0_i32 = arith.constant 0 : i32
    %c0_i32_0 = arith.constant 0 : i32
    return %arg0, %c0_i32 : i32, i32
  }
}

</mosaic_0001>

<sc_bundles>
// kernel: kernel.11.cloned.1.call-start
scs
__scs_entry_jumppad:
0x0: {  	(pc) =	sbr.rel $0x88, $3  }
0x1: {  	(tag) =	ssettag $0x0;
	lr =	simm.s32 $0x1  }
0x2: {  	[smem:$0x3F9B] =	sst lr;
	_ =	strace $0xD0000000  }
0x3: {  	_ = 	snop  }
0x4: {  	_ = 	snop  }
0x5: {  	_ = 	snop  }
0x6: {  	_ = 	snop  }
0x7: {  	_ = 	snop  }
__scs_overlays_trampoline_lowered:
0x8: {  	[smem:$0x3FAA] =	sst s0  }
0x9: {  	[smem:$0x3FAB] =	sst s1  }
0xa: {  	[smem:$0x3FAC] =	sst s2  }
0xb: {  	[smem:$0x3FAD] =	sst s3  }
0xc: {  	[smem:$0x3FAE] =	sst s4  }
0xd: {  	[smem:$0x3FAF] =	sst s5  }
0xe: {  	[smem:$0x3FB0] =	sst s6  }
0xf: {  	[smem:$0x3FB1] =	sst s7  }
0x10: {  	[smem:$0x3FB2] =	sst s8  }
0x11: {  	[smem:$0x3FB3] =	sst s9;
	s0 =	simm.s32 @!p0 $0x0  }
0x12: {  	s1 =	sld [smem:$0x3F99];
	s0 =	simm.s32 @p0 $0x1  }
0x13: {  	[smem:$0x3FB4] =	sst s0;
	s0 =	simm.s32 @!p1 $0x0  }
0x14: {  	s2 =	sld [smem:$0x3F98];
	s0 =	simm.s32 @p1 $0x1  }
0x15: {  	[smem:$0x3FB5] =	sst s0;
	s0 =	simm.s32 @!p2 $0x0  }
0x16: {  	s3 =	sld [smem:$0x3FDB];
	s0 =	simm.s32 @p2 $0x1  }
0x17: {  	s4 =	simm.s32 $0x1BF5;
	[smem:$0x3FB7] =	sst s0  }
0x18: {  	s0 =	sld [smem:$0x3F9A];
	_ =	swait.ge [sflag:s4], $0x0  }
0x19: {  	s7 =	sld [smem:$0x3F9B]  }
0x1a: {  	s8 =	sadd.s32 $0xFFFFE003, lr  }
0x1b: {  	s9 =	sadd.s32 $0xFFFFFEF7, lr;
	s5 =	simm.s32 $0xFFFFFFFF;
	p2 =	slt.u32 s8, $0xFFFFF086  }
0x1c: {  	p1 =	slt.u32 s9, $0xF7A;
	s5 =	simm.s32 @!p2 $0x0  }
0x1d: {  	s5 =	simm.s32 @p1 $0x1;
	p0 =	seq.s32 s7, s2  }
0x1e: {  	s7 =	smul.u32 @!p0 $0xF7A, s2;
	p2 =	seq.s32 @!p0 s5, $0x0  }
0x1f: {  	s9 =	smul.u32 $0xF7A, s1;
	s8 =	simm.s32 @!p0 $0x1BF5;
	p2 =	por !p2, p0  }
0x20: {  	[sflag:s8] =	ssyncset.s32 @!p0 $0xFFFFF086;
	s6 =	sadd.s32 @!p0 s3, s7;
	s7 =	simm.s32 @!p0 $0x108  }
0x21: {  	s3 =	sadd.s32 s3, s9;
	s6 =	sadd.s32 @!p0 $0x88, s6;
	s7 =	simm.s32 @p2 $0x1082  }
0x22: {  	[simem:s7], [sflag:s8] =	dma.local @!p0 [hbm:s6], $0xF7A  }
0x23: {  	s9 =	sor.u32 $0xD0000000, s2;
	s6 =	simm.s32 $0x108;
	_ =	swait.ge @!p0 [sflag:s8], $0x0  }
0x24: {  	s3 =	sadd.s32 $0x88, s3;
	s6 =	simm.s32 @!p1 $0x1082;
	[sflag:s4] =	ssyncset.s32 $0xFFFFF086  }
0x25: {  	[simem:s6], [sflag:s4] =	dma.local [hbm:s3], $0xF7A  }
0x26: {  	[smem:$0x3F9B] =	sst s1;
	(tag) =	ssettag s2;
	_ =	strace s9  }
0x27: {  	s1 =	sld [smem:$0x3FAB]  }
0x28: {  	s2 =	sld [smem:$0x3FAC]  }
0x29: {  	s4 =	sld [smem:$0x3FAE]  }
0x2a: {  	p0 =	seq.s32 s5, $0x0;
	s5 =	sld [smem:$0x3FAF]  }
0x2b: {  	s6 =	sld [smem:$0x3FB0]  }
0x2c: {  	s7 =	sld [smem:$0x3FB1]  }
0x2d: {  	s3 =	simm.s32 $0x108;
	s8 =	sld [smem:$0x3FB2]  }
0x2e: {  	s3 =	simm.s32 @!p0 $0x1082;
	s9 =	sld [smem:$0x3FB3]  }
0x2f: {  	lr =	sadd.s32 s0, s3;
	s0 =	sld [smem:$0x3FAA]  }
0x30: {  	s3 =	sld [smem:$0x3FAD]  }
0x31: {  	[smem:$0x3FB6] =	sst s10  }
0x32: {  	s10 =	sld [smem:$0x3FB4];
	_ =	sdelay $0x3  }
0x33: {  	p0 =	seq.s32 s10, $0x1;
	s10 =	sld [smem:$0x3FB6];
	_ =	sdelay $0x3  }
0x34: {  	[smem:$0x3FB6] =	sst s10  }
0x35: {  	s10 =	sld [smem:$0x3FB5];
	_ =	sdelay $0x3  }
0x36: {  	p1 =	seq.s32 s10, $0x1;
	s10 =	sld [smem:$0x3FB6];
	_ =	sdelay $0x3  }
0x37: {  	[smem:$0x3FB6] =	sst s10  }
0x38: {  	s10 =	sld [smem:$0x3FB7]  }
0x39: {  	_ = 	snop;
	(pc) =	sbr.ind lr, $3  }
0x3a: {  	_ = 	snop  }
0x3b: {  	_ = 	snop  }
0x3c: {  	p2 =	seq.s32 s10, $0x1;
	s10 =	sld [smem:$0x3FB6]  }
0x3d: {  	_ =	shalt  }
0x3e: {  	_ =	shalt  }
0x3f: {  	_ =	shalt  }
0x40: {  	_ =	shalt  }
0x41: {  	_ =	shalt  }
0x42: {  	_ =	shalt  }
0x43: {  	_ =	shalt  }
0x44: {  	_ =	shalt  }
0x45: {  	_ =	shalt  }
0x46: {  	_ =	shalt  }
0x47: {  	_ =	shalt  }
0x48: {  	_ =	shalt  }
0x49: {  	_ =	shalt  }
0x4a: {  	_ =	shalt  }
0x4b: {  	_ =	shalt  }
0x4c: {  	_ =	shalt  }
0x4d: {  	_ =	shalt  }
0x4e: {  	_ =	shalt  }
0x4f: {  	_ =	shalt  }
0x50: {  	_ =	shalt  }
0x51: {  	_ =	shalt  }
0x52: {  	_ =	shalt  }
0x53: {  	_ =	shalt  }
0x54: {  	_ =	shalt  }
0x55: {  	_ =	shalt  }
0x56: {  	_ =	shalt  }
0x57: {  	_ =	shalt  }
0x58: {  	_ =	shalt  }
0x59: {  	_ =	shalt  }
0x5a: {  	_ =	shalt  }
0x5b: {  	_ =	shalt  }
0x5c: {  	_ =	shalt  }
0x5d: {  	_ =	shalt  }
0x5e: {  	_ =	shalt  }
0x5f: {  	_ =	shalt  }
0x60: {  	_ =	shalt  }
0x61: {  	_ =	shalt  }
0x62: {  	_ =	shalt  }
0x63: {  	_ =	shalt  }
0x64: {  	_ =	shalt  }
0x65: {  	_ =	shalt  }
0x66: {  	_ =	shalt  }
0x67: {  	_ =	shalt  }
0x68: {  	_ =	shalt  }
0x69: {  	_ =	shalt  }
0x6a: {  	_ =	shalt  }
0x6b: {  	_ =	shalt  }
0x6c: {  	_ =	shalt  }
0x6d: {  	_ =	shalt  }
0x6e: {  	_ =	shalt  }
0x6f: {  	_ =	shalt  }
0x70: {  	_ =	shalt  }
0x71: {  	_ =	shalt  }
0x72: {  	_ =	shalt  }
0x73: {  	_ =	shalt  }
0x74: {  	_ =	shalt  }
0x75: {  	_ =	shalt  }
0x76: {  	_ =	shalt  }
0x77: {  	_ =	shalt  }
0x78: {  	_ =	shalt  }
0x79: {  	_ =	shalt  }
0x7a: {  	_ =	shalt  }
0x7b: {  	_ =	shalt  }
0x7c: {  	_ =	shalt  }
0x7d: {  	_ =	shalt  }
0x7e: {  	_ =	shalt  }
0x7f: {  	_ =	shalt  }
0x80: {  	_ =	shalt  }
0x81: {  	_ =	shalt  }
0x82: {  	_ =	shalt  }
0x83: {  	_ =	shalt  }
0x84: {  	_ =	shalt  }
0x85: {  	_ =	shalt  }
0x86: {  	_ =	shalt  }
0x87: {  	_ =	shalt  }
.Lfunc_end0:
.L_simem_size_0:
called_computation.1_lowered:
.L_overlay_start_0:
0x88: {  	s2 =	sld [smem:$0x3FD9]  }
0x89: {  	s3 =	sld [smem:$0x3FFE];
	_ =	sdelay $0x1  }
0x8a: {  	s1 =	srdreg.scid  }
0x8b: {  	s0 =	sand.u32 $0x1, s1  }
0x8c: {  	s16 =	sshll.u32 s0, $0xA;
	s2 =	sadd.s32 s3, s2  }
0x8d: {  	s2 =	sadd.s32 s2, s16  }
0x8e: {  	[smem:$0x3FC2] =	sst s2  }
0x8f: {  	_ = 	snop  }
0x90: {  	(tm) =	ssettm $0x1  }
0x91: {  	s17 =	sld [smem:$0x3FFB];
	_ =	sdelay $0x3  }
0x92: {  	_ =	strace s17  }
0x93: {  	s2 =	sld [smem:$0x3FFC];
	_ =	sdelay $0x3  }
0x94: {  	_ =	strace s2  }
0x95: {  	s2 =	sld [smem:$0x3FFD];
	_ =	sdelay $0x3  }
0x96: {  	_ =	strace s2  }
0x97: {  	_ =	strace $0x8FFFFFFF  }
0x98: {  	s18 =	sld [smem:$0x3FDB];
	_ =	sdelay $0x1  }
0x99: {  	s19 =	simm.s32 $_scs_section_size  }
0x9a: {  	s4 =	simm.s32 $_size__tile_overlayer_lowered;
	s5 =	simm.s32 $_tile_overlayer_lowered  }
0x9b: {  	s22 =	simm.s32 $0x1BFF;
	s21 =	sshll.u32 s5, $0x1;
	s2 =	sadd.s32 s19, s18  }
0x9c: {  	s6 =	simm.s32 $0x0;
	s20 =	sshll.u32 s4, $0x1;
	s4 =	sadd.s32 s21, s2  }
0x9d: {  	[timem:s6], [sflag:s22] =	dma.local [hbm:s4], s20  }
0x9e: {  	_ =	swait.ge [sflag:s22], s20  }
0x9f: {  	s3 =	ssub.s32 $0x0, s20;
	[sflag:s22] =	ssyncset.done $0x0  }
0xa0: {  	[sflag:s22] =	ssyncadd.s32 s3;
	_ =	sdelay $0x1  }
0xa1: {  	s23 =	simm.s32 $0x1B8B  }
0xa2: {  	_ =	swait.ge [sflag:s23], $0x1  }
0xa3: {  	[sflag:s23] =	ssyncset.done $0x0  }
0xa4: {  	s25 =	simm.s32 $0x1B8E;
	s24 =	sld [smem:$0x3FFE];
	[sflag:s23] =	ssyncadd.s32 $0xFFFFFFFF  }
0xa5: {  	s26 =	simm.s32 $execute0_lowered;
	[smem:$0x3FD2] =	sst s25  }
0xa6: {  	s4 =	sshll.u32 s26, $0x1;
	_ =	strace $0x80000049;
	[dreg:$0x1] =	wrdreg $0xFFFFFFFF  }
0xa7: {  	s28 =	simm.s32 $_size_execute0_lowered;
	s2 =	sadd.s32 s2, s4;
	[dreg:$0x0] =	wrdreg $0x0  }
0xa8: {  	s4 =	sshll.u32 s28, $0x1;
	[dreg:$0x2] =	wrdreg s2  }
0xa9: {  	[dreg:$0x3] =	wrdreg s4  }
0xaa: {  	[dreg:$0x4] =	wrdreg $0xC0  }
0xab: {  	_ =	task [dreg:s6], $0x5FFFF  }
0xac: {  	[dreg:$0x1] =	wrdreg $0xFFFFFFFF  }
0xad: {  	[dreg:$0x0] =	wrdreg $0x60  }
0xae: {  	[dreg:$0x2] =	wrdreg s24  }
0xaf: {  	[dreg:$0x3] =	wrdreg $0x0  }
0xb0: {  	[dreg:$0x4] =	wrdreg $0x9  }
0xb1: {  	_ =	task.clear_ibuf [dreg:s6], $0x5FFFF;
	_ =	strace $0x90000049  }
0xb2: {  	s29 =	simm.s32 $0x9;
	_ =	strace $0x8000004B  }
0xb3: {  	_ =	swait.ge [sflag:s29], $0x1  }
0xb4: {  	[sflag:s29] =	ssyncadd.s32 $0xFFFFFFFF  }
0xb5: {  	_ =	strace $0x9000004B  }
0xb6: {  	_ =	sfence  }
0xb7: {  	s30 =	sld [smem:$0x0];
	_ =	sdelay $0x2  }
0xb8: {  	s31 =	sshll.u32 s1, $0xD;
	s1 =	sshrl.u32 s1, $0x2  }
0xb9: {  	s3 =	sand.u32 $0x4000, s31;
	s1 =	sadd.s32 s1, s30  }
0xba: {  	s0 =	sor.u32 s3, s0;
	s1 =	sshll.u32 s1, $0x11  }
0xbb: {  	s0 =	sor.u32 s1, s0  }
0xbc: {  	s0 =	sadd.s32 $0x8F2B, s0  }
0xbd: {  	[sflag:s0] =	ssyncadd.remote.s32 $0x1  }
0xbe: {  	_ =	sfence.sel $0xFFFF  }
0xbf: {  	[dreg:$0x0] =	wrdreg $0xFFFFFFFF;
	(pc) =	sbr.abs _section_cstart, $3  }
0xc0: {  	[dreg:$0x1] =	wrdreg $0xFFFFFFFF  }
0xc1: {  	_ =	task.clear_ibuf [dreg:s6], $0x2FFFF;
	_ =	strace $0x9FFFFFFF  }
0xc2: {  	(tm) =	ssettm $0x7FFFFFFF  }
0xc3: {  	_ =	shalt  }
tec
execute0_lowered:
.L_overlay_start_1:
0x0: {  	(tag) =	ssettag $0x1  }
0x1: {  	s0 =	srdreg.scid;
	s3 =	rddreg [dreg:$0x0]  }
0x2: {  	s19 =	stileid.u32;
	s1 =	rddreg [dreg:$0x1];
	s2 =	simm.s32 $0x0  }
0x3: {  	s28 =	simm.s32 $0x16800;
	s29 =	simm.s32 $0x9;
	s30 =	simm.s32 $0x40  }
0x4: {  	s31 =	simm.s32 $0x16400;
	s0 =	sand.u32 $0x1, s0;
	s8 =	smul.u32 $0x13C00, s19  }
0x5: {  	s5 =	sshrl.u32 s19, $0x3;
	[smem:$0x7FF] =	sst s2;
	s4 =	smul.u32 $0x28000, s0  }
0x6: {  	s23 =	sshll.u32 s19, $0x7;
	s5 =	smul.u32 $0x14000, s5;
	s6 =	ssub.s32 $0x2, s0  }
0x7: {  	s0 =	smul.u32 $0x13C000, s0;
	s7 =	sshrl.u32 s6, $0x1;
	s9 =	sadd.s32 $0x4000, s8  }
0x8: {  	s10 =	sadd.s32 $0x6000, s8;
	s11 =	sadd.s32 $0x8000, s8;
	s12 =	sadd.s32 $0xA000, s8  }
0x9: {  	s13 =	sadd.s32 $0xC000, s8;
	s15 =	sadd.s32 $0xE000, s8;
	s16 =	sadd.s32 $0x10000, s8  }
0xa: {  	s4 =	sadd.s32 s4, s5;
	s5 =	sand.u32 $0x380, s23;
	s6 =	ssub.s32 s6, s7  }
0xb: {  	s7 =	sadd.s32 $0x2000, s8;
	s14 =	sadd.s32 s8, s0;
	s8 =	sadd.s32 $0x12000, s8  }
0xc: {  	s25 =	sadd.s32 s0, s9;
	s26 =	sadd.s32 s0, s10;
	s18 =	sadd.s32 s0, s11  }
0xd: {  	s20 =	sadd.s32 s0, s12;
	s21 =	sadd.s32 s0, s13;
	s22 =	sadd.s32 s0, s15  }
0xe: {  	s4 =	sor.u32 s5, s4;
	s5 =	sadd.s32 $0x5C600, s3;
	s14 =	sshrl.u32 s14, $0x3  }
0xf: {  	s17 =	sadd.s32 s0, s7;
	s18 =	sshrl.u32 s18, $0x3;
	s14 =	sadd.s32 s5, s14  }
0x10: {  	s24 =	sshrl.u32 s17, $0x3;
	s17 =	sshrl.u32 s26, $0x3;
	s26 =	smul.u32 $0x4F000, s19  }
0x11: {  	s19 =	sadd.s32 s7, s1;
	s7 =	simm.s32 $0x1;
	[dreg:$0x3] =	wrdreg s14  }
0x12: {  	s14 =	sadd.s32 s5, s24;
	s17 =	sadd.s32 s5, s17;
	s24 =	sshrl.u32 s22, $0x3  }
0x13: {  	s22 =	sadd.s32 s11, s1;
	s11 =	simm.s32 $0x16480;
	[dreg:$0x4] =	wrdreg s14  }
0x14: {  	s14 =	sshrl.u32 s25, $0x3;
	[dreg:$0x6] =	wrdreg s17;
	s17 =	sshrl.u32 s21, $0x3  }
0x15: {  	s25 =	sadd.s32 s0, s16;
	s0 =	sadd.s32 s0, s8;
	s14 =	sadd.s32 s5, s14  }
0x16: {  	s21 =	sadd.s32 s10, s1;
	[dreg:$0x5] =	wrdreg s14;
	s14 =	sadd.s32 s5, s18  }
0x17: {  	s23 =	sadd.s32 s5, s17;
	[dreg:$0x7] =	wrdreg s14;
	s14 =	sshrl.u32 s20, $0x3  }
0x18: {  	s10 =	simm.s32 $0x16680;
	[dreg:$0x9] =	wrdreg s23;
	s14 =	sadd.s32 s5, s14  }
0x19: {  	s0 =	sshrl.u32 s0, $0x3;
	[dreg:$0x8] =	wrdreg s14;
	s14 =	sadd.s32 s5, s24  }
0x1a: {  	s0 =	sadd.s32 s5, s0;
	[dreg:$0xa] =	wrdreg s14;
	s14 =	sshrl.u32 s25, $0x3  }
0x1b: {  	s17 =	sshrl.u32 s26, $0x2;
	[dreg:$0xc] =	wrdreg s0;
	s14 =	sadd.s32 s5, s14  }
0x1c: {  	s26 =	smax.u32 s6, $0x1;
	s18 =	sadd.s32 s17, s1;
	[dreg:$0xb] =	wrdreg s14  }
0x1d: {  	s6 =	simm.s32 $0x1C800;
	_ =	strace $0x8000004A;
	[dreg:$0xd] =	wrdreg s18  }
0x1e: {  	s23 =	sadd.s32 s12, s1;
	s20 =	sadd.s32 s9, s1;
	[dreg:$0xe] =	wrdreg s19  }
0x1f: {  	s12 =	simm.s32 $0x3;
	s17 =	simm.s32 $0x7;
	[dreg:$0xf] =	wrdreg s20  }
0x20: {  	s9 =	simm.s32 $0x2;
	s24 =	sadd.s32 s13, s1;
	[dreg:$0x10] =	wrdreg s21  }
0x21: {  	s13 =	simm.s32 $0x16700;
	s25 =	sadd.s32 s16, s1;
	[dreg:$0x11] =	wrdreg s22  }
0x22: {  	s16 =	simm.s32 $0x6;
	s5 =	simm.s32 $0x16580;
	[dreg:$0x12] =	wrdreg s23  }
0x23: {  	s14 =	sshrl.u32 s4, $0x3;
	s4 =	simm.s32 $0x1A800;
	[dreg:$0x13] =	wrdreg s24  }
0x24: {  	s0 =	sadd.s32 s14, s3;
	s14 =	sadd.s32 $0xD600, s3;
	[dreg:$0x16] =	wrdreg s25  }
0x25: {  	s22 =	sadd.s32 s15, s1;
	s24 =	sadd.s32 s8, s1;
	[dreg:$0x15] =	wrdreg s26  }
0x26: {  	s3 =	simm.s32 $0x16500;
	s8 =	simm.s32 $0x16600;
	s25 =	simm.s32 $0x4  }
0x27: {  	s26 =	simm.s32 $0x16780;
	s15 =	simm.s32 $0x5;
	s0 =	sadd.s32 $0x3600, s0  }
0x28: {  	v0 =	vimm.f32 $0.0e+00;
	s18 =	simm.s32 $0x8;
	[dreg:$0x14] =	wrdreg s0;
	s0 =	simm.s32 $0x18800  }
.LBB2_1:
0x29: {  	s19 =	simm.s32 $0x0;
	s20 =	simm.s32 $0x200  }
.LBB2_2:
0x2a: {  	p0 =	sne.s32 s20, $0x7E00;
	[tilespmem:s19+$0x16870] =	vst v0  }
0x2b: {  	[tilespmem:s19+$0x16800] =	vst v0  }
0x2c: {  	[tilespmem:s19+$0x16810] =	vst v0  }
.Ltmp0:
0x2d: {  	[tilespmem:s19+$0x16820] =	vst v0;
	(pc) =	sbr.rel @p0 .LBB2_2-.Ltmp0, $4  }
0x2e: {  	[tilespmem:s19+$0x16830] =	vst v0  }
0x2f: {  	[tilespmem:s19+$0x16840] =	vst v0  }
0x30: {  	[tilespmem:s19+$0x16850] =	vst v0  }
0x31: {  	[tilespmem:s19+$0x16860] =	vst v0;
	s19 =	sshra.s32 s20, $0x2;
	s20 =	sadd.s32 $0x200, s20  }
0x32: {  	[tilespmem:s19+$0x16870] =	vst v0  }
0x33: {  	[tilespmem:s19+$0x16800] =	vst v0  }
0x34: {  	[tilespmem:s19+$0x16810] =	vst v0  }
0x35: {  	[tilespmem:s19+$0x16820] =	vst v0  }
0x36: {  	[tilespmem:s19+$0x16830] =	vst v0  }
0x37: {  	[tilespmem:s19+$0x16840] =	vst v0  }
0x38: {  	[tilespmem:s19+$0x16850] =	vst v0  }
0x39: {  	[tilespmem:s19+$0x16860] =	vst v0;
	s21 =	rddreg [dreg:$0xd]  }
0x3a: {  	[spmem:s21] =	stream.linear.scatter [tilespmem:s28], [sflag:$0x9], $0x2000, $0x38;
	[tilespmem:$0x1E800] =	vst v63  }
0x3b: {  	_ =	swait.ge [sflag:s29], $0x2000  }
0x3c: {  	[sflag:s29] =	ssyncset.done $0x0  }
0x3d: {  	s23 =	rddreg [dreg:$0xe];
	[sflag:s29] =	ssyncadd.s32 $0xFFFFE000  }
0x3e: {  	[spmem:s23] =	stream.linear.scatter [tilespmem:s28], [sflag:$0x9], $0x2000, $0x38;
	[tilespmem:$0x1E800] =	vst v63  }
0x3f: {  	_ =	swait.ge [sflag:s29], $0x2000  }
0x40: {  	[sflag:s29] =	ssyncset.done $0x0  }
0x41: {  	s20 =	rddreg [dreg:$0xf];
	[sflag:s29] =	ssyncadd.s32 $0xFFFFE000  }
0x42: {  	[spmem:s20] =	stream.linear.scatter [tilespmem:s28], [sflag:$0x9], $0x2000, $0x38;
	[tilespmem:$0x1E800] =	vst v63  }
0x43: {  	_ =	swait.ge [sflag:s29], $0x2000  }
0x44: {  	[sflag:s29] =	ssyncset.done $0x0  }
0x45: {  	s21 =	rddreg [dreg:$0x10];
	[sflag:s29] =	ssyncadd.s32 $0xFFFFE000  }
0x46: {  	[spmem:s21] =	stream.linear.scatter [tilespmem:s28], [sflag:$0x9], $0x2000, $0x38;
	[tilespmem:$0x1E800] =	vst v63  }
0x47: {  	_ =	swait.ge [sflag:s29], $0x2000  }
0x48: {  	[sflag:s29] =	ssyncset.done $0x0  }
0x49: {  	s23 =	rddreg [dreg:$0x11];
	[sflag:s29] =	ssyncadd.s32 $0xFFFFE000  }
0x4a: {  	[spmem:s23] =	stream.linear.scatter [tilespmem:s28], [sflag:$0x9], $0x2000, $0x38;
	[tilespmem:$0x1E800] =	vst v63  }
0x4b: {  	_ =	swait.ge [sflag:s29], $0x2000  }
0x4c: {  	[sflag:s29] =	ssyncset.done $0x0  }
0x4d: {  	s20 =	rddreg [dreg:$0x12];
	[sflag:s29] =	ssyncadd.s32 $0xFFFFE000  }
0x4e: {  	[spmem:s20] =	stream.linear.scatter [tilespmem:s28], [sflag:$0x9], $0x2000, $0x38;
	[tilespmem:$0x1E800] =	vst v63  }
0x4f: {  	_ =	swait.ge [sflag:s29], $0x2000  }
0x50: {  	[sflag:s29] =	ssyncset.done $0x0  }
0x51: {  	s21 =	rddreg [dreg:$0x13];
	[sflag:s29] =	ssyncadd.s32 $0xFFFFE000  }
0x52: {  	[spmem:s21] =	stream.linear.scatter [tilespmem:s28], [sflag:$0x9], $0x2000, $0x38;
	[tilespmem:$0x1E800] =	vst v63  }
0x53: {  	_ =	swait.ge [sflag:s29], $0x2000  }
0x54: {  	[sflag:s29] =	ssyncset.done $0x0  }
0x55: {  	[sflag:s29] =	ssyncadd.s32 $0xFFFFE000  }
0x56: {  	[spmem:s22] =	stream.linear.scatter [tilespmem:s28], [sflag:$0x9], $0x2000, $0x38;
	[tilespmem:$0x1E800] =	vst v63  }
0x57: {  	_ =	swait.ge [sflag:s29], $0x2000  }
0x58: {  	[sflag:s29] =	ssyncset.done $0x0  }
0x59: {  	s23 =	smov.u32 s22;
	s22 =	rddreg [dreg:$0x16];
	[sflag:s29] =	ssyncadd.s32 $0xFFFFE000  }
0x5a: {  	[spmem:s22] =	stream.linear.scatter [tilespmem:s28], [sflag:$0x9], $0x2000, $0x38;
	[tilespmem:$0x1E800] =	vst v63  }
0x5b: {  	_ =	swait.ge [sflag:s29], $0x2000  }
0x5c: {  	[sflag:s29] =	ssyncset.done $0x0  }
0x5d: {  	[sflag:s29] =	ssyncadd.s32 $0xFFFFE000  }
0x5e: {  	[spmem:s24] =	stream.linear.scatter [tilespmem:s28], [sflag:$0x9], $0x1C00, $0x38;
	[tilespmem:$0x1E800] =	vst v63  }
0x5f: {  	_ =	swait.ge [sflag:s29], $0x1C00  }
0x60: {  	s20 =	simm.s32 $0x80;
	s21 =	simm.s32 $0x400;
	[sflag:s29] =	ssyncset.done $0x0  }
0x61: {  	s22 =	simm.s32 $0x13C00;
	s19 =	rddreg [dreg:$0x14];
	[sflag:s29] =	ssyncadd.s32 $0xFFFFE400  }
0x62: {  	[tilespmem:s22], [sflag:$0x9] =	stream.strided.gather [hbm4b:s19+s20], $0x2800, s21, s20, $0x38;
	[tilespmem:$0x1E800] =	vst v63  }
0x63: {  	_ =	swait.ge [sflag:s29], $0x2800  }
0x64: {  	[sflag:s29] =	ssyncset.done $0x0  }
0x65: {  	[sflag:s29] =	ssyncadd.s32 $0xFFFFD800  }
0x66: {  	v1 =	vld [tilespmem:$0x13C00];
	_ =	sdelay $0x1  }
0x67: {  	v2 =	vld [tilespmem:$0x13C10];
	_ =	sdelay $0x1  }
0x68: {  	v3 =	vld [tilespmem:$0x13C20]  }
0x69: {  	v4 =	vand.u32 $0x3FFF, v1  }
0x6a: {  	v57 =	vld [tilespmem:$0x13C30];
	v1 =	vshrl.u32 v1, $0xE;
	[tilespmem:$0x16400] =	vst v4  }
0x6b: {  	[tilespmem:$0x16600] =	vst v1;
	v1 =	vand.u32 $0x3FFF, v2  }
0x6c: {  	[tilespmem:$0x16410] =	vst v1;
	v1 =	vshrl.u32 v2, $0xE  }
0x6d: {  	[tilespmem:$0x16610] =	vst v1;
	v1 =	vand.u32 $0x3FFF, v3  }
0x6e: {  	[tilespmem:$0x16420] =	vst v1;
	v1 =	vshrl.u32 v3, $0xE  }
0x6f: {  	[tilespmem:$0x16620] =	vst v1;
	v1 =	vand.u32 $0x3FFF, v57  }
0x70: {  	[tilespmem:$0x16430] =	vst v1;
	v1 =	vshrl.u32 v57, $0xE  }
0x71: {  	[tilespmem:$0x16630] =	vst v1  }
0x72: {  	[tilespmem:s28], [sflag:$0x1] =	stream.indirect.gather [hbm4b:s14+s30], $0x80, s31, s30, $0xb8;
	[tilespmem:$0x1E800] =	vst v63  }
0x73: {  	v1 =	vld [tilespmem:$0x13C40];
	_ =	sdelay $0x1  }
0x74: {  	v2 =	vld [tilespmem:$0x13C50];
	_ =	sdelay $0x1  }
0x75: {  	v3 =	vld [tilespmem:$0x13C60]  }
0x76: {  	v58 =	vand.u32 $0x3FFF, v1  }
0x77: {  	v59 =	vld [tilespmem:$0x13C70];
	v1 =	vshrl.u32 v1, $0xE;
	[tilespmem:$0x16480] =	vst v58  }
0x78: {  	[tilespmem:$0x16680] =	vst v1;
	v1 =	vand.u32 $0x3FFF, v2  }
0x79: {  	[tilespmem:$0x16490] =	vst v1;
	v1 =	vshrl.u32 v2, $0xE  }
0x7a: {  	[tilespmem:$0x16690] =	vst v1;
	v1 =	vand.u32 $0x3FFF, v3  }
0x7b: {  	[tilespmem:$0x164A0] =	vst v1;
	v1 =	vshrl.u32 v3, $0xE  }
0x7c: {  	[tilespmem:$0x166A0] =	vst v1;
	v1 =	vand.u32 $0x3FFF, v59  }
0x7d: {  	[tilespmem:$0x164B0] =	vst v1;
	v1 =	vshrl.u32 v59, $0xE  }
0x7e: {  	[tilespmem:$0x166B0] =	vst v1  }
0x7f: {  	[tilespmem:s0], [sflag:$0x2] =	stream.indirect.gather [hbm4b:s14+s30], $0x80, s11, s30, $0xb8;
	[tilespmem:$0x1E800] =	vst v63  }
0x80: {  	v1 =	vld [tilespmem:$0x13C80];
	_ =	sdelay $0x1  }
0x81: {  	v2 =	vld [tilespmem:$0x13C90];
	_ =	sdelay $0x1  }
0x82: {  	v3 =	vld [tilespmem:$0x13CA0]  }
0x83: {  	v60 =	vand.u32 $0x3FFF, v1  }
0x84: {  	v61 =	vld [tilespmem:$0x13CB0];
	v1 =	vshrl.u32 v1, $0xE;
	[tilespmem:$0x16500] =	vst v60  }
0x85: {  	[tilespmem:$0x16700] =	vst v1;
	v1 =	vand.u32 $0x3FFF, v2  }
0x86: {  	[tilespmem:$0x16510] =	vst v1;
	v1 =	vshrl.u32 v2, $0xE  }
0x87: {  	[tilespmem:$0x16710] =	vst v1;
	v1 =	vand.u32 $0x3FFF, v3  }
0x88: {  	[tilespmem:$0x16520] =	vst v1;
	v1 =	vshrl.u32 v3, $0xE  }
0x89: {  	[tilespmem:$0x16720] =	vst v1;
	v1 =	vand.u32 $0x3FFF, v61  }
0x8a: {  	[tilespmem:$0x16530] =	vst v1;
	v1 =	vshrl.u32 v61, $0xE  }
0x8b: {  	[tilespmem:$0x16730] =	vst v1  }
0x8c: {  	[tilespmem:s4], [sflag:$0x3] =	stream.indirect.gather [hbm4b:s14+s30], $0x80, s3, s30, $0xb8;
	[tilespmem:$0x1E800] =	vst v63  }
0x8d: {  	v1 =	vld [tilespmem:$0x13CC0];
	_ =	sdelay $0x1  }
0x8e: {  	v2 =	vld [tilespmem:$0x13CD0];
	_ =	sdelay $0x1  }
0x8f: {  	v3 =	vld [tilespmem:$0x13CE0]  }
0x90: {  	v62 =	vand.u32 $0x3FFF, v1  }
0x91: {  	v63 =	vld [tilespmem:$0x13CF0];
	v1 =	vshrl.u32 v1, $0xE;
	[tilespmem:$0x16580] =	vst v62  }
0x92: {  	[tilespmem:$0x16780] =	vst v1;
	v1 =	vand.u32 $0x3FFF, v2  }
0x93: {  	[tilespmem:$0x16590] =	vst v1;
	v1 =	vshrl.u32 v2, $0xE  }
0x94: {  	[tilespmem:$0x16790] =	vst v1;
	v1 =	vand.u32 $0x3FFF, v3  }
0x95: {  	[tilespmem:$0x165A0] =	vst v1;
	v1 =	vshrl.u32 v3, $0xE  }
0x96: {  	[tilespmem:$0x167A0] =	vst v1;
	v1 =	vand.u32 $0x3FFF, v63  }
0x97: {  	[tilespmem:$0x165B0] =	vst v1;
	v1 =	vshrl.u32 v63, $0xE  }
0x98: {  	[tilespmem:$0x167B0] =	vst v1  }
0x99: {  	[tilespmem:s6], [sflag:$0x4] =	stream.indirect.gather [hbm4b:s14+s30], $0x80, s5, s30, $0xb8;
	[tilespmem:$0x1E800] =	vst v63  }
0x9a: {  	[bflag:$0x0] =	sbarrier.arrive $0xFFFF  }
0x9b: {  	_ =	swait.ge [sflag:s7], $0x2000  }
0x9c: {  	[sflag:s7] =	ssyncset.done $0x0  }
0x9d: {  	[sflag:s7] =	ssyncadd.s32 $0xFFFFE000  }
0x9e: {  	[spmem:s1] =	stream.indirect.scatter.add.f32 [tilespmem:s28], [sflag:$0x5], $0x80, s8, s30, $0xb8;
	[tilespmem:$0x1E800] =	vst v63  }
0x9f: {  	_ =	swait.ge [sflag:s9], $0x2000  }
0xa0: {  	[sflag:s9] =	ssyncset.done $0x0  }
0xa1: {  	[sflag:s9] =	ssyncadd.s32 $0xFFFFE000  }
0xa2: {  	[spmem:s1] =	stream.indirect.scatter.add.f32 [tilespmem:s0], [sflag:$0x6], $0x80, s10, s30, $0xb8;
	[tilespmem:$0x1E800] =	vst v63  }
0xa3: {  	_ =	swait.ge [sflag:s12], $0x2000  }
0xa4: {  	[sflag:s12] =	ssyncset.done $0x0  }
0xa5: {  	[sflag:s12] =	ssyncadd.s32 $0xFFFFE000  }
0xa6: {  	[spmem:s1] =	stream.indirect.scatter.add.f32 [tilespmem:s4], [sflag:$0x7], $0x80, s13, s30, $0xb8;
	[tilespmem:$0x1E800] =	vst v63  }
0xa7: {  	_ =	swait.ge [sflag:s25], $0x2000  }
0xa8: {  	[sflag:s25] =	ssyncset.done $0x0  }
0xa9: {  	[sflag:s25] =	ssyncadd.s32 $0xFFFFE000  }
0xaa: {  	[spmem:s1] =	stream.indirect.scatter.add.f32 [tilespmem:s6], [sflag:$0x8], $0x80, s26, s30, $0xb8;
	[tilespmem:$0x1E800] =	vst v63  }
0xab: {  	_ =	swait.ge [sflag:s15], $0x2000  }
0xac: {  	[sflag:s15] =	ssyncset.done $0x0  }
0xad: {  	s19 =	simm.s32 $0x1F0;
	[sflag:s15] =	ssyncadd.s32 $0xFFFFE000  }
0xae: {  	v1 =	vld [tilespmem:s19+$0x13B10];
	_ =	sdelay $0x4  }
0xaf: {  	v2 =	vand.u32 $0x3FFF, v1  }
0xb0: {  	v1 =	vshrl.u32 v1, $0xE;
	[tilespmem:$0x16400] =	vst v2  }
0xb1: {  	[tilespmem:$0x16600] =	vst v1  }
0xb2: {  	v1 =	vld [tilespmem:s19+$0x13B20];
	_ =	sdelay $0x4  }
0xb3: {  	v2 =	vand.u32 $0x3FFF, v1  }
0xb4: {  	v1 =	vshrl.u32 v1, $0xE;
	[tilespmem:$0x16410] =	vst v2  }
0xb5: {  	[tilespmem:$0x16610] =	vst v1  }
0xb6: {  	v1 =	vld [tilespmem:s19+$0x13B30];
	_ =	sdelay $0x4  }
0xb7: {  	v2 =	vand.u32 $0x3FFF, v1  }
0xb8: {  	v1 =	vshrl.u32 v1, $0xE;
	[tilespmem:$0x16420] =	vst v2  }
0xb9: {  	[tilespmem:$0x16620] =	vst v1  }
0xba: {  	v1 =	vld [tilespmem:s19+$0x13B40];
	_ =	sdelay $0x4  }
0xbb: {  	v2 =	vand.u32 $0x3FFF, v1  }
0xbc: {  	v1 =	vshrl.u32 v1, $0xE;
	[tilespmem:$0x16430] =	vst v2  }
0xbd: {  	[tilespmem:$0x16630] =	vst v1  }
0xbe: {  	[tilespmem:s28], [sflag:$0x1] =	stream.indirect.gather [hbm4b:s14+s30], $0x80, s31, s30, $0xb8;
	[tilespmem:$0x1E800] =	vst v63  }
0xbf: {  	_ =	swait.ge [sflag:s16], $0x2000  }
0xc0: {  	[sflag:s16] =	ssyncset.done $0x0  }
0xc1: {  	[sflag:s16] =	ssyncadd.s32 $0xFFFFE000  }
0xc2: {  	v1 =	vld [tilespmem:s19+$0x13B50];
	_ =	sdelay $0x4  }
0xc3: {  	v2 =	vand.u32 $0x3FFF, v1  }
0xc4: {  	v1 =	vshrl.u32 v1, $0xE;
	[tilespmem:$0x16480] =	vst v2  }
0xc5: {  	[tilespmem:$0x16680] =	vst v1  }
0xc6: {  	v1 =	vld [tilespmem:s19+$0x13B60];
	_ =	sdelay $0x4  }
0xc7: {  	v2 =	vand.u32 $0x3FFF, v1  }
0xc8: {  	v1 =	vshrl.u32 v1, $0xE;
	[tilespmem:$0x16490] =	vst v2  }
0xc9: {  	[tilespmem:$0x16690] =	vst v1  }
0xca: {  	v1 =	vld [tilespmem:s19+$0x13B70];
	_ =	sdelay $0x4  }
0xcb: {  	v2 =	vand.u32 $0x3FFF, v1  }
0xcc: {  	v1 =	vshrl.u32 v1, $0xE;
	[tilespmem:$0x164A0] =	vst v2  }
0xcd: {  	[tilespmem:$0x166A0] =	vst v1  }
0xce: {  	v1 =	vld [tilespmem:s19+$0x13B80];
	_ =	sdelay $0x4  }
0xcf: {  	v2 =	vand.u32 $0x3FFF, v1  }
0xd0: {  	v1 =	vshrl.u32 v1, $0xE;
	[tilespmem:$0x164B0] =	vst v2  }
0xd1: {  	[tilespmem:$0x166B0] =	vst v1  }
0xd2: {  	[tilespmem:s0], [sflag:$0x2] =	stream.indirect.gather [hbm4b:s14+s30], $0x80, s11, s30, $0xb8;
	[tilespmem:$0x1E800] =	vst v63  }
0xd3: {  	_ =	swait.ge [sflag:s17], $0x2000  }
0xd4: {  	[sflag:s17] =	ssyncset.done $0x0  }
0xd5: {  	[sflag:s17] =	ssyncadd.s32 $0xFFFFE000  }
0xd6: {  	v1 =	vld [tilespmem:s19+$0x13B90];
	_ =	sdelay $0x4  }
0xd7: {  	v2 =	vand.u32 $0x3FFF, v1  }
0xd8: {  	v1 =	vshrl.u32 v1, $0xE;
	[tilespmem:$0x16500] =	vst v2  }
0xd9: {  	[tilespmem:$0x16700] =	vst v1  }
0xda: {  	v1 =	vld [tilespmem:s19+$0x13BA0];
	_ =	sdelay $0x4  }
0xdb: {  	v2 =	vand.u32 $0x3FFF, v1  }
0xdc: {  	v1 =	vshrl.u32 v1, $0xE;
	[tilespmem:$0x16510] =	vst v2  }
0xdd: {  	[tilespmem:$0x16710] =	vst v1  }
0xde: {  	v1 =	vld [tilespmem:s19+$0x13BB0];
	_ =	sdelay $0x4  }
0xdf: {  	v2 =	vand.u32 $0x3FFF, v1  }
0xe0: {  	v1 =	vshrl.u32 v1, $0xE;
	[tilespmem:$0x16520] =	vst v2  }
0xe1: {  	[tilespmem:$0x16720] =	vst v1  }
0xe2: {  	v1 =	vld [tilespmem:s19+$0x13BC0];
	_ =	sdelay $0x4  }
0xe3: {  	v2 =	vand.u32 $0x3FFF, v1  }
0xe4: {  	v1 =	vshrl.u32 v1, $0xE;
	[tilespmem:$0x16530] =	vst v2  }
0xe5: {  	[tilespmem:$0x16730] =	vst v1  }
0xe6: {  	[tilespmem:s4], [sflag:$0x3] =	stream.indirect.gather [hbm4b:s14+s30], $0x80, s3, s30, $0xb8;
	[tilespmem:$0x1E800] =	vst v63  }
0xe7: {  	_ =	swait.ge [sflag:s18], $0x2000  }
0xe8: {  	[sflag:s18] =	ssyncset.done $0x0  }
0xe9: {  	[sflag:s18] =	ssyncadd.s32 $0xFFFFE000  }
0xea: {  	v1 =	vld [tilespmem:s19+$0x13BD0];
	_ =	sdelay $0x4  }
0xeb: {  	v2 =	vand.u32 $0x3FFF, v1  }
0xec: {  	v1 =	vshrl.u32 v1, $0xE;
	[tilespmem:$0x16580] =	vst v2  }
0xed: {  	[tilespmem:$0x16780] =	vst v1  }
0xee: {  	v1 =	vld [tilespmem:s19+$0x13BE0];
	_ =	sdelay $0x4  }
0xef: {  	v2 =	vand.u32 $0x3FFF, v1  }
0xf0: {  	v1 =	vshrl.u32 v1, $0xE;
	[tilespmem:$0x16590] =	vst v2  }
0xf1: {  	s20 =	simm.s32 $0xBC0;
	[tilespmem:$0x16790] =	vst v1  }
.LBB2_4:
0xf2: {  	p0 =	sne.s32 s20, $0x9FC0;
	v1 =	vld [tilespmem:s19+$0x13BF0];
	s21 =	smov.u32 s20;
	s20 =	sadd.s32 $0x400, s20  }
0xf3: {  	_ =	sdelay $0x3  }
0xf4: {  	v2 =	vand.u32 $0x3FFF, v1;
	v1 =	vshrl.u32 v1, $0xE  }
0xf5: {  	[tilespmem:$0x165A0] =	vst v2  }
0xf6: {  	[tilespmem:$0x167A0] =	vst v1  }
0xf7: {  	v1 =	vld [tilespmem:s19+$0x13C00];
	_ =	sdelay $0x4  }
0xf8: {  	v2 =	vand.u32 $0x3FFF, v1;
	v1 =	vshrl.u32 v1, $0xE  }
0xf9: {  	[tilespmem:$0x165B0] =	vst v2  }
0xfa: {  	[tilespmem:$0x167B0] =	vst v1  }
0xfb: {  	[tilespmem:s6], [sflag:$0x4] =	stream.indirect.gather [hbm4b:s14+s30], $0x80, s5, s30, $0xb8;
	[tilespmem:$0x1E800] =	vst v63  }
0xfc: {  	_ =	swait.ge [sflag:s7], $0x2000  }
0xfd: {  	[sflag:s7] =	ssyncset.done $0x0  }
0xfe: {  	[sflag:s7] =	ssyncadd.s32 $0xFFFFE000  }
0xff: {  	[spmem:s1] =	stream.indirect.scatter.add.f32 [tilespmem:s28], [sflag:$0x5], $0x80, s8, s30, $0xb8;
	[tilespmem:$0x1E800] =	vst v63  }
0x100: {  	_ =	swait.ge [sflag:s9], $0x2000  }
0x101: {  	[sflag:s9] =	ssyncset.done $0x0  }
0x102: {  	[sflag:s9] =	ssyncadd.s32 $0xFFFFE000  }
0x103: {  	[spmem:s1] =	stream.indirect.scatter.add.f32 [tilespmem:s0], [sflag:$0x6], $0x80, s10, s30, $0xb8;
	[tilespmem:$0x1E800] =	vst v63  }
0x104: {  	_ =	swait.ge [sflag:s12], $0x2000  }
0x105: {  	[sflag:s12] =	ssyncset.done $0x0  }
0x106: {  	[sflag:s12] =	ssyncadd.s32 $0xFFFFE000  }
0x107: {  	[spmem:s1] =	stream.indirect.scatter.add.f32 [tilespmem:s4], [sflag:$0x7], $0x80, s13, s30, $0xb8;
	[tilespmem:$0x1E800] =	vst v63  }
0x108: {  	_ =	swait.ge [sflag:s25], $0x2000  }
0x109: {  	[sflag:s25] =	ssyncset.done $0x0  }
0x10a: {  	[sflag:s25] =	ssyncadd.s32 $0xFFFFE000  }
0x10b: {  	[spmem:s1] =	stream.indirect.scatter.add.f32 [tilespmem:s6], [sflag:$0x8], $0x80, s26, s30, $0xb8;
	[tilespmem:$0x1E800] =	vst v63  }
0x10c: {  	_ =	swait.ge [sflag:s15], $0x2000  }
0x10d: {  	[sflag:s15] =	ssyncset.done $0x0  }
0x10e: {  	s19 =	sshra.s32 s21, $0x2;
	[sflag:s15] =	ssyncadd.s32 $0xFFFFE000  }
0x10f: {  	v1 =	vld [tilespmem:s19+$0x13B10];
	_ =	sdelay $0x4  }
0x110: {  	v2 =	vand.u32 $0x3FFF, v1;
	v1 =	vshrl.u32 v1, $0xE  }
0x111: {  	[tilespmem:$0x16400] =	vst v2  }
0x112: {  	[tilespmem:$0x16600] =	vst v1  }
0x113: {  	v1 =	vld [tilespmem:s19+$0x13B20];
	_ =	sdelay $0x4  }
0x114: {  	v2 =	vand.u32 $0x3FFF, v1;
	v1 =	vshrl.u32 v1, $0xE  }
0x115: {  	[tilespmem:$0x16410] =	vst v2  }
0x116: {  	[tilespmem:$0x16610] =	vst v1  }
0x117: {  	v1 =	vld [tilespmem:s19+$0x13B30];
	_ =	sdelay $0x4  }
0x118: {  	v2 =	vand.u32 $0x3FFF, v1;
	v1 =	vshrl.u32 v1, $0xE  }
0x119: {  	[tilespmem:$0x16420] =	vst v2  }
0x11a: {  	[tilespmem:$0x16620] =	vst v1  }
0x11b: {  	v1 =	vld [tilespmem:s19+$0x13B40];
	_ =	sdelay $0x4  }
0x11c: {  	v2 =	vand.u32 $0x3FFF, v1;
	v1 =	vshrl.u32 v1, $0xE  }
0x11d: {  	[tilespmem:$0x16430] =	vst v2  }
0x11e: {  	[tilespmem:$0x16630] =	vst v1  }
0x11f: {  	[tilespmem:s28], [sflag:$0x1] =	stream.indirect.gather [hbm4b:s14+s30], $0x80, s31, s30, $0xb8;
	[tilespmem:$0x1E800] =	vst v63  }
0x120: {  	_ =	swait.ge [sflag:s16], $0x2000  }
0x121: {  	[sflag:s16] =	ssyncset.done $0x0  }
0x122: {  	[sflag:s16] =	ssyncadd.s32 $0xFFFFE000  }
0x123: {  	v1 =	vld [tilespmem:s19+$0x13B50];
	_ =	sdelay $0x4  }
0x124: {  	v2 =	vand.u32 $0x3FFF, v1;
	v1 =	vshrl.u32 v1, $0xE  }
0x125: {  	[tilespmem:$0x16480] =	vst v2  }
0x126: {  	[tilespmem:$0x16680] =	vst v1  }
0x127: {  	v1 =	vld [tilespmem:s19+$0x13B60];
	_ =	sdelay $0x4  }
0x128: {  	v2 =	vand.u32 $0x3FFF, v1;
	v1 =	vshrl.u32 v1, $0xE  }
0x129: {  	[tilespmem:$0x16490] =	vst v2  }
0x12a: {  	[tilespmem:$0x16690] =	vst v1  }
0x12b: {  	v1 =	vld [tilespmem:s19+$0x13B70];
	_ =	sdelay $0x4  }
0x12c: {  	v2 =	vand.u32 $0x3FFF, v1;
	v1 =	vshrl.u32 v1, $0xE  }
0x12d: {  	[tilespmem:$0x164A0] =	vst v2  }
0x12e: {  	[tilespmem:$0x166A0] =	vst v1  }
0x12f: {  	v1 =	vld [tilespmem:s19+$0x13B80];
	_ =	sdelay $0x4  }
0x130: {  	v2 =	vand.u32 $0x3FFF, v1;
	v1 =	vshrl.u32 v1, $0xE  }
0x131: {  	[tilespmem:$0x164B0] =	vst v2  }
0x132: {  	[tilespmem:$0x166B0] =	vst v1  }
0x133: {  	[tilespmem:s0], [sflag:$0x2] =	stream.indirect.gather [hbm4b:s14+s30], $0x80, s11, s30, $0xb8;
	[tilespmem:$0x1E800] =	vst v63  }
0x134: {  	_ =	swait.ge [sflag:s17], $0x2000  }
0x135: {  	[sflag:s17] =	ssyncset.done $0x0  }
0x136: {  	[sflag:s17] =	ssyncadd.s32 $0xFFFFE000  }
0x137: {  	v1 =	vld [tilespmem:s19+$0x13B90];
	_ =	sdelay $0x4  }
0x138: {  	v2 =	vand.u32 $0x3FFF, v1;
	v1 =	vshrl.u32 v1, $0xE  }
0x139: {  	[tilespmem:$0x16500] =	vst v2  }
0x13a: {  	[tilespmem:$0x16700] =	vst v1  }
0x13b: {  	v1 =	vld [tilespmem:s19+$0x13BA0];
	_ =	sdelay $0x4  }
0x13c: {  	v2 =	vand.u32 $0x3FFF, v1;
	v1 =	vshrl.u32 v1, $0xE  }
0x13d: {  	[tilespmem:$0x16510] =	vst v2  }
0x13e: {  	[tilespmem:$0x16710] =	vst v1  }
0x13f: {  	v1 =	vld [tilespmem:s19+$0x13BB0];
	_ =	sdelay $0x4  }
0x140: {  	v2 =	vand.u32 $0x3FFF, v1;
	v1 =	vshrl.u32 v1, $0xE  }
0x141: {  	[tilespmem:$0x16520] =	vst v2  }
0x142: {  	[tilespmem:$0x16720] =	vst v1  }
0x143: {  	v1 =	vld [tilespmem:s19+$0x13BC0];
	_ =	sdelay $0x4  }
0x144: {  	v2 =	vand.u32 $0x3FFF, v1;
	v1 =	vshrl.u32 v1, $0xE  }
0x145: {  	[tilespmem:$0x16530] =	vst v2  }
0x146: {  	[tilespmem:$0x16730] =	vst v1  }
0x147: {  	[tilespmem:s4], [sflag:$0x3] =	stream.indirect.gather [hbm4b:s14+s30], $0x80, s3, s30, $0xb8;
	[tilespmem:$0x1E800] =	vst v63  }
0x148: {  	_ =	swait.ge [sflag:s18], $0x2000  }
0x149: {  	[sflag:s18] =	ssyncset.done $0x0  }
0x14a: {  	[sflag:s18] =	ssyncadd.s32 $0xFFFFE000  }
0x14b: {  	v1 =	vld [tilespmem:s19+$0x13BD0];
	_ =	sdelay $0x4  }
0x14c: {  	v2 =	vand.u32 $0x3FFF, v1;
	v1 =	vshrl.u32 v1, $0xE  }
0x14d: {  	[tilespmem:$0x16580] =	vst v2  }
0x14e: {  	[tilespmem:$0x16780] =	vst v1  }
0x14f: {  	v1 =	vld [tilespmem:s19+$0x13BE0];
	_ =	sdelay $0x2  }
.Ltmp1:
0x150: {  	(pc) =	sbr.rel @p0 .LBB2_4-.Ltmp1, $4  }
0x151: {  	_ = 	snop  }
0x152: {  	v2 =	vand.u32 $0x3FFF, v1;
	v1 =	vshrl.u32 v1, $0xE  }
0x153: {  	[tilespmem:$0x16590] =	vst v2  }
0x154: {  	[tilespmem:$0x16790] =	vst v1  }
0x155: {  	v1 =	vld [tilespmem:s19+$0x13BF0];
	_ =	sdelay $0x4  }
0x156: {  	v2 =	vand.u32 $0x3FFF, v1  }
0x157: {  	v1 =	vshrl.u32 v1, $0xE;
	[tilespmem:$0x165A0] =	vst v2  }
0x158: {  	[tilespmem:$0x167A0] =	vst v1  }
0x159: {  	v1 =	vld [tilespmem:s19+$0x13C00];
	_ =	sdelay $0x4  }
0x15a: {  	v2 =	vand.u32 $0x3FFF, v1  }
0x15b: {  	v1 =	vshrl.u32 v1, $0xE;
	[tilespmem:$0x165B0] =	vst v2  }
0x15c: {  	[tilespmem:$0x167B0] =	vst v1  }
0x15d: {  	[tilespmem:s6], [sflag:$0x4] =	stream.indirect.gather [hbm4b:s14+s30], $0x80, s5, s30, $0xb8;
	[tilespmem:$0x1E800] =	vst v63  }
0x15e: {  	_ =	swait.ge [sflag:s7], $0x2000  }
0x15f: {  	[sflag:s7] =	ssyncset.done $0x0  }
0x160: {  	[sflag:s7] =	ssyncadd.s32 $0xFFFFE000  }
0x161: {  	[spmem:s1] =	stream.indirect.scatter.add.f32 [tilespmem:s28], [sflag:$0x5], $0x80, s8, s30, $0xb8;
	[tilespmem:$0x1E800] =	vst v63  }
0x162: {  	_ =	swait.ge [sflag:s9], $0x2000  }
0x163: {  	[sflag:s9] =	ssyncset.done $0x0  }
0x164: {  	[sflag:s9] =	ssyncadd.s32 $0xFFFFE000  }
0x165: {  	[spmem:s1] =	stream.indirect.scatter.add.f32 [tilespmem:s0], [sflag:$0x6], $0x80, s10, s30, $0xb8;
	[tilespmem:$0x1E800] =	vst v63  }
0x166: {  	_ =	swait.ge [sflag:s12], $0x2000  }
0x167: {  	[sflag:s12] =	ssyncset.done $0x0  }
0x168: {  	[sflag:s12] =	ssyncadd.s32 $0xFFFFE000  }
0x169: {  	[spmem:s1] =	stream.indirect.scatter.add.f32 [tilespmem:s4], [sflag:$0x7], $0x80, s13, s30, $0xb8;
	[tilespmem:$0x1E800] =	vst v63  }
0x16a: {  	_ =	swait.ge [sflag:s25], $0x2000  }
0x16b: {  	[sflag:s25] =	ssyncset.done $0x0  }
0x16c: {  	[sflag:s25] =	ssyncadd.s32 $0xFFFFE000  }
0x16d: {  	[spmem:s1] =	stream.indirect.scatter.add.f32 [tilespmem:s6], [sflag:$0x8], $0x80, s26, s30, $0xb8;
	[tilespmem:$0x1E800] =	vst v63  }
0x16e: {  	_ =	swait.ge [sflag:s15], $0x2000  }
0x16f: {  	[sflag:s15] =	ssyncset.done $0x0  }
0x170: {  	[sflag:s15] =	ssyncadd.s32 $0xFFFFE000  }
0x171: {  	_ =	swait.ge [sflag:s16], $0x2000  }
0x172: {  	[sflag:s16] =	ssyncset.done $0x0  }
0x173: {  	[sflag:s16] =	ssyncadd.s32 $0xFFFFE000  }
0x174: {  	_ =	swait.ge [sflag:s17], $0x2000  }
0x175: {  	[sflag:s17] =	ssyncset.done $0x0  }
0x176: {  	[sflag:s17] =	ssyncadd.s32 $0xFFFFE000  }
0x177: {  	_ =	swait.ge [sflag:s18], $0x2000  }
0x178: {  	[sflag:s18] =	ssyncset.done $0x0  }
0x179: {  	[sflag:s18] =	ssyncadd.s32 $0xFFFFE000  }
0x17a: {  	s20 =	stileid.u32;
	[bflag:$0x0] =	sbarrier.arrive $0xFFFF  }
0x17b: {  	s19 =	sshll.u32 s20, $0x6;
	s20 =	rddreg [dreg:$0xd]  }
0x17c: {  	s19 =	sor.u32 $0x1C09, s19;
	s21 =	rddreg [dreg:$0x3];
	s20 =	sshrl.u32 s20, $0x3  }
0x17d: {  	[hbm:s21], [sflag:s19] =	dma.local [spmem:s20], $0x400  }
0x17e: {  	_ =	swait.ge [sflag:s29], $0x400  }
0x17f: {  	[sflag:s29] =	ssyncset.done $0x0;
	s21 =	rddreg [dreg:$0xe]  }
0x180: {  	s22 =	rddreg [dreg:$0x4];
	[sflag:s29] =	ssyncadd.s32 $0xFFFFFC00;
	s20 =	sshrl.u32 s21, $0x3  }
0x181: {  	[hbm:s22], [sflag:s19] =	dma.local [spmem:s20], $0x400  }
0x182: {  	_ =	swait.ge [sflag:s29], $0x400  }
0x183: {  	[sflag:s29] =	ssyncset.done $0x0;
	s21 =	rddreg [dreg:$0xf]  }
0x184: {  	s22 =	rddreg [dreg:$0x5];
	[sflag:s29] =	ssyncadd.s32 $0xFFFFFC00;
	s20 =	sshrl.u32 s21, $0x3  }
0x185: {  	[hbm:s22], [sflag:s19] =	dma.local [spmem:s20], $0x400  }
0x186: {  	_ =	swait.ge [sflag:s29], $0x400  }
0x187: {  	[sflag:s29] =	ssyncset.done $0x0;
	s21 =	rddreg [dreg:$0x10]  }
0x188: {  	s22 =	rddreg [dreg:$0x6];
	[sflag:s29] =	ssyncadd.s32 $0xFFFFFC00;
	s20 =	sshrl.u32 s21, $0x3  }
0x189: {  	[hbm:s22], [sflag:s19] =	dma.local [spmem:s20], $0x400  }
0x18a: {  	_ =	swait.ge [sflag:s29], $0x400  }
0x18b: {  	[sflag:s29] =	ssyncset.done $0x0;
	s21 =	rddreg [dreg:$0x11]  }
0x18c: {  	s22 =	rddreg [dreg:$0x7];
	[sflag:s29] =	ssyncadd.s32 $0xFFFFFC00;
	s20 =	sshrl.u32 s21, $0x3  }
0x18d: {  	[hbm:s22], [sflag:s19] =	dma.local [spmem:s20], $0x400  }
0x18e: {  	_ =	swait.ge [sflag:s29], $0x400  }
0x18f: {  	[sflag:s29] =	ssyncset.done $0x0;
	s21 =	rddreg [dreg:$0x12]  }
0x190: {  	s22 =	rddreg [dreg:$0x8];
	[sflag:s29] =	ssyncadd.s32 $0xFFFFFC00;
	s20 =	sshrl.u32 s21, $0x3  }
0x191: {  	[hbm:s22], [sflag:s19] =	dma.local [spmem:s20], $0x400  }
0x192: {  	_ =	swait.ge [sflag:s29], $0x400  }
0x193: {  	[sflag:s29] =	ssyncset.done $0x0;
	s21 =	rddreg [dreg:$0x13]  }
0x194: {  	s22 =	rddreg [dreg:$0x9];
	[sflag:s29] =	ssyncadd.s32 $0xFFFFFC00;
	s20 =	sshrl.u32 s21, $0x3  }
0x195: {  	[hbm:s22], [sflag:s19] =	dma.local [spmem:s20], $0x400  }
0x196: {  	_ =	swait.ge [sflag:s29], $0x400  }
0x197: {  	s21 =	sshrl.u32 s23, $0x3;
	[sflag:s29] =	ssyncset.done $0x0  }
0x198: {  	s22 =	smov.u32 s23;
	s23 =	rddreg [dreg:$0xa];
	[sflag:s29] =	ssyncadd.s32 $0xFFFFFC00  }
0x199: {  	[hbm:s23], [sflag:s19] =	dma.local [spmem:s21], $0x400  }
0x19a: {  	_ =	swait.ge [sflag:s29], $0x400  }
0x19b: {  	[sflag:s29] =	ssyncset.done $0x0;
	s21 =	rddreg [dreg:$0x16]  }
0x19c: {  	s23 =	rddreg [dreg:$0xb];
	[sflag:s29] =	ssyncadd.s32 $0xFFFFFC00;
	s20 =	sshrl.u32 s21, $0x3  }
0x19d: {  	[hbm:s23], [sflag:s19] =	dma.local [spmem:s20], $0x400  }
0x19e: {  	_ =	swait.ge [sflag:s29], $0x400  }
0x19f: {  	[sflag:s29] =	ssyncset.done $0x0  }
0x1a0: {  	s21 =	sshrl.u32 s24, $0x3;
	s23 =	rddreg [dreg:$0xc];
	[sflag:s29] =	ssyncadd.s32 $0xFFFFFC00  }
0x1a1: {  	[hbm:s23], [sflag:s19] =	dma.local [spmem:s21], $0x380  }
0x1a2: {  	_ =	swait.ge [sflag:s29], $0x380  }
0x1a3: {  	s2 =	sadd.s32 $0x1, s2;
	s23 =	rddreg [dreg:$0x15]  }
0x1a4: {  	p0 =	sne.s32 s2, s23  }
.Ltmp2:
0x1a5: {  	_ = 	snop;
	(pc) =	sbr.rel @p0 .LBB2_1-.Ltmp2, $3  }
0x1a6: {  	_ =	sdelay $0x1  }
0x1a7: {  	[sflag:s29] =	ssyncset.done $0x0  }
0x1a8: {  	[sflag:s29] =	ssyncadd.s32 $0xFFFFFC80  }
0x1a9: {  	_ =	sfence.sel $0x180000  }
0x1aa: {  	[bflag:$0x0] =	sbarrier.arrive $0xFFFF  }
0x1ab: {  	_ =	strace $0x9000004A  }
0x1ac: {  	s0 =	stileid.u32;
	[bflag:$0x2] =	sbarrier.arrive $0xFFFF  }
0x1ad: {  	p0 =	sne.s32 s0, $0x0;
	s0 =	rddreg [dreg:$0x2]  }
0x1ae: {  	s0 =	sadd.s32 @!p0 $0x100000, s0  }
0x1af: {  	[sflag:s0] =	ssyncadd.tile.s32 @!p0 $0x1;
	_ =	shalt  }
.Lfunc_end2:
_tile_overlayer_lowered:
.L_overlay_start_2:
0x1b0: {  	(tag) =	ssettag $0x2  }
0x1b1: {  	s0 =	rddreg [dreg:$0x0];
	s2 =	stileid.u32  }
0x1b2: {  	s1 =	rddreg [dreg:$0x1];
	p0 =	sne.s32 s2, $0x0  }
0x1b3: {  	s3 =	rddreg [dreg:$0x2];
	[bflag:$0x3] =	sbarrier.arrive $0xFFFF;
	s2 =	simm.s32 @!p0 $0x1C09  }
0x1b4: {  	[timem:s3], [sflag:s2] =	dma.local @!p0 [hbm:s0], s1  }
0x1b5: {  	s0 =	simm.s32 @!p0 $0x9  }
0x1b6: {  	_ =	swait.ge @!p0 [sflag:s0], s1  }
0x1b7: {  	s1 =	ssub.s32 @!p0 $0x0, s1;
	[sflag:s0] =	ssyncset.done @!p0 $0x0  }
0x1b8: {  	[sflag:s0] =	ssyncadd.s32 @!p0 s1  }
0x1b9: {  	[bflag:$0x3] =	sbarrier.arrive $0xFFFF  }
0x1ba: {  	_ =	shalt  }

// kernel: kernel.14.cloned.1.call-start
scs
__scs_entry_jumppad:
0x0: {  	(pc) =	sbr.rel $0x88, $3  }
0x1: {  	(tag) =	ssettag $0x0;
	lr =	simm.s32 $0x1  }
0x2: {  	[smem:$0x3F9B] =	sst lr;
	_ =	strace $0xD0000000  }
0x3: {  	_ = 	snop  }
0x4: {  	_ = 	snop  }
0x5: {  	_ = 	snop  }
0x6: {  	_ = 	snop  }
0x7: {  	_ = 	snop  }
__scs_overlays_trampoline_lowered:
0x8: {  	[smem:$0x3FAA] =	sst s0  }
0x9: {  	[smem:$0x3FAB] =	sst s1  }
0xa: {  	[smem:$0x3FAC] =	sst s2  }
0xb: {  	[smem:$0x3FAD] =	sst s3  }
0xc: {  	[smem:$0x3FAE] =	sst s4  }
0xd: {  	[smem:$0x3FAF] =	sst s5  }
0xe: {  	[smem:$0x3FB0] =	sst s6  }
0xf: {  	[smem:$0x3FB1] =	sst s7  }
0x10: {  	[smem:$0x3FB2] =	sst s8  }
0x11: {  	[smem:$0x3FB3] =	sst s9;
	s0 =	simm.s32 @!p0 $0x0  }
0x12: {  	s1 =	sld [smem:$0x3F99];
	s0 =	simm.s32 @p0 $0x1  }
0x13: {  	[smem:$0x3FB4] =	sst s0;
	s0 =	simm.s32 @!p1 $0x0  }
0x14: {  	s2 =	sld [smem:$0x3F98];
	s0 =	simm.s32 @p1 $0x1  }
0x15: {  	[smem:$0x3FB5] =	sst s0;
	s0 =	simm.s32 @!p2 $0x0  }
0x16: {  	s3 =	sld [smem:$0x3FDB];
	s0 =	simm.s32 @p2 $0x1  }
0x17: {  	s4 =	simm.s32 $0x1BF5;
	[smem:$0x3FB7] =	sst s0  }
0x18: {  	s0 =	sld [smem:$0x3F9A];
	_ =	swait.ge [sflag:s4], $0x0  }
0x19: {  	s7 =	sld [smem:$0x3F9B]  }
0x1a: {  	s8 =	sadd.s32 $0xFFFFE003, lr  }
0x1b: {  	s9 =	sadd.s32 $0xFFFFFEF7, lr;
	s5 =	simm.s32 $0xFFFFFFFF;
	p2 =	slt.u32 s8, $0xFFFFF086  }
0x1c: {  	p1 =	slt.u32 s9, $0xF7A;
	s5 =	simm.s32 @!p2 $0x0  }
0x1d: {  	s5 =	simm.s32 @p1 $0x1;
	p0 =	seq.s32 s7, s2  }
0x1e: {  	s7 =	smul.u32 @!p0 $0xF7A, s2;
	p2 =	seq.s32 @!p0 s5, $0x0  }
0x1f: {  	s9 =	smul.u32 $0xF7A, s1;
	s8 =	simm.s32 @!p0 $0x1BF5;
	p2 =	por !p2, p0  }
0x20: {  	[sflag:s8] =	ssyncset.s32 @!p0 $0xFFFFF086;
	s6 =	sadd.s32 @!p0 s3, s7;
	s7 =	simm.s32 @!p0 $0x108  }
0x21: {  	s3 =	sadd.s32 s3, s9;
	s6 =	sadd.s32 @!p0 $0x88, s6;
	s7 =	simm.s32 @p2 $0x1082  }
0x22: {  	[simem:s7], [sflag:s8] =	dma.local @!p0 [hbm:s6], $0xF7A  }
0x23: {  	s9 =	sor.u32 $0xD0000000, s2;
	s6 =	simm.s32 $0x108;
	_ =	swait.ge @!p0 [sflag:s8], $0x0  }
0x24: {  	s3 =	sadd.s32 $0x88, s3;
	s6 =	simm.s32 @!p1 $0x1082;
	[sflag:s4] =	ssyncset.s32 $0xFFFFF086  }
0x25: {  	[simem:s6], [sflag:s4] =	dma.local [hbm:s3], $0xF7A  }
0x26: {  	[smem:$0x3F9B] =	sst s1;
	(tag) =	ssettag s2;
	_ =	strace s9  }
0x27: {  	s1 =	sld [smem:$0x3FAB]  }
0x28: {  	s2 =	sld [smem:$0x3FAC]  }
0x29: {  	s4 =	sld [smem:$0x3FAE]  }
0x2a: {  	p0 =	seq.s32 s5, $0x0;
	s5 =	sld [smem:$0x3FAF]  }
0x2b: {  	s6 =	sld [smem:$0x3FB0]  }
0x2c: {  	s7 =	sld [smem:$0x3FB1]  }
0x2d: {  	s3 =	simm.s32 $0x108;
	s8 =	sld [smem:$0x3FB2]  }
0x2e: {  	s3 =	simm.s32 @!p0 $0x1082;
	s9 =	sld [smem:$0x3FB3]  }
0x2f: {  	lr =	sadd.s32 s0, s3;
	s0 =	sld [smem:$0x3FAA]  }
0x30: {  	s3 =	sld [smem:$0x3FAD]  }
0x31: {  	[smem:$0x3FB6] =	sst s10  }
0x32: {  	s10 =	sld [smem:$0x3FB4];
	_ =	sdelay $0x3  }
0x33: {  	p0 =	seq.s32 s10, $0x1;
	s10 =	sld [smem:$0x3FB6];
	_ =	sdelay $0x3  }
0x34: {  	[smem:$0x3FB6] =	sst s10  }
0x35: {  	s10 =	sld [smem:$0x3FB5];
	_ =	sdelay $0x3  }
0x36: {  	p1 =	seq.s32 s10, $0x1;
	s10 =	sld [smem:$0x3FB6];
	_ =	sdelay $0x3  }
0x37: {  	[smem:$0x3FB6] =	sst s10  }
0x38: {  	s10 =	sld [smem:$0x3FB7]  }
0x39: {  	_ = 	snop;
	(pc) =	sbr.ind lr, $3  }
0x3a: {  	_ = 	snop  }
0x3b: {  	_ = 	snop  }
0x3c: {  	p2 =	seq.s32 s10, $0x1;
	s10 =	sld [smem:$0x3FB6]  }
0x3d: {  	_ =	shalt  }
0x3e: {  	_ =	shalt  }
0x3f: {  	_ =	shalt  }
0x40: {  	_ =	shalt  }
0x41: {  	_ =	shalt  }
0x42: {  	_ =	shalt  }
0x43: {  	_ =	shalt  }
0x44: {  	_ =	shalt  }
0x45: {  	_ =	shalt  }
0x46: {  	_ =	shalt  }
0x47: {  	_ =	shalt  }
0x48: {  	_ =	shalt  }
0x49: {  	_ =	shalt  }
0x4a: {  	_ =	shalt  }
0x4b: {  	_ =	shalt  }
0x4c: {  	_ =	shalt  }
0x4d: {  	_ =	shalt  }
0x4e: {  	_ =	shalt  }
0x4f: {  	_ =	shalt  }
0x50: {  	_ =	shalt  }
0x51: {  	_ =	shalt  }
0x52: {  	_ =	shalt  }
0x53: {  	_ =	shalt  }
0x54: {  	_ =	shalt  }
0x55: {  	_ =	shalt  }
0x56: {  	_ =	shalt  }
0x57: {  	_ =	shalt  }
0x58: {  	_ =	shalt  }
0x59: {  	_ =	shalt  }
0x5a: {  	_ =	shalt  }
0x5b: {  	_ =	shalt  }
0x5c: {  	_ =	shalt  }
0x5d: {  	_ =	shalt  }
0x5e: {  	_ =	shalt  }
0x5f: {  	_ =	shalt  }
0x60: {  	_ =	shalt  }
0x61: {  	_ =	shalt  }
0x62: {  	_ =	shalt  }
0x63: {  	_ =	shalt  }
0x64: {  	_ =	shalt  }
0x65: {  	_ =	shalt  }
0x66: {  	_ =	shalt  }
0x67: {  	_ =	shalt  }
0x68: {  	_ =	shalt  }
0x69: {  	_ =	shalt  }
0x6a: {  	_ =	shalt  }
0x6b: {  	_ =	shalt  }
0x6c: {  	_ =	shalt  }
0x6d: {  	_ =	shalt  }
0x6e: {  	_ =	shalt  }
0x6f: {  	_ =	shalt  }
0x70: {  	_ =	shalt  }
0x71: {  	_ =	shalt  }
0x72: {  	_ =	shalt  }
0x73: {  	_ =	shalt  }
0x74: {  	_ =	shalt  }
0x75: {  	_ =	shalt  }
0x76: {  	_ =	shalt  }
0x77: {  	_ =	shalt  }
0x78: {  	_ =	shalt  }
0x79: {  	_ =	shalt  }
0x7a: {  	_ =	shalt  }
0x7b: {  	_ =	shalt  }
0x7c: {  	_ =	shalt  }
0x7d: {  	_ =	shalt  }
0x7e: {  	_ =	shalt  }
0x7f: {  	_ =	shalt  }
0x80: {  	_ =	shalt  }
0x81: {  	_ =	shalt  }
0x82: {  	_ =	shalt  }
0x83: {  	_ =	shalt  }
0x84: {  	_ =	shalt  }
0x85: {  	_ =	shalt  }
0x86: {  	_ =	shalt  }
0x87: {  	_ =	shalt  }
.Lfunc_end0:
.L_simem_size_0:
called_computation.2_lowered:
.L_overlay_start_0:
0x88: {  	s2 =	sld [smem:$0x3FD9]  }
0x89: {  	s3 =	sld [smem:$0x3FFE];
	_ =	sdelay $0x1  }
0x8a: {  	s1 =	srdreg.scid  }
0x8b: {  	s0 =	sand.u32 $0x1, s1  }
0x8c: {  	s16 =	sshll.u32 s0, $0xA;
	s2 =	sadd.s32 s3, s2  }
0x8d: {  	s2 =	sadd.s32 s2, s16  }
0x8e: {  	[smem:$0x3FC2] =	sst s2  }
0x8f: {  	_ = 	snop  }
0x90: {  	(tm) =	ssettm $0x1  }
0x91: {  	s17 =	sld [smem:$0x3FFB];
	_ =	sdelay $0x3  }
0x92: {  	_ =	strace s17  }
0x93: {  	s2 =	sld [smem:$0x3FFC];
	_ =	sdelay $0x3  }
0x94: {  	_ =	strace s2  }
0x95: {  	s2 =	sld [smem:$0x3FFD];
	_ =	sdelay $0x3  }
0x96: {  	_ =	strace s2  }
0x97: {  	_ =	strace $0x8FFFFFFF  }
0x98: {  	s18 =	sld [smem:$0x3FDB];
	_ =	sdelay $0x1  }
0x99: {  	s19 =	simm.s32 $_scs_section_size  }
0x9a: {  	s4 =	simm.s32 $_size__tile_overlayer_lowered;
	s5 =	simm.s32 $_tile_overlayer_lowered  }
0x9b: {  	s22 =	simm.s32 $0x1BFF;
	s21 =	sshll.u32 s5, $0x1;
	s2 =	sadd.s32 s19, s18  }
0x9c: {  	s6 =	simm.s32 $0x0;
	s20 =	sshll.u32 s4, $0x1;
	s4 =	sadd.s32 s21, s2  }
0x9d: {  	[timem:s6], [sflag:s22] =	dma.local [hbm:s4], s20  }
0x9e: {  	_ =	swait.ge [sflag:s22], s20  }
0x9f: {  	s3 =	ssub.s32 $0x0, s20;
	[sflag:s22] =	ssyncset.done $0x0  }
0xa0: {  	[sflag:s22] =	ssyncadd.s32 s3;
	_ =	sdelay $0x1  }
0xa1: {  	s23 =	simm.s32 $0x1B8B  }
0xa2: {  	_ =	swait.ge [sflag:s23], $0x1  }
0xa3: {  	[sflag:s23] =	ssyncset.done $0x0  }
0xa4: {  	s25 =	simm.s32 $0x1B8E;
	s24 =	sld [smem:$0x3FFE];
	[sflag:s23] =	ssyncadd.s32 $0xFFFFFFFF  }
0xa5: {  	s26 =	simm.s32 $execute0_lowered;
	[smem:$0x3FD2] =	sst s25  }
0xa6: {  	s4 =	sshll.u32 s26, $0x1;
	_ =	strace $0x8000004C;
	[dreg:$0x1] =	wrdreg $0xFFFFFFFF  }
0xa7: {  	s28 =	simm.s32 $_size_execute0_lowered;
	s2 =	sadd.s32 s2, s4;
	[dreg:$0x0] =	wrdreg $0x0  }
0xa8: {  	s4 =	sshll.u32 s28, $0x1;
	[dreg:$0x2] =	wrdreg s2  }
0xa9: {  	[dreg:$0x3] =	wrdreg s4  }
0xaa: {  	[dreg:$0x4] =	wrdreg $0xC0  }
0xab: {  	_ =	task [dreg:s6], $0x5FFFF  }
0xac: {  	[dreg:$0x1] =	wrdreg $0xFFFFFFFF  }
0xad: {  	[dreg:$0x0] =	wrdreg $0x60  }
0xae: {  	[dreg:$0x2] =	wrdreg s24  }
0xaf: {  	[dreg:$0x3] =	wrdreg $0x0  }
0xb0: {  	[dreg:$0x4] =	wrdreg $0x9  }
0xb1: {  	_ =	task.clear_ibuf [dreg:s6], $0x5FFFF;
	_ =	strace $0x9000004C  }
0xb2: {  	s29 =	simm.s32 $0x9;
	_ =	strace $0x8000004E  }
0xb3: {  	_ =	swait.ge [sflag:s29], $0x1  }
0xb4: {  	[sflag:s29] =	ssyncadd.s32 $0xFFFFFFFF  }
0xb5: {  	_ =	strace $0x9000004E  }
0xb6: {  	_ =	sfence  }
0xb7: {  	s30 =	sld [smem:$0x0];
	_ =	sdelay $0x2  }
0xb8: {  	s31 =	sshll.u32 s1, $0xD;
	s1 =	sshrl.u32 s1, $0x2  }
0xb9: {  	s3 =	sand.u32 $0x4000, s31;
	s1 =	sadd.s32 s1, s30  }
0xba: {  	s0 =	sor.u32 s3, s0;
	s1 =	sshll.u32 s1, $0x11  }
0xbb: {  	s0 =	sor.u32 s1, s0  }
0xbc: {  	s0 =	sadd.s32 $0x8F2B, s0  }
0xbd: {  	[sflag:s0] =	ssyncadd.remote.s32 $0x1  }
0xbe: {  	_ =	sfence.sel $0xFFFF  }
0xbf: {  	[dreg:$0x0] =	wrdreg $0xFFFFFFFF;
	(pc) =	sbr.abs _section_cstart, $3  }
0xc0: {  	[dreg:$0x1] =	wrdreg $0xFFFFFFFF  }
0xc1: {  	_ =	task.clear_ibuf [dreg:s6], $0x2FFFF;
	_ =	strace $0x9FFFFFFF  }
0xc2: {  	(tm) =	ssettm $0x7FFFFFFF  }
0xc3: {  	_ =	shalt  }
tec
execute0_lowered:
.L_overlay_start_1:
0x0: {  	(tag) =	ssettag $0x1  }
0x1: {  	s0 =	srdreg.scid;
	s3 =	rddreg [dreg:$0x0]  }
0x2: {  	s19 =	stileid.u32;
	s1 =	rddreg [dreg:$0x1];
	s2 =	simm.s32 $0x0  }
0x3: {  	s28 =	simm.s32 $0x16800;
	s29 =	simm.s32 $0x9;
	s30 =	simm.s32 $0x40  }
0x4: {  	s31 =	simm.s32 $0x16400;
	s0 =	sand.u32 $0x1, s0;
	s8 =	smul.u32 $0x13C00, s19  }
0x5: {  	s5 =	sshrl.u32 s19, $0x3;
	[smem:$0x7FF] =	sst s2;
	s4 =	smul.u32 $0x28000, s0  }
0x6: {  	s23 =	sshll.u32 s19, $0x7;
	s5 =	smul.u32 $0x14000, s5;
	s6 =	ssub.s32 $0x2, s0  }
0x7: {  	s0 =	smul.u32 $0x13C000, s0;
	s7 =	sshrl.u32 s6, $0x1;
	s9 =	sadd.s32 $0x4000, s8  }
0x8: {  	s10 =	sadd.s32 $0x6000, s8;
	s11 =	sadd.s32 $0x8000, s8;
	s12 =	sadd.s32 $0xA000, s8  }
0x9: {  	s13 =	sadd.s32 $0xC000, s8;
	s15 =	sadd.s32 $0xE000, s8;
	s16 =	sadd.s32 $0x10000, s8  }
0xa: {  	s4 =	sadd.s32 s4, s5;
	s5 =	sand.u32 $0x380, s23;
	s6 =	ssub.s32 s6, s7  }
0xb: {  	s7 =	sadd.s32 $0x2000, s8;
	s14 =	sadd.s32 s8, s0;
	s8 =	sadd.s32 $0x12000, s8  }
0xc: {  	s25 =	sadd.s32 s0, s9;
	s26 =	sadd.s32 s0, s10;
	s18 =	sadd.s32 s0, s11  }
0xd: {  	s20 =	sadd.s32 s0, s12;
	s21 =	sadd.s32 s0, s13;
	s22 =	sadd.s32 s0, s15  }
0xe: {  	s4 =	sor.u32 s5, s4;
	s5 =	sadd.s32 $0x5C600, s3;
	s14 =	sshrl.u32 s14, $0x3  }
0xf: {  	s17 =	sadd.s32 s0, s7;
	s18 =	sshrl.u32 s18, $0x3;
	s14 =	sadd.s32 s5, s14  }
0x10: {  	s24 =	sshrl.u32 s17, $0x3;
	s17 =	sshrl.u32 s26, $0x3;
	s26 =	smul.u32 $0x4F000, s19  }
0x11: {  	s19 =	sadd.s32 s7, s1;
	s7 =	simm.s32 $0x1;
	[dreg:$0x3] =	wrdreg s14  }
0x12: {  	s14 =	sadd.s32 s5, s24;
	s17 =	sadd.s32 s5, s17;
	s24 =	sshrl.u32 s22, $0x3  }
0x13: {  	s22 =	sadd.s32 s11, s1;
	s11 =	simm.s32 $0x16480;
	[dreg:$0x4] =	wrdreg s14  }
0x14: {  	s14 =	sshrl.u32 s25, $0x3;
	[dreg:$0x6] =	wrdreg s17;
	s17 =	sshrl.u32 s21, $0x3  }
0x15: {  	s25 =	sadd.s32 s0, s16;
	s0 =	sadd.s32 s0, s8;
	s14 =	sadd.s32 s5, s14  }
0x16: {  	s21 =	sadd.s32 s10, s1;
	[dreg:$0x5] =	wrdreg s14;
	s14 =	sadd.s32 s5, s18  }
0x17: {  	s23 =	sadd.s32 s5, s17;
	[dreg:$0x7] =	wrdreg s14;
	s14 =	sshrl.u32 s20, $0x3  }
0x18: {  	s10 =	simm.s32 $0x16680;
	[dreg:$0x9] =	wrdreg s23;
	s14 =	sadd.s32 s5, s14  }
0x19: {  	s0 =	sshrl.u32 s0, $0x3;
	[dreg:$0x8] =	wrdreg s14;
	s14 =	sadd.s32 s5, s24  }
0x1a: {  	s0 =	sadd.s32 s5, s0;
	[dreg:$0xa] =	wrdreg s14;
	s14 =	sshrl.u32 s25, $0x3  }
0x1b: {  	s17 =	sshrl.u32 s26, $0x2;
	[dreg:$0xc] =	wrdreg s0;
	s14 =	sadd.s32 s5, s14  }
0x1c: {  	s26 =	smax.u32 s6, $0x1;
	s18 =	sadd.s32 s17, s1;
	[dreg:$0xb] =	wrdreg s14  }
0x1d: {  	s6 =	simm.s32 $0x1C800;
	_ =	strace $0x8000004D;
	[dreg:$0xd] =	wrdreg s18  }
0x1e: {  	s23 =	sadd.s32 s12, s1;
	s20 =	sadd.s32 s9, s1;
	[dreg:$0xe] =	wrdreg s19  }
0x1f: {  	s12 =	simm.s32 $0x3;
	s17 =	simm.s32 $0x7;
	[dreg:$0xf] =	wrdreg s20  }
0x20: {  	s9 =	simm.s32 $0x2;
	s24 =	sadd.s32 s13, s1;
	[dreg:$0x10] =	wrdreg s21  }
0x21: {  	s13 =	simm.s32 $0x16700;
	s25 =	sadd.s32 s16, s1;
	[dreg:$0x11] =	wrdreg s22  }
0x22: {  	s16 =	simm.s32 $0x6;
	s5 =	simm.s32 $0x16580;
	[dreg:$0x12] =	wrdreg s23  }
0x23: {  	s14 =	sshrl.u32 s4, $0x3;
	s4 =	simm.s32 $0x1A800;
	[dreg:$0x13] =	wrdreg s24  }
0x24: {  	s0 =	sadd.s32 s14, s3;
	s14 =	sadd.s32 $0xD600, s3;
	[dreg:$0x16] =	wrdreg s25  }
0x25: {  	s22 =	sadd.s32 s15, s1;
	s24 =	sadd.s32 s8, s1;
	[dreg:$0x15] =	wrdreg s26  }
0x26: {  	s3 =	simm.s32 $0x16500;
	s8 =	simm.s32 $0x16600;
	s25 =	simm.s32 $0x4  }
0x27: {  	s26 =	simm.s32 $0x16780;
	s15 =	simm.s32 $0x5;
	s0 =	sadd.s32 $0x3600, s0  }
0x28: {  	v0 =	vimm.f32 $0.0e+00;
	s18 =	simm.s32 $0x8;
	[dreg:$0x14] =	wrdreg s0;
	s0 =	simm.s32 $0x18800  }
.LBB2_1:
0x29: {  	s19 =	simm.s32 $0x0;
	s20 =	simm.s32 $0x200  }
.LBB2_2:
0x2a: {  	p0 =	sne.s32 s20, $0x7E00;
	[tilespmem:s19+$0x16870] =	vst v0  }
0x2b: {  	[tilespmem:s19+$0x16800] =	vst v0  }
0x2c: {  	[tilespmem:s19+$0x16810] =	vst v0  }
.Ltmp0:
0x2d: {  	[tilespmem:s19+$0x16820] =	vst v0;
	(pc) =	sbr.rel @p0 .LBB2_2-.Ltmp0, $4  }
0x2e: {  	[tilespmem:s19+$0x16830] =	vst v0  }
0x2f: {  	[tilespmem:s19+$0x16840] =	vst v0  }
0x30: {  	[tilespmem:s19+$0x16850] =	vst v0  }
0x31: {  	[tilespmem:s19+$0x16860] =	vst v0;
	s19 =	sshra.s32 s20, $0x2;
	s20 =	sadd.s32 $0x200, s20  }
0x32: {  	[tilespmem:s19+$0x16870] =	vst v0  }
0x33: {  	[tilespmem:s19+$0x16800] =	vst v0  }
0x34: {  	[tilespmem:s19+$0x16810] =	vst v0  }
0x35: {  	[tilespmem:s19+$0x16820] =	vst v0  }
0x36: {  	[tilespmem:s19+$0x16830] =	vst v0  }
0x37: {  	[tilespmem:s19+$0x16840] =	vst v0  }
0x38: {  	[tilespmem:s19+$0x16850] =	vst v0  }
0x39: {  	[tilespmem:s19+$0x16860] =	vst v0;
	s21 =	rddreg [dreg:$0xd]  }
0x3a: {  	[spmem:s21] =	stream.linear.scatter [tilespmem:s28], [sflag:$0x9], $0x2000, $0x38;
	[tilespmem:$0x1E800] =	vst v63  }
0x3b: {  	_ =	swait.ge [sflag:s29], $0x2000  }
0x3c: {  	[sflag:s29] =	ssyncset.done $0x0  }
0x3d: {  	s23 =	rddreg [dreg:$0xe];
	[sflag:s29] =	ssyncadd.s32 $0xFFFFE000  }
0x3e: {  	[spmem:s23] =	stream.linear.scatter [tilespmem:s28], [sflag:$0x9], $0x2000, $0x38;
	[tilespmem:$0x1E800] =	vst v63  }
0x3f: {  	_ =	swait.ge [sflag:s29], $0x2000  }
0x40: {  	[sflag:s29] =	ssyncset.done $0x0  }
0x41: {  	s20 =	rddreg [dreg:$0xf];
	[sflag:s29] =	ssyncadd.s32 $0xFFFFE000  }
0x42: {  	[spmem:s20] =	stream.linear.scatter [tilespmem:s28], [sflag:$0x9], $0x2000, $0x38;
	[tilespmem:$0x1E800] =	vst v63  }
0x43: {  	_ =	swait.ge [sflag:s29], $0x2000  }
0x44: {  	[sflag:s29] =	ssyncset.done $0x0  }
0x45: {  	s21 =	rddreg [dreg:$0x10];
	[sflag:s29] =	ssyncadd.s32 $0xFFFFE000  }
0x46: {  	[spmem:s21] =	stream.linear.scatter [tilespmem:s28], [sflag:$0x9], $0x2000, $0x38;
	[tilespmem:$0x1E800] =	vst v63  }
0x47: {  	_ =	swait.ge [sflag:s29], $0x2000  }
0x48: {  	[sflag:s29] =	ssyncset.done $0x0  }
0x49: {  	s23 =	rddreg [dreg:$0x11];
	[sflag:s29] =	ssyncadd.s32 $0xFFFFE000  }
0x4a: {  	[spmem:s23] =	stream.linear.scatter [tilespmem:s28], [sflag:$0x9], $0x2000, $0x38;
	[tilespmem:$0x1E800] =	vst v63  }
0x4b: {  	_ =	swait.ge [sflag:s29], $0x2000  }
0x4c: {  	[sflag:s29] =	ssyncset.done $0x0  }
0x4d: {  	s20 =	rddreg [dreg:$0x12];
	[sflag:s29] =	ssyncadd.s32 $0xFFFFE000  }
0x4e: {  	[spmem:s20] =	stream.linear.scatter [tilespmem:s28], [sflag:$0x9], $0x2000, $0x38;
	[tilespmem:$0x1E800] =	vst v63  }
0x4f: {  	_ =	swait.ge [sflag:s29], $0x2000  }
0x50: {  	[sflag:s29] =	ssyncset.done $0x0  }
0x51: {  	s21 =	rddreg [dreg:$0x13];
	[sflag:s29] =	ssyncadd.s32 $0xFFFFE000  }
0x52: {  	[spmem:s21] =	stream.linear.scatter [tilespmem:s28], [sflag:$0x9], $0x2000, $0x38;
	[tilespmem:$0x1E800] =	vst v63  }
0x53: {  	_ =	swait.ge [sflag:s29], $0x2000  }
0x54: {  	[sflag:s29] =	ssyncset.done $0x0  }
0x55: {  	[sflag:s29] =	ssyncadd.s32 $0xFFFFE000  }
0x56: {  	[spmem:s22] =	stream.linear.scatter [tilespmem:s28], [sflag:$0x9], $0x2000, $0x38;
	[tilespmem:$0x1E800] =	vst v63  }
0x57: {  	_ =	swait.ge [sflag:s29], $0x2000  }
0x58: {  	[sflag:s29] =	ssyncset.done $0x0  }
0x59: {  	s23 =	smov.u32 s22;
	s22 =	rddreg [dreg:$0x16];
	[sflag:s29] =	ssyncadd.s32 $0xFFFFE000  }
0x5a: {  	[spmem:s22] =	stream.linear.scatter [tilespmem:s28], [sflag:$0x9], $0x2000, $0x38;
	[tilespmem:$0x1E800] =	vst v63  }
0x5b: {  	_ =	swait.ge [sflag:s29], $0x2000  }
0x5c: {  	[sflag:s29] =	ssyncset.done $0x0  }
0x5d: {  	[sflag:s29] =	ssyncadd.s32 $0xFFFFE000  }
0x5e: {  	[spmem:s24] =	stream.linear.scatter [tilespmem:s28], [sflag:$0x9], $0x1C00, $0x38;
	[tilespmem:$0x1E800] =	vst v63  }
0x5f: {  	_ =	swait.ge [sflag:s29], $0x1C00  }
0x60: {  	s20 =	simm.s32 $0x80;
	s21 =	simm.s32 $0x400;
	[sflag:s29] =	ssyncset.done $0x0  }
0x61: {  	s22 =	simm.s32 $0x13C00;
	s19 =	rddreg [dreg:$0x14];
	[sflag:s29] =	ssyncadd.s32 $0xFFFFE400  }
0x62: {  	[tilespmem:s22], [sflag:$0x9] =	stream.strided.gather [hbm4b:s19+s20], $0x2800, s21, s20, $0x38;
	[tilespmem:$0x1E800] =	vst v63  }
0x63: {  	_ =	swait.ge [sflag:s29], $0x2800  }
0x64: {  	[sflag:s29] =	ssyncset.done $0x0  }
0x65: {  	[sflag:s29] =	ssyncadd.s32 $0xFFFFD800  }
0x66: {  	v1 =	vld [tilespmem:$0x13C00];
	_ =	sdelay $0x1  }
0x67: {  	v2 =	vld [tilespmem:$0x13C10];
	_ =	sdelay $0x1  }
0x68: {  	v3 =	vld [tilespmem:$0x13C20]  }
0x69: {  	v4 =	vand.u32 $0x3FFF, v1  }
0x6a: {  	v57 =	vld [tilespmem:$0x13C30];
	v1 =	vshrl.u32 v1, $0xE;
	[tilespmem:$0x16400] =	vst v4  }
0x6b: {  	[tilespmem:$0x16600] =	vst v1;
	v1 =	vand.u32 $0x3FFF, v2  }
0x6c: {  	[tilespmem:$0x16410] =	vst v1;
	v1 =	vshrl.u32 v2, $0xE  }
0x6d: {  	[tilespmem:$0x16610] =	vst v1;
	v1 =	vand.u32 $0x3FFF, v3  }
0x6e: {  	[tilespmem:$0x16420] =	vst v1;
	v1 =	vshrl.u32 v3, $0xE  }
0x6f: {  	[tilespmem:$0x16620] =	vst v1;
	v1 =	vand.u32 $0x3FFF, v57  }
0x70: {  	[tilespmem:$0x16430] =	vst v1;
	v1 =	vshrl.u32 v57, $0xE  }
0x71: {  	[tilespmem:$0x16630] =	vst v1  }
0x72: {  	[tilespmem:s28], [sflag:$0x1] =	stream.indirect.gather [hbm4b:s14+s30], $0x80, s31, s30, $0xb8;
	[tilespmem:$0x1E800] =	vst v63  }
0x73: {  	v1 =	vld [tilespmem:$0x13C40];
	_ =	sdelay $0x1  }
0x74: {  	v2 =	vld [tilespmem:$0x13C50];
	_ =	sdelay $0x1  }
0x75: {  	v3 =	vld [tilespmem:$0x13C60]  }
0x76: {  	v58 =	vand.u32 $0x3FFF, v1  }
0x77: {  	v59 =	vld [tilespmem:$0x13C70];
	v1 =	vshrl.u32 v1, $0xE;
	[tilespmem:$0x16480] =	vst v58  }
0x78: {  	[tilespmem:$0x16680] =	vst v1;
	v1 =	vand.u32 $0x3FFF, v2  }
0x79: {  	[tilespmem:$0x16490] =	vst v1;
	v1 =	vshrl.u32 v2, $0xE  }
0x7a: {  	[tilespmem:$0x16690] =	vst v1;
	v1 =	vand.u32 $0x3FFF, v3  }
0x7b: {  	[tilespmem:$0x164A0] =	vst v1;
	v1 =	vshrl.u32 v3, $0xE  }
0x7c: {  	[tilespmem:$0x166A0] =	vst v1;
	v1 =	vand.u32 $0x3FFF, v59  }
0x7d: {  	[tilespmem:$0x164B0] =	vst v1;
	v1 =	vshrl.u32 v59, $0xE  }
0x7e: {  	[tilespmem:$0x166B0] =	vst v1  }
0x7f: {  	[tilespmem:s0], [sflag:$0x2] =	stream.indirect.gather [hbm4b:s14+s30], $0x80, s11, s30, $0xb8;
	[tilespmem:$0x1E800] =	vst v63  }
0x80: {  	v1 =	vld [tilespmem:$0x13C80];
	_ =	sdelay $0x1  }
0x81: {  	v2 =	vld [tilespmem:$0x13C90];
	_ =	sdelay $0x1  }
0x82: {  	v3 =	vld [tilespmem:$0x13CA0]  }
0x83: {  	v60 =	vand.u32 $0x3FFF, v1  }
0x84: {  	v61 =	vld [tilespmem:$0x13CB0];
	v1 =	vshrl.u32 v1, $0xE;
	[tilespmem:$0x16500] =	vst v60  }
0x85: {  	[tilespmem:$0x16700] =	vst v1;
	v1 =	vand.u32 $0x3FFF, v2  }
0x86: {  	[tilespmem:$0x16510] =	vst v1;
	v1 =	vshrl.u32 v2, $0xE  }
0x87: {  	[tilespmem:$0x16710] =	vst v1;
	v1 =	vand.u32 $0x3FFF, v3  }
0x88: {  	[tilespmem:$0x16520] =	vst v1;
	v1 =	vshrl.u32 v3, $0xE  }
0x89: {  	[tilespmem:$0x16720] =	vst v1;
	v1 =	vand.u32 $0x3FFF, v61  }
0x8a: {  	[tilespmem:$0x16530] =	vst v1;
	v1 =	vshrl.u32 v61, $0xE  }
0x8b: {  	[tilespmem:$0x16730] =	vst v1  }
0x8c: {  	[tilespmem:s4], [sflag:$0x3] =	stream.indirect.gather [hbm4b:s14+s30], $0x80, s3, s30, $0xb8;
	[tilespmem:$0x1E800] =	vst v63  }
0x8d: {  	v1 =	vld [tilespmem:$0x13CC0];
	_ =	sdelay $0x1  }
0x8e: {  	v2 =	vld [tilespmem:$0x13CD0];
	_ =	sdelay $0x1  }
0x8f: {  	v3 =	vld [tilespmem:$0x13CE0]  }
0x90: {  	v62 =	vand.u32 $0x3FFF, v1  }
0x91: {  	v63 =	vld [tilespmem:$0x13CF0];
	v1 =	vshrl.u32 v1, $0xE;
	[tilespmem:$0x16580] =	vst v62  }
0x92: {  	[tilespmem:$0x16780] =	vst v1;
	v1 =	vand.u32 $0x3FFF, v2  }
0x93: {  	[tilespmem:$0x16590] =	vst v1;
	v1 =	vshrl.u32 v2, $0xE  }
0x94: {  	[tilespmem:$0x16790] =	vst v1;
	v1 =	vand.u32 $0x3FFF, v3  }
0x95: {  	[tilespmem:$0x165A0] =	vst v1;
	v1 =	vshrl.u32 v3, $0xE  }
0x96: {  	[tilespmem:$0x167A0] =	vst v1;
	v1 =	vand.u32 $0x3FFF, v63  }
0x97: {  	[tilespmem:$0x165B0] =	vst v1;
	v1 =	vshrl.u32 v63, $0xE  }
0x98: {  	[tilespmem:$0x167B0] =	vst v1  }
0x99: {  	[tilespmem:s6], [sflag:$0x4] =	stream.indirect.gather [hbm4b:s14+s30], $0x80, s5, s30, $0xb8;
	[tilespmem:$0x1E800] =	vst v63  }
0x9a: {  	[bflag:$0x0] =	sbarrier.arrive $0xFFFF  }
0x9b: {  	_ =	swait.ge [sflag:s7], $0x2000  }
0x9c: {  	[sflag:s7] =	ssyncset.done $0x0  }
0x9d: {  	[sflag:s7] =	ssyncadd.s32 $0xFFFFE000  }
0x9e: {  	[spmem:s1] =	stream.indirect.scatter.add.f32 [tilespmem:s28], [sflag:$0x5], $0x80, s8, s30, $0xb8;
	[tilespmem:$0x1E800] =	vst v63  }
0x9f: {  	_ =	swait.ge [sflag:s9], $0x2000  }
0xa0: {  	[sflag:s9] =	ssyncset.done $0x0  }
0xa1: {  	[sflag:s9] =	ssyncadd.s32 $0xFFFFE000  }
0xa2: {  	[spmem:s1] =	stream.indirect.scatter.add.f32 [tilespmem:s0], [sflag:$0x6], $0x80, s10, s30, $0xb8;
	[tilespmem:$0x1E800] =	vst v63  }
0xa3: {  	_ =	swait.ge [sflag:s12], $0x2000  }
0xa4: {  	[sflag:s12] =	ssyncset.done $0x0  }
0xa5: {  	[sflag:s12] =	ssyncadd.s32 $0xFFFFE000  }
0xa6: {  	[spmem:s1] =	stream.indirect.scatter.add.f32 [tilespmem:s4], [sflag:$0x7], $0x80, s13, s30, $0xb8;
	[tilespmem:$0x1E800] =	vst v63  }
0xa7: {  	_ =	swait.ge [sflag:s25], $0x2000  }
0xa8: {  	[sflag:s25] =	ssyncset.done $0x0  }
0xa9: {  	[sflag:s25] =	ssyncadd.s32 $0xFFFFE000  }
0xaa: {  	[spmem:s1] =	stream.indirect.scatter.add.f32 [tilespmem:s6], [sflag:$0x8], $0x80, s26, s30, $0xb8;
	[tilespmem:$0x1E800] =	vst v63  }
0xab: {  	_ =	swait.ge [sflag:s15], $0x2000  }
0xac: {  	[sflag:s15] =	ssyncset.done $0x0  }
0xad: {  	s19 =	simm.s32 $0x1F0;
	[sflag:s15] =	ssyncadd.s32 $0xFFFFE000  }
0xae: {  	v1 =	vld [tilespmem:s19+$0x13B10];
	_ =	sdelay $0x4  }
0xaf: {  	v2 =	vand.u32 $0x3FFF, v1  }
0xb0: {  	v1 =	vshrl.u32 v1, $0xE;
	[tilespmem:$0x16400] =	vst v2  }
0xb1: {  	[tilespmem:$0x16600] =	vst v1  }
0xb2: {  	v1 =	vld [tilespmem:s19+$0x13B20];
	_ =	sdelay $0x4  }
0xb3: {  	v2 =	vand.u32 $0x3FFF, v1  }
0xb4: {  	v1 =	vshrl.u32 v1, $0xE;
	[tilespmem:$0x16410] =	vst v2  }
0xb5: {  	[tilespmem:$0x16610] =	vst v1  }
0xb6: {  	v1 =	vld [tilespmem:s19+$0x13B30];
	_ =	sdelay $0x4  }
0xb7: {  	v2 =	vand.u32 $0x3FFF, v1  }
0xb8: {  	v1 =	vshrl.u32 v1, $0xE;
	[tilespmem:$0x16420] =	vst v2  }
0xb9: {  	[tilespmem:$0x16620] =	vst v1  }
0xba: {  	v1 =	vld [tilespmem:s19+$0x13B40];
	_ =	sdelay $0x4  }
0xbb: {  	v2 =	vand.u32 $0x3FFF, v1  }
0xbc: {  	v1 =	vshrl.u32 v1, $0xE;
	[tilespmem:$0x16430] =	vst v2  }
0xbd: {  	[tilespmem:$0x16630] =	vst v1  }
0xbe: {  	[tilespmem:s28], [sflag:$0x1] =	stream.indirect.gather [hbm4b:s14+s30], $0x80, s31, s30, $0xb8;
	[tilespmem:$0x1E800] =	vst v63  }
0xbf: {  	_ =	swait.ge [sflag:s16], $0x2000  }
0xc0: {  	[sflag:s16] =	ssyncset.done $0x0  }
0xc1: {  	[sflag:s16] =	ssyncadd.s32 $0xFFFFE000  }
0xc2: {  	v1 =	vld [tilespmem:s19+$0x13B50];
	_ =	sdelay $0x4  }
0xc3: {  	v2 =	vand.u32 $0x3FFF, v1  }
0xc4: {  	v1 =	vshrl.u32 v1, $0xE;
	[tilespmem:$0x16480] =	vst v2  }
0xc5: {  	[tilespmem:$0x16680] =	vst v1  }
0xc6: {  	v1 =	vld [tilespmem:s19+$0x13B60];
	_ =	sdelay $0x4  }
0xc7: {  	v2 =	vand.u32 $0x3FFF, v1  }
0xc8: {  	v1 =	vshrl.u32 v1, $0xE;
	[tilespmem:$0x16490] =	vst v2  }
0xc9: {  	[tilespmem:$0x16690] =	vst v1  }
0xca: {  	v1 =	vld [tilespmem:s19+$0x13B70];
	_ =	sdelay $0x4  }
0xcb: {  	v2 =	vand.u32 $0x3FFF, v1  }
0xcc: {  	v1 =	vshrl.u32 v1, $0xE;
	[tilespmem:$0x164A0] =	vst v2  }
0xcd: {  	[tilespmem:$0x166A0] =	vst v1  }
0xce: {  	v1 =	vld [tilespmem:s19+$0x13B80];
	_ =	sdelay $0x4  }
0xcf: {  	v2 =	vand.u32 $0x3FFF, v1  }
0xd0: {  	v1 =	vshrl.u32 v1, $0xE;
	[tilespmem:$0x164B0] =	vst v2  }
0xd1: {  	[tilespmem:$0x166B0] =	vst v1  }
0xd2: {  	[tilespmem:s0], [sflag:$0x2] =	stream.indirect.gather [hbm4b:s14+s30], $0x80, s11, s30, $0xb8;
	[tilespmem:$0x1E800] =	vst v63  }
0xd3: {  	_ =	swait.ge [sflag:s17], $0x2000  }
0xd4: {  	[sflag:s17] =	ssyncset.done $0x0  }
0xd5: {  	[sflag:s17] =	ssyncadd.s32 $0xFFFFE000  }
0xd6: {  	v1 =	vld [tilespmem:s19+$0x13B90];
	_ =	sdelay $0x4  }
0xd7: {  	v2 =	vand.u32 $0x3FFF, v1  }
0xd8: {  	v1 =	vshrl.u32 v1, $0xE;
	[tilespmem:$0x16500] =	vst v2  }
0xd9: {  	[tilespmem:$0x16700] =	vst v1  }
0xda: {  	v1 =	vld [tilespmem:s19+$0x13BA0];
	_ =	sdelay $0x4  }
0xdb: {  	v2 =	vand.u32 $0x3FFF, v1  }
0xdc: {  	v1 =	vshrl.u32 v1, $0xE;
	[tilespmem:$0x16510] =	vst v2  }
0xdd: {  	[tilespmem:$0x16710] =	vst v1  }
0xde: {  	v1 =	vld [tilespmem:s19+$0x13BB0];
	_ =	sdelay $0x4  }
0xdf: {  	v2 =	vand.u32 $0x3FFF, v1  }
0xe0: {  	v1 =	vshrl.u32 v1, $0xE;
	[tilespmem:$0x16520] =	vst v2  }
0xe1: {  	[tilespmem:$0x16720] =	vst v1  }
0xe2: {  	v1 =	vld [tilespmem:s19+$0x13BC0];
	_ =	sdelay $0x4  }
0xe3: {  	v2 =	vand.u32 $0x3FFF, v1  }
0xe4: {  	v1 =	vshrl.u32 v1, $0xE;
	[tilespmem:$0x16530] =	vst v2  }
0xe5: {  	[tilespmem:$0x16730] =	vst v1  }
0xe6: {  	[tilespmem:s4], [sflag:$0x3] =	stream.indirect.gather [hbm4b:s14+s30], $0x80, s3, s30, $0xb8;
	[tilespmem:$0x1E800] =	vst v63  }
0xe7: {  	_ =	swait.ge [sflag:s18], $0x2000  }
0xe8: {  	[sflag:s18] =	ssyncset.done $0x0  }
0xe9: {  	[sflag:s18] =	ssyncadd.s32 $0xFFFFE000  }
0xea: {  	v1 =	vld [tilespmem:s19+$0x13BD0];
	_ =	sdelay $0x4  }
0xeb: {  	v2 =	vand.u32 $0x3FFF, v1  }
0xec: {  	v1 =	vshrl.u32 v1, $0xE;
	[tilespmem:$0x16580] =	vst v2  }
0xed: {  	[tilespmem:$0x16780] =	vst v1  }
0xee: {  	v1 =	vld [tilespmem:s19+$0x13BE0];
	_ =	sdelay $0x4  }
0xef: {  	v2 =	vand.u32 $0x3FFF, v1  }
0xf0: {  	v1 =	vshrl.u32 v1, $0xE;
	[tilespmem:$0x16590] =	vst v2  }
0xf1: {  	s20 =	simm.s32 $0xBC0;
	[tilespmem:$0x16790] =	vst v1  }
.LBB2_4:
0xf2: {  	p0 =	sne.s32 s20, $0x9FC0;
	v1 =	vld [tilespmem:s19+$0x13BF0];
	s21 =	smov.u32 s20;
	s20 =	sadd.s32 $0x400, s20  }
0xf3: {  	_ =	sdelay $0x3  }
0xf4: {  	v2 =	vand.u32 $0x3FFF, v1;
	v1 =	vshrl.u32 v1, $0xE  }
0xf5: {  	[tilespmem:$0x165A0] =	vst v2  }
0xf6: {  	[tilespmem:$0x167A0] =	vst v1  }
0xf7: {  	v1 =	vld [tilespmem:s19+$0x13C00];
	_ =	sdelay $0x4  }
0xf8: {  	v2 =	vand.u32 $0x3FFF, v1;
	v1 =	vshrl.u32 v1, $0xE  }
0xf9: {  	[tilespmem:$0x165B0] =	vst v2  }
0xfa: {  	[tilespmem:$0x167B0] =	vst v1  }
0xfb: {  	[tilespmem:s6], [sflag:$0x4] =	stream.indirect.gather [hbm4b:s14+s30], $0x80, s5, s30, $0xb8;
	[tilespmem:$0x1E800] =	vst v63  }
0xfc: {  	_ =	swait.ge [sflag:s7], $0x2000  }
0xfd: {  	[sflag:s7] =	ssyncset.done $0x0  }
0xfe: {  	[sflag:s7] =	ssyncadd.s32 $0xFFFFE000  }
0xff: {  	[spmem:s1] =	stream.indirect.scatter.add.f32 [tilespmem:s28], [sflag:$0x5], $0x80, s8, s30, $0xb8;
	[tilespmem:$0x1E800] =	vst v63  }
0x100: {  	_ =	swait.ge [sflag:s9], $0x2000  }
0x101: {  	[sflag:s9] =	ssyncset.done $0x0  }
0x102: {  	[sflag:s9] =	ssyncadd.s32 $0xFFFFE000  }
0x103: {  	[spmem:s1] =	stream.indirect.scatter.add.f32 [tilespmem:s0], [sflag:$0x6], $0x80, s10, s30, $0xb8;
	[tilespmem:$0x1E800] =	vst v63  }
0x104: {  	_ =	swait.ge [sflag:s12], $0x2000  }
0x105: {  	[sflag:s12] =	ssyncset.done $0x0  }
0x106: {  	[sflag:s12] =	ssyncadd.s32 $0xFFFFE000  }
0x107: {  	[spmem:s1] =	stream.indirect.scatter.add.f32 [tilespmem:s4], [sflag:$0x7], $0x80, s13, s30, $0xb8;
	[tilespmem:$0x1E800] =	vst v63  }
0x108: {  	_ =	swait.ge [sflag:s25], $0x2000  }
0x109: {  	[sflag:s25] =	ssyncset.done $0x0  }
0x10a: {  	[sflag:s25] =	ssyncadd.s32 $0xFFFFE000  }
0x10b: {  	[spmem:s1] =	stream.indirect.scatter.add.f32 [tilespmem:s6], [sflag:$0x8], $0x80, s26, s30, $0xb8;
	[tilespmem:$0x1E800] =	vst v63  }
0x10c: {  	_ =	swait.ge [sflag:s15], $0x2000  }
0x10d: {  	[sflag:s15] =	ssyncset.done $0x0  }
0x10e: {  	s19 =	sshra.s32 s21, $0x2;
	[sflag:s15] =	ssyncadd.s32 $0xFFFFE000  }
0x10f: {  	v1 =	vld [tilespmem:s19+$0x13B10];
	_ =	sdelay $0x4  }
0x110: {  	v2 =	vand.u32 $0x3FFF, v1;
	v1 =	vshrl.u32 v1, $0xE  }
0x111: {  	[tilespmem:$0x16400] =	vst v2  }
0x112: {  	[tilespmem:$0x16600] =	vst v1  }
0x113: {  	v1 =	vld [tilespmem:s19+$0x13B20];
	_ =	sdelay $0x4  }
0x114: {  	v2 =	vand.u32 $0x3FFF, v1;
	v1 =	vshrl.u32 v1, $0xE  }
0x115: {  	[tilespmem:$0x16410] =	vst v2  }
0x116: {  	[tilespmem:$0x16610] =	vst v1  }
0x117: {  	v1 =	vld [tilespmem:s19+$0x13B30];
	_ =	sdelay $0x4  }
0x118: {  	v2 =	vand.u32 $0x3FFF, v1;
	v1 =	vshrl.u32 v1, $0xE  }
0x119: {  	[tilespmem:$0x16420] =	vst v2  }
0x11a: {  	[tilespmem:$0x16620] =	vst v1  }
0x11b: {  	v1 =	vld [tilespmem:s19+$0x13B40];
	_ =	sdelay $0x4  }
0x11c: {  	v2 =	vand.u32 $0x3FFF, v1;
	v1 =	vshrl.u32 v1, $0xE  }
0x11d: {  	[tilespmem:$0x16430] =	vst v2  }
0x11e: {  	[tilespmem:$0x16630] =	vst v1  }
0x11f: {  	[tilespmem:s28], [sflag:$0x1] =	stream.indirect.gather [hbm4b:s14+s30], $0x80, s31, s30, $0xb8;
	[tilespmem:$0x1E800] =	vst v63  }
0x120: {  	_ =	swait.ge [sflag:s16], $0x2000  }
0x121: {  	[sflag:s16] =	ssyncset.done $0x0  }
0x122: {  	[sflag:s16] =	ssyncadd.s32 $0xFFFFE000  }
0x123: {  	v1 =	vld [tilespmem:s19+$0x13B50];
	_ =	sdelay $0x4  }
0x124: {  	v2 =	vand.u32 $0x3FFF, v1;
	v1 =	vshrl.u32 v1, $0xE  }
0x125: {  	[tilespmem:$0x16480] =	vst v2  }
0x126: {  	[tilespmem:$0x16680] =	vst v1  }
0x127: {  	v1 =	vld [tilespmem:s19+$0x13B60];
	_ =	sdelay $0x4  }
0x128: {  	v2 =	vand.u32 $0x3FFF, v1;
	v1 =	vshrl.u32 v1, $0xE  }
0x129: {  	[tilespmem:$0x16490] =	vst v2  }
0x12a: {  	[tilespmem:$0x16690] =	vst v1  }
0x12b: {  	v1 =	vld [tilespmem:s19+$0x13B70];
	_ =	sdelay $0x4  }
0x12c: {  	v2 =	vand.u32 $0x3FFF, v1;
	v1 =	vshrl.u32 v1, $0xE  }
0x12d: {  	[tilespmem:$0x164A0] =	vst v2  }
0x12e: {  	[tilespmem:$0x166A0] =	vst v1  }
0x12f: {  	v1 =	vld [tilespmem:s19+$0x13B80];
	_ =	sdelay $0x4  }
0x130: {  	v2 =	vand.u32 $0x3FFF, v1;
	v1 =	vshrl.u32 v1, $0xE  }
0x131: {  	[tilespmem:$0x164B0] =	vst v2  }
0x132: {  	[tilespmem:$0x166B0] =	vst v1  }
0x133: {  	[tilespmem:s0], [sflag:$0x2] =	stream.indirect.gather [hbm4b:s14+s30], $0x80, s11, s30, $0xb8;
	[tilespmem:$0x1E800] =	vst v63  }
0x134: {  	_ =	swait.ge [sflag:s17], $0x2000  }
0x135: {  	[sflag:s17] =	ssyncset.done $0x0  }
0x136: {  	[sflag:s17] =	ssyncadd.s32 $0xFFFFE000  }
0x137: {  	v1 =	vld [tilespmem:s19+$0x13B90];
	_ =	sdelay $0x4  }
0x138: {  	v2 =	vand.u32 $0x3FFF, v1;
	v1 =	vshrl.u32 v1, $0xE  }
0x139: {  	[tilespmem:$0x16500] =	vst v2  }
0x13a: {  	[tilespmem:$0x16700] =	vst v1  }
0x13b: {  	v1 =	vld [tilespmem:s19+$0x13BA0];
	_ =	sdelay $0x4  }
0x13c: {  	v2 =	vand.u32 $0x3FFF, v1;
	v1 =	vshrl.u32 v1, $0xE  }
0x13d: {  	[tilespmem:$0x16510] =	vst v2  }
0x13e: {  	[tilespmem:$0x16710] =	vst v1  }
0x13f: {  	v1 =	vld [tilespmem:s19+$0x13BB0];
	_ =	sdelay $0x4  }
0x140: {  	v2 =	vand.u32 $0x3FFF, v1;
	v1 =	vshrl.u32 v1, $0xE  }
0x141: {  	[tilespmem:$0x16520] =	vst v2  }
0x142: {  	[tilespmem:$0x16720] =	vst v1  }
0x143: {  	v1 =	vld [tilespmem:s19+$0x13BC0];
	_ =	sdelay $0x4  }
0x144: {  	v2 =	vand.u32 $0x3FFF, v1;
	v1 =	vshrl.u32 v1, $0xE  }
0x145: {  	[tilespmem:$0x16530] =	vst v2  }
0x146: {  	[tilespmem:$0x16730] =	vst v1  }
0x147: {  	[tilespmem:s4], [sflag:$0x3] =	stream.indirect.gather [hbm4b:s14+s30], $0x80, s3, s30, $0xb8;
	[tilespmem:$0x1E800] =	vst v63  }
0x148: {  	_ =	swait.ge [sflag:s18], $0x2000  }
0x149: {  	[sflag:s18] =	ssyncset.done $0x0  }
0x14a: {  	[sflag:s18] =	ssyncadd.s32 $0xFFFFE000  }
0x14b: {  	v1 =	vld [tilespmem:s19+$0x13BD0];
	_ =	sdelay $0x4  }
0x14c: {  	v2 =	vand.u32 $0x3FFF, v1;
	v1 =	vshrl.u32 v1, $0xE  }
0x14d: {  	[tilespmem:$0x16580] =	vst v2  }
0x14e: {  	[tilespmem:$0x16780] =	vst v1  }
0x14f: {  	v1 =	vld [tilespmem:s19+$0x13BE0];
	_ =	sdelay $0x2  }
.Ltmp1:
0x150: {  	(pc) =	sbr.rel @p0 .LBB2_4-.Ltmp1, $4  }
0x151: {  	_ = 	snop  }
0x152: {  	v2 =	vand.u32 $0x3FFF, v1;
	v1 =	vshrl.u32 v1, $0xE  }
0x153: {  	[tilespmem:$0x16590] =	vst v2  }
0x154: {  	[tilespmem:$0x16790] =	vst v1  }
0x155: {  	v1 =	vld [tilespmem:s19+$0x13BF0];
	_ =	sdelay $0x4  }
0x156: {  	v2 =	vand.u32 $0x3FFF, v1  }
0x157: {  	v1 =	vshrl.u32 v1, $0xE;
	[tilespmem:$0x165A0] =	vst v2  }
0x158: {  	[tilespmem:$0x167A0] =	vst v1  }
0x159: {  	v1 =	vld [tilespmem:s19+$0x13C00];
	_ =	sdelay $0x4  }
0x15a: {  	v2 =	vand.u32 $0x3FFF, v1  }
0x15b: {  	v1 =	vshrl.u32 v1, $0xE;
	[tilespmem:$0x165B0] =	vst v2  }
0x15c: {  	[tilespmem:$0x167B0] =	vst v1  }
0x15d: {  	[tilespmem:s6], [sflag:$0x4] =	stream.indirect.gather [hbm4b:s14+s30], $0x80, s5, s30, $0xb8;
	[tilespmem:$0x1E800] =	vst v63  }
0x15e: {  	_ =	swait.ge [sflag:s7], $0x2000  }
0x15f: {  	[sflag:s7] =	ssyncset.done $0x0  }
0x160: {  	[sflag:s7] =	ssyncadd.s32 $0xFFFFE000  }
0x161: {  	[spmem:s1] =	stream.indirect.scatter.add.f32 [tilespmem:s28], [sflag:$0x5], $0x80, s8, s30, $0xb8;
	[tilespmem:$0x1E800] =	vst v63  }
0x162: {  	_ =	swait.ge [sflag:s9], $0x2000  }
0x163: {  	[sflag:s9] =	ssyncset.done $0x0  }
0x164: {  	[sflag:s9] =	ssyncadd.s32 $0xFFFFE000  }
0x165: {  	[spmem:s1] =	stream.indirect.scatter.add.f32 [tilespmem:s0], [sflag:$0x6], $0x80, s10, s30, $0xb8;
	[tilespmem:$0x1E800] =	vst v63  }
0x166: {  	_ =	swait.ge [sflag:s12], $0x2000  }
0x167: {  	[sflag:s12] =	ssyncset.done $0x0  }
0x168: {  	[sflag:s12] =	ssyncadd.s32 $0xFFFFE000  }
0x169: {  	[spmem:s1] =	stream.indirect.scatter.add.f32 [tilespmem:s4], [sflag:$0x7], $0x80, s13, s30, $0xb8;
	[tilespmem:$0x1E800] =	vst v63  }
0x16a: {  	_ =	swait.ge [sflag:s25], $0x2000  }
0x16b: {  	[sflag:s25] =	ssyncset.done $0x0  }
0x16c: {  	[sflag:s25] =	ssyncadd.s32 $0xFFFFE000  }
0x16d: {  	[spmem:s1] =	stream.indirect.scatter.add.f32 [tilespmem:s6], [sflag:$0x8], $0x80, s26, s30, $0xb8;
	[tilespmem:$0x1E800] =	vst v63  }
0x16e: {  	_ =	swait.ge [sflag:s15], $0x2000  }
0x16f: {  	[sflag:s15] =	ssyncset.done $0x0  }
0x170: {  	[sflag:s15] =	ssyncadd.s32 $0xFFFFE000  }
0x171: {  	_ =	swait.ge [sflag:s16], $0x2000  }
0x172: {  	[sflag:s16] =	ssyncset.done $0x0  }
0x173: {  	[sflag:s16] =	ssyncadd.s32 $0xFFFFE000  }
0x174: {  	_ =	swait.ge [sflag:s17], $0x2000  }
0x175: {  	[sflag:s17] =	ssyncset.done $0x0  }
0x176: {  	[sflag:s17] =	ssyncadd.s32 $0xFFFFE000  }
0x177: {  	_ =	swait.ge [sflag:s18], $0x2000  }
0x178: {  	[sflag:s18] =	ssyncset.done $0x0  }
0x179: {  	[sflag:s18] =	ssyncadd.s32 $0xFFFFE000  }
0x17a: {  	s20 =	stileid.u32;
	[bflag:$0x0] =	sbarrier.arrive $0xFFFF  }
0x17b: {  	s19 =	sshll.u32 s20, $0x6;
	s20 =	rddreg [dreg:$0xd]  }
0x17c: {  	s19 =	sor.u32 $0x1C09, s19;
	s21 =	rddreg [dreg:$0x3];
	s20 =	sshrl.u32 s20, $0x3  }
0x17d: {  	[hbm:s21], [sflag:s19] =	dma.local [spmem:s20], $0x400  }
0x17e: {  	_ =	swait.ge [sflag:s29], $0x400  }
0x17f: {  	[sflag:s29] =	ssyncset.done $0x0;
	s21 =	rddreg [dreg:$0xe]  }
0x180: {  	s22 =	rddreg [dreg:$0x4];
	[sflag:s29] =	ssyncadd.s32 $0xFFFFFC00;
	s20 =	sshrl.u32 s21, $0x3  }
0x181: {  	[hbm:s22], [sflag:s19] =	dma.local [spmem:s20], $0x400  }
0x182: {  	_ =	swait.ge [sflag:s29], $0x400  }
0x183: {  	[sflag:s29] =	ssyncset.done $0x0;
	s21 =	rddreg [dreg:$0xf]  }
0x184: {  	s22 =	rddreg [dreg:$0x5];
	[sflag:s29] =	ssyncadd.s32 $0xFFFFFC00;
	s20 =	sshrl.u32 s21, $0x3  }
0x185: {  	[hbm:s22], [sflag:s19] =	dma.local [spmem:s20], $0x400  }
0x186: {  	_ =	swait.ge [sflag:s29], $0x400  }
0x187: {  	[sflag:s29] =	ssyncset.done $0x0;
	s21 =	rddreg [dreg:$0x10]  }
0x188: {  	s22 =	rddreg [dreg:$0x6];
	[sflag:s29] =	ssyncadd.s32 $0xFFFFFC00;
	s20 =	sshrl.u32 s21, $0x3  }
0x189: {  	[hbm:s22], [sflag:s19] =	dma.local [spmem:s20], $0x400  }
0x18a: {  	_ =	swait.ge [sflag:s29], $0x400  }
0x18b: {  	[sflag:s29] =	ssyncset.done $0x0;
	s21 =	rddreg [dreg:$0x11]  }
0x18c: {  	s22 =	rddreg [dreg:$0x7];
	[sflag:s29] =	ssyncadd.s32 $0xFFFFFC00;
	s20 =	sshrl.u32 s21, $0x3  }
0x18d: {  	[hbm:s22], [sflag:s19] =	dma.local [spmem:s20], $0x400  }
0x18e: {  	_ =	swait.ge [sflag:s29], $0x400  }
0x18f: {  	[sflag:s29] =	ssyncset.done $0x0;
	s21 =	rddreg [dreg:$0x12]  }
0x190: {  	s22 =	rddreg [dreg:$0x8];
	[sflag:s29] =	ssyncadd.s32 $0xFFFFFC00;
	s20 =	sshrl.u32 s21, $0x3  }
0x191: {  	[hbm:s22], [sflag:s19] =	dma.local [spmem:s20], $0x400  }
0x192: {  	_ =	swait.ge [sflag:s29], $0x400  }
0x193: {  	[sflag:s29] =	ssyncset.done $0x0;
	s21 =	rddreg [dreg:$0x13]  }
0x194: {  	s22 =	rddreg [dreg:$0x9];
	[sflag:s29] =	ssyncadd.s32 $0xFFFFFC00;
	s20 =	sshrl.u32 s21, $0x3  }
0x195: {  	[hbm:s22], [sflag:s19] =	dma.local [spmem:s20], $0x400  }
0x196: {  	_ =	swait.ge [sflag:s29], $0x400  }
0x197: {  	s21 =	sshrl.u32 s23, $0x3;
	[sflag:s29] =	ssyncset.done $0x0  }
0x198: {  	s22 =	smov.u32 s23;
	s23 =	rddreg [dreg:$0xa];
	[sflag:s29] =	ssyncadd.s32 $0xFFFFFC00  }
0x199: {  	[hbm:s23], [sflag:s19] =	dma.local [spmem:s21], $0x400  }
0x19a: {  	_ =	swait.ge [sflag:s29], $0x400  }
0x19b: {  	[sflag:s29] =	ssyncset.done $0x0;
	s21 =	rddreg [dreg:$0x16]  }
0x19c: {  	s23 =	rddreg [dreg:$0xb];
	[sflag:s29] =	ssyncadd.s32 $0xFFFFFC00;
	s20 =	sshrl.u32 s21, $0x3  }
0x19d: {  	[hbm:s23], [sflag:s19] =	dma.local [spmem:s20], $0x400  }
0x19e: {  	_ =	swait.ge [sflag:s29], $0x400  }
0x19f: {  	[sflag:s29] =	ssyncset.done $0x0  }
0x1a0: {  	s21 =	sshrl.u32 s24, $0x3;
	s23 =	rddreg [dreg:$0xc];
	[sflag:s29] =	ssyncadd.s32 $0xFFFFFC00  }
0x1a1: {  	[hbm:s23], [sflag:s19] =	dma.local [spmem:s21], $0x380  }
0x1a2: {  	_ =	swait.ge [sflag:s29], $0x380  }
0x1a3: {  	s2 =	sadd.s32 $0x1, s2;
	s23 =	rddreg [dreg:$0x15]  }
0x1a4: {  	p0 =	sne.s32 s2, s23  }
.Ltmp2:
0x1a5: {  	_ = 	snop;
	(pc) =	sbr.rel @p0 .LBB2_1-.Ltmp2, $3  }
0x1a6: {  	_ =	sdelay $0x1  }
0x1a7: {  	[sflag:s29] =	ssyncset.done $0x0  }
0x1a8: {  	[sflag:s29] =	ssyncadd.s32 $0xFFFFFC80  }
0x1a9: {  	_ =	sfence.sel $0x180000  }
0x1aa: {  	[bflag:$0x0] =	sbarrier.arrive $0xFFFF  }
0x1ab: {  	_ =	strace $0x9000004D  }
0x1ac: {  	s0 =	stileid.u32;
	[bflag:$0x2] =	sbarrier.arrive $0xFFFF  }
0x1ad: {  	p0 =	sne.s32 s0, $0x0;
	s0 =	rddreg [dreg:$0x2]  }
0x1ae: {  	s0 =	sadd.s32 @!p0 $0x100000, s0  }
0x1af: {  	[sflag:s0] =	ssyncadd.tile.s32 @!p0 $0x1;
	_ =	shalt  }
.Lfunc_end2:
_tile_overlayer_lowered:
.L_overlay_start_2:
0x1b0: {  	(tag) =	ssettag $0x2  }
0x1b1: {  	s0 =	rddreg [dreg:$0x0];
	s2 =	stileid.u32  }
0x1b2: {  	s1 =	rddreg [dreg:$0x1];
	p0 =	sne.s32 s2, $0x0  }
0x1b3: {  	s3 =	rddreg [dreg:$0x2];
	[bflag:$0x3] =	sbarrier.arrive $0xFFFF;
	s2 =	simm.s32 @!p0 $0x1C09  }
0x1b4: {  	[timem:s3], [sflag:s2] =	dma.local @!p0 [hbm:s0], s1  }
0x1b5: {  	s0 =	simm.s32 @!p0 $0x9  }
0x1b6: {  	_ =	swait.ge @!p0 [sflag:s0], s1  }
0x1b7: {  	s1 =	ssub.s32 @!p0 $0x0, s1;
	[sflag:s0] =	ssyncset.done @!p0 $0x0  }
0x1b8: {  	[sflag:s0] =	ssyncadd.s32 @!p0 s1  }
0x1b9: {  	[bflag:$0x3] =	sbarrier.arrive $0xFFFF  }
0x1ba: {  	_ =	shalt  }

// kernel: kernel.8.cloned.1.call-start
scs
__scs_entry_jumppad:
0x0: {  	(pc) =	sbr.rel $0x88, $3  }
0x1: {  	(tag) =	ssettag $0x0;
	lr =	simm.s32 $0x1  }
0x2: {  	[smem:$0x3F9B] =	sst lr;
	_ =	strace $0xD0000000  }
0x3: {  	_ = 	snop  }
0x4: {  	_ = 	snop  }
0x5: {  	_ = 	snop  }
0x6: {  	_ = 	snop  }
0x7: {  	_ = 	snop  }
__scs_overlays_trampoline_lowered:
0x8: {  	[smem:$0x3FAA] =	sst s0  }
0x9: {  	[smem:$0x3FAB] =	sst s1  }
0xa: {  	[smem:$0x3FAC] =	sst s2  }
0xb: {  	[smem:$0x3FAD] =	sst s3  }
0xc: {  	[smem:$0x3FAE] =	sst s4  }
0xd: {  	[smem:$0x3FAF] =	sst s5  }
0xe: {  	[smem:$0x3FB0] =	sst s6  }
0xf: {  	[smem:$0x3FB1] =	sst s7  }
0x10: {  	[smem:$0x3FB2] =	sst s8  }
0x11: {  	[smem:$0x3FB3] =	sst s9;
	s0 =	simm.s32 @!p0 $0x0  }
0x12: {  	s1 =	sld [smem:$0x3F99];
	s0 =	simm.s32 @p0 $0x1  }
0x13: {  	[smem:$0x3FB4] =	sst s0;
	s0 =	simm.s32 @!p1 $0x0  }
0x14: {  	s2 =	sld [smem:$0x3F98];
	s0 =	simm.s32 @p1 $0x1  }
0x15: {  	[smem:$0x3FB5] =	sst s0;
	s0 =	simm.s32 @!p2 $0x0  }
0x16: {  	s3 =	sld [smem:$0x3FDB];
	s0 =	simm.s32 @p2 $0x1  }
0x17: {  	s4 =	simm.s32 $0x1BF5;
	[smem:$0x3FB7] =	sst s0  }
0x18: {  	s0 =	sld [smem:$0x3F9A];
	_ =	swait.ge [sflag:s4], $0x0  }
0x19: {  	s7 =	sld [smem:$0x3F9B]  }
0x1a: {  	s8 =	sadd.s32 $0xFFFFE003, lr  }
0x1b: {  	s9 =	sadd.s32 $0xFFFFFEF7, lr;
	s5 =	simm.s32 $0xFFFFFFFF;
	p2 =	slt.u32 s8, $0xFFFFF086  }
0x1c: {  	p1 =	slt.u32 s9, $0xF7A;
	s5 =	simm.s32 @!p2 $0x0  }
0x1d: {  	s5 =	simm.s32 @p1 $0x1;
	p0 =	seq.s32 s7, s2  }
0x1e: {  	s7 =	smul.u32 @!p0 $0xF7A, s2;
	p2 =	seq.s32 @!p0 s5, $0x0  }
0x1f: {  	s9 =	smul.u32 $0xF7A, s1;
	s8 =	simm.s32 @!p0 $0x1BF5;
	p2 =	por !p2, p0  }
0x20: {  	[sflag:s8] =	ssyncset.s32 @!p0 $0xFFFFF086;
	s6 =	sadd.s32 @!p0 s3, s7;
	s7 =	simm.s32 @!p0 $0x108  }
0x21: {  	s3 =	sadd.s32 s3, s9;
	s6 =	sadd.s32 @!p0 $0x88, s6;
	s7 =	simm.s32 @p2 $0x1082  }
0x22: {  	[simem:s7], [sflag:s8] =	dma.local @!p0 [hbm:s6], $0xF7A  }
0x23: {  	s9 =	sor.u32 $0xD0000000, s2;
	s6 =	simm.s32 $0x108;
	_ =	swait.ge @!p0 [sflag:s8], $0x0  }
0x24: {  	s3 =	sadd.s32 $0x88, s3;
	s6 =	simm.s32 @!p1 $0x1082;
	[sflag:s4] =	ssyncset.s32 $0xFFFFF086  }
0x25: {  	[simem:s6], [sflag:s4] =	dma.local [hbm:s3], $0xF7A  }
0x26: {  	[smem:$0x3F9B] =	sst s1;
	(tag) =	ssettag s2;
	_ =	strace s9  }
0x27: {  	s1 =	sld [smem:$0x3FAB]  }
0x28: {  	s2 =	sld [smem:$0x3FAC]  }
0x29: {  	s4 =	sld [smem:$0x3FAE]  }
0x2a: {  	p0 =	seq.s32 s5, $0x0;
	s5 =	sld [smem:$0x3FAF]  }
0x2b: {  	s6 =	sld [smem:$0x3FB0]  }
0x2c: {  	s7 =	sld [smem:$0x3FB1]  }
0x2d: {  	s3 =	simm.s32 $0x108;
	s8 =	sld [smem:$0x3FB2]  }
0x2e: {  	s3 =	simm.s32 @!p0 $0x1082;
	s9 =	sld [smem:$0x3FB3]  }
0x2f: {  	lr =	sadd.s32 s0, s3;
	s0 =	sld [smem:$0x3FAA]  }
0x30: {  	s3 =	sld [smem:$0x3FAD]  }
0x31: {  	[smem:$0x3FB6] =	sst s10  }
0x32: {  	s10 =	sld [smem:$0x3FB4];
	_ =	sdelay $0x3  }
0x33: {  	p0 =	seq.s32 s10, $0x1;
	s10 =	sld [smem:$0x3FB6];
	_ =	sdelay $0x3  }
0x34: {  	[smem:$0x3FB6] =	sst s10  }
0x35: {  	s10 =	sld [smem:$0x3FB5];
	_ =	sdelay $0x3  }
0x36: {  	p1 =	seq.s32 s10, $0x1;
	s10 =	sld [smem:$0x3FB6];
	_ =	sdelay $0x3  }
0x37: {  	[smem:$0x3FB6] =	sst s10  }
0x38: {  	s10 =	sld [smem:$0x3FB7]  }
0x39: {  	_ = 	snop;
	(pc) =	sbr.ind lr, $3  }
0x3a: {  	_ = 	snop  }
0x3b: {  	_ = 	snop  }
0x3c: {  	p2 =	seq.s32 s10, $0x1;
	s10 =	sld [smem:$0x3FB6]  }
0x3d: {  	_ =	shalt  }
0x3e: {  	_ =	shalt  }
0x3f: {  	_ =	shalt  }
0x40: {  	_ =	shalt  }
0x41: {  	_ =	shalt  }
0x42: {  	_ =	shalt  }
0x43: {  	_ =	shalt  }
0x44: {  	_ =	shalt  }
0x45: {  	_ =	shalt  }
0x46: {  	_ =	shalt  }
0x47: {  	_ =	shalt  }
0x48: {  	_ =	shalt  }
0x49: {  	_ =	shalt  }
0x4a: {  	_ =	shalt  }
0x4b: {  	_ =	shalt  }
0x4c: {  	_ =	shalt  }
0x4d: {  	_ =	shalt  }
0x4e: {  	_ =	shalt  }
0x4f: {  	_ =	shalt  }
0x50: {  	_ =	shalt  }
0x51: {  	_ =	shalt  }
0x52: {  	_ =	shalt  }
0x53: {  	_ =	shalt  }
0x54: {  	_ =	shalt  }
0x55: {  	_ =	shalt  }
0x56: {  	_ =	shalt  }
0x57: {  	_ =	shalt  }
0x58: {  	_ =	shalt  }
0x59: {  	_ =	shalt  }
0x5a: {  	_ =	shalt  }
0x5b: {  	_ =	shalt  }
0x5c: {  	_ =	shalt  }
0x5d: {  	_ =	shalt  }
0x5e: {  	_ =	shalt  }
0x5f: {  	_ =	shalt  }
0x60: {  	_ =	shalt  }
0x61: {  	_ =	shalt  }
0x62: {  	_ =	shalt  }
0x63: {  	_ =	shalt  }
0x64: {  	_ =	shalt  }
0x65: {  	_ =	shalt  }
0x66: {  	_ =	shalt  }
0x67: {  	_ =	shalt  }
0x68: {  	_ =	shalt  }
0x69: {  	_ =	shalt  }
0x6a: {  	_ =	shalt  }
0x6b: {  	_ =	shalt  }
0x6c: {  	_ =	shalt  }
0x6d: {  	_ =	shalt  }
0x6e: {  	_ =	shalt  }
0x6f: {  	_ =	shalt  }
0x70: {  	_ =	shalt  }
0x71: {  	_ =	shalt  }
0x72: {  	_ =	shalt  }
0x73: {  	_ =	shalt  }
0x74: {  	_ =	shalt  }
0x75: {  	_ =	shalt  }
0x76: {  	_ =	shalt  }
0x77: {  	_ =	shalt  }
0x78: {  	_ =	shalt  }
0x79: {  	_ =	shalt  }
0x7a: {  	_ =	shalt  }
0x7b: {  	_ =	shalt  }
0x7c: {  	_ =	shalt  }
0x7d: {  	_ =	shalt  }
0x7e: {  	_ =	shalt  }
0x7f: {  	_ =	shalt  }
0x80: {  	_ =	shalt  }
0x81: {  	_ =	shalt  }
0x82: {  	_ =	shalt  }
0x83: {  	_ =	shalt  }
0x84: {  	_ =	shalt  }
0x85: {  	_ =	shalt  }
0x86: {  	_ =	shalt  }
0x87: {  	_ =	shalt  }
.Lfunc_end0:
.L_simem_size_0:
called_computation_lowered:
.L_overlay_start_0:
0x88: {  	s2 =	sld [smem:$0x3FD9]  }
0x89: {  	s3 =	sld [smem:$0x3FFE];
	_ =	sdelay $0x1  }
0x8a: {  	s1 =	srdreg.scid  }
0x8b: {  	s0 =	sand.u32 $0x1, s1  }
0x8c: {  	s17 =	sshll.u32 s0, $0xA;
	s2 =	sadd.s32 s3, s2  }
0x8d: {  	s2 =	sadd.s32 s2, s17  }
0x8e: {  	[smem:$0x3FC2] =	sst s2  }
0x8f: {  	_ = 	snop  }
0x90: {  	s2 =	sld [smem:$0x3FD0];
	(tm) =	ssettm $0x1  }
0x91: {  	s18 =	sld [smem:$0x3FFB];
	_ =	sdelay $0x3  }
0x92: {  	_ =	strace s18  }
0x93: {  	s3 =	sld [smem:$0x3FFC];
	_ =	sdelay $0x3  }
0x94: {  	_ =	strace s3  }
0x95: {  	s3 =	sld [smem:$0x3FFD];
	_ =	sdelay $0x3  }
0x96: {  	_ =	strace s3  }
0x97: {  	_ =	strace $0x8FFFFFFF  }
0x98: {  	s19 =	sld [smem:$0x3FDB];
	_ =	sdelay $0x1  }
0x99: {  	s4 =	simm.s32 $_scs_section_size  }
0x9a: {  	s5 =	simm.s32 $_size__tile_overlayer_lowered;
	s6 =	simm.s32 $_tile_overlayer_lowered  }
0x9b: {  	s22 =	simm.s32 $0x1BFF;
	s21 =	sshll.u32 s6, $0x1;
	s3 =	sadd.s32 s4, s19  }
0x9c: {  	s7 =	simm.s32 $0x0;
	s20 =	sshll.u32 s5, $0x1;
	s5 =	sadd.s32 s21, s3  }
0x9d: {  	[timem:s7], [sflag:s22] =	dma.local [hbm:s5], s20  }
0x9e: {  	_ =	swait.ge [sflag:s22], s20  }
0x9f: {  	s4 =	ssub.s32 $0x0, s20;
	[sflag:s22] =	ssyncset.done $0x0  }
0xa0: {  	[sflag:s22] =	ssyncadd.s32 s4;
	_ =	sdelay $0x1  }
0xa1: {  	s23 =	simm.s32 $0x1B8B  }
0xa2: {  	_ =	swait.ge [sflag:s23], $0x1  }
0xa3: {  	[sflag:s23] =	ssyncset.done $0x0  }
0xa4: {  	s25 =	simm.s32 $0x1B8E;
	s24 =	sld [smem:$0x3FFE];
	[sflag:s23] =	ssyncadd.s32 $0xFFFFFFFF  }
0xa5: {  	s26 =	simm.s32 $execute0_lowered;
	[smem:$0x3FD2] =	sst s25  }
0xa6: {  	s5 =	sshll.u32 s26, $0x1;
	_ =	strace $0x80000046;
	[dreg:$0x1] =	wrdreg $0xFFFFFFFF  }
0xa7: {  	s28 =	simm.s32 $_size_execute0_lowered;
	s3 =	sadd.s32 s3, s5;
	[dreg:$0x0] =	wrdreg $0x0  }
0xa8: {  	s5 =	sshll.u32 s28, $0x1;
	[dreg:$0x2] =	wrdreg s3  }
0xa9: {  	[dreg:$0x3] =	wrdreg s5  }
0xaa: {  	[dreg:$0x4] =	wrdreg $0xC0  }
0xab: {  	_ =	task [dreg:s7], $0x5FFFF  }
0xac: {  	[dreg:$0x1] =	wrdreg $0xFFFFFFFF  }
0xad: {  	[dreg:$0x0] =	wrdreg $0x60  }
0xae: {  	[dreg:$0x2] =	wrdreg s2  }
0xaf: {  	[dreg:$0x3] =	wrdreg s24  }
0xb0: {  	[dreg:$0x4] =	wrdreg $0x0  }
0xb1: {  	[dreg:$0x5] =	wrdreg $0x9  }
0xb2: {  	_ =	task.clear_ibuf [dreg:s7], $0x6FFFF;
	_ =	strace $0x90000046  }
0xb3: {  	s29 =	simm.s32 $0x9;
	_ =	strace $0x80000048  }
0xb4: {  	_ =	swait.ge [sflag:s29], $0x1  }
0xb5: {  	[sflag:s29] =	ssyncadd.s32 $0xFFFFFFFF  }
0xb6: {  	_ =	strace $0x90000048  }
0xb7: {  	_ =	sfence  }
0xb8: {  	s30 =	sld [smem:$0x0];
	_ =	sdelay $0x2  }
0xb9: {  	s31 =	sshll.u32 s1, $0xD;
	s1 =	sshrl.u32 s1, $0x2  }
0xba: {  	s3 =	sand.u32 $0x4000, s31;
	s1 =	sadd.s32 s1, s30  }
0xbb: {  	s0 =	sor.u32 s3, s0;
	s1 =	sshll.u32 s1, $0x11  }
0xbc: {  	s0 =	sor.u32 s1, s0  }
0xbd: {  	s0 =	sadd.s32 $0x8F2B, s0  }
0xbe: {  	[sflag:s0] =	ssyncadd.remote.s32 $0x1  }
0xbf: {  	_ =	sfence.sel $0xFFFF  }
0xc0: {  	[dreg:$0x0] =	wrdreg $0xFFFFFFFF;
	(pc) =	sbr.abs _section_cstart, $3  }
0xc1: {  	[dreg:$0x1] =	wrdreg $0xFFFFFFFF  }
0xc2: {  	_ =	task.clear_ibuf [dreg:s7], $0x2FFFF;
	_ =	strace $0x9FFFFFFF  }
0xc3: {  	(tm) =	ssettm $0x7FFFFFFF  }
tec
execute0_lowered:
.L_overlay_start_1:
0x0: {  	(tag) =	ssettag $0x1  }
0x1: {  	s4 =	rddreg [dreg:$0x0]  }
0x2: {  	s5 =	rddreg [dreg:$0x1]  }
0x3: {  	s2 =	rddreg [dreg:$0x2];
	s3 =	srdreg.scid  }
0x4: {  	s1 =	stileid.u32;
	s0 =	rddreg [dreg:$0x3];
	s11 =	simm.s32 $0x80  }
0x5: {  	s12 =	simm.s32 $0x500;
	s13 =	simm.s32 $0x1;
	s16 =	simm.s32 $0x20  }
0x6: {  	s17 =	simm.s32 $0x10;
	s18 =	simm.s32 $0x0;
	s7 =	smul.u32 $0x500, s1  }
0x7: {  	s6 =	sand.u32 $0x1, s3;
	s3 =	simm.s32 $0x0;
	s28 =	smul.u32 $0x2800, s1  }
0x8: {  	s29 =	smul.u32 $0xA00, s1;
	s14 =	sshll.u32 s1, $0x6;
	s8 =	sshll.u32 s6, $0x7  }
0x9: {  	s9 =	smul.u32 $0x28000, s6;
	[smem:$0x7FF] =	sst s3;
	s6 =	ssub.s32 $0x2, s6  }
0xa: {  	s14 =	sor.u32 $0x1C02, s14;
	s7 =	sor.u32 s8, s7;
	_ =	strace $0x80000047  }
0xb: {  	s30 =	sshrl.u32 s6, $0x1;
	s31 =	sshrl.u32 s29, $0x2;
	s7 =	sshrl.u32 s7, $0x3  }
0xc: {  	s8 =	sadd.s32 s28, s9;
	s10 =	ssub.s32 s6, s30;
	s9 =	simm.s32 $0x2  }
0xd: {  	s7 =	sadd.s32 s7, s5;
	s8 =	sshrl.u32 s8, $0x3;
	s5 =	sadd.s32 s31, s2  }
0xe: {  	s4 =	sadd.s32 s4, s8;
	s6 =	sadd.s32 $0x2C00, s7;
	s7 =	smax.u32 s10, $0x1  }
0xf: {  	v0 =	vimm.f32 $0.0e+00;
	v1 =	vimm.f32 $1.000000000e+00;
	s8 =	simm.s32 $0x580;
	s10 =	simm.s32 $0x280;
	s15 =	sshrl.u32 s5, $0x3  }
.LBB2_1:
0x10: {  	[tilespmem:$0x280] =	vst v0  }
0x11: {  	[tilespmem:$0x290] =	vst v0  }
0x12: {  	[tilespmem:$0x2A0] =	vst v0  }
0x13: {  	[tilespmem:$0x2B0] =	vst v0  }
0x14: {  	[tilespmem:$0x2C0] =	vst v0  }
0x15: {  	[tilespmem:$0x2D0] =	vst v0  }
0x16: {  	[tilespmem:$0x2E0] =	vst v0  }
0x17: {  	[tilespmem:$0x2F0] =	vst v0  }
0x18: {  	[tilespmem:$0x300] =	vst v0  }
0x19: {  	[tilespmem:$0x310] =	vst v0  }
0x1a: {  	[tilespmem:$0x320] =	vst v0  }
0x1b: {  	[tilespmem:$0x330] =	vst v0  }
0x1c: {  	[tilespmem:$0x340] =	vst v0  }
0x1d: {  	[tilespmem:$0x350] =	vst v0  }
0x1e: {  	[tilespmem:$0x360] =	vst v0  }
0x1f: {  	[tilespmem:$0x370] =	vst v0  }
0x20: {  	[tilespmem:$0x380] =	vst v0  }
0x21: {  	[tilespmem:$0x390] =	vst v0  }
0x22: {  	[tilespmem:$0x3A0] =	vst v0  }
0x23: {  	[tilespmem:$0x3B0] =	vst v0  }
0x24: {  	[tilespmem:$0x3C0] =	vst v0  }
0x25: {  	[tilespmem:$0x3D0] =	vst v0  }
0x26: {  	[tilespmem:$0x3E0] =	vst v0  }
0x27: {  	[tilespmem:$0x3F0] =	vst v0  }
0x28: {  	[tilespmem:$0x400] =	vst v0  }
0x29: {  	[tilespmem:$0x410] =	vst v0  }
0x2a: {  	[tilespmem:$0x420] =	vst v0  }
0x2b: {  	[tilespmem:$0x430] =	vst v0  }
0x2c: {  	[tilespmem:$0x440] =	vst v0  }
0x2d: {  	[tilespmem:$0x450] =	vst v0  }
0x2e: {  	[tilespmem:$0x460] =	vst v0  }
0x2f: {  	[tilespmem:$0x470] =	vst v0  }
0x30: {  	[tilespmem:$0x480] =	vst v0  }
0x31: {  	[tilespmem:$0x490] =	vst v0  }
0x32: {  	[tilespmem:$0x4A0] =	vst v0  }
0x33: {  	[tilespmem:$0x4B0] =	vst v0  }
0x34: {  	[tilespmem:$0x4C0] =	vst v0  }
0x35: {  	[tilespmem:$0x4D0] =	vst v0  }
0x36: {  	[tilespmem:$0x4E0] =	vst v0  }
0x37: {  	[tilespmem:$0x4F0] =	vst v0  }
0x38: {  	[tilespmem:$0x500] =	vst v1  }
0x39: {  	[tilespmem:$0x510] =	vst v1  }
0x3a: {  	[tilespmem:$0x520] =	vst v1  }
0x3b: {  	[tilespmem:$0x530] =	vst v1  }
0x3c: {  	[tilespmem:$0x540] =	vst v1  }
0x3d: {  	[tilespmem:$0x550] =	vst v1  }
0x3e: {  	[tilespmem:$0x560] =	vst v1  }
0x3f: {  	[tilespmem:$0x570] =	vst v1  }
0x40: {  	[tilespmem:s8], [sflag:$0x2] =	stream.linear.gather [hbm4b:s4+s3], $0x2800, $0x38;
	[tilespmem:$0x2D80] =	vst v63  }
0x41: {  	_ =	swait.ge [sflag:s9], $0x2800  }
0x42: {  	[sflag:s9] =	ssyncset.done $0x0  }
0x43: {  	[sflag:s9] =	ssyncadd.s32 $0xFFFFD800  }
0x44: {  	[spmem:s5] =	stream.linear.scatter [tilespmem:s10], [sflag:$0x2], $0x280, $0x38;
	[tilespmem:$0x2D80] =	vst v63  }
0x45: {  	_ =	swait.ge [sflag:s9], $0x280  }
0x46: {  	[sflag:s9] =	ssyncset.done $0x0  }
0x47: {  	[sflag:s9] =	ssyncadd.s32 $0xFFFFFD80  }
0x48: {  	s19 =	simm.s32 $0x200;
	s20 =	simm.s32 $0x580;
	[bflag:$0x0] =	sbarrier.arrive $0xFFFF  }
.LBB2_2:
0x49: {  	[spmem:s2] =	stream.indirect.scatter.add.f32 [tilespmem:s12], [sflag:$0x1], $0x1, s20, s11, $0xb8;
	[tilespmem:$0x2D80] =	vst v63  }
0x4a: {  	s20 =	smov.u32 s19;
	p0 =	sne.s32 s19, $0x9E00  }
.Ltmp0:
0x4b: {  	s19 =	sadd.s32 $0x200, s19;
	(pc) =	sbr.rel @p0 .LBB2_2-.Ltmp0, $3  }
0x4c: {  	_ =	sdelay $0x1  }
0x4d: {  	s20 =	sshra.s32 s20, $0x2  }
0x4e: {  	s20 =	sadd.s32 $0x580, s20  }
0x4f: {  	[spmem:s2] =	stream.indirect.scatter.add.f32 [tilespmem:s12], [sflag:$0x1], $0x1, s20, s11, $0xb8;
	[tilespmem:$0x2D80] =	vst v63  }
0x50: {  	_ =	swait.ge [sflag:s13], $0x2800  }
0x51: {  	s18 =	sadd.s32 $0x1, s18;
	[sflag:s13] =	ssyncset.done $0x0  }
0x52: {  	p0 =	sne.s32 s18, s7;
	[sflag:s13] =	ssyncadd.s32 $0xFFFFD800  }
.Ltmp1:
0x53: {  	[bflag:$0x0] =	sbarrier.arrive $0xFFFF;
	(pc) =	sbr.rel @p0 .LBB2_1-.Ltmp1, $4  }
0x54: {  	[hbm:s6@s16], [sflag:s14] =	dma.strided [spmem:s15@s17], $0x50, s13, $0x10   }
0x55: {  	_ =	swait.ge [sflag:s9], $0x50  }
0x56: {  	[sflag:s9] =	ssyncset.done $0x0  }
0x57: {  	[sflag:s9] =	ssyncadd.s32 $0xFFFFFFB0  }
0x58: {  	_ =	sfence.sel $0x180000  }
0x59: {  	[bflag:$0x0] =	sbarrier.arrive $0xFFFF  }
0x5a: {  	p0 =	sne.s32 s1, $0x0;
	_ =	strace $0x90000047  }
0x5b: {  	s0 =	sadd.s32 @!p0 $0x100000, s0;
	[bflag:$0x2] =	sbarrier.arrive $0xFFFF  }
0x5c: {  	[sflag:s0] =	ssyncadd.tile.s32 @!p0 $0x1;
	_ =	shalt  }
.Lfunc_end2:
_tile_overlayer_lowered:
.L_overlay_start_2:
0x5d: {  	(tag) =	ssettag $0x2  }
0x5e: {  	s0 =	rddreg [dreg:$0x0];
	s2 =	stileid.u32  }
0x5f: {  	s1 =	rddreg [dreg:$0x1];
	p0 =	sne.s32 s2, $0x0  }
0x60: {  	s3 =	rddreg [dreg:$0x2];
	[bflag:$0x3] =	sbarrier.arrive $0xFFFF;
	s2 =	simm.s32 @!p0 $0x1C02  }
0x61: {  	[timem:s3], [sflag:s2] =	dma.local @!p0 [hbm:s0], s1  }
0x62: {  	s0 =	simm.s32 @!p0 $0x2  }
0x63: {  	_ =	swait.ge @!p0 [sflag:s0], s1  }
0x64: {  	s1 =	ssub.s32 @!p0 $0x0, s1;
	[sflag:s0] =	ssyncset.done @!p0 $0x0  }
0x65: {  	[sflag:s0] =	ssyncadd.s32 @!p0 s1  }
0x66: {  	[bflag:$0x3] =	sbarrier.arrive $0xFFFF  }
0x67: {  	_ =	shalt  }

</sc_bundles>
